<compile_context>
chip_gen: v7x
topology: tpu7x:2x2x1
jax: 0.10.2.dev20260603
libtpu: 0.0.44.dev20260713+nightly
codegen_flags: <defaults>
</compile_context>

<pallas_src>
import functools

import jax
import jax.numpy as jnp
from jax import lax
from jax.experimental import pallas as pl
from jax.experimental.pallas import tpu as pltpu
from jax.experimental.pallas import tpu_sc as plsc

_N = 10000
_F = 128
_E = 320000
_NC = 2
_NS = 16
_CHUNK = 128
_CPB = 16
_NB = 10
_CPT = _CPB * _NB
_EPAD = _CPT * _CHUNK * _NS
_ACC = 10240
_RPT = _ACC // _NS
_BR = 1000


def _sc_mesh():
    return plsc.VectorSubcoreMesh(core_axis_name="c", subcore_axis_name="s")



@functools.partial(
    pl.kernel,
    mesh=_sc_mesh(),
    out_type=jax.ShapeDtypeStruct((_NC, _ACC, _F), jnp.float32),
    scratch_types=[
        pltpu.VMEM((_CPB, _CHUNK), jnp.int32),
        pltpu.VMEM((_CHUNK, _F), jnp.float32),
        pltpu.VMEM_SHARED((_ACC, _F), jnp.float32),
        pltpu.SemaphoreType.DMA,
    ],
)
def _deg_kernel(dst_hbm, z_hbm, ones_hbm, deg_hbm, dst_v, ones_v, acc, sem):
    c = lax.axis_index("c")
    s = lax.axis_index("s")
    wid = c * _NS + s
    pltpu.sync_copy(z_hbm, acc.at[pl.ds(s * _RPT, _RPT)])
    pltpu.sync_copy(ones_hbm, ones_v)
    plsc.subcore_barrier()

    def outer(t, carry):
        pltpu.sync_copy(dst_hbm.at[wid, t], dst_v)
        hs = [pltpu.async_copy(ones_v, acc.at[dst_v.at[j]], sem, add=True)
              for j in range(_CPB)]
        for h in hs:
            h.wait()
        return carry

    lax.fori_loop(0, _NB, outer, 0)
    plsc.subcore_barrier()
    pltpu.sync_copy(acc.at[pl.ds(s * _RPT, _RPT)],
                    deg_hbm.at[c, pl.ds(s * _RPT, _RPT)])


@functools.partial(
    pl.kernel,
    mesh=_sc_mesh(),
    out_type=jax.ShapeDtypeStruct((_NC, _ACC, _F), jnp.float32),
    scratch_types=[
        pltpu.VMEM((_CPB, _CHUNK), jnp.int32),
        pltpu.VMEM((_CPB, _CHUNK), jnp.int32),
        pltpu.VMEM((_CHUNK, _F), jnp.float32),
        pltpu.VMEM((_CHUNK, _F), jnp.float32),
        pltpu.VMEM_SHARED((_ACC, _F), jnp.float32),
        pltpu.SemaphoreType.DMA,
        pltpu.SemaphoreType.DMA,
        pltpu.SemaphoreType.DMA,
        pltpu.SemaphoreType.DMA,
    ],
)
def _agg_kernel(src_hbm, dst_hbm, hs_hbm, z_hbm, out_hbm,
                src_v, dst_v, rows0, rows1, acc, sg0, sg1, ss0, ss1):
    c = lax.axis_index("c")
    s = lax.axis_index("s")
    wid = c * _NS + s
    pltpu.sync_copy(z_hbm, acc.at[pl.ds(s * _RPT, _RPT)])
    plsc.subcore_barrier()
    rows = (rows0, rows1)
    sg = (sg0, sg1)
    ss = (ss0, ss1)

    def outer(t, carry):
        pltpu.sync_copy(src_hbm.at[wid, t], src_v)
        pltpu.sync_copy(dst_hbm.at[wid, t], dst_v)
        g = [pltpu.async_copy(hs_hbm.at[src_v.at[j]], rows[j], sg[j])
             for j in range(2)]
        sc = [None, None]
        for j in range(_CPB):
            b = j & 1
            g[b].wait()
            sc[b] = pltpu.async_copy(rows[b], acc.at[dst_v.at[j]], ss[b],
                                     add=True)
            if j + 2 < _CPB:
                sc[b].wait()
                g[b] = pltpu.async_copy(hs_hbm.at[src_v.at[j + 2]], rows[b],
                                        sg[b])
        sc[0].wait()
        sc[1].wait()
        return carry

    lax.fori_loop(0, _NB, outer, 0)
    plsc.subcore_barrier()
    pltpu.sync_copy(acc.at[pl.ds(s * _RPT, _RPT)],
                    out_hbm.at[c, pl.ds(s * _RPT, _RPT)])



def _pre_body(meta_ref, x_ref, fc1w, fc1b, fc2w, fc2b, g1w, m_ref, p1_ref):
    h = jnp.dot(meta_ref[0], fc1w[...], preferred_element_type=jnp.float32)
    h = jnp.maximum(h + fc1b[...], 0.0)
    h = jnp.dot(h, fc2w[...], preferred_element_type=jnp.float32)
    h = jnp.maximum(h + fc2b[...], 0.0)
    m_ref[0] = h
    p1_ref[0] = jnp.dot(x_ref[0], g1w[...], preferred_element_type=jnp.float32)


def _scale_body(p1_ref, deg_ref, hs_ref):
    dinv = 1.0 / jnp.sqrt(deg_ref[0][:, :1] + 1.0)
    hs_ref[0] = p1_ref[0] * dinv


def _mid_body(p1_ref, agg_ref, deg_ref, g1b, g2w, p2_ref, hs2_ref):
    dinv = 1.0 / jnp.sqrt(deg_ref[0][:, :1] + 1.0)
    h1 = jnp.maximum(dinv * agg_ref[0] + (dinv * dinv) * p1_ref[0] + g1b[...],
                     0.0)
    p2 = jnp.dot(h1, g2w[...], preferred_element_type=jnp.float32)
    p2_ref[0] = p2
    hs2_ref[0] = p2 * dinv


def _post_body(m_ref, p2_ref, agg2_ref, deg_ref, g2b, fccw, fccb, outw, outb,
               o_ref):
    dinv_a = 1.0 / jnp.sqrt(deg_ref[0][:, :1] + 1.0)
    dinv_b = 1.0 / jnp.sqrt(deg_ref[1][:, :1] + 1.0)
    h2a = jnp.maximum(
        dinv_a * agg2_ref[0] + (dinv_a * dinv_a) * p2_ref[0] + g2b[...], 0.0)
    h2b = jnp.maximum(
        dinv_b * agg2_ref[1] + (dinv_b * dinv_b) * p2_ref[1] + g2b[...], 0.0)
    c = jnp.dot(m_ref[0], fccw[0], preferred_element_type=jnp.float32)
    c = c + jnp.dot(m_ref[1], fccw[1], preferred_element_type=jnp.float32)
    c = c + jnp.dot(h2a, fccw[2], preferred_element_type=jnp.float32)
    c = c + jnp.dot(h2b, fccw[3], preferred_element_type=jnp.float32)
    c = jnp.maximum(c + fccb[...], 0.0)
    o = jnp.sum(c * outw[...], axis=1, keepdims=True) + outb[...]
    o_ref[...] = jax.nn.sigmoid(o)


def _full(shape):
    n = len(shape)
    return pl.BlockSpec(shape, lambda *_: (0,) * n)


def kernel(metadata_a, metadata_b, x_a, x_b, edge_index_a, edge_index_b,
           fc1_W, fc1_b, fc2_W, fc2_b, gcn1_W, gcn1_b, gcn2_W, gcn2_b,
           fcc_W, fcc_b, out_W, out_b):
    f32 = jnp.float32
    meta = jnp.stack([metadata_a, metadata_b])
    x = jnp.stack([x_a, x_b])

    pad = _EPAD - _E
    zpad = jnp.zeros((pad,), jnp.int32)
    dpad = jnp.full((pad,), _ACC - 1, jnp.int32)
    sa = jnp.concatenate([edge_index_a[0], zpad])
    da = jnp.concatenate([edge_index_a[1], dpad])
    sb = jnp.concatenate([edge_index_b[0] + _N, zpad])
    db = jnp.concatenate([edge_index_b[1], dpad])
    src_all = jnp.concatenate([sa, sb]).reshape(2 * _NS, _NB, _CPB, _CHUNK)
    dst_all = jnp.concatenate([da, db]).reshape(2 * _NS, _NB, _CPB, _CHUNK)

    ones128 = jnp.ones((_CHUNK, _F), f32)
    z128 = jnp.zeros((_RPT, _F), f32)

    deg = _deg_kernel(dst_all, z128, ones128)

    grid = (2, 10)
    gi_f = pl.BlockSpec((1, _BR, _F), lambda g, i: (g, i, 0))
    gi_m = pl.BlockSpec((1, _BR, 256), lambda g, i: (g, i, 0))
    gi_d = pl.BlockSpec((1, _BR, _F), lambda g, i: (g, i, 0))
    w_ff = pl.BlockSpec((_F, _F), lambda g, i: (0, 0))
    w_mf = pl.BlockSpec((256, _F), lambda g, i: (0, 0))
    w_b = pl.BlockSpec((1, _F), lambda g, i: (0, 0))

    m_out, p1 = pl.pallas_call(
        _pre_body,
        grid=grid,
        in_specs=[gi_m, gi_f, w_mf, w_b, w_ff, w_b, w_ff],
        out_specs=[gi_f, gi_f],
        out_shape=[jax.ShapeDtypeStruct((2, _N, _F), f32)] * 2,
    )(meta, x, fc1_W, fc1_b.reshape(1, -1), fc2_W, fc2_b.reshape(1, -1),
      gcn1_W)

    hs1 = pl.pallas_call(
        _scale_body,
        grid=grid,
        in_specs=[gi_f, gi_d],
        out_specs=gi_f,
        out_shape=jax.ShapeDtypeStruct((2, _N, _F), f32),
    )(p1, deg)

    agg1 = _agg_kernel(src_all, dst_all, hs1.reshape(2 * _N, _F), z128)

    p2, hs2 = pl.pallas_call(
        _mid_body,
        grid=grid,
        in_specs=[gi_f, gi_f, gi_d, w_b, w_ff],
        out_specs=[gi_f, gi_f],
        out_shape=[jax.ShapeDtypeStruct((2, _N, _F), f32)] * 2,
    )(p1, agg1, deg, gcn1_b.reshape(1, -1), gcn2_W)

    agg2 = _agg_kernel(src_all, dst_all, hs2.reshape(2 * _N, _F), z128)

    i_f = pl.BlockSpec((2, _BR, _F), lambda i: (0, i, 0))
    i_d = pl.BlockSpec((2, _BR, _F), lambda i: (0, i, 0))
    out = pl.pallas_call(
        _post_body,
        grid=(10,),
        in_specs=[i_f, i_f, i_f, i_d,
                  _full((1, _F)), _full((4, _F, _F)), _full((1, _F)),
                  _full((1, _F)), _full((1, 1))],
        out_specs=pl.BlockSpec((_BR, 1), lambda i: (i, 0)),
        out_shape=jax.ShapeDtypeStruct((_N, 1), f32),
    )(m_out, p2, agg2, deg, gcn2_b.reshape(1, -1),
      fcc_W.reshape(4, _F, _F), fcc_b.reshape(1, -1), out_W.reshape(1, -1),
      out_b.reshape(1, 1))
    return out

# --- scband reference (transcript-rebuilt; emitter-appended) ---
"""Pipeline reference for scband-protein-interaction-predictor-111669149893 (READ-ONLY COPY).

The authoritative reference and input builder live on the scoring server;
editing this copy changes nothing except your own understanding.
"""

import jax, jax.numpy as jnp
import numpy as np

N = 10000
E = 320000
META = 256
FEAT = 128


def _gcn_conv(x, edge_index, W, b):
    n = x.shape[0]
    loops = jnp.arange(n, dtype=edge_index.dtype)
    src = jnp.concatenate([edge_index[0], loops])
    dst = jnp.concatenate([edge_index[1], loops])
    h = x @ W
    ones = jnp.ones(src.shape[0], dtype=x.dtype)
    deg = jnp.zeros((n,), dtype=x.dtype).at[dst].add(ones)
    dinv = jnp.where(deg > 0, 1.0 / jnp.sqrt(deg), 0.0)
    norm = dinv[src] * dinv[dst]
    msg = norm[:, None] * h[src]
    out = jnp.zeros((n, h.shape[1]), dtype=x.dtype).at[dst].add(msg)
    return out + b


def setup_inputs(seed: int = 0):
    key = jax.random.key(seed)
    ks = jax.random.split(key, 24)
    s = 0.05
    inp = {
        'metadata_a': jax.random.normal(ks[0], (N, META), dtype=jnp.float32),
        'metadata_b': jax.random.normal(ks[1], (N, META), dtype=jnp.float32),
        'x_a': jax.random.normal(ks[2], (N, FEAT), dtype=jnp.float32),
        'x_b': jax.random.normal(ks[3], (N, FEAT), dtype=jnp.float32),
        'edge_index_a': jax.random.randint(ks[4], (2, E), 0, N, dtype=jnp.int32),
        'edge_index_b': jax.random.randint(ks[5], (2, E), 0, N, dtype=jnp.int32),
        'fc1_W': jax.random.normal(ks[6], (META, 128), dtype=jnp.float32) * s,
        'fc1_b': jnp.zeros((128,), dtype=jnp.float32),
        'fc2_W': jax.random.normal(ks[7], (128, 128), dtype=jnp.float32) * s,
        'fc2_b': jnp.zeros((128,), dtype=jnp.float32),
        'gcn1_W': jax.random.normal(ks[8], (FEAT, 128), dtype=jnp.float32) * s,
        'gcn1_b': jnp.zeros((128,), dtype=jnp.float32),
        'gcn2_W': jax.random.normal(ks[9], (128, 128), dtype=jnp.float32) * s,
        'gcn2_b': jnp.zeros((128,), dtype=jnp.float32),
        'fcc_W': jax.random.normal(ks[10], (512, 128), dtype=jnp.float32) * s,
        'fcc_b': jnp.zeros((128,), dtype=jnp.float32),
        'out_W': jax.random.normal(ks[11], (128, 1), dtype=jnp.float32) * s,
        'out_b': jnp.zeros((1,), dtype=jnp.float32),
    }
    return inp


def reference(metadata_a, metadata_b, x_a, x_b, edge_index_a, edge_index_b,
              fc1_W, fc1_b, fc2_W, fc2_b, gcn1_W, gcn1_b, gcn2_W, gcn2_b,
              fcc_W, fcc_b, out_W, out_b):
    ma = jax.nn.relu(metadata_a @ fc1_W + fc1_b)
    ma = jax.nn.relu(ma @ fc2_W + fc2_b)
    mb = jax.nn.relu(metadata_b @ fc1_W + fc1_b)
    mb = jax.nn.relu(mb @ fc2_W + fc2_b)
    ha = jax.nn.relu(_gcn_conv(x_a, edge_index_a, gcn1_W, gcn1_b))
    ha = jax.nn.relu(_gcn_conv(ha, edge_index_a, gcn2_W, gcn2_b))
    hb = jax.nn.relu(_gcn_conv(x_b, edge_index_b, gcn1_W, gcn1_b))
    hb = jax.nn.relu(_gcn_conv(hb, edge_index_b, gcn2_W, gcn2_b))
    combined = jnp.concatenate([ma, mb, ha, hb], axis=1)
    combined = jax.nn.relu(combined @ fcc_W + fcc_b)
    out = jax.nn.sigmoid(combined @ out_W + out_b)
    return out

if __name__ == "__main__":
    import jax
    _d = setup_inputs()
    print(jax.jit(kernel)(*tuple(_d.values())))

</pallas_src>

<mosaic_0001>
#map = affine_map<(d0, d1) -> (0, 0, 0, 0)>
#map1 = affine_map<(d0, d1) -> (0, 0)>
#map2 = affine_map<(d0, d1) -> (0, 0, 0)>
module attributes {stable_mosaic.version = 14 : i64} {
  func.func @_deg_kernel(%arg0: i32, %arg1: i32, %arg2: memref<32x10x16x128xi32, #tpu.memory_space<hbm>>, %arg3: memref<640x128xf32, #tpu.memory_space<hbm>>, %arg4: memref<128x128xf32, #tpu.memory_space<hbm>>, %arg5: memref<2x10240x128xf32, #tpu.memory_space<hbm>>, %arg6: memref<16x128xi32, #tpu.memory_space<vmem>>, %arg7: memref<128x128xf32, #tpu.memory_space<vmem>>, %arg8: memref<10240x128xf32, #tpu.memory_space<vmem_shared>>, %arg9: memref<!tpu.dma_semaphore, #tpu.memory_space<semaphore_mem>>) attributes {dimension_semantics = [#tpu.dimension_semantics<core_parallel>, #tpu.dimension_semantics<subcore_parallel>], iteration_bounds = array<i64: 2, 16>, scalar_prefetch = 0 : i64, scratch_operands = 4 : i64, tpu.core_type = #tpu.core_type<sc_vector_subcore>, window_params = [{transform_indices = #map}, {transform_indices = #map1}, {transform_indices = #map1}, {transform_indices = #map2}]} {
    %mul3A = arith.constant 16 : i32
    %mul3A_0 = arith.muli %arg0, %mul3A : i32
    %add3A = arith.addi %mul3A_0, %arg1 : i32
    %mul3A_1 = arith.constant 640 : i32
    %mul3A_2 = arith.muli %arg1, %mul3A_1 : i32
    "tpu.region"() ({
      %run_scoped3A = tpu.sem_alloc : memref<!tpu.dma_semaphore, #tpu.memory_space<semaphore_mem>>
      %dma_start3A = arith.constant 0 : i32
      %dma_start3A_13 = tpu.memref_slice %arg8[%mul3A_2, %dma_start3A] : memref<10240x128xf32, #tpu.memory_space<vmem_shared>> -> memref<640x128xf32, #tpu.memory_space<vmem_shared>>
      tpu.enqueue_dma source(%arg3 : memref<640x128xf32, #tpu.memory_space<hbm>>) target(%dma_start3A_13 : memref<640x128xf32, #tpu.memory_space<vmem_shared>>) target_semaphore(%run_scoped3A : memref<!tpu.dma_semaphore, #tpu.memory_space<semaphore_mem>>)
      %dma_wait3A = arith.constant 0 : i32
      %dma_wait3A_14 = tpu.memref_slice %arg8[%mul3A_2, %dma_wait3A] : memref<10240x128xf32, #tpu.memory_space<vmem_shared>> -> memref<640x128xf32, #tpu.memory_space<vmem_shared>>
      tpu.wait_dma2 semaphore(%run_scoped3A : memref<!tpu.dma_semaphore, #tpu.memory_space<semaphore_mem>>) src(%arg3 : memref<640x128xf32, #tpu.memory_space<hbm>>) dst(%dma_wait3A_14 : memref<640x128xf32, #tpu.memory_space<vmem_shared>>)
      tpu.yield
    }) : () -> ()
    "tpu.region"() ({
      %run_scoped3A = tpu.sem_alloc : memref<!tpu.dma_semaphore, #tpu.memory_space<semaphore_mem>>
      tpu.enqueue_dma source(%arg4 : memref<128x128xf32, #tpu.memory_space<hbm>>) target(%arg7 : memref<128x128xf32, #tpu.memory_space<vmem>>) target_semaphore(%run_scoped3A : memref<!tpu.dma_semaphore, #tpu.memory_space<semaphore_mem>>)
      tpu.wait_dma2 semaphore(%run_scoped3A : memref<!tpu.dma_semaphore, #tpu.memory_space<semaphore_mem>>) src(%arg4 : memref<128x128xf32, #tpu.memory_space<hbm>>) dst(%arg7 : memref<128x128xf32, #tpu.memory_space<vmem>>)
      tpu.yield
    }) : () -> ()
    %barrier3A = arith.constant 0 : index
    tpu.barrier barrier_id(%barrier3A)
    %scan3A = arith.constant 0 : i32
    %scan3A_3 = arith.constant 0 : i32
    %scan3A_4 = arith.constant 10 : i32
    %scan3A_5 = arith.addi %scan3A_3, %scan3A_4 : i32
    %scan3A_6 = arith.constant 1 : i32
    scf.for %scan3A_13 = %scan3A_3 to %scan3A_5 step %scan3A_6  : i32 {
      "tpu.region"() ({
        %run_scoped3A = tpu.sem_alloc : memref<!tpu.dma_semaphore, #tpu.memory_space<semaphore_mem>>
        %dma_start3A_236 = arith.constant 0 : i32
        %dma_start3A_237 = arith.constant 0 : i32
        %dma_start3A_238 = tpu.memref_slice %arg2[%add3A, %scan3A_13, %dma_start3A_236, %dma_start3A_237] : memref<32x10x16x128xi32, #tpu.memory_space<hbm>> -> memref<1x1x16x128xi32, #tpu.memory_space<hbm>>
        %dma_start3A_239 = tpu.memref_squeeze %dma_start3A_238 : memref<1x1x16x128xi32, #tpu.memory_space<hbm>> -> memref<16x128xi32, #tpu.memory_space<hbm>>
        %dma_start3A_240 = arith.constant 0 : i32
        %dma_start3A_241 = arith.constant 0 : i32
        %dma_start3A_242 = tpu.memref_slice %arg2[%add3A, %scan3A_13, %dma_start3A_240, %dma_start3A_241] : memref<32x10x16x128xi32, #tpu.memory_space<hbm>> -> memref<1x1x16x128xi32, #tpu.memory_space<hbm>>
        %dma_start3A_243 = tpu.memref_squeeze %dma_start3A_242 : memref<1x1x16x128xi32, #tpu.memory_space<hbm>> -> memref<16x128xi32, #tpu.memory_space<hbm>>
        tpu.enqueue_dma source(%dma_start3A_243 : memref<16x128xi32, #tpu.memory_space<hbm>>) target(%arg6 : memref<16x128xi32, #tpu.memory_space<vmem>>) target_semaphore(%run_scoped3A : memref<!tpu.dma_semaphore, #tpu.memory_space<semaphore_mem>>)
        %dma_wait3A_244 = arith.constant 0 : i32
        %dma_wait3A_245 = arith.constant 0 : i32
        %dma_wait3A_246 = tpu.memref_slice %arg2[%add3A, %scan3A_13, %dma_wait3A_244, %dma_wait3A_245] : memref<32x10x16x128xi32, #tpu.memory_space<hbm>> -> memref<1x1x16x128xi32, #tpu.memory_space<hbm>>
        %dma_wait3A_247 = tpu.memref_squeeze %dma_wait3A_246 : memref<1x1x16x128xi32, #tpu.memory_space<hbm>> -> memref<16x128xi32, #tpu.memory_space<hbm>>
        %dma_wait3A_248 = arith.constant 0 : i32
        %dma_wait3A_249 = arith.constant 0 : i32
        %dma_wait3A_250 = tpu.memref_slice %arg2[%add3A, %scan3A_13, %dma_wait3A_248, %dma_wait3A_249] : memref<32x10x16x128xi32, #tpu.memory_space<hbm>> -> memref<1x1x16x128xi32, #tpu.memory_space<hbm>>
        %dma_wait3A_251 = tpu.memref_squeeze %dma_wait3A_250 : memref<1x1x16x128xi32, #tpu.memory_space<hbm>> -> memref<16x128xi32, #tpu.memory_space<hbm>>
        tpu.wait_dma2 semaphore(%run_scoped3A : memref<!tpu.dma_semaphore, #tpu.memory_space<semaphore_mem>>) src(%dma_wait3A_251 : memref<16x128xi32, #tpu.memory_space<hbm>>) dst(%arg6 : memref<16x128xi32, #tpu.memory_space<vmem>>)
        tpu.yield
      }) : () -> ()
      %dma_start3A = arith.constant 0 : i32
      %dma_start3A_14 = arith.constant 0 : i32
      %dma_start3A_15 = tpu.memref_slice %arg6[%dma_start3A, %dma_start3A_14] : memref<16x128xi32, #tpu.memory_space<vmem>> -> memref<1x128xi32, #tpu.memory_space<vmem>>
      %dma_start3A_16 = tpu.memref_squeeze %dma_start3A_15 : memref<1x128xi32, #tpu.memory_space<vmem>> -> memref<128xi32, #tpu.memory_space<vmem>>
      %dma_start3A_17 = arith.constant 0 : i32
      %dma_start3A_18 = arith.constant 0 : i32
      %dma_start3A_19 = tpu.memref_slice %arg8[%dma_start3A_17, %dma_start3A_18] : memref<10240x128xf32, #tpu.memory_space<vmem_shared>> -> memref<10240x128xf32, #tpu.memory_space<vmem_shared>>
      tpu.enqueue_indirect_dma source(%arg7 : memref<128x128xf32, #tpu.memory_space<vmem>>) target(%dma_start3A_19 : memref<10240x128xf32, #tpu.memory_space<vmem_shared>>) offsets(%dma_start3A_16 : memref<128xi32, #tpu.memory_space<vmem>>) semaphore(%arg9 : memref<!tpu.dma_semaphore, #tpu.memory_space<semaphore_mem>>) {add = true}
      %dma_start3A_20 = arith.constant 1 : i32
      %dma_start3A_21 = arith.constant 0 : i32
      %dma_start3A_22 = tpu.memref_slice %arg6[%dma_start3A_20, %dma_start3A_21] : memref<16x128xi32, #tpu.memory_space<vmem>> -> memref<1x128xi32, #tpu.memory_space<vmem>>
      %dma_start3A_23 = tpu.memref_squeeze %dma_start3A_22 : memref<1x128xi32, #tpu.memory_space<vmem>> -> memref<128xi32, #tpu.memory_space<vmem>>
      %dma_start3A_24 = arith.constant 0 : i32
      %dma_start3A_25 = arith.constant 0 : i32
      %dma_start3A_26 = tpu.memref_slice %arg8[%dma_start3A_24, %dma_start3A_25] : memref<10240x128xf32, #tpu.memory_space<vmem_shared>> -> memref<10240x128xf32, #tpu.memory_space<vmem_shared>>
      tpu.enqueue_indirect_dma source(%arg7 : memref<128x128xf32, #tpu.memory_space<vmem>>) target(%dma_start3A_26 : memref<10240x128xf32, #tpu.memory_space<vmem_shared>>) offsets(%dma_start3A_23 : memref<128xi32, #tpu.memory_space<vmem>>) semaphore(%arg9 : memref<!tpu.dma_semaphore, #tpu.memory_space<semaphore_mem>>) {add = true}
      %dma_start3A_27 = arith.constant 2 : i32
      %dma_start3A_28 = arith.constant 0 : i32
      %dma_start3A_29 = tpu.memref_slice %arg6[%dma_start3A_27, %dma_start3A_28] : memref<16x128xi32, #tpu.memory_space<vmem>> -> memref<1x128xi32, #tpu.memory_space<vmem>>
      %dma_start3A_30 = tpu.memref_squeeze %dma_start3A_29 : memref<1x128xi32, #tpu.memory_space<vmem>> -> memref<128xi32, #tpu.memory_space<vmem>>
      %dma_start3A_31 = arith.constant 0 : i32
      %dma_start3A_32 = arith.constant 0 : i32
      %dma_start3A_33 = tpu.memref_slice %arg8[%dma_start3A_31, %dma_start3A_32] : memref<10240x128xf32, #tpu.memory_space<vmem_shared>> -> memref<10240x128xf32, #tpu.memory_space<vmem_shared>>
      tpu.enqueue_indirect_dma source(%arg7 : memref<128x128xf32, #tpu.memory_space<vmem>>) target(%dma_start3A_33 : memref<10240x128xf32, #tpu.memory_space<vmem_shared>>) offsets(%dma_start3A_30 : memref<128xi32, #tpu.memory_space<vmem>>) semaphore(%arg9 : memref<!tpu.dma_semaphore, #tpu.memory_space<semaphore_mem>>) {add = true}
      %dma_start3A_34 = arith.constant 3 : i32
      %dma_start3A_35 = arith.constant 0 : i32
      %dma_start3A_36 = tpu.memref_slice %arg6[%dma_start3A_34, %dma_start3A_35] : memref<16x128xi32, #tpu.memory_space<vmem>> -> memref<1x128xi32, #tpu.memory_space<vmem>>
      %dma_start3A_37 = tpu.memref_squeeze %dma_start3A_36 : memref<1x128xi32, #tpu.memory_space<vmem>> -> memref<128xi32, #tpu.memory_space<vmem>>
      %dma_start3A_38 = arith.constant 0 : i32
      %dma_start3A_39 = arith.constant 0 : i32
      %dma_start3A_40 = tpu.memref_slice %arg8[%dma_start3A_38, %dma_start3A_39] : memref<10240x128xf32, #tpu.memory_space<vmem_shared>> -> memref<10240x128xf32, #tpu.memory_space<vmem_shared>>
      tpu.enqueue_indirect_dma source(%arg7 : memref<128x128xf32, #tpu.memory_space<vmem>>) target(%dma_start3A_40 : memref<10240x128xf32, #tpu.memory_space<vmem_shared>>) offsets(%dma_start3A_37 : memref<128xi32, #tpu.memory_space<vmem>>) semaphore(%arg9 : memref<!tpu.dma_semaphore, #tpu.memory_space<semaphore_mem>>) {add = true}
      %dma_start3A_41 = arith.constant 4 : i32
      %dma_start3A_42 = arith.constant 0 : i32
      %dma_start3A_43 = tpu.memref_slice %arg6[%dma_start3A_41, %dma_start3A_42] : memref<16x128xi32, #tpu.memory_space<vmem>> -> memref<1x128xi32, #tpu.memory_space<vmem>>
      %dma_start3A_44 = tpu.memref_squeeze %dma_start3A_43 : memref<1x128xi32, #tpu.memory_space<vmem>> -> memref<128xi32, #tpu.memory_space<vmem>>
      %dma_start3A_45 = arith.constant 0 : i32
      %dma_start3A_46 = arith.constant 0 : i32
      %dma_start3A_47 = tpu.memref_slice %arg8[%dma_start3A_45, %dma_start3A_46] : memref<10240x128xf32, #tpu.memory_space<vmem_shared>> -> memref<10240x128xf32, #tpu.memory_space<vmem_shared>>
      tpu.enqueue_indirect_dma source(%arg7 : memref<128x128xf32, #tpu.memory_space<vmem>>) target(%dma_start3A_47 : memref<10240x128xf32, #tpu.memory_space<vmem_shared>>) offsets(%dma_start3A_44 : memref<128xi32, #tpu.memory_space<vmem>>) semaphore(%arg9 : memref<!tpu.dma_semaphore, #tpu.memory_space<semaphore_mem>>) {add = true}
      %dma_start3A_48 = arith.constant 5 : i32
      %dma_start3A_49 = arith.constant 0 : i32
      %dma_start3A_50 = tpu.memref_slice %arg6[%dma_start3A_48, %dma_start3A_49] : memref<16x128xi32, #tpu.memory_space<vmem>> -> memref<1x128xi32, #tpu.memory_space<vmem>>
      %dma_start3A_51 = tpu.memref_squeeze %dma_start3A_50 : memref<1x128xi32, #tpu.memory_space<vmem>> -> memref<128xi32, #tpu.memory_space<vmem>>
      %dma_start3A_52 = arith.constant 0 : i32
      %dma_start3A_53 = arith.constant 0 : i32
      %dma_start3A_54 = tpu.memref_slice %arg8[%dma_start3A_52, %dma_start3A_53] : memref<10240x128xf32, #tpu.memory_space<vmem_shared>> -> memref<10240x128xf32, #tpu.memory_space<vmem_shared>>
      tpu.enqueue_indirect_dma source(%arg7 : memref<128x128xf32, #tpu.memory_space<vmem>>) target(%dma_start3A_54 : memref<10240x128xf32, #tpu.memory_space<vmem_shared>>) offsets(%dma_start3A_51 : memref<128xi32, #tpu.memory_space<vmem>>) semaphore(%arg9 : memref<!tpu.dma_semaphore, #tpu.memory_space<semaphore_mem>>) {add = true}
      %dma_start3A_55 = arith.constant 6 : i32
      %dma_start3A_56 = arith.constant 0 : i32
      %dma_start3A_57 = tpu.memref_slice %arg6[%dma_start3A_55, %dma_start3A_56] : memref<16x128xi32, #tpu.memory_space<vmem>> -> memref<1x128xi32, #tpu.memory_space<vmem>>
      %dma_start3A_58 = tpu.memref_squeeze %dma_start3A_57 : memref<1x128xi32, #tpu.memory_space<vmem>> -> memref<128xi32, #tpu.memory_space<vmem>>
      %dma_start3A_59 = arith.constant 0 : i32
      %dma_start3A_60 = arith.constant 0 : i32
      %dma_start3A_61 = tpu.memref_slice %arg8[%dma_start3A_59, %dma_start3A_60] : memref<10240x128xf32, #tpu.memory_space<vmem_shared>> -> memref<10240x128xf32, #tpu.memory_space<vmem_shared>>
      tpu.enqueue_indirect_dma source(%arg7 : memref<128x128xf32, #tpu.memory_space<vmem>>) target(%dma_start3A_61 : memref<10240x128xf32, #tpu.memory_space<vmem_shared>>) offsets(%dma_start3A_58 : memref<128xi32, #tpu.memory_space<vmem>>) semaphore(%arg9 : memref<!tpu.dma_semaphore, #tpu.memory_space<semaphore_mem>>) {add = true}
      %dma_start3A_62 = arith.constant 7 : i32
      %dma_start3A_63 = arith.constant 0 : i32
      %dma_start3A_64 = tpu.memref_slice %arg6[%dma_start3A_62, %dma_start3A_63] : memref<16x128xi32, #tpu.memory_space<vmem>> -> memref<1x128xi32, #tpu.memory_space<vmem>>
      %dma_start3A_65 = tpu.memref_squeeze %dma_start3A_64 : memref<1x128xi32, #tpu.memory_space<vmem>> -> memref<128xi32, #tpu.memory_space<vmem>>
      %dma_start3A_66 = arith.constant 0 : i32
      %dma_start3A_67 = arith.constant 0 : i32
      %dma_start3A_68 = tpu.memref_slice %arg8[%dma_start3A_66, %dma_start3A_67] : memref<10240x128xf32, #tpu.memory_space<vmem_shared>> -> memref<10240x128xf32, #tpu.memory_space<vmem_shared>>
      tpu.enqueue_indirect_dma source(%arg7 : memref<128x128xf32, #tpu.memory_space<vmem>>) target(%dma_start3A_68 : memref<10240x128xf32, #tpu.memory_space<vmem_shared>>) offsets(%dma_start3A_65 : memref<128xi32, #tpu.memory_space<vmem>>) semaphore(%arg9 : memref<!tpu.dma_semaphore, #tpu.memory_space<semaphore_mem>>) {add = true}
      %dma_start3A_69 = arith.constant 8 : i32
      %dma_start3A_70 = arith.constant 0 : i32
      %dma_start3A_71 = tpu.memref_slice %arg6[%dma_start3A_69, %dma_start3A_70] : memref<16x128xi32, #tpu.memory_space<vmem>> -> memref<1x128xi32, #tpu.memory_space<vmem>>
      %dma_start3A_72 = tpu.memref_squeeze %dma_start3A_71 : memref<1x128xi32, #tpu.memory_space<vmem>> -> memref<128xi32, #tpu.memory_space<vmem>>
      %dma_start3A_73 = arith.constant 0 : i32
      %dma_start3A_74 = arith.constant 0 : i32
      %dma_start3A_75 = tpu.memref_slice %arg8[%dma_start3A_73, %dma_start3A_74] : memref<10240x128xf32, #tpu.memory_space<vmem_shared>> -> memref<10240x128xf32, #tpu.memory_space<vmem_shared>>
      tpu.enqueue_indirect_dma source(%arg7 : memref<128x128xf32, #tpu.memory_space<vmem>>) target(%dma_start3A_75 : memref<10240x128xf32, #tpu.memory_space<vmem_shared>>) offsets(%dma_start3A_72 : memref<128xi32, #tpu.memory_space<vmem>>) semaphore(%arg9 : memref<!tpu.dma_semaphore, #tpu.memory_space<semaphore_mem>>) {add = true}
      %dma_start3A_76 = arith.constant 9 : i32
      %dma_start3A_77 = arith.constant 0 : i32
      %dma_start3A_78 = tpu.memref_slice %arg6[%dma_start3A_76, %dma_start3A_77] : memref<16x128xi32, #tpu.memory_space<vmem>> -> memref<1x128xi32, #tpu.memory_space<vmem>>
      %dma_start3A_79 = tpu.memref_squeeze %dma_start3A_78 : memref<1x128xi32, #tpu.memory_space<vmem>> -> memref<128xi32, #tpu.memory_space<vmem>>
      %dma_start3A_80 = arith.constant 0 : i32
      %dma_start3A_81 = arith.constant 0 : i32
      %dma_start3A_82 = tpu.memref_slice %arg8[%dma_start3A_80, %dma_start3A_81] : memref<10240x128xf32, #tpu.memory_space<vmem_shared>> -> memref<10240x128xf32, #tpu.memory_space<vmem_shared>>
      tpu.enqueue_indirect_dma source(%arg7 : memref<128x128xf32, #tpu.memory_space<vmem>>) target(%dma_start3A_82 : memref<10240x128xf32, #tpu.memory_space<vmem_shared>>) offsets(%dma_start3A_79 : memref<128xi32, #tpu.memory_space<vmem>>) semaphore(%arg9 : memref<!tpu.dma_semaphore, #tpu.memory_space<semaphore_mem>>) {add = true}
      %dma_start3A_83 = arith.constant 10 : i32
      %dma_start3A_84 = arith.constant 0 : i32
      %dma_start3A_85 = tpu.memref_slice %arg6[%dma_start3A_83, %dma_start3A_84] : memref<16x128xi32, #tpu.memory_space<vmem>> -> memref<1x128xi32, #tpu.memory_space<vmem>>
      %dma_start3A_86 = tpu.memref_squeeze %dma_start3A_85 : memref<1x128xi32, #tpu.memory_space<vmem>> -> memref<128xi32, #tpu.memory_space<vmem>>
      %dma_start3A_87 = arith.constant 0 : i32
      %dma_start3A_88 = arith.constant 0 : i32
      %dma_start3A_89 = tpu.memref_slice %arg8[%dma_start3A_87, %dma_start3A_88] : memref<10240x128xf32, #tpu.memory_space<vmem_shared>> -> memref<10240x128xf32, #tpu.memory_space<vmem_shared>>
      tpu.enqueue_indirect_dma source(%arg7 : memref<128x128xf32, #tpu.memory_space<vmem>>) target(%dma_start3A_89 : memref<10240x128xf32, #tpu.memory_space<vmem_shared>>) offsets(%dma_start3A_86 : memref<128xi32, #tpu.memory_space<vmem>>) semaphore(%arg9 : memref<!tpu.dma_semaphore, #tpu.memory_space<semaphore_mem>>) {add = true}
      %dma_start3A_90 = arith.constant 11 : i32
      %dma_start3A_91 = arith.constant 0 : i32
      %dma_start3A_92 = tpu.memref_slice %arg6[%dma_start3A_90, %dma_start3A_91] : memref<16x128xi32, #tpu.memory_space<vmem>> -> memref<1x128xi32, #tpu.memory_space<vmem>>
      %dma_start3A_93 = tpu.memref_squeeze %dma_start3A_92 : memref<1x128xi32, #tpu.memory_space<vmem>> -> memref<128xi32, #tpu.memory_space<vmem>>
      %dma_start3A_94 = arith.constant 0 : i32
      %dma_start3A_95 = arith.constant 0 : i32
      %dma_start3A_96 = tpu.memref_slice %arg8[%dma_start3A_94, %dma_start3A_95] : memref<10240x128xf32, #tpu.memory_space<vmem_shared>> -> memref<10240x128xf32, #tpu.memory_space<vmem_shared>>
      tpu.enqueue_indirect_dma source(%arg7 : memref<128x128xf32, #tpu.memory_space<vmem>>) target(%dma_start3A_96 : memref<10240x128xf32, #tpu.memory_space<vmem_shared>>) offsets(%dma_start3A_93 : memref<128xi32, #tpu.memory_space<vmem>>) semaphore(%arg9 : memref<!tpu.dma_semaphore, #tpu.memory_space<semaphore_mem>>) {add = true}
      %dma_start3A_97 = arith.constant 12 : i32
      %dma_start3A_98 = arith.constant 0 : i32
      %dma_start3A_99 = tpu.memref_slice %arg6[%dma_start3A_97, %dma_start3A_98] : memref<16x128xi32, #tpu.memory_space<vmem>> -> memref<1x128xi32, #tpu.memory_space<vmem>>
      %dma_start3A_100 = tpu.memref_squeeze %dma_start3A_99 : memref<1x128xi32, #tpu.memory_space<vmem>> -> memref<128xi32, #tpu.memory_space<vmem>>
      %dma_start3A_101 = arith.constant 0 : i32
      %dma_start3A_102 = arith.constant 0 : i32
      %dma_start3A_103 = tpu.memref_slice %arg8[%dma_start3A_101, %dma_start3A_102] : memref<10240x128xf32, #tpu.memory_space<vmem_shared>> -> memref<10240x128xf32, #tpu.memory_space<vmem_shared>>
      tpu.enqueue_indirect_dma source(%arg7 : memref<128x128xf32, #tpu.memory_space<vmem>>) target(%dma_start3A_103 : memref<10240x128xf32, #tpu.memory_space<vmem_shared>>) offsets(%dma_start3A_100 : memref<128xi32, #tpu.memory_space<vmem>>) semaphore(%arg9 : memref<!tpu.dma_semaphore, #tpu.memory_space<semaphore_mem>>) {add = true}
      %dma_start3A_104 = arith.constant 13 : i32
      %dma_start3A_105 = arith.constant 0 : i32
      %dma_start3A_106 = tpu.memref_slice %arg6[%dma_start3A_104, %dma_start3A_105] : memref<16x128xi32, #tpu.memory_space<vmem>> -> memref<1x128xi32, #tpu.memory_space<vmem>>
      %dma_start3A_107 = tpu.memref_squeeze %dma_start3A_106 : memref<1x128xi32, #tpu.memory_space<vmem>> -> memref<128xi32, #tpu.memory_space<vmem>>
      %dma_start3A_108 = arith.constant 0 : i32
      %dma_start3A_109 = arith.constant 0 : i32
      %dma_start3A_110 = tpu.memref_slice %arg8[%dma_start3A_108, %dma_start3A_109] : memref<10240x128xf32, #tpu.memory_space<vmem_shared>> -> memref<10240x128xf32, #tpu.memory_space<vmem_shared>>
      tpu.enqueue_indirect_dma source(%arg7 : memref<128x128xf32, #tpu.memory_space<vmem>>) target(%dma_start3A_110 : memref<10240x128xf32, #tpu.memory_space<vmem_shared>>) offsets(%dma_start3A_107 : memref<128xi32, #tpu.memory_space<vmem>>) semaphore(%arg9 : memref<!tpu.dma_semaphore, #tpu.memory_space<semaphore_mem>>) {add = true}
      %dma_start3A_111 = arith.constant 14 : i32
      %dma_start3A_112 = arith.constant 0 : i32
      %dma_start3A_113 = tpu.memref_slice %arg6[%dma_start3A_111, %dma_start3A_112] : memref<16x128xi32, #tpu.memory_space<vmem>> -> memref<1x128xi32, #tpu.memory_space<vmem>>
      %dma_start3A_114 = tpu.memref_squeeze %dma_start3A_113 : memref<1x128xi32, #tpu.memory_space<vmem>> -> memref<128xi32, #tpu.memory_space<vmem>>
      %dma_start3A_115 = arith.constant 0 : i32
      %dma_start3A_116 = arith.constant 0 : i32
      %dma_start3A_117 = tpu.memref_slice %arg8[%dma_start3A_115, %dma_start3A_116] : memref<10240x128xf32, #tpu.memory_space<vmem_shared>> -> memref<10240x128xf32, #tpu.memory_space<vmem_shared>>
      tpu.enqueue_indirect_dma source(%arg7 : memref<128x128xf32, #tpu.memory_space<vmem>>) target(%dma_start3A_117 : memref<10240x128xf32, #tpu.memory_space<vmem_shared>>) offsets(%dma_start3A_114 : memref<128xi32, #tpu.memory_space<vmem>>) semaphore(%arg9 : memref<!tpu.dma_semaphore, #tpu.memory_space<semaphore_mem>>) {add = true}
      %dma_start3A_118 = arith.constant 15 : i32
      %dma_start3A_119 = arith.constant 0 : i32
      %dma_start3A_120 = tpu.memref_slice %arg6[%dma_start3A_118, %dma_start3A_119] : memref<16x128xi32, #tpu.memory_space<vmem>> -> memref<1x128xi32, #tpu.memory_space<vmem>>
      %dma_start3A_121 = tpu.memref_squeeze %dma_start3A_120 : memref<1x128xi32, #tpu.memory_space<vmem>> -> memref<128xi32, #tpu.memory_space<vmem>>
      %dma_start3A_122 = arith.constant 0 : i32
      %dma_start3A_123 = arith.constant 0 : i32
      %dma_start3A_124 = tpu.memref_slice %arg8[%dma_start3A_122, %dma_start3A_123] : memref<10240x128xf32, #tpu.memory_space<vmem_shared>> -> memref<10240x128xf32, #tpu.memory_space<vmem_shared>>
      tpu.enqueue_indirect_dma source(%arg7 : memref<128x128xf32, #tpu.memory_space<vmem>>) target(%dma_start3A_124 : memref<10240x128xf32, #tpu.memory_space<vmem_shared>>) offsets(%dma_start3A_121 : memref<128xi32, #tpu.memory_space<vmem>>) semaphore(%arg9 : memref<!tpu.dma_semaphore, #tpu.memory_space<semaphore_mem>>) {add = true}
      %dma_wait3A = arith.constant 0 : i32
      %dma_wait3A_125 = arith.constant 0 : i32
      %dma_wait3A_126 = tpu.memref_slice %arg6[%dma_wait3A, %dma_wait3A_125] : memref<16x128xi32, #tpu.memory_space<vmem>> -> memref<1x128xi32, #tpu.memory_space<vmem>>
      %dma_wait3A_127 = tpu.memref_squeeze %dma_wait3A_126 : memref<1x128xi32, #tpu.memory_space<vmem>> -> memref<128xi32, #tpu.memory_space<vmem>>
      %dma_wait3A_128 = arith.constant 0 : i32
      %dma_wait3A_129 = arith.constant 0 : i32
      %dma_wait3A_130 = tpu.memref_slice %arg8[%dma_wait3A_128, %dma_wait3A_129] : memref<10240x128xf32, #tpu.memory_space<vmem_shared>> -> memref<10240x128xf32, #tpu.memory_space<vmem_shared>>
      tpu.wait_indirect_dma semaphore(%arg9 : memref<!tpu.dma_semaphore, #tpu.memory_space<semaphore_mem>>) src(%arg7 : memref<128x128xf32, #tpu.memory_space<vmem>>) dst(%dma_wait3A_130 : memref<10240x128xf32, #tpu.memory_space<vmem_shared>>)
      %dma_wait3A_131 = arith.constant 1 : i32
      %dma_wait3A_132 = arith.constant 0 : i32
      %dma_wait3A_133 = tpu.memref_slice %arg6[%dma_wait3A_131, %dma_wait3A_132] : memref<16x128xi32, #tpu.memory_space<vmem>> -> memref<1x128xi32, #tpu.memory_space<vmem>>
      %dma_wait3A_134 = tpu.memref_squeeze %dma_wait3A_133 : memref<1x128xi32, #tpu.memory_space<vmem>> -> memref<128xi32, #tpu.memory_space<vmem>>
      %dma_wait3A_135 = arith.constant 0 : i32
      %dma_wait3A_136 = arith.constant 0 : i32
      %dma_wait3A_137 = tpu.memref_slice %arg8[%dma_wait3A_135, %dma_wait3A_136] : memref<10240x128xf32, #tpu.memory_space<vmem_shared>> -> memref<10240x128xf32, #tpu.memory_space<vmem_shared>>
      tpu.wait_indirect_dma semaphore(%arg9 : memref<!tpu.dma_semaphore, #tpu.memory_space<semaphore_mem>>) src(%arg7 : memref<128x128xf32, #tpu.memory_space<vmem>>) dst(%dma_wait3A_137 : memref<10240x128xf32, #tpu.memory_space<vmem_shared>>)
      %dma_wait3A_138 = arith.constant 2 : i32
      %dma_wait3A_139 = arith.constant 0 : i32
      %dma_wait3A_140 = tpu.memref_slice %arg6[%dma_wait3A_138, %dma_wait3A_139] : memref<16x128xi32, #tpu.memory_space<vmem>> -> memref<1x128xi32, #tpu.memory_space<vmem>>
      %dma_wait3A_141 = tpu.memref_squeeze %dma_wait3A_140 : memref<1x128xi32, #tpu.memory_space<vmem>> -> memref<128xi32, #tpu.memory_space<vmem>>
      %dma_wait3A_142 = arith.constant 0 : i32
      %dma_wait3A_143 = arith.constant 0 : i32
      %dma_wait3A_144 = tpu.memref_slice %arg8[%dma_wait3A_142, %dma_wait3A_143] : memref<10240x128xf32, #tpu.memory_space<vmem_shared>> -> memref<10240x128xf32, #tpu.memory_space<vmem_shared>>
      tpu.wait_indirect_dma semaphore(%arg9 : memref<!tpu.dma_semaphore, #tpu.memory_space<semaphore_mem>>) src(%arg7 : memref<128x128xf32, #tpu.memory_space<vmem>>) dst(%dma_wait3A_144 : memref<10240x128xf32, #tpu.memory_space<vmem_shared>>)
      %dma_wait3A_145 = arith.constant 3 : i32
      %dma_wait3A_146 = arith.constant 0 : i32
      %dma_wait3A_147 = tpu.memref_slice %arg6[%dma_wait3A_145, %dma_wait3A_146] : memref<16x128xi32, #tpu.memory_space<vmem>> -> memref<1x128xi32, #tpu.memory_space<vmem>>
      %dma_wait3A_148 = tpu.memref_squeeze %dma_wait3A_147 : memref<1x128xi32, #tpu.memory_space<vmem>> -> memref<128xi32, #tpu.memory_space<vmem>>
      %dma_wait3A_149 = arith.constant 0 : i32
      %dma_wait3A_150 = arith.constant 0 : i32
      %dma_wait3A_151 = tpu.memref_slice %arg8[%dma_wait3A_149, %dma_wait3A_150] : memref<10240x128xf32, #tpu.memory_space<vmem_shared>> -> memref<10240x128xf32, #tpu.memory_space<vmem_shared>>
      tpu.wait_indirect_dma semaphore(%arg9 : memref<!tpu.dma_semaphore, #tpu.memory_space<semaphore_mem>>) src(%arg7 : memref<128x128xf32, #tpu.memory_space<vmem>>) dst(%dma_wait3A_151 : memref<10240x128xf32, #tpu.memory_space<vmem_shared>>)
      %dma_wait3A_152 = arith.constant 4 : i32
      %dma_wait3A_153 = arith.constant 0 : i32
      %dma_wait3A_154 = tpu.memref_slice %arg6[%dma_wait3A_152, %dma_wait3A_153] : memref<16x128xi32, #tpu.memory_space<vmem>> -> memref<1x128xi32, #tpu.memory_space<vmem>>
      %dma_wait3A_155 = tpu.memref_squeeze %dma_wait3A_154 : memref<1x128xi32, #tpu.memory_space<vmem>> -> memref<128xi32, #tpu.memory_space<vmem>>
      %dma_wait3A_156 = arith.constant 0 : i32
      %dma_wait3A_157 = arith.constant 0 : i32
      %dma_wait3A_158 = tpu.memref_slice %arg8[%dma_wait3A_156, %dma_wait3A_157] : memref<10240x128xf32, #tpu.memory_space<vmem_shared>> -> memref<10240x128xf32, #tpu.memory_space<vmem_shared>>
      tpu.wait_indirect_dma semaphore(%arg9 : memref<!tpu.dma_semaphore, #tpu.memory_space<semaphore_mem>>) src(%arg7 : memref<128x128xf32, #tpu.memory_space<vmem>>) dst(%dma_wait3A_158 : memref<10240x128xf32, #tpu.memory_space<vmem_shared>>)
      %dma_wait3A_159 = arith.constant 5 : i32
      %dma_wait3A_160 = arith.constant 0 : i32
      %dma_wait3A_161 = tpu.memref_slice %arg6[%dma_wait3A_159, %dma_wait3A_160] : memref<16x128xi32, #tpu.memory_space<vmem>> -> memref<1x128xi32, #tpu.memory_space<vmem>>
      %dma_wait3A_162 = tpu.memref_squeeze %dma_wait3A_161 : memref<1x128xi32, #tpu.memory_space<vmem>> -> memref<128xi32, #tpu.memory_space<vmem>>
      %dma_wait3A_163 = arith.constant 0 : i32
      %dma_wait3A_164 = arith.constant 0 : i32
      %dma_wait3A_165 = tpu.memref_slice %arg8[%dma_wait3A_163, %dma_wait3A_164] : memref<10240x128xf32, #tpu.memory_space<vmem_shared>> -> memref<10240x128xf32, #tpu.memory_space<vmem_shared>>
      tpu.wait_indirect_dma semaphore(%arg9 : memref<!tpu.dma_semaphore, #tpu.memory_space<semaphore_mem>>) src(%arg7 : memref<128x128xf32, #tpu.memory_space<vmem>>) dst(%dma_wait3A_165 : memref<10240x128xf32, #tpu.memory_space<vmem_shared>>)
      %dma_wait3A_166 = arith.constant 6 : i32
      %dma_wait3A_167 = arith.constant 0 : i32
      %dma_wait3A_168 = tpu.memref_slice %arg6[%dma_wait3A_166, %dma_wait3A_167] : memref<16x128xi32, #tpu.memory_space<vmem>> -> memref<1x128xi32, #tpu.memory_space<vmem>>
      %dma_wait3A_169 = tpu.memref_squeeze %dma_wait3A_168 : memref<1x128xi32, #tpu.memory_space<vmem>> -> memref<128xi32, #tpu.memory_space<vmem>>
      %dma_wait3A_170 = arith.constant 0 : i32
      %dma_wait3A_171 = arith.constant 0 : i32
      %dma_wait3A_172 = tpu.memref_slice %arg8[%dma_wait3A_170, %dma_wait3A_171] : memref<10240x128xf32, #tpu.memory_space<vmem_shared>> -> memref<10240x128xf32, #tpu.memory_space<vmem_shared>>
      tpu.wait_indirect_dma semaphore(%arg9 : memref<!tpu.dma_semaphore, #tpu.memory_space<semaphore_mem>>) src(%arg7 : memref<128x128xf32, #tpu.memory_space<vmem>>) dst(%dma_wait3A_172 : memref<10240x128xf32, #tpu.memory_space<vmem_shared>>)
      %dma_wait3A_173 = arith.constant 7 : i32
      %dma_wait3A_174 = arith.constant 0 : i32
      %dma_wait3A_175 = tpu.memref_slice %arg6[%dma_wait3A_173, %dma_wait3A_174] : memref<16x128xi32, #tpu.memory_space<vmem>> -> memref<1x128xi32, #tpu.memory_space<vmem>>
      %dma_wait3A_176 = tpu.memref_squeeze %dma_wait3A_175 : memref<1x128xi32, #tpu.memory_space<vmem>> -> memref<128xi32, #tpu.memory_space<vmem>>
      %dma_wait3A_177 = arith.constant 0 : i32
      %dma_wait3A_178 = arith.constant 0 : i32
      %dma_wait3A_179 = tpu.memref_slice %arg8[%dma_wait3A_177, %dma_wait3A_178] : memref<10240x128xf32, #tpu.memory_space<vmem_shared>> -> memref<10240x128xf32, #tpu.memory_space<vmem_shared>>
      tpu.wait_indirect_dma semaphore(%arg9 : memref<!tpu.dma_semaphore, #tpu.memory_space<semaphore_mem>>) src(%arg7 : memref<128x128xf32, #tpu.memory_space<vmem>>) dst(%dma_wait3A_179 : memref<10240x128xf32, #tpu.memory_space<vmem_shared>>)
      %dma_wait3A_180 = arith.constant 8 : i32
      %dma_wait3A_181 = arith.constant 0 : i32
      %dma_wait3A_182 = tpu.memref_slice %arg6[%dma_wait3A_180, %dma_wait3A_181] : memref<16x128xi32, #tpu.memory_space<vmem>> -> memref<1x128xi32, #tpu.memory_space<vmem>>
      %dma_wait3A_183 = tpu.memref_squeeze %dma_wait3A_182 : memref<1x128xi32, #tpu.memory_space<vmem>> -> memref<128xi32, #tpu.memory_space<vmem>>
      %dma_wait3A_184 = arith.constant 0 : i32
      %dma_wait3A_185 = arith.constant 0 : i32
      %dma_wait3A_186 = tpu.memref_slice %arg8[%dma_wait3A_184, %dma_wait3A_185] : memref<10240x128xf32, #tpu.memory_space<vmem_shared>> -> memref<10240x128xf32, #tpu.memory_space<vmem_shared>>
      tpu.wait_indirect_dma semaphore(%arg9 : memref<!tpu.dma_semaphore, #tpu.memory_space<semaphore_mem>>) src(%arg7 : memref<128x128xf32, #tpu.memory_space<vmem>>) dst(%dma_wait3A_186 : memref<10240x128xf32, #tpu.memory_space<vmem_shared>>)
      %dma_wait3A_187 = arith.constant 9 : i32
      %dma_wait3A_188 = arith.constant 0 : i32
      %dma_wait3A_189 = tpu.memref_slice %arg6[%dma_wait3A_187, %dma_wait3A_188] : memref<16x128xi32, #tpu.memory_space<vmem>> -> memref<1x128xi32, #tpu.memory_space<vmem>>
      %dma_wait3A_190 = tpu.memref_squeeze %dma_wait3A_189 : memref<1x128xi32, #tpu.memory_space<vmem>> -> memref<128xi32, #tpu.memory_space<vmem>>
      %dma_wait3A_191 = arith.constant 0 : i32
      %dma_wait3A_192 = arith.constant 0 : i32
      %dma_wait3A_193 = tpu.memref_slice %arg8[%dma_wait3A_191, %dma_wait3A_192] : memref<10240x128xf32, #tpu.memory_space<vmem_shared>> -> memref<10240x128xf32, #tpu.memory_space<vmem_shared>>
      tpu.wait_indirect_dma semaphore(%arg9 : memref<!tpu.dma_semaphore, #tpu.memory_space<semaphore_mem>>) src(%arg7 : memref<128x128xf32, #tpu.memory_space<vmem>>) dst(%dma_wait3A_193 : memref<10240x128xf32, #tpu.memory_space<vmem_shared>>)
      %dma_wait3A_194 = arith.constant 10 : i32
      %dma_wait3A_195 = arith.constant 0 : i32
      %dma_wait3A_196 = tpu.memref_slice %arg6[%dma_wait3A_194, %dma_wait3A_195] : memref<16x128xi32, #tpu.memory_space<vmem>> -> memref<1x128xi32, #tpu.memory_space<vmem>>
      %dma_wait3A_197 = tpu.memref_squeeze %dma_wait3A_196 : memref<1x128xi32, #tpu.memory_space<vmem>> -> memref<128xi32, #tpu.memory_space<vmem>>
      %dma_wait3A_198 = arith.constant 0 : i32
      %dma_wait3A_199 = arith.constant 0 : i32
      %dma_wait3A_200 = tpu.memref_slice %arg8[%dma_wait3A_198, %dma_wait3A_199] : memref<10240x128xf32, #tpu.memory_space<vmem_shared>> -> memref<10240x128xf32, #tpu.memory_space<vmem_shared>>
      tpu.wait_indirect_dma semaphore(%arg9 : memref<!tpu.dma_semaphore, #tpu.memory_space<semaphore_mem>>) src(%arg7 : memref<128x128xf32, #tpu.memory_space<vmem>>) dst(%dma_wait3A_200 : memref<10240x128xf32, #tpu.memory_space<vmem_shared>>)
      %dma_wait3A_201 = arith.constant 11 : i32
      %dma_wait3A_202 = arith.constant 0 : i32
      %dma_wait3A_203 = tpu.memref_slice %arg6[%dma_wait3A_201, %dma_wait3A_202] : memref<16x128xi32, #tpu.memory_space<vmem>> -> memref<1x128xi32, #tpu.memory_space<vmem>>
      %dma_wait3A_204 = tpu.memref_squeeze %dma_wait3A_203 : memref<1x128xi32, #tpu.memory_space<vmem>> -> memref<128xi32, #tpu.memory_space<vmem>>
      %dma_wait3A_205 = arith.constant 0 : i32
      %dma_wait3A_206 = arith.constant 0 : i32
      %dma_wait3A_207 = tpu.memref_slice %arg8[%dma_wait3A_205, %dma_wait3A_206] : memref<10240x128xf32, #tpu.memory_space<vmem_shared>> -> memref<10240x128xf32, #tpu.memory_space<vmem_shared>>
      tpu.wait_indirect_dma semaphore(%arg9 : memref<!tpu.dma_semaphore, #tpu.memory_space<semaphore_mem>>) src(%arg7 : memref<128x128xf32, #tpu.memory_space<vmem>>) dst(%dma_wait3A_207 : memref<10240x128xf32, #tpu.memory_space<vmem_shared>>)
      %dma_wait3A_208 = arith.constant 12 : i32
      %dma_wait3A_209 = arith.constant 0 : i32
      %dma_wait3A_210 = tpu.memref_slice %arg6[%dma_wait3A_208, %dma_wait3A_209] : memref<16x128xi32, #tpu.memory_space<vmem>> -> memref<1x128xi32, #tpu.memory_space<vmem>>
      %dma_wait3A_211 = tpu.memref_squeeze %dma_wait3A_210 : memref<1x128xi32, #tpu.memory_space<vmem>> -> memref<128xi32, #tpu.memory_space<vmem>>
      %dma_wait3A_212 = arith.constant 0 : i32
      %dma_wait3A_213 = arith.constant 0 : i32
      %dma_wait3A_214 = tpu.memref_slice %arg8[%dma_wait3A_212, %dma_wait3A_213] : memref<10240x128xf32, #tpu.memory_space<vmem_shared>> -> memref<10240x128xf32, #tpu.memory_space<vmem_shared>>
      tpu.wait_indirect_dma semaphore(%arg9 : memref<!tpu.dma_semaphore, #tpu.memory_space<semaphore_mem>>) src(%arg7 : memref<128x128xf32, #tpu.memory_space<vmem>>) dst(%dma_wait3A_214 : memref<10240x128xf32, #tpu.memory_space<vmem_shared>>)
      %dma_wait3A_215 = arith.constant 13 : i32
      %dma_wait3A_216 = arith.constant 0 : i32
      %dma_wait3A_217 = tpu.memref_slice %arg6[%dma_wait3A_215, %dma_wait3A_216] : memref<16x128xi32, #tpu.memory_space<vmem>> -> memref<1x128xi32, #tpu.memory_space<vmem>>
      %dma_wait3A_218 = tpu.memref_squeeze %dma_wait3A_217 : memref<1x128xi32, #tpu.memory_space<vmem>> -> memref<128xi32, #tpu.memory_space<vmem>>
      %dma_wait3A_219 = arith.constant 0 : i32
      %dma_wait3A_220 = arith.constant 0 : i32
      %dma_wait3A_221 = tpu.memref_slice %arg8[%dma_wait3A_219, %dma_wait3A_220] : memref<10240x128xf32, #tpu.memory_space<vmem_shared>> -> memref<10240x128xf32, #tpu.memory_space<vmem_shared>>
      tpu.wait_indirect_dma semaphore(%arg9 : memref<!tpu.dma_semaphore, #tpu.memory_space<semaphore_mem>>) src(%arg7 : memref<128x128xf32, #tpu.memory_space<vmem>>) dst(%dma_wait3A_221 : memref<10240x128xf32, #tpu.memory_space<vmem_shared>>)
      %dma_wait3A_222 = arith.constant 14 : i32
      %dma_wait3A_223 = arith.constant 0 : i32
      %dma_wait3A_224 = tpu.memref_slice %arg6[%dma_wait3A_222, %dma_wait3A_223] : memref<16x128xi32, #tpu.memory_space<vmem>> -> memref<1x128xi32, #tpu.memory_space<vmem>>
      %dma_wait3A_225 = tpu.memref_squeeze %dma_wait3A_224 : memref<1x128xi32, #tpu.memory_space<vmem>> -> memref<128xi32, #tpu.memory_space<vmem>>
      %dma_wait3A_226 = arith.constant 0 : i32
      %dma_wait3A_227 = arith.constant 0 : i32
      %dma_wait3A_228 = tpu.memref_slice %arg8[%dma_wait3A_226, %dma_wait3A_227] : memref<10240x128xf32, #tpu.memory_space<vmem_shared>> -> memref<10240x128xf32, #tpu.memory_space<vmem_shared>>
      tpu.wait_indirect_dma semaphore(%arg9 : memref<!tpu.dma_semaphore, #tpu.memory_space<semaphore_mem>>) src(%arg7 : memref<128x128xf32, #tpu.memory_space<vmem>>) dst(%dma_wait3A_228 : memref<10240x128xf32, #tpu.memory_space<vmem_shared>>)
      %dma_wait3A_229 = arith.constant 15 : i32
      %dma_wait3A_230 = arith.constant 0 : i32
      %dma_wait3A_231 = tpu.memref_slice %arg6[%dma_wait3A_229, %dma_wait3A_230] : memref<16x128xi32, #tpu.memory_space<vmem>> -> memref<1x128xi32, #tpu.memory_space<vmem>>
      %dma_wait3A_232 = tpu.memref_squeeze %dma_wait3A_231 : memref<1x128xi32, #tpu.memory_space<vmem>> -> memref<128xi32, #tpu.memory_space<vmem>>
      %dma_wait3A_233 = arith.constant 0 : i32
      %dma_wait3A_234 = arith.constant 0 : i32
      %dma_wait3A_235 = tpu.memref_slice %arg8[%dma_wait3A_233, %dma_wait3A_234] : memref<10240x128xf32, #tpu.memory_space<vmem_shared>> -> memref<10240x128xf32, #tpu.memory_space<vmem_shared>>
      tpu.wait_indirect_dma semaphore(%arg9 : memref<!tpu.dma_semaphore, #tpu.memory_space<semaphore_mem>>) src(%arg7 : memref<128x128xf32, #tpu.memory_space<vmem>>) dst(%dma_wait3A_235 : memref<10240x128xf32, #tpu.memory_space<vmem_shared>>)
    }
    %scan3A_7 = arith.constant 10 : i32
    %barrier3A_8 = arith.constant 0 : index
    tpu.barrier barrier_id(%barrier3A_8)
    %mul3A_9 = arith.constant 640 : i32
    %mul3A_10 = arith.muli %arg1, %mul3A_9 : i32
    %mul3A_11 = arith.constant 640 : i32
    %mul3A_12 = arith.muli %arg1, %mul3A_11 : i32
    "tpu.region"() ({
      %run_scoped3A = tpu.sem_alloc : memref<!tpu.dma_semaphore, #tpu.memory_space<semaphore_mem>>
      %dma_start3A = arith.constant 0 : i32
      %dma_start3A_13 = tpu.memref_slice %arg5[%arg0, %mul3A_12, %dma_start3A] : memref<2x10240x128xf32, #tpu.memory_space<hbm>> -> memref<1x640x128xf32, #tpu.memory_space<hbm>>
      %dma_start3A_14 = tpu.memref_squeeze %dma_start3A_13 : memref<1x640x128xf32, #tpu.memory_space<hbm>> -> memref<640x128xf32, #tpu.memory_space<hbm>>
      %dma_start3A_15 = arith.constant 0 : i32
      %dma_start3A_16 = tpu.memref_slice %arg8[%mul3A_10, %dma_start3A_15] : memref<10240x128xf32, #tpu.memory_space<vmem_shared>> -> memref<640x128xf32, #tpu.memory_space<vmem_shared>>
      tpu.enqueue_dma source(%dma_start3A_16 : memref<640x128xf32, #tpu.memory_space<vmem_shared>>) target(%dma_start3A_14 : memref<640x128xf32, #tpu.memory_space<hbm>>) target_semaphore(%run_scoped3A : memref<!tpu.dma_semaphore, #tpu.memory_space<semaphore_mem>>)
      %dma_wait3A = arith.constant 0 : i32
      %dma_wait3A_17 = tpu.memref_slice %arg5[%arg0, %mul3A_12, %dma_wait3A] : memref<2x10240x128xf32, #tpu.memory_space<hbm>> -> memref<1x640x128xf32, #tpu.memory_space<hbm>>
      %dma_wait3A_18 = tpu.memref_squeeze %dma_wait3A_17 : memref<1x640x128xf32, #tpu.memory_space<hbm>> -> memref<640x128xf32, #tpu.memory_space<hbm>>
      %dma_wait3A_19 = arith.constant 0 : i32
      %dma_wait3A_20 = tpu.memref_slice %arg8[%mul3A_10, %dma_wait3A_19] : memref<10240x128xf32, #tpu.memory_space<vmem_shared>> -> memref<640x128xf32, #tpu.memory_space<vmem_shared>>
      tpu.wait_dma2 semaphore(%run_scoped3A : memref<!tpu.dma_semaphore, #tpu.memory_space<semaphore_mem>>) src(%dma_wait3A_20 : memref<640x128xf32, #tpu.memory_space<vmem_shared>>) dst(%dma_wait3A_18 : memref<640x128xf32, #tpu.memory_space<hbm>>)
      tpu.yield
    }) : () -> ()
    return
  }
}

#map = affine_map<(d0, d1) -> (0, 0, 0, 0)>
#map1 = affine_map<(d0, d1) -> (0, 0)>
#map2 = affine_map<(d0, d1) -> (0, 0, 0)>
module attributes {stable_mosaic.version = 14 : i64} {
  func.func @_agg_kernel(%arg0: i32, %arg1: i32, %arg2: memref<32x10x16x128xi32, #tpu.memory_space<hbm>>, %arg3: memref<32x10x16x128xi32, #tpu.memory_space<hbm>>, %arg4: memref<20000x128xf32, #tpu.memory_space<hbm>>, %arg5: memref<640x128xf32, #tpu.memory_space<hbm>>, %arg6: memref<2x10240x128xf32, #tpu.memory_space<hbm>>, %arg7: memref<16x128xi32, #tpu.memory_space<vmem>>, %arg8: memref<16x128xi32, #tpu.memory_space<vmem>>, %arg9: memref<128x128xf32, #tpu.memory_space<vmem>>, %arg10: memref<128x128xf32, #tpu.memory_space<vmem>>, %arg11: memref<10240x128xf32, #tpu.memory_space<vmem_shared>>, %arg12: memref<!tpu.dma_semaphore, #tpu.memory_space<semaphore_mem>>, %arg13: memref<!tpu.dma_semaphore, #tpu.memory_space<semaphore_mem>>, %arg14: memref<!tpu.dma_semaphore, #tpu.memory_space<semaphore_mem>>, %arg15: memref<!tpu.dma_semaphore, #tpu.memory_space<semaphore_mem>>) attributes {dimension_semantics = [#tpu.dimension_semantics<core_parallel>, #tpu.dimension_semantics<subcore_parallel>], iteration_bounds = array<i64: 2, 16>, scalar_prefetch = 0 : i64, scratch_operands = 9 : i64, tpu.core_type = #tpu.core_type<sc_vector_subcore>, window_params = [{transform_indices = #map}, {transform_indices = #map}, {transform_indices = #map1}, {transform_indices = #map1}, {transform_indices = #map2}]} {
    %mul3A = arith.constant 16 : i32
    %mul3A_0 = arith.muli %arg0, %mul3A : i32
    %add3A = arith.addi %mul3A_0, %arg1 : i32
    %mul3A_1 = arith.constant 640 : i32
    %mul3A_2 = arith.muli %arg1, %mul3A_1 : i32
    "tpu.region"() ({
      %run_scoped3A = tpu.sem_alloc : memref<!tpu.dma_semaphore, #tpu.memory_space<semaphore_mem>>
      %dma_start3A = arith.constant 0 : i32
      %dma_start3A_13 = tpu.memref_slice %arg11[%mul3A_2, %dma_start3A] : memref<10240x128xf32, #tpu.memory_space<vmem_shared>> -> memref<640x128xf32, #tpu.memory_space<vmem_shared>>
      tpu.enqueue_dma source(%arg5 : memref<640x128xf32, #tpu.memory_space<hbm>>) target(%dma_start3A_13 : memref<640x128xf32, #tpu.memory_space<vmem_shared>>) target_semaphore(%run_scoped3A : memref<!tpu.dma_semaphore, #tpu.memory_space<semaphore_mem>>)
      %dma_wait3A = arith.constant 0 : i32
      %dma_wait3A_14 = tpu.memref_slice %arg11[%mul3A_2, %dma_wait3A] : memref<10240x128xf32, #tpu.memory_space<vmem_shared>> -> memref<640x128xf32, #tpu.memory_space<vmem_shared>>
      tpu.wait_dma2 semaphore(%run_scoped3A : memref<!tpu.dma_semaphore, #tpu.memory_space<semaphore_mem>>) src(%arg5 : memref<640x128xf32, #tpu.memory_space<hbm>>) dst(%dma_wait3A_14 : memref<640x128xf32, #tpu.memory_space<vmem_shared>>)
      tpu.yield
    }) : () -> ()
    %barrier3A = arith.constant 0 : index
    tpu.barrier barrier_id(%barrier3A)
    %scan3A = arith.constant 0 : i32
    %scan3A_3 = arith.constant 0 : i32
    %scan3A_4 = arith.constant 10 : i32
    %scan3A_5 = arith.addi %scan3A_3, %scan3A_4 : i32
    %scan3A_6 = arith.constant 1 : i32
    scf.for %scan3A_13 = %scan3A_3 to %scan3A_5 step %scan3A_6  : i32 {
      "tpu.region"() ({
        %run_scoped3A = tpu.sem_alloc : memref<!tpu.dma_semaphore, #tpu.memory_space<semaphore_mem>>
        %dma_start3A_460 = arith.constant 0 : i32
        %dma_start3A_461 = arith.constant 0 : i32
        %dma_start3A_462 = tpu.memref_slice %arg2[%add3A, %scan3A_13, %dma_start3A_460, %dma_start3A_461] : memref<32x10x16x128xi32, #tpu.memory_space<hbm>> -> memref<1x1x16x128xi32, #tpu.memory_space<hbm>>
        %dma_start3A_463 = tpu.memref_squeeze %dma_start3A_462 : memref<1x1x16x128xi32, #tpu.memory_space<hbm>> -> memref<16x128xi32, #tpu.memory_space<hbm>>
        %dma_start3A_464 = arith.constant 0 : i32
        %dma_start3A_465 = arith.constant 0 : i32
        %dma_start3A_466 = tpu.memref_slice %arg2[%add3A, %scan3A_13, %dma_start3A_464, %dma_start3A_465] : memref<32x10x16x128xi32, #tpu.memory_space<hbm>> -> memref<1x1x16x128xi32, #tpu.memory_space<hbm>>
        %dma_start3A_467 = tpu.memref_squeeze %dma_start3A_466 : memref<1x1x16x128xi32, #tpu.memory_space<hbm>> -> memref<16x128xi32, #tpu.memory_space<hbm>>
        tpu.enqueue_dma source(%dma_start3A_467 : memref<16x128xi32, #tpu.memory_space<hbm>>) target(%arg7 : memref<16x128xi32, #tpu.memory_space<vmem>>) target_semaphore(%run_scoped3A : memref<!tpu.dma_semaphore, #tpu.memory_space<semaphore_mem>>)
        %dma_wait3A_468 = arith.constant 0 : i32
        %dma_wait3A_469 = arith.constant 0 : i32
        %dma_wait3A_470 = tpu.memref_slice %arg2[%add3A, %scan3A_13, %dma_wait3A_468, %dma_wait3A_469] : memref<32x10x16x128xi32, #tpu.memory_space<hbm>> -> memref<1x1x16x128xi32, #tpu.memory_space<hbm>>
        %dma_wait3A_471 = tpu.memref_squeeze %dma_wait3A_470 : memref<1x1x16x128xi32, #tpu.memory_space<hbm>> -> memref<16x128xi32, #tpu.memory_space<hbm>>
        %dma_wait3A_472 = arith.constant 0 : i32
        %dma_wait3A_473 = arith.constant 0 : i32
        %dma_wait3A_474 = tpu.memref_slice %arg2[%add3A, %scan3A_13, %dma_wait3A_472, %dma_wait3A_473] : memref<32x10x16x128xi32, #tpu.memory_space<hbm>> -> memref<1x1x16x128xi32, #tpu.memory_space<hbm>>
        %dma_wait3A_475 = tpu.memref_squeeze %dma_wait3A_474 : memref<1x1x16x128xi32, #tpu.memory_space<hbm>> -> memref<16x128xi32, #tpu.memory_space<hbm>>
        tpu.wait_dma2 semaphore(%run_scoped3A : memref<!tpu.dma_semaphore, #tpu.memory_space<semaphore_mem>>) src(%dma_wait3A_475 : memref<16x128xi32, #tpu.memory_space<hbm>>) dst(%arg7 : memref<16x128xi32, #tpu.memory_space<vmem>>)
        tpu.yield
      }) : () -> ()
      "tpu.region"() ({
        %run_scoped3A = tpu.sem_alloc : memref<!tpu.dma_semaphore, #tpu.memory_space<semaphore_mem>>
        %dma_start3A_460 = arith.constant 0 : i32
        %dma_start3A_461 = arith.constant 0 : i32
        %dma_start3A_462 = tpu.memref_slice %arg3[%add3A, %scan3A_13, %dma_start3A_460, %dma_start3A_461] : memref<32x10x16x128xi32, #tpu.memory_space<hbm>> -> memref<1x1x16x128xi32, #tpu.memory_space<hbm>>
        %dma_start3A_463 = tpu.memref_squeeze %dma_start3A_462 : memref<1x1x16x128xi32, #tpu.memory_space<hbm>> -> memref<16x128xi32, #tpu.memory_space<hbm>>
        %dma_start3A_464 = arith.constant 0 : i32
        %dma_start3A_465 = arith.constant 0 : i32
        %dma_start3A_466 = tpu.memref_slice %arg3[%add3A, %scan3A_13, %dma_start3A_464, %dma_start3A_465] : memref<32x10x16x128xi32, #tpu.memory_space<hbm>> -> memref<1x1x16x128xi32, #tpu.memory_space<hbm>>
        %dma_start3A_467 = tpu.memref_squeeze %dma_start3A_466 : memref<1x1x16x128xi32, #tpu.memory_space<hbm>> -> memref<16x128xi32, #tpu.memory_space<hbm>>
        tpu.enqueue_dma source(%dma_start3A_467 : memref<16x128xi32, #tpu.memory_space<hbm>>) target(%arg8 : memref<16x128xi32, #tpu.memory_space<vmem>>) target_semaphore(%run_scoped3A : memref<!tpu.dma_semaphore, #tpu.memory_space<semaphore_mem>>)
        %dma_wait3A_468 = arith.constant 0 : i32
        %dma_wait3A_469 = arith.constant 0 : i32
        %dma_wait3A_470 = tpu.memref_slice %arg3[%add3A, %scan3A_13, %dma_wait3A_468, %dma_wait3A_469] : memref<32x10x16x128xi32, #tpu.memory_space<hbm>> -> memref<1x1x16x128xi32, #tpu.memory_space<hbm>>
        %dma_wait3A_471 = tpu.memref_squeeze %dma_wait3A_470 : memref<1x1x16x128xi32, #tpu.memory_space<hbm>> -> memref<16x128xi32, #tpu.memory_space<hbm>>
        %dma_wait3A_472 = arith.constant 0 : i32
        %dma_wait3A_473 = arith.constant 0 : i32
        %dma_wait3A_474 = tpu.memref_slice %arg3[%add3A, %scan3A_13, %dma_wait3A_472, %dma_wait3A_473] : memref<32x10x16x128xi32, #tpu.memory_space<hbm>> -> memref<1x1x16x128xi32, #tpu.memory_space<hbm>>
        %dma_wait3A_475 = tpu.memref_squeeze %dma_wait3A_474 : memref<1x1x16x128xi32, #tpu.memory_space<hbm>> -> memref<16x128xi32, #tpu.memory_space<hbm>>
        tpu.wait_dma2 semaphore(%run_scoped3A : memref<!tpu.dma_semaphore, #tpu.memory_space<semaphore_mem>>) src(%dma_wait3A_475 : memref<16x128xi32, #tpu.memory_space<hbm>>) dst(%arg8 : memref<16x128xi32, #tpu.memory_space<vmem>>)
        tpu.yield
      }) : () -> ()
      %dma_start3A = arith.constant 0 : i32
      %dma_start3A_14 = arith.constant 0 : i32
      %dma_start3A_15 = tpu.memref_slice %arg7[%dma_start3A, %dma_start3A_14] : memref<16x128xi32, #tpu.memory_space<vmem>> -> memref<1x128xi32, #tpu.memory_space<vmem>>
      %dma_start3A_16 = tpu.memref_squeeze %dma_start3A_15 : memref<1x128xi32, #tpu.memory_space<vmem>> -> memref<128xi32, #tpu.memory_space<vmem>>
      %dma_start3A_17 = arith.constant 0 : i32
      %dma_start3A_18 = arith.constant 0 : i32
      %dma_start3A_19 = tpu.memref_slice %arg4[%dma_start3A_17, %dma_start3A_18] : memref<20000x128xf32, #tpu.memory_space<hbm>> -> memref<20000x128xf32, #tpu.memory_space<hbm>>
      tpu.enqueue_indirect_dma source(%dma_start3A_19 : memref<20000x128xf32, #tpu.memory_space<hbm>>) target(%arg9 : memref<128x128xf32, #tpu.memory_space<vmem>>) offsets(%dma_start3A_16 : memref<128xi32, #tpu.memory_space<vmem>>) semaphore(%arg12 : memref<!tpu.dma_semaphore, #tpu.memory_space<semaphore_mem>>)
      %dma_start3A_20 = arith.constant 1 : i32
      %dma_start3A_21 = arith.constant 0 : i32
      %dma_start3A_22 = tpu.memref_slice %arg7[%dma_start3A_20, %dma_start3A_21] : memref<16x128xi32, #tpu.memory_space<vmem>> -> memref<1x128xi32, #tpu.memory_space<vmem>>
      %dma_start3A_23 = tpu.memref_squeeze %dma_start3A_22 : memref<1x128xi32, #tpu.memory_space<vmem>> -> memref<128xi32, #tpu.memory_space<vmem>>
      %dma_start3A_24 = arith.constant 0 : i32
      %dma_start3A_25 = arith.constant 0 : i32
      %dma_start3A_26 = tpu.memref_slice %arg4[%dma_start3A_24, %dma_start3A_25] : memref<20000x128xf32, #tpu.memory_space<hbm>> -> memref<20000x128xf32, #tpu.memory_space<hbm>>
      tpu.enqueue_indirect_dma source(%dma_start3A_26 : memref<20000x128xf32, #tpu.memory_space<hbm>>) target(%arg10 : memref<128x128xf32, #tpu.memory_space<vmem>>) offsets(%dma_start3A_23 : memref<128xi32, #tpu.memory_space<vmem>>) semaphore(%arg13 : memref<!tpu.dma_semaphore, #tpu.memory_space<semaphore_mem>>)
      %dma_wait3A = arith.constant 0 : i32
      %dma_wait3A_27 = arith.constant 0 : i32
      %dma_wait3A_28 = tpu.memref_slice %arg7[%dma_wait3A, %dma_wait3A_27] : memref<16x128xi32, #tpu.memory_space<vmem>> -> memref<1x128xi32, #tpu.memory_space<vmem>>
      %dma_wait3A_29 = tpu.memref_squeeze %dma_wait3A_28 : memref<1x128xi32, #tpu.memory_space<vmem>> -> memref<128xi32, #tpu.memory_space<vmem>>
      %dma_wait3A_30 = arith.constant 0 : i32
      %dma_wait3A_31 = arith.constant 0 : i32
      %dma_wait3A_32 = tpu.memref_slice %arg4[%dma_wait3A_30, %dma_wait3A_31] : memref<20000x128xf32, #tpu.memory_space<hbm>> -> memref<20000x128xf32, #tpu.memory_space<hbm>>
      tpu.wait_indirect_dma semaphore(%arg12 : memref<!tpu.dma_semaphore, #tpu.memory_space<semaphore_mem>>) src(%dma_wait3A_32 : memref<20000x128xf32, #tpu.memory_space<hbm>>) dst(%arg9 : memref<128x128xf32, #tpu.memory_space<vmem>>)
      %dma_start3A_33 = arith.constant 0 : i32
      %dma_start3A_34 = arith.constant 0 : i32
      %dma_start3A_35 = tpu.memref_slice %arg8[%dma_start3A_33, %dma_start3A_34] : memref<16x128xi32, #tpu.memory_space<vmem>> -> memref<1x128xi32, #tpu.memory_space<vmem>>
      %dma_start3A_36 = tpu.memref_squeeze %dma_start3A_35 : memref<1x128xi32, #tpu.memory_space<vmem>> -> memref<128xi32, #tpu.memory_space<vmem>>
      %dma_start3A_37 = arith.constant 0 : i32
      %dma_start3A_38 = arith.constant 0 : i32
      %dma_start3A_39 = tpu.memref_slice %arg11[%dma_start3A_37, %dma_start3A_38] : memref<10240x128xf32, #tpu.memory_space<vmem_shared>> -> memref<10240x128xf32, #tpu.memory_space<vmem_shared>>
      tpu.enqueue_indirect_dma source(%arg9 : memref<128x128xf32, #tpu.memory_space<vmem>>) target(%dma_start3A_39 : memref<10240x128xf32, #tpu.memory_space<vmem_shared>>) offsets(%dma_start3A_36 : memref<128xi32, #tpu.memory_space<vmem>>) semaphore(%arg14 : memref<!tpu.dma_semaphore, #tpu.memory_space<semaphore_mem>>) {add = true}
      %dma_wait3A_40 = arith.constant 0 : i32
      %dma_wait3A_41 = arith.constant 0 : i32
      %dma_wait3A_42 = tpu.memref_slice %arg8[%dma_wait3A_40, %dma_wait3A_41] : memref<16x128xi32, #tpu.memory_space<vmem>> -> memref<1x128xi32, #tpu.memory_space<vmem>>
      %dma_wait3A_43 = tpu.memref_squeeze %dma_wait3A_42 : memref<1x128xi32, #tpu.memory_space<vmem>> -> memref<128xi32, #tpu.memory_space<vmem>>
      %dma_wait3A_44 = arith.constant 0 : i32
      %dma_wait3A_45 = arith.constant 0 : i32
      %dma_wait3A_46 = tpu.memref_slice %arg11[%dma_wait3A_44, %dma_wait3A_45] : memref<10240x128xf32, #tpu.memory_space<vmem_shared>> -> memref<10240x128xf32, #tpu.memory_space<vmem_shared>>
      tpu.wait_indirect_dma semaphore(%arg14 : memref<!tpu.dma_semaphore, #tpu.memory_space<semaphore_mem>>) src(%arg9 : memref<128x128xf32, #tpu.memory_space<vmem>>) dst(%dma_wait3A_46 : memref<10240x128xf32, #tpu.memory_space<vmem_shared>>)
      %dma_start3A_47 = arith.constant 2 : i32
      %dma_start3A_48 = arith.constant 0 : i32
      %dma_start3A_49 = tpu.memref_slice %arg7[%dma_start3A_47, %dma_start3A_48] : memref<16x128xi32, #tpu.memory_space<vmem>> -> memref<1x128xi32, #tpu.memory_space<vmem>>
      %dma_start3A_50 = tpu.memref_squeeze %dma_start3A_49 : memref<1x128xi32, #tpu.memory_space<vmem>> -> memref<128xi32, #tpu.memory_space<vmem>>
      %dma_start3A_51 = arith.constant 0 : i32
      %dma_start3A_52 = arith.constant 0 : i32
      %dma_start3A_53 = tpu.memref_slice %arg4[%dma_start3A_51, %dma_start3A_52] : memref<20000x128xf32, #tpu.memory_space<hbm>> -> memref<20000x128xf32, #tpu.memory_space<hbm>>
      tpu.enqueue_indirect_dma source(%dma_start3A_53 : memref<20000x128xf32, #tpu.memory_space<hbm>>) target(%arg9 : memref<128x128xf32, #tpu.memory_space<vmem>>) offsets(%dma_start3A_50 : memref<128xi32, #tpu.memory_space<vmem>>) semaphore(%arg12 : memref<!tpu.dma_semaphore, #tpu.memory_space<semaphore_mem>>)
      %dma_wait3A_54 = arith.constant 1 : i32
      %dma_wait3A_55 = arith.constant 0 : i32
      %dma_wait3A_56 = tpu.memref_slice %arg7[%dma_wait3A_54, %dma_wait3A_55] : memref<16x128xi32, #tpu.memory_space<vmem>> -> memref<1x128xi32, #tpu.memory_space<vmem>>
      %dma_wait3A_57 = tpu.memref_squeeze %dma_wait3A_56 : memref<1x128xi32, #tpu.memory_space<vmem>> -> memref<128xi32, #tpu.memory_space<vmem>>
      %dma_wait3A_58 = arith.constant 0 : i32
      %dma_wait3A_59 = arith.constant 0 : i32
      %dma_wait3A_60 = tpu.memref_slice %arg4[%dma_wait3A_58, %dma_wait3A_59] : memref<20000x128xf32, #tpu.memory_space<hbm>> -> memref<20000x128xf32, #tpu.memory_space<hbm>>
      tpu.wait_indirect_dma semaphore(%arg13 : memref<!tpu.dma_semaphore, #tpu.memory_space<semaphore_mem>>) src(%dma_wait3A_60 : memref<20000x128xf32, #tpu.memory_space<hbm>>) dst(%arg10 : memref<128x128xf32, #tpu.memory_space<vmem>>)
      %dma_start3A_61 = arith.constant 1 : i32
      %dma_start3A_62 = arith.constant 0 : i32
      %dma_start3A_63 = tpu.memref_slice %arg8[%dma_start3A_61, %dma_start3A_62] : memref<16x128xi32, #tpu.memory_space<vmem>> -> memref<1x128xi32, #tpu.memory_space<vmem>>
      %dma_start3A_64 = tpu.memref_squeeze %dma_start3A_63 : memref<1x128xi32, #tpu.memory_space<vmem>> -> memref<128xi32, #tpu.memory_space<vmem>>
      %dma_start3A_65 = arith.constant 0 : i32
      %dma_start3A_66 = arith.constant 0 : i32
      %dma_start3A_67 = tpu.memref_slice %arg11[%dma_start3A_65, %dma_start3A_66] : memref<10240x128xf32, #tpu.memory_space<vmem_shared>> -> memref<10240x128xf32, #tpu.memory_space<vmem_shared>>
      tpu.enqueue_indirect_dma source(%arg10 : memref<128x128xf32, #tpu.memory_space<vmem>>) target(%dma_start3A_67 : memref<10240x128xf32, #tpu.memory_space<vmem_shared>>) offsets(%dma_start3A_64 : memref<128xi32, #tpu.memory_space<vmem>>) semaphore(%arg15 : memref<!tpu.dma_semaphore, #tpu.memory_space<semaphore_mem>>) {add = true}
      %dma_wait3A_68 = arith.constant 1 : i32
      %dma_wait3A_69 = arith.constant 0 : i32
      %dma_wait3A_70 = tpu.memref_slice %arg8[%dma_wait3A_68, %dma_wait3A_69] : memref<16x128xi32, #tpu.memory_space<vmem>> -> memref<1x128xi32, #tpu.memory_space<vmem>>
      %dma_wait3A_71 = tpu.memref_squeeze %dma_wait3A_70 : memref<1x128xi32, #tpu.memory_space<vmem>> -> memref<128xi32, #tpu.memory_space<vmem>>
      %dma_wait3A_72 = arith.constant 0 : i32
      %dma_wait3A_73 = arith.constant 0 : i32
      %dma_wait3A_74 = tpu.memref_slice %arg11[%dma_wait3A_72, %dma_wait3A_73] : memref<10240x128xf32, #tpu.memory_space<vmem_shared>> -> memref<10240x128xf32, #tpu.memory_space<vmem_shared>>
      tpu.wait_indirect_dma semaphore(%arg15 : memref<!tpu.dma_semaphore, #tpu.memory_space<semaphore_mem>>) src(%arg10 : memref<128x128xf32, #tpu.memory_space<vmem>>) dst(%dma_wait3A_74 : memref<10240x128xf32, #tpu.memory_space<vmem_shared>>)
      %dma_start3A_75 = arith.constant 3 : i32
      %dma_start3A_76 = arith.constant 0 : i32
      %dma_start3A_77 = tpu.memref_slice %arg7[%dma_start3A_75, %dma_start3A_76] : memref<16x128xi32, #tpu.memory_space<vmem>> -> memref<1x128xi32, #tpu.memory_space<vmem>>
      %dma_start3A_78 = tpu.memref_squeeze %dma_start3A_77 : memref<1x128xi32, #tpu.memory_space<vmem>> -> memref<128xi32, #tpu.memory_space<vmem>>
      %dma_start3A_79 = arith.constant 0 : i32
      %dma_start3A_80 = arith.constant 0 : i32
      %dma_start3A_81 = tpu.memref_slice %arg4[%dma_start3A_79, %dma_start3A_80] : memref<20000x128xf32, #tpu.memory_space<hbm>> -> memref<20000x128xf32, #tpu.memory_space<hbm>>
      tpu.enqueue_indirect_dma source(%dma_start3A_81 : memref<20000x128xf32, #tpu.memory_space<hbm>>) target(%arg10 : memref<128x128xf32, #tpu.memory_space<vmem>>) offsets(%dma_start3A_78 : memref<128xi32, #tpu.memory_space<vmem>>) semaphore(%arg13 : memref<!tpu.dma_semaphore, #tpu.memory_space<semaphore_mem>>)
      %dma_wait3A_82 = arith.constant 2 : i32
      %dma_wait3A_83 = arith.constant 0 : i32
      %dma_wait3A_84 = tpu.memref_slice %arg7[%dma_wait3A_82, %dma_wait3A_83] : memref<16x128xi32, #tpu.memory_space<vmem>> -> memref<1x128xi32, #tpu.memory_space<vmem>>
      %dma_wait3A_85 = tpu.memref_squeeze %dma_wait3A_84 : memref<1x128xi32, #tpu.memory_space<vmem>> -> memref<128xi32, #tpu.memory_space<vmem>>
      %dma_wait3A_86 = arith.constant 0 : i32
      %dma_wait3A_87 = arith.constant 0 : i32
      %dma_wait3A_88 = tpu.memref_slice %arg4[%dma_wait3A_86, %dma_wait3A_87] : memref<20000x128xf32, #tpu.memory_space<hbm>> -> memref<20000x128xf32, #tpu.memory_space<hbm>>
      tpu.wait_indirect_dma semaphore(%arg12 : memref<!tpu.dma_semaphore, #tpu.memory_space<semaphore_mem>>) src(%dma_wait3A_88 : memref<20000x128xf32, #tpu.memory_space<hbm>>) dst(%arg9 : memref<128x128xf32, #tpu.memory_space<vmem>>)
      %dma_start3A_89 = arith.constant 2 : i32
      %dma_start3A_90 = arith.constant 0 : i32
      %dma_start3A_91 = tpu.memref_slice %arg8[%dma_start3A_89, %dma_start3A_90] : memref<16x128xi32, #tpu.memory_space<vmem>> -> memref<1x128xi32, #tpu.memory_space<vmem>>
      %dma_start3A_92 = tpu.memref_squeeze %dma_start3A_91 : memref<1x128xi32, #tpu.memory_space<vmem>> -> memref<128xi32, #tpu.memory_space<vmem>>
      %dma_start3A_93 = arith.constant 0 : i32
      %dma_start3A_94 = arith.constant 0 : i32
      %dma_start3A_95 = tpu.memref_slice %arg11[%dma_start3A_93, %dma_start3A_94] : memref<10240x128xf32, #tpu.memory_space<vmem_shared>> -> memref<10240x128xf32, #tpu.memory_space<vmem_shared>>
      tpu.enqueue_indirect_dma source(%arg9 : memref<128x128xf32, #tpu.memory_space<vmem>>) target(%dma_start3A_95 : memref<10240x128xf32, #tpu.memory_space<vmem_shared>>) offsets(%dma_start3A_92 : memref<128xi32, #tpu.memory_space<vmem>>) semaphore(%arg14 : memref<!tpu.dma_semaphore, #tpu.memory_space<semaphore_mem>>) {add = true}
      %dma_wait3A_96 = arith.constant 2 : i32
      %dma_wait3A_97 = arith.constant 0 : i32
      %dma_wait3A_98 = tpu.memref_slice %arg8[%dma_wait3A_96, %dma_wait3A_97] : memref<16x128xi32, #tpu.memory_space<vmem>> -> memref<1x128xi32, #tpu.memory_space<vmem>>
      %dma_wait3A_99 = tpu.memref_squeeze %dma_wait3A_98 : memref<1x128xi32, #tpu.memory_space<vmem>> -> memref<128xi32, #tpu.memory_space<vmem>>
      %dma_wait3A_100 = arith.constant 0 : i32
      %dma_wait3A_101 = arith.constant 0 : i32
      %dma_wait3A_102 = tpu.memref_slice %arg11[%dma_wait3A_100, %dma_wait3A_101] : memref<10240x128xf32, #tpu.memory_space<vmem_shared>> -> memref<10240x128xf32, #tpu.memory_space<vmem_shared>>
      tpu.wait_indirect_dma semaphore(%arg14 : memref<!tpu.dma_semaphore, #tpu.memory_space<semaphore_mem>>) src(%arg9 : memref<128x128xf32, #tpu.memory_space<vmem>>) dst(%dma_wait3A_102 : memref<10240x128xf32, #tpu.memory_space<vmem_shared>>)
      %dma_start3A_103 = arith.constant 4 : i32
      %dma_start3A_104 = arith.constant 0 : i32
      %dma_start3A_105 = tpu.memref_slice %arg7[%dma_start3A_103, %dma_start3A_104] : memref<16x128xi32, #tpu.memory_space<vmem>> -> memref<1x128xi32, #tpu.memory_space<vmem>>
      %dma_start3A_106 = tpu.memref_squeeze %dma_start3A_105 : memref<1x128xi32, #tpu.memory_space<vmem>> -> memref<128xi32, #tpu.memory_space<vmem>>
      %dma_start3A_107 = arith.constant 0 : i32
      %dma_start3A_108 = arith.constant 0 : i32
      %dma_start3A_109 = tpu.memref_slice %arg4[%dma_start3A_107, %dma_start3A_108] : memref<20000x128xf32, #tpu.memory_space<hbm>> -> memref<20000x128xf32, #tpu.memory_space<hbm>>
      tpu.enqueue_indirect_dma source(%dma_start3A_109 : memref<20000x128xf32, #tpu.memory_space<hbm>>) target(%arg9 : memref<128x128xf32, #tpu.memory_space<vmem>>) offsets(%dma_start3A_106 : memref<128xi32, #tpu.memory_space<vmem>>) semaphore(%arg12 : memref<!tpu.dma_semaphore, #tpu.memory_space<semaphore_mem>>)
      %dma_wait3A_110 = arith.constant 3 : i32
      %dma_wait3A_111 = arith.constant 0 : i32
      %dma_wait3A_112 = tpu.memref_slice %arg7[%dma_wait3A_110, %dma_wait3A_111] : memref<16x128xi32, #tpu.memory_space<vmem>> -> memref<1x128xi32, #tpu.memory_space<vmem>>
      %dma_wait3A_113 = tpu.memref_squeeze %dma_wait3A_112 : memref<1x128xi32, #tpu.memory_space<vmem>> -> memref<128xi32, #tpu.memory_space<vmem>>
      %dma_wait3A_114 = arith.constant 0 : i32
      %dma_wait3A_115 = arith.constant 0 : i32
      %dma_wait3A_116 = tpu.memref_slice %arg4[%dma_wait3A_114, %dma_wait3A_115] : memref<20000x128xf32, #tpu.memory_space<hbm>> -> memref<20000x128xf32, #tpu.memory_space<hbm>>
      tpu.wait_indirect_dma semaphore(%arg13 : memref<!tpu.dma_semaphore, #tpu.memory_space<semaphore_mem>>) src(%dma_wait3A_116 : memref<20000x128xf32, #tpu.memory_space<hbm>>) dst(%arg10 : memref<128x128xf32, #tpu.memory_space<vmem>>)
      %dma_start3A_117 = arith.constant 3 : i32
      %dma_start3A_118 = arith.constant 0 : i32
      %dma_start3A_119 = tpu.memref_slice %arg8[%dma_start3A_117, %dma_start3A_118] : memref<16x128xi32, #tpu.memory_space<vmem>> -> memref<1x128xi32, #tpu.memory_space<vmem>>
      %dma_start3A_120 = tpu.memref_squeeze %dma_start3A_119 : memref<1x128xi32, #tpu.memory_space<vmem>> -> memref<128xi32, #tpu.memory_space<vmem>>
      %dma_start3A_121 = arith.constant 0 : i32
      %dma_start3A_122 = arith.constant 0 : i32
      %dma_start3A_123 = tpu.memref_slice %arg11[%dma_start3A_121, %dma_start3A_122] : memref<10240x128xf32, #tpu.memory_space<vmem_shared>> -> memref<10240x128xf32, #tpu.memory_space<vmem_shared>>
      tpu.enqueue_indirect_dma source(%arg10 : memref<128x128xf32, #tpu.memory_space<vmem>>) target(%dma_start3A_123 : memref<10240x128xf32, #tpu.memory_space<vmem_shared>>) offsets(%dma_start3A_120 : memref<128xi32, #tpu.memory_space<vmem>>) semaphore(%arg15 : memref<!tpu.dma_semaphore, #tpu.memory_space<semaphore_mem>>) {add = true}
      %dma_wait3A_124 = arith.constant 3 : i32
      %dma_wait3A_125 = arith.constant 0 : i32
      %dma_wait3A_126 = tpu.memref_slice %arg8[%dma_wait3A_124, %dma_wait3A_125] : memref<16x128xi32, #tpu.memory_space<vmem>> -> memref<1x128xi32, #tpu.memory_space<vmem>>
      %dma_wait3A_127 = tpu.memref_squeeze %dma_wait3A_126 : memref<1x128xi32, #tpu.memory_space<vmem>> -> memref<128xi32, #tpu.memory_space<vmem>>
      %dma_wait3A_128 = arith.constant 0 : i32
      %dma_wait3A_129 = arith.constant 0 : i32
      %dma_wait3A_130 = tpu.memref_slice %arg11[%dma_wait3A_128, %dma_wait3A_129] : memref<10240x128xf32, #tpu.memory_space<vmem_shared>> -> memref<10240x128xf32, #tpu.memory_space<vmem_shared>>
      tpu.wait_indirect_dma semaphore(%arg15 : memref<!tpu.dma_semaphore, #tpu.memory_space<semaphore_mem>>) src(%arg10 : memref<128x128xf32, #tpu.memory_space<vmem>>) dst(%dma_wait3A_130 : memref<10240x128xf32, #tpu.memory_space<vmem_shared>>)
      %dma_start3A_131 = arith.constant 5 : i32
      %dma_start3A_132 = arith.constant 0 : i32
      %dma_start3A_133 = tpu.memref_slice %arg7[%dma_start3A_131, %dma_start3A_132] : memref<16x128xi32, #tpu.memory_space<vmem>> -> memref<1x128xi32, #tpu.memory_space<vmem>>
      %dma_start3A_134 = tpu.memref_squeeze %dma_start3A_133 : memref<1x128xi32, #tpu.memory_space<vmem>> -> memref<128xi32, #tpu.memory_space<vmem>>
      %dma_start3A_135 = arith.constant 0 : i32
      %dma_start3A_136 = arith.constant 0 : i32
      %dma_start3A_137 = tpu.memref_slice %arg4[%dma_start3A_135, %dma_start3A_136] : memref<20000x128xf32, #tpu.memory_space<hbm>> -> memref<20000x128xf32, #tpu.memory_space<hbm>>
      tpu.enqueue_indirect_dma source(%dma_start3A_137 : memref<20000x128xf32, #tpu.memory_space<hbm>>) target(%arg10 : memref<128x128xf32, #tpu.memory_space<vmem>>) offsets(%dma_start3A_134 : memref<128xi32, #tpu.memory_space<vmem>>) semaphore(%arg13 : memref<!tpu.dma_semaphore, #tpu.memory_space<semaphore_mem>>)
      %dma_wait3A_138 = arith.constant 4 : i32
      %dma_wait3A_139 = arith.constant 0 : i32
      %dma_wait3A_140 = tpu.memref_slice %arg7[%dma_wait3A_138, %dma_wait3A_139] : memref<16x128xi32, #tpu.memory_space<vmem>> -> memref<1x128xi32, #tpu.memory_space<vmem>>
      %dma_wait3A_141 = tpu.memref_squeeze %dma_wait3A_140 : memref<1x128xi32, #tpu.memory_space<vmem>> -> memref<128xi32, #tpu.memory_space<vmem>>
      %dma_wait3A_142 = arith.constant 0 : i32
      %dma_wait3A_143 = arith.constant 0 : i32
      %dma_wait3A_144 = tpu.memref_slice %arg4[%dma_wait3A_142, %dma_wait3A_143] : memref<20000x128xf32, #tpu.memory_space<hbm>> -> memref<20000x128xf32, #tpu.memory_space<hbm>>
      tpu.wait_indirect_dma semaphore(%arg12 : memref<!tpu.dma_semaphore, #tpu.memory_space<semaphore_mem>>) src(%dma_wait3A_144 : memref<20000x128xf32, #tpu.memory_space<hbm>>) dst(%arg9 : memref<128x128xf32, #tpu.memory_space<vmem>>)
      %dma_start3A_145 = arith.constant 4 : i32
      %dma_start3A_146 = arith.constant 0 : i32
      %dma_start3A_147 = tpu.memref_slice %arg8[%dma_start3A_145, %dma_start3A_146] : memref<16x128xi32, #tpu.memory_space<vmem>> -> memref<1x128xi32, #tpu.memory_space<vmem>>
      %dma_start3A_148 = tpu.memref_squeeze %dma_start3A_147 : memref<1x128xi32, #tpu.memory_space<vmem>> -> memref<128xi32, #tpu.memory_space<vmem>>
      %dma_start3A_149 = arith.constant 0 : i32
      %dma_start3A_150 = arith.constant 0 : i32
      %dma_start3A_151 = tpu.memref_slice %arg11[%dma_start3A_149, %dma_start3A_150] : memref<10240x128xf32, #tpu.memory_space<vmem_shared>> -> memref<10240x128xf32, #tpu.memory_space<vmem_shared>>
      tpu.enqueue_indirect_dma source(%arg9 : memref<128x128xf32, #tpu.memory_space<vmem>>) target(%dma_start3A_151 : memref<10240x128xf32, #tpu.memory_space<vmem_shared>>) offsets(%dma_start3A_148 : memref<128xi32, #tpu.memory_space<vmem>>) semaphore(%arg14 : memref<!tpu.dma_semaphore, #tpu.memory_space<semaphore_mem>>) {add = true}
      %dma_wait3A_152 = arith.constant 4 : i32
      %dma_wait3A_153 = arith.constant 0 : i32
      %dma_wait3A_154 = tpu.memref_slice %arg8[%dma_wait3A_152, %dma_wait3A_153] : memref<16x128xi32, #tpu.memory_space<vmem>> -> memref<1x128xi32, #tpu.memory_space<vmem>>
      %dma_wait3A_155 = tpu.memref_squeeze %dma_wait3A_154 : memref<1x128xi32, #tpu.memory_space<vmem>> -> memref<128xi32, #tpu.memory_space<vmem>>
      %dma_wait3A_156 = arith.constant 0 : i32
      %dma_wait3A_157 = arith.constant 0 : i32
      %dma_wait3A_158 = tpu.memref_slice %arg11[%dma_wait3A_156, %dma_wait3A_157] : memref<10240x128xf32, #tpu.memory_space<vmem_shared>> -> memref<10240x128xf32, #tpu.memory_space<vmem_shared>>
      tpu.wait_indirect_dma semaphore(%arg14 : memref<!tpu.dma_semaphore, #tpu.memory_space<semaphore_mem>>) src(%arg9 : memref<128x128xf32, #tpu.memory_space<vmem>>) dst(%dma_wait3A_158 : memref<10240x128xf32, #tpu.memory_space<vmem_shared>>)
      %dma_start3A_159 = arith.constant 6 : i32
      %dma_start3A_160 = arith.constant 0 : i32
      %dma_start3A_161 = tpu.memref_slice %arg7[%dma_start3A_159, %dma_start3A_160] : memref<16x128xi32, #tpu.memory_space<vmem>> -> memref<1x128xi32, #tpu.memory_space<vmem>>
      %dma_start3A_162 = tpu.memref_squeeze %dma_start3A_161 : memref<1x128xi32, #tpu.memory_space<vmem>> -> memref<128xi32, #tpu.memory_space<vmem>>
      %dma_start3A_163 = arith.constant 0 : i32
      %dma_start3A_164 = arith.constant 0 : i32
      %dma_start3A_165 = tpu.memref_slice %arg4[%dma_start3A_163, %dma_start3A_164] : memref<20000x128xf32, #tpu.memory_space<hbm>> -> memref<20000x128xf32, #tpu.memory_space<hbm>>
      tpu.enqueue_indirect_dma source(%dma_start3A_165 : memref<20000x128xf32, #tpu.memory_space<hbm>>) target(%arg9 : memref<128x128xf32, #tpu.memory_space<vmem>>) offsets(%dma_start3A_162 : memref<128xi32, #tpu.memory_space<vmem>>) semaphore(%arg12 : memref<!tpu.dma_semaphore, #tpu.memory_space<semaphore_mem>>)
      %dma_wait3A_166 = arith.constant 5 : i32
      %dma_wait3A_167 = arith.constant 0 : i32
      %dma_wait3A_168 = tpu.memref_slice %arg7[%dma_wait3A_166, %dma_wait3A_167] : memref<16x128xi32, #tpu.memory_space<vmem>> -> memref<1x128xi32, #tpu.memory_space<vmem>>
      %dma_wait3A_169 = tpu.memref_squeeze %dma_wait3A_168 : memref<1x128xi32, #tpu.memory_space<vmem>> -> memref<128xi32, #tpu.memory_space<vmem>>
      %dma_wait3A_170 = arith.constant 0 : i32
      %dma_wait3A_171 = arith.constant 0 : i32
      %dma_wait3A_172 = tpu.memref_slice %arg4[%dma_wait3A_170, %dma_wait3A_171] : memref<20000x128xf32, #tpu.memory_space<hbm>> -> memref<20000x128xf32, #tpu.memory_space<hbm>>
      tpu.wait_indirect_dma semaphore(%arg13 : memref<!tpu.dma_semaphore, #tpu.memory_space<semaphore_mem>>) src(%dma_wait3A_172 : memref<20000x128xf32, #tpu.memory_space<hbm>>) dst(%arg10 : memref<128x128xf32, #tpu.memory_space<vmem>>)
      %dma_start3A_173 = arith.constant 5 : i32
      %dma_start3A_174 = arith.constant 0 : i32
      %dma_start3A_175 = tpu.memref_slice %arg8[%dma_start3A_173, %dma_start3A_174] : memref<16x128xi32, #tpu.memory_space<vmem>> -> memref<1x128xi32, #tpu.memory_space<vmem>>
      %dma_start3A_176 = tpu.memref_squeeze %dma_start3A_175 : memref<1x128xi32, #tpu.memory_space<vmem>> -> memref<128xi32, #tpu.memory_space<vmem>>
      %dma_start3A_177 = arith.constant 0 : i32
      %dma_start3A_178 = arith.constant 0 : i32
      %dma_start3A_179 = tpu.memref_slice %arg11[%dma_start3A_177, %dma_start3A_178] : memref<10240x128xf32, #tpu.memory_space<vmem_shared>> -> memref<10240x128xf32, #tpu.memory_space<vmem_shared>>
      tpu.enqueue_indirect_dma source(%arg10 : memref<128x128xf32, #tpu.memory_space<vmem>>) target(%dma_start3A_179 : memref<10240x128xf32, #tpu.memory_space<vmem_shared>>) offsets(%dma_start3A_176 : memref<128xi32, #tpu.memory_space<vmem>>) semaphore(%arg15 : memref<!tpu.dma_semaphore, #tpu.memory_space<semaphore_mem>>) {add = true}
      %dma_wait3A_180 = arith.constant 5 : i32
      %dma_wait3A_181 = arith.constant 0 : i32
      %dma_wait3A_182 = tpu.memref_slice %arg8[%dma_wait3A_180, %dma_wait3A_181] : memref<16x128xi32, #tpu.memory_space<vmem>> -> memref<1x128xi32, #tpu.memory_space<vmem>>
      %dma_wait3A_183 = tpu.memref_squeeze %dma_wait3A_182 : memref<1x128xi32, #tpu.memory_space<vmem>> -> memref<128xi32, #tpu.memory_space<vmem>>
      %dma_wait3A_184 = arith.constant 0 : i32
      %dma_wait3A_185 = arith.constant 0 : i32
      %dma_wait3A_186 = tpu.memref_slice %arg11[%dma_wait3A_184, %dma_wait3A_185] : memref<10240x128xf32, #tpu.memory_space<vmem_shared>> -> memref<10240x128xf32, #tpu.memory_space<vmem_shared>>
      tpu.wait_indirect_dma semaphore(%arg15 : memref<!tpu.dma_semaphore, #tpu.memory_space<semaphore_mem>>) src(%arg10 : memref<128x128xf32, #tpu.memory_space<vmem>>) dst(%dma_wait3A_186 : memref<10240x128xf32, #tpu.memory_space<vmem_shared>>)
      %dma_start3A_187 = arith.constant 7 : i32
      %dma_start3A_188 = arith.constant 0 : i32
      %dma_start3A_189 = tpu.memref_slice %arg7[%dma_start3A_187, %dma_start3A_188] : memref<16x128xi32, #tpu.memory_space<vmem>> -> memref<1x128xi32, #tpu.memory_space<vmem>>
      %dma_start3A_190 = tpu.memref_squeeze %dma_start3A_189 : memref<1x128xi32, #tpu.memory_space<vmem>> -> memref<128xi32, #tpu.memory_space<vmem>>
      %dma_start3A_191 = arith.constant 0 : i32
      %dma_start3A_192 = arith.constant 0 : i32
      %dma_start3A_193 = tpu.memref_slice %arg4[%dma_start3A_191, %dma_start3A_192] : memref<20000x128xf32, #tpu.memory_space<hbm>> -> memref<20000x128xf32, #tpu.memory_space<hbm>>
      tpu.enqueue_indirect_dma source(%dma_start3A_193 : memref<20000x128xf32, #tpu.memory_space<hbm>>) target(%arg10 : memref<128x128xf32, #tpu.memory_space<vmem>>) offsets(%dma_start3A_190 : memref<128xi32, #tpu.memory_space<vmem>>) semaphore(%arg13 : memref<!tpu.dma_semaphore, #tpu.memory_space<semaphore_mem>>)
      %dma_wait3A_194 = arith.constant 6 : i32
      %dma_wait3A_195 = arith.constant 0 : i32
      %dma_wait3A_196 = tpu.memref_slice %arg7[%dma_wait3A_194, %dma_wait3A_195] : memref<16x128xi32, #tpu.memory_space<vmem>> -> memref<1x128xi32, #tpu.memory_space<vmem>>
      %dma_wait3A_197 = tpu.memref_squeeze %dma_wait3A_196 : memref<1x128xi32, #tpu.memory_space<vmem>> -> memref<128xi32, #tpu.memory_space<vmem>>
      %dma_wait3A_198 = arith.constant 0 : i32
      %dma_wait3A_199 = arith.constant 0 : i32
      %dma_wait3A_200 = tpu.memref_slice %arg4[%dma_wait3A_198, %dma_wait3A_199] : memref<20000x128xf32, #tpu.memory_space<hbm>> -> memref<20000x128xf32, #tpu.memory_space<hbm>>
      tpu.wait_indirect_dma semaphore(%arg12 : memref<!tpu.dma_semaphore, #tpu.memory_space<semaphore_mem>>) src(%dma_wait3A_200 : memref<20000x128xf32, #tpu.memory_space<hbm>>) dst(%arg9 : memref<128x128xf32, #tpu.memory_space<vmem>>)
      %dma_start3A_201 = arith.constant 6 : i32
      %dma_start3A_202 = arith.constant 0 : i32
      %dma_start3A_203 = tpu.memref_slice %arg8[%dma_start3A_201, %dma_start3A_202] : memref<16x128xi32, #tpu.memory_space<vmem>> -> memref<1x128xi32, #tpu.memory_space<vmem>>
      %dma_start3A_204 = tpu.memref_squeeze %dma_start3A_203 : memref<1x128xi32, #tpu.memory_space<vmem>> -> memref<128xi32, #tpu.memory_space<vmem>>
      %dma_start3A_205 = arith.constant 0 : i32
      %dma_start3A_206 = arith.constant 0 : i32
      %dma_start3A_207 = tpu.memref_slice %arg11[%dma_start3A_205, %dma_start3A_206] : memref<10240x128xf32, #tpu.memory_space<vmem_shared>> -> memref<10240x128xf32, #tpu.memory_space<vmem_shared>>
      tpu.enqueue_indirect_dma source(%arg9 : memref<128x128xf32, #tpu.memory_space<vmem>>) target(%dma_start3A_207 : memref<10240x128xf32, #tpu.memory_space<vmem_shared>>) offsets(%dma_start3A_204 : memref<128xi32, #tpu.memory_space<vmem>>) semaphore(%arg14 : memref<!tpu.dma_semaphore, #tpu.memory_space<semaphore_mem>>) {add = true}
      %dma_wait3A_208 = arith.constant 6 : i32
      %dma_wait3A_209 = arith.constant 0 : i32
      %dma_wait3A_210 = tpu.memref_slice %arg8[%dma_wait3A_208, %dma_wait3A_209] : memref<16x128xi32, #tpu.memory_space<vmem>> -> memref<1x128xi32, #tpu.memory_space<vmem>>
      %dma_wait3A_211 = tpu.memref_squeeze %dma_wait3A_210 : memref<1x128xi32, #tpu.memory_space<vmem>> -> memref<128xi32, #tpu.memory_space<vmem>>
      %dma_wait3A_212 = arith.constant 0 : i32
      %dma_wait3A_213 = arith.constant 0 : i32
      %dma_wait3A_214 = tpu.memref_slice %arg11[%dma_wait3A_212, %dma_wait3A_213] : memref<10240x128xf32, #tpu.memory_space<vmem_shared>> -> memref<10240x128xf32, #tpu.memory_space<vmem_shared>>
      tpu.wait_indirect_dma semaphore(%arg14 : memref<!tpu.dma_semaphore, #tpu.memory_space<semaphore_mem>>) src(%arg9 : memref<128x128xf32, #tpu.memory_space<vmem>>) dst(%dma_wait3A_214 : memref<10240x128xf32, #tpu.memory_space<vmem_shared>>)
      %dma_start3A_215 = arith.constant 8 : i32
      %dma_start3A_216 = arith.constant 0 : i32
      %dma_start3A_217 = tpu.memref_slice %arg7[%dma_start3A_215, %dma_start3A_216] : memref<16x128xi32, #tpu.memory_space<vmem>> -> memref<1x128xi32, #tpu.memory_space<vmem>>
      %dma_start3A_218 = tpu.memref_squeeze %dma_start3A_217 : memref<1x128xi32, #tpu.memory_space<vmem>> -> memref<128xi32, #tpu.memory_space<vmem>>
      %dma_start3A_219 = arith.constant 0 : i32
      %dma_start3A_220 = arith.constant 0 : i32
      %dma_start3A_221 = tpu.memref_slice %arg4[%dma_start3A_219, %dma_start3A_220] : memref<20000x128xf32, #tpu.memory_space<hbm>> -> memref<20000x128xf32, #tpu.memory_space<hbm>>
      tpu.enqueue_indirect_dma source(%dma_start3A_221 : memref<20000x128xf32, #tpu.memory_space<hbm>>) target(%arg9 : memref<128x128xf32, #tpu.memory_space<vmem>>) offsets(%dma_start3A_218 : memref<128xi32, #tpu.memory_space<vmem>>) semaphore(%arg12 : memref<!tpu.dma_semaphore, #tpu.memory_space<semaphore_mem>>)
      %dma_wait3A_222 = arith.constant 7 : i32
      %dma_wait3A_223 = arith.constant 0 : i32
      %dma_wait3A_224 = tpu.memref_slice %arg7[%dma_wait3A_222, %dma_wait3A_223] : memref<16x128xi32, #tpu.memory_space<vmem>> -> memref<1x128xi32, #tpu.memory_space<vmem>>
      %dma_wait3A_225 = tpu.memref_squeeze %dma_wait3A_224 : memref<1x128xi32, #tpu.memory_space<vmem>> -> memref<128xi32, #tpu.memory_space<vmem>>
      %dma_wait3A_226 = arith.constant 0 : i32
      %dma_wait3A_227 = arith.constant 0 : i32
      %dma_wait3A_228 = tpu.memref_slice %arg4[%dma_wait3A_226, %dma_wait3A_227] : memref<20000x128xf32, #tpu.memory_space<hbm>> -> memref<20000x128xf32, #tpu.memory_space<hbm>>
      tpu.wait_indirect_dma semaphore(%arg13 : memref<!tpu.dma_semaphore, #tpu.memory_space<semaphore_mem>>) src(%dma_wait3A_228 : memref<20000x128xf32, #tpu.memory_space<hbm>>) dst(%arg10 : memref<128x128xf32, #tpu.memory_space<vmem>>)
      %dma_start3A_229 = arith.constant 7 : i32
      %dma_start3A_230 = arith.constant 0 : i32
      %dma_start3A_231 = tpu.memref_slice %arg8[%dma_start3A_229, %dma_start3A_230] : memref<16x128xi32, #tpu.memory_space<vmem>> -> memref<1x128xi32, #tpu.memory_space<vmem>>
      %dma_start3A_232 = tpu.memref_squeeze %dma_start3A_231 : memref<1x128xi32, #tpu.memory_space<vmem>> -> memref<128xi32, #tpu.memory_space<vmem>>
      %dma_start3A_233 = arith.constant 0 : i32
      %dma_start3A_234 = arith.constant 0 : i32
      %dma_start3A_235 = tpu.memref_slice %arg11[%dma_start3A_233, %dma_start3A_234] : memref<10240x128xf32, #tpu.memory_space<vmem_shared>> -> memref<10240x128xf32, #tpu.memory_space<vmem_shared>>
      tpu.enqueue_indirect_dma source(%arg10 : memref<128x128xf32, #tpu.memory_space<vmem>>) target(%dma_start3A_235 : memref<10240x128xf32, #tpu.memory_space<vmem_shared>>) offsets(%dma_start3A_232 : memref<128xi32, #tpu.memory_space<vmem>>) semaphore(%arg15 : memref<!tpu.dma_semaphore, #tpu.memory_space<semaphore_mem>>) {add = true}
      %dma_wait3A_236 = arith.constant 7 : i32
      %dma_wait3A_237 = arith.constant 0 : i32
      %dma_wait3A_238 = tpu.memref_slice %arg8[%dma_wait3A_236, %dma_wait3A_237] : memref<16x128xi32, #tpu.memory_space<vmem>> -> memref<1x128xi32, #tpu.memory_space<vmem>>
      %dma_wait3A_239 = tpu.memref_squeeze %dma_wait3A_238 : memref<1x128xi32, #tpu.memory_space<vmem>> -> memref<128xi32, #tpu.memory_space<vmem>>
      %dma_wait3A_240 = arith.constant 0 : i32
      %dma_wait3A_241 = arith.constant 0 : i32
      %dma_wait3A_242 = tpu.memref_slice %arg11[%dma_wait3A_240, %dma_wait3A_241] : memref<10240x128xf32, #tpu.memory_space<vmem_shared>> -> memref<10240x128xf32, #tpu.memory_space<vmem_shared>>
      tpu.wait_indirect_dma semaphore(%arg15 : memref<!tpu.dma_semaphore, #tpu.memory_space<semaphore_mem>>) src(%arg10 : memref<128x128xf32, #tpu.memory_space<vmem>>) dst(%dma_wait3A_242 : memref<10240x128xf32, #tpu.memory_space<vmem_shared>>)
      %dma_start3A_243 = arith.constant 9 : i32
      %dma_start3A_244 = arith.constant 0 : i32
      %dma_start3A_245 = tpu.memref_slice %arg7[%dma_start3A_243, %dma_start3A_244] : memref<16x128xi32, #tpu.memory_space<vmem>> -> memref<1x128xi32, #tpu.memory_space<vmem>>
      %dma_start3A_246 = tpu.memref_squeeze %dma_start3A_245 : memref<1x128xi32, #tpu.memory_space<vmem>> -> memref<128xi32, #tpu.memory_space<vmem>>
      %dma_start3A_247 = arith.constant 0 : i32
      %dma_start3A_248 = arith.constant 0 : i32
      %dma_start3A_249 = tpu.memref_slice %arg4[%dma_start3A_247, %dma_start3A_248] : memref<20000x128xf32, #tpu.memory_space<hbm>> -> memref<20000x128xf32, #tpu.memory_space<hbm>>
      tpu.enqueue_indirect_dma source(%dma_start3A_249 : memref<20000x128xf32, #tpu.memory_space<hbm>>) target(%arg10 : memref<128x128xf32, #tpu.memory_space<vmem>>) offsets(%dma_start3A_246 : memref<128xi32, #tpu.memory_space<vmem>>) semaphore(%arg13 : memref<!tpu.dma_semaphore, #tpu.memory_space<semaphore_mem>>)
      %dma_wait3A_250 = arith.constant 8 : i32
      %dma_wait3A_251 = arith.constant 0 : i32
      %dma_wait3A_252 = tpu.memref_slice %arg7[%dma_wait3A_250, %dma_wait3A_251] : memref<16x128xi32, #tpu.memory_space<vmem>> -> memref<1x128xi32, #tpu.memory_space<vmem>>
      %dma_wait3A_253 = tpu.memref_squeeze %dma_wait3A_252 : memref<1x128xi32, #tpu.memory_space<vmem>> -> memref<128xi32, #tpu.memory_space<vmem>>
      %dma_wait3A_254 = arith.constant 0 : i32
      %dma_wait3A_255 = arith.constant 0 : i32
      %dma_wait3A_256 = tpu.memref_slice %arg4[%dma_wait3A_254, %dma_wait3A_255] : memref<20000x128xf32, #tpu.memory_space<hbm>> -> memref<20000x128xf32, #tpu.memory_space<hbm>>
      tpu.wait_indirect_dma semaphore(%arg12 : memref<!tpu.dma_semaphore, #tpu.memory_space<semaphore_mem>>) src(%dma_wait3A_256 : memref<20000x128xf32, #tpu.memory_space<hbm>>) dst(%arg9 : memref<128x128xf32, #tpu.memory_space<vmem>>)
      %dma_start3A_257 = arith.constant 8 : i32
      %dma_start3A_258 = arith.constant 0 : i32
      %dma_start3A_259 = tpu.memref_slice %arg8[%dma_start3A_257, %dma_start3A_258] : memref<16x128xi32, #tpu.memory_space<vmem>> -> memref<1x128xi32, #tpu.memory_space<vmem>>
      %dma_start3A_260 = tpu.memref_squeeze %dma_start3A_259 : memref<1x128xi32, #tpu.memory_space<vmem>> -> memref<128xi32, #tpu.memory_space<vmem>>
      %dma_start3A_261 = arith.constant 0 : i32
      %dma_start3A_262 = arith.constant 0 : i32
      %dma_start3A_263 = tpu.memref_slice %arg11[%dma_start3A_261, %dma_start3A_262] : memref<10240x128xf32, #tpu.memory_space<vmem_shared>> -> memref<10240x128xf32, #tpu.memory_space<vmem_shared>>
      tpu.enqueue_indirect_dma source(%arg9 : memref<128x128xf32, #tpu.memory_space<vmem>>) target(%dma_start3A_263 : memref<10240x128xf32, #tpu.memory_space<vmem_shared>>) offsets(%dma_start3A_260 : memref<128xi32, #tpu.memory_space<vmem>>) semaphore(%arg14 : memref<!tpu.dma_semaphore, #tpu.memory_space<semaphore_mem>>) {add = true}
      %dma_wait3A_264 = arith.constant 8 : i32
      %dma_wait3A_265 = arith.constant 0 : i32
      %dma_wait3A_266 = tpu.memref_slice %arg8[%dma_wait3A_264, %dma_wait3A_265] : memref<16x128xi32, #tpu.memory_space<vmem>> -> memref<1x128xi32, #tpu.memory_space<vmem>>
      %dma_wait3A_267 = tpu.memref_squeeze %dma_wait3A_266 : memref<1x128xi32, #tpu.memory_space<vmem>> -> memref<128xi32, #tpu.memory_space<vmem>>
      %dma_wait3A_268 = arith.constant 0 : i32
      %dma_wait3A_269 = arith.constant 0 : i32
      %dma_wait3A_270 = tpu.memref_slice %arg11[%dma_wait3A_268, %dma_wait3A_269] : memref<10240x128xf32, #tpu.memory_space<vmem_shared>> -> memref<10240x128xf32, #tpu.memory_space<vmem_shared>>
      tpu.wait_indirect_dma semaphore(%arg14 : memref<!tpu.dma_semaphore, #tpu.memory_space<semaphore_mem>>) src(%arg9 : memref<128x128xf32, #tpu.memory_space<vmem>>) dst(%dma_wait3A_270 : memref<10240x128xf32, #tpu.memory_space<vmem_shared>>)
      %dma_start3A_271 = arith.constant 10 : i32
      %dma_start3A_272 = arith.constant 0 : i32
      %dma_start3A_273 = tpu.memref_slice %arg7[%dma_start3A_271, %dma_start3A_272] : memref<16x128xi32, #tpu.memory_space<vmem>> -> memref<1x128xi32, #tpu.memory_space<vmem>>
      %dma_start3A_274 = tpu.memref_squeeze %dma_start3A_273 : memref<1x128xi32, #tpu.memory_space<vmem>> -> memref<128xi32, #tpu.memory_space<vmem>>
      %dma_start3A_275 = arith.constant 0 : i32
      %dma_start3A_276 = arith.constant 0 : i32
      %dma_start3A_277 = tpu.memref_slice %arg4[%dma_start3A_275, %dma_start3A_276] : memref<20000x128xf32, #tpu.memory_space<hbm>> -> memref<20000x128xf32, #tpu.memory_space<hbm>>
      tpu.enqueue_indirect_dma source(%dma_start3A_277 : memref<20000x128xf32, #tpu.memory_space<hbm>>) target(%arg9 : memref<128x128xf32, #tpu.memory_space<vmem>>) offsets(%dma_start3A_274 : memref<128xi32, #tpu.memory_space<vmem>>) semaphore(%arg12 : memref<!tpu.dma_semaphore, #tpu.memory_space<semaphore_mem>>)
      %dma_wait3A_278 = arith.constant 9 : i32
      %dma_wait3A_279 = arith.constant 0 : i32
      %dma_wait3A_280 = tpu.memref_slice %arg7[%dma_wait3A_278, %dma_wait3A_279] : memref<16x128xi32, #tpu.memory_space<vmem>> -> memref<1x128xi32, #tpu.memory_space<vmem>>
      %dma_wait3A_281 = tpu.memref_squeeze %dma_wait3A_280 : memref<1x128xi32, #tpu.memory_space<vmem>> -> memref<128xi32, #tpu.memory_space<vmem>>
      %dma_wait3A_282 = arith.constant 0 : i32
      %dma_wait3A_283 = arith.constant 0 : i32
      %dma_wait3A_284 = tpu.memref_slice %arg4[%dma_wait3A_282, %dma_wait3A_283] : memref<20000x128xf32, #tpu.memory_space<hbm>> -> memref<20000x128xf32, #tpu.memory_space<hbm>>
      tpu.wait_indirect_dma semaphore(%arg13 : memref<!tpu.dma_semaphore, #tpu.memory_space<semaphore_mem>>) src(%dma_wait3A_284 : memref<20000x128xf32, #tpu.memory_space<hbm>>) dst(%arg10 : memref<128x128xf32, #tpu.memory_space<vmem>>)
      %dma_start3A_285 = arith.constant 9 : i32
      %dma_start3A_286 = arith.constant 0 : i32
      %dma_start3A_287 = tpu.memref_slice %arg8[%dma_start3A_285, %dma_start3A_286] : memref<16x128xi32, #tpu.memory_space<vmem>> -> memref<1x128xi32, #tpu.memory_space<vmem>>
      %dma_start3A_288 = tpu.memref_squeeze %dma_start3A_287 : memref<1x128xi32, #tpu.memory_space<vmem>> -> memref<128xi32, #tpu.memory_space<vmem>>
      %dma_start3A_289 = arith.constant 0 : i32
      %dma_start3A_290 = arith.constant 0 : i32
      %dma_start3A_291 = tpu.memref_slice %arg11[%dma_start3A_289, %dma_start3A_290] : memref<10240x128xf32, #tpu.memory_space<vmem_shared>> -> memref<10240x128xf32, #tpu.memory_space<vmem_shared>>
      tpu.enqueue_indirect_dma source(%arg10 : memref<128x128xf32, #tpu.memory_space<vmem>>) target(%dma_start3A_291 : memref<10240x128xf32, #tpu.memory_space<vmem_shared>>) offsets(%dma_start3A_288 : memref<128xi32, #tpu.memory_space<vmem>>) semaphore(%arg15 : memref<!tpu.dma_semaphore, #tpu.memory_space<semaphore_mem>>) {add = true}
      %dma_wait3A_292 = arith.constant 9 : i32
      %dma_wait3A_293 = arith.constant 0 : i32
      %dma_wait3A_294 = tpu.memref_slice %arg8[%dma_wait3A_292, %dma_wait3A_293] : memref<16x128xi32, #tpu.memory_space<vmem>> -> memref<1x128xi32, #tpu.memory_space<vmem>>
      %dma_wait3A_295 = tpu.memref_squeeze %dma_wait3A_294 : memref<1x128xi32, #tpu.memory_space<vmem>> -> memref<128xi32, #tpu.memory_space<vmem>>
      %dma_wait3A_296 = arith.constant 0 : i32
      %dma_wait3A_297 = arith.constant 0 : i32
      %dma_wait3A_298 = tpu.memref_slice %arg11[%dma_wait3A_296, %dma_wait3A_297] : memref<10240x128xf32, #tpu.memory_space<vmem_shared>> -> memref<10240x128xf32, #tpu.memory_space<vmem_shared>>
      tpu.wait_indirect_dma semaphore(%arg15 : memref<!tpu.dma_semaphore, #tpu.memory_space<semaphore_mem>>) src(%arg10 : memref<128x128xf32, #tpu.memory_space<vmem>>) dst(%dma_wait3A_298 : memref<10240x128xf32, #tpu.memory_space<vmem_shared>>)
      %dma_start3A_299 = arith.constant 11 : i32
      %dma_start3A_300 = arith.constant 0 : i32
      %dma_start3A_301 = tpu.memref_slice %arg7[%dma_start3A_299, %dma_start3A_300] : memref<16x128xi32, #tpu.memory_space<vmem>> -> memref<1x128xi32, #tpu.memory_space<vmem>>
      %dma_start3A_302 = tpu.memref_squeeze %dma_start3A_301 : memref<1x128xi32, #tpu.memory_space<vmem>> -> memref<128xi32, #tpu.memory_space<vmem>>
      %dma_start3A_303 = arith.constant 0 : i32
      %dma_start3A_304 = arith.constant 0 : i32
      %dma_start3A_305 = tpu.memref_slice %arg4[%dma_start3A_303, %dma_start3A_304] : memref<20000x128xf32, #tpu.memory_space<hbm>> -> memref<20000x128xf32, #tpu.memory_space<hbm>>
      tpu.enqueue_indirect_dma source(%dma_start3A_305 : memref<20000x128xf32, #tpu.memory_space<hbm>>) target(%arg10 : memref<128x128xf32, #tpu.memory_space<vmem>>) offsets(%dma_start3A_302 : memref<128xi32, #tpu.memory_space<vmem>>) semaphore(%arg13 : memref<!tpu.dma_semaphore, #tpu.memory_space<semaphore_mem>>)
      %dma_wait3A_306 = arith.constant 10 : i32
      %dma_wait3A_307 = arith.constant 0 : i32
      %dma_wait3A_308 = tpu.memref_slice %arg7[%dma_wait3A_306, %dma_wait3A_307] : memref<16x128xi32, #tpu.memory_space<vmem>> -> memref<1x128xi32, #tpu.memory_space<vmem>>
      %dma_wait3A_309 = tpu.memref_squeeze %dma_wait3A_308 : memref<1x128xi32, #tpu.memory_space<vmem>> -> memref<128xi32, #tpu.memory_space<vmem>>
      %dma_wait3A_310 = arith.constant 0 : i32
      %dma_wait3A_311 = arith.constant 0 : i32
      %dma_wait3A_312 = tpu.memref_slice %arg4[%dma_wait3A_310, %dma_wait3A_311] : memref<20000x128xf32, #tpu.memory_space<hbm>> -> memref<20000x128xf32, #tpu.memory_space<hbm>>
      tpu.wait_indirect_dma semaphore(%arg12 : memref<!tpu.dma_semaphore, #tpu.memory_space<semaphore_mem>>) src(%dma_wait3A_312 : memref<20000x128xf32, #tpu.memory_space<hbm>>) dst(%arg9 : memref<128x128xf32, #tpu.memory_space<vmem>>)
      %dma_start3A_313 = arith.constant 10 : i32
      %dma_start3A_314 = arith.constant 0 : i32
      %dma_start3A_315 = tpu.memref_slice %arg8[%dma_start3A_313, %dma_start3A_314] : memref<16x128xi32, #tpu.memory_space<vmem>> -> memref<1x128xi32, #tpu.memory_space<vmem>>
      %dma_start3A_316 = tpu.memref_squeeze %dma_start3A_315 : memref<1x128xi32, #tpu.memory_space<vmem>> -> memref<128xi32, #tpu.memory_space<vmem>>
      %dma_start3A_317 = arith.constant 0 : i32
      %dma_start3A_318 = arith.constant 0 : i32
      %dma_start3A_319 = tpu.memref_slice %arg11[%dma_start3A_317, %dma_start3A_318] : memref<10240x128xf32, #tpu.memory_space<vmem_shared>> -> memref<10240x128xf32, #tpu.memory_space<vmem_shared>>
      tpu.enqueue_indirect_dma source(%arg9 : memref<128x128xf32, #tpu.memory_space<vmem>>) target(%dma_start3A_319 : memref<10240x128xf32, #tpu.memory_space<vmem_shared>>) offsets(%dma_start3A_316 : memref<128xi32, #tpu.memory_space<vmem>>) semaphore(%arg14 : memref<!tpu.dma_semaphore, #tpu.memory_space<semaphore_mem>>) {add = true}
      %dma_wait3A_320 = arith.constant 10 : i32
      %dma_wait3A_321 = arith.constant 0 : i32
      %dma_wait3A_322 = tpu.memref_slice %arg8[%dma_wait3A_320, %dma_wait3A_321] : memref<16x128xi32, #tpu.memory_space<vmem>> -> memref<1x128xi32, #tpu.memory_space<vmem>>
      %dma_wait3A_323 = tpu.memref_squeeze %dma_wait3A_322 : memref<1x128xi32, #tpu.memory_space<vmem>> -> memref<128xi32, #tpu.memory_space<vmem>>
      %dma_wait3A_324 = arith.constant 0 : i32
      %dma_wait3A_325 = arith.constant 0 : i32
      %dma_wait3A_326 = tpu.memref_slice %arg11[%dma_wait3A_324, %dma_wait3A_325] : memref<10240x128xf32, #tpu.memory_space<vmem_shared>> -> memref<10240x128xf32, #tpu.memory_space<vmem_shared>>
      tpu.wait_indirect_dma semaphore(%arg14 : memref<!tpu.dma_semaphore, #tpu.memory_space<semaphore_mem>>) src(%arg9 : memref<128x128xf32, #tpu.memory_space<vmem>>) dst(%dma_wait3A_326 : memref<10240x128xf32, #tpu.memory_space<vmem_shared>>)
      %dma_start3A_327 = arith.constant 12 : i32
      %dma_start3A_328 = arith.constant 0 : i32
      %dma_start3A_329 = tpu.memref_slice %arg7[%dma_start3A_327, %dma_start3A_328] : memref<16x128xi32, #tpu.memory_space<vmem>> -> memref<1x128xi32, #tpu.memory_space<vmem>>
      %dma_start3A_330 = tpu.memref_squeeze %dma_start3A_329 : memref<1x128xi32, #tpu.memory_space<vmem>> -> memref<128xi32, #tpu.memory_space<vmem>>
      %dma_start3A_331 = arith.constant 0 : i32
      %dma_start3A_332 = arith.constant 0 : i32
      %dma_start3A_333 = tpu.memref_slice %arg4[%dma_start3A_331, %dma_start3A_332] : memref<20000x128xf32, #tpu.memory_space<hbm>> -> memref<20000x128xf32, #tpu.memory_space<hbm>>
      tpu.enqueue_indirect_dma source(%dma_start3A_333 : memref<20000x128xf32, #tpu.memory_space<hbm>>) target(%arg9 : memref<128x128xf32, #tpu.memory_space<vmem>>) offsets(%dma_start3A_330 : memref<128xi32, #tpu.memory_space<vmem>>) semaphore(%arg12 : memref<!tpu.dma_semaphore, #tpu.memory_space<semaphore_mem>>)
      %dma_wait3A_334 = arith.constant 11 : i32
      %dma_wait3A_335 = arith.constant 0 : i32
      %dma_wait3A_336 = tpu.memref_slice %arg7[%dma_wait3A_334, %dma_wait3A_335] : memref<16x128xi32, #tpu.memory_space<vmem>> -> memref<1x128xi32, #tpu.memory_space<vmem>>
      %dma_wait3A_337 = tpu.memref_squeeze %dma_wait3A_336 : memref<1x128xi32, #tpu.memory_space<vmem>> -> memref<128xi32, #tpu.memory_space<vmem>>
      %dma_wait3A_338 = arith.constant 0 : i32
      %dma_wait3A_339 = arith.constant 0 : i32
      %dma_wait3A_340 = tpu.memref_slice %arg4[%dma_wait3A_338, %dma_wait3A_339] : memref<20000x128xf32, #tpu.memory_space<hbm>> -> memref<20000x128xf32, #tpu.memory_space<hbm>>
      tpu.wait_indirect_dma semaphore(%arg13 : memref<!tpu.dma_semaphore, #tpu.memory_space<semaphore_mem>>) src(%dma_wait3A_340 : memref<20000x128xf32, #tpu.memory_space<hbm>>) dst(%arg10 : memref<128x128xf32, #tpu.memory_space<vmem>>)
      %dma_start3A_341 = arith.constant 11 : i32
      %dma_start3A_342 = arith.constant 0 : i32
      %dma_start3A_343 = tpu.memref_slice %arg8[%dma_start3A_341, %dma_start3A_342] : memref<16x128xi32, #tpu.memory_space<vmem>> -> memref<1x128xi32, #tpu.memory_space<vmem>>
      %dma_start3A_344 = tpu.memref_squeeze %dma_start3A_343 : memref<1x128xi32, #tpu.memory_space<vmem>> -> memref<128xi32, #tpu.memory_space<vmem>>
      %dma_start3A_345 = arith.constant 0 : i32
      %dma_start3A_346 = arith.constant 0 : i32
      %dma_start3A_347 = tpu.memref_slice %arg11[%dma_start3A_345, %dma_start3A_346] : memref<10240x128xf32, #tpu.memory_space<vmem_shared>> -> memref<10240x128xf32, #tpu.memory_space<vmem_shared>>
      tpu.enqueue_indirect_dma source(%arg10 : memref<128x128xf32, #tpu.memory_space<vmem>>) target(%dma_start3A_347 : memref<10240x128xf32, #tpu.memory_space<vmem_shared>>) offsets(%dma_start3A_344 : memref<128xi32, #tpu.memory_space<vmem>>) semaphore(%arg15 : memref<!tpu.dma_semaphore, #tpu.memory_space<semaphore_mem>>) {add = true}
      %dma_wait3A_348 = arith.constant 11 : i32
      %dma_wait3A_349 = arith.constant 0 : i32
      %dma_wait3A_350 = tpu.memref_slice %arg8[%dma_wait3A_348, %dma_wait3A_349] : memref<16x128xi32, #tpu.memory_space<vmem>> -> memref<1x128xi32, #tpu.memory_space<vmem>>
      %dma_wait3A_351 = tpu.memref_squeeze %dma_wait3A_350 : memref<1x128xi32, #tpu.memory_space<vmem>> -> memref<128xi32, #tpu.memory_space<vmem>>
      %dma_wait3A_352 = arith.constant 0 : i32
      %dma_wait3A_353 = arith.constant 0 : i32
      %dma_wait3A_354 = tpu.memref_slice %arg11[%dma_wait3A_352, %dma_wait3A_353] : memref<10240x128xf32, #tpu.memory_space<vmem_shared>> -> memref<10240x128xf32, #tpu.memory_space<vmem_shared>>
      tpu.wait_indirect_dma semaphore(%arg15 : memref<!tpu.dma_semaphore, #tpu.memory_space<semaphore_mem>>) src(%arg10 : memref<128x128xf32, #tpu.memory_space<vmem>>) dst(%dma_wait3A_354 : memref<10240x128xf32, #tpu.memory_space<vmem_shared>>)
      %dma_start3A_355 = arith.constant 13 : i32
      %dma_start3A_356 = arith.constant 0 : i32
      %dma_start3A_357 = tpu.memref_slice %arg7[%dma_start3A_355, %dma_start3A_356] : memref<16x128xi32, #tpu.memory_space<vmem>> -> memref<1x128xi32, #tpu.memory_space<vmem>>
      %dma_start3A_358 = tpu.memref_squeeze %dma_start3A_357 : memref<1x128xi32, #tpu.memory_space<vmem>> -> memref<128xi32, #tpu.memory_space<vmem>>
      %dma_start3A_359 = arith.constant 0 : i32
      %dma_start3A_360 = arith.constant 0 : i32
      %dma_start3A_361 = tpu.memref_slice %arg4[%dma_start3A_359, %dma_start3A_360] : memref<20000x128xf32, #tpu.memory_space<hbm>> -> memref<20000x128xf32, #tpu.memory_space<hbm>>
      tpu.enqueue_indirect_dma source(%dma_start3A_361 : memref<20000x128xf32, #tpu.memory_space<hbm>>) target(%arg10 : memref<128x128xf32, #tpu.memory_space<vmem>>) offsets(%dma_start3A_358 : memref<128xi32, #tpu.memory_space<vmem>>) semaphore(%arg13 : memref<!tpu.dma_semaphore, #tpu.memory_space<semaphore_mem>>)
      %dma_wait3A_362 = arith.constant 12 : i32
      %dma_wait3A_363 = arith.constant 0 : i32
      %dma_wait3A_364 = tpu.memref_slice %arg7[%dma_wait3A_362, %dma_wait3A_363] : memref<16x128xi32, #tpu.memory_space<vmem>> -> memref<1x128xi32, #tpu.memory_space<vmem>>
      %dma_wait3A_365 = tpu.memref_squeeze %dma_wait3A_364 : memref<1x128xi32, #tpu.memory_space<vmem>> -> memref<128xi32, #tpu.memory_space<vmem>>
      %dma_wait3A_366 = arith.constant 0 : i32
      %dma_wait3A_367 = arith.constant 0 : i32
      %dma_wait3A_368 = tpu.memref_slice %arg4[%dma_wait3A_366, %dma_wait3A_367] : memref<20000x128xf32, #tpu.memory_space<hbm>> -> memref<20000x128xf32, #tpu.memory_space<hbm>>
      tpu.wait_indirect_dma semaphore(%arg12 : memref<!tpu.dma_semaphore, #tpu.memory_space<semaphore_mem>>) src(%dma_wait3A_368 : memref<20000x128xf32, #tpu.memory_space<hbm>>) dst(%arg9 : memref<128x128xf32, #tpu.memory_space<vmem>>)
      %dma_start3A_369 = arith.constant 12 : i32
      %dma_start3A_370 = arith.constant 0 : i32
      %dma_start3A_371 = tpu.memref_slice %arg8[%dma_start3A_369, %dma_start3A_370] : memref<16x128xi32, #tpu.memory_space<vmem>> -> memref<1x128xi32, #tpu.memory_space<vmem>>
      %dma_start3A_372 = tpu.memref_squeeze %dma_start3A_371 : memref<1x128xi32, #tpu.memory_space<vmem>> -> memref<128xi32, #tpu.memory_space<vmem>>
      %dma_start3A_373 = arith.constant 0 : i32
      %dma_start3A_374 = arith.constant 0 : i32
      %dma_start3A_375 = tpu.memref_slice %arg11[%dma_start3A_373, %dma_start3A_374] : memref<10240x128xf32, #tpu.memory_space<vmem_shared>> -> memref<10240x128xf32, #tpu.memory_space<vmem_shared>>
      tpu.enqueue_indirect_dma source(%arg9 : memref<128x128xf32, #tpu.memory_space<vmem>>) target(%dma_start3A_375 : memref<10240x128xf32, #tpu.memory_space<vmem_shared>>) offsets(%dma_start3A_372 : memref<128xi32, #tpu.memory_space<vmem>>) semaphore(%arg14 : memref<!tpu.dma_semaphore, #tpu.memory_space<semaphore_mem>>) {add = true}
      %dma_wait3A_376 = arith.constant 12 : i32
      %dma_wait3A_377 = arith.constant 0 : i32
      %dma_wait3A_378 = tpu.memref_slice %arg8[%dma_wait3A_376, %dma_wait3A_377] : memref<16x128xi32, #tpu.memory_space<vmem>> -> memref<1x128xi32, #tpu.memory_space<vmem>>
      %dma_wait3A_379 = tpu.memref_squeeze %dma_wait3A_378 : memref<1x128xi32, #tpu.memory_space<vmem>> -> memref<128xi32, #tpu.memory_space<vmem>>
      %dma_wait3A_380 = arith.constant 0 : i32
      %dma_wait3A_381 = arith.constant 0 : i32
      %dma_wait3A_382 = tpu.memref_slice %arg11[%dma_wait3A_380, %dma_wait3A_381] : memref<10240x128xf32, #tpu.memory_space<vmem_shared>> -> memref<10240x128xf32, #tpu.memory_space<vmem_shared>>
      tpu.wait_indirect_dma semaphore(%arg14 : memref<!tpu.dma_semaphore, #tpu.memory_space<semaphore_mem>>) src(%arg9 : memref<128x128xf32, #tpu.memory_space<vmem>>) dst(%dma_wait3A_382 : memref<10240x128xf32, #tpu.memory_space<vmem_shared>>)
      %dma_start3A_383 = arith.constant 14 : i32
      %dma_start3A_384 = arith.constant 0 : i32
      %dma_start3A_385 = tpu.memref_slice %arg7[%dma_start3A_383, %dma_start3A_384] : memref<16x128xi32, #tpu.memory_space<vmem>> -> memref<1x128xi32, #tpu.memory_space<vmem>>
      %dma_start3A_386 = tpu.memref_squeeze %dma_start3A_385 : memref<1x128xi32, #tpu.memory_space<vmem>> -> memref<128xi32, #tpu.memory_space<vmem>>
      %dma_start3A_387 = arith.constant 0 : i32
      %dma_start3A_388 = arith.constant 0 : i32
      %dma_start3A_389 = tpu.memref_slice %arg4[%dma_start3A_387, %dma_start3A_388] : memref<20000x128xf32, #tpu.memory_space<hbm>> -> memref<20000x128xf32, #tpu.memory_space<hbm>>
      tpu.enqueue_indirect_dma source(%dma_start3A_389 : memref<20000x128xf32, #tpu.memory_space<hbm>>) target(%arg9 : memref<128x128xf32, #tpu.memory_space<vmem>>) offsets(%dma_start3A_386 : memref<128xi32, #tpu.memory_space<vmem>>) semaphore(%arg12 : memref<!tpu.dma_semaphore, #tpu.memory_space<semaphore_mem>>)
      %dma_wait3A_390 = arith.constant 13 : i32
      %dma_wait3A_391 = arith.constant 0 : i32
      %dma_wait3A_392 = tpu.memref_slice %arg7[%dma_wait3A_390, %dma_wait3A_391] : memref<16x128xi32, #tpu.memory_space<vmem>> -> memref<1x128xi32, #tpu.memory_space<vmem>>
      %dma_wait3A_393 = tpu.memref_squeeze %dma_wait3A_392 : memref<1x128xi32, #tpu.memory_space<vmem>> -> memref<128xi32, #tpu.memory_space<vmem>>
      %dma_wait3A_394 = arith.constant 0 : i32
      %dma_wait3A_395 = arith.constant 0 : i32
      %dma_wait3A_396 = tpu.memref_slice %arg4[%dma_wait3A_394, %dma_wait3A_395] : memref<20000x128xf32, #tpu.memory_space<hbm>> -> memref<20000x128xf32, #tpu.memory_space<hbm>>
      tpu.wait_indirect_dma semaphore(%arg13 : memref<!tpu.dma_semaphore, #tpu.memory_space<semaphore_mem>>) src(%dma_wait3A_396 : memref<20000x128xf32, #tpu.memory_space<hbm>>) dst(%arg10 : memref<128x128xf32, #tpu.memory_space<vmem>>)
      %dma_start3A_397 = arith.constant 13 : i32
      %dma_start3A_398 = arith.constant 0 : i32
      %dma_start3A_399 = tpu.memref_slice %arg8[%dma_start3A_397, %dma_start3A_398] : memref<16x128xi32, #tpu.memory_space<vmem>> -> memref<1x128xi32, #tpu.memory_space<vmem>>
      %dma_start3A_400 = tpu.memref_squeeze %dma_start3A_399 : memref<1x128xi32, #tpu.memory_space<vmem>> -> memref<128xi32, #tpu.memory_space<vmem>>
      %dma_start3A_401 = arith.constant 0 : i32
      %dma_start3A_402 = arith.constant 0 : i32
      %dma_start3A_403 = tpu.memref_slice %arg11[%dma_start3A_401, %dma_start3A_402] : memref<10240x128xf32, #tpu.memory_space<vmem_shared>> -> memref<10240x128xf32, #tpu.memory_space<vmem_shared>>
      tpu.enqueue_indirect_dma source(%arg10 : memref<128x128xf32, #tpu.memory_space<vmem>>) target(%dma_start3A_403 : memref<10240x128xf32, #tpu.memory_space<vmem_shared>>) offsets(%dma_start3A_400 : memref<128xi32, #tpu.memory_space<vmem>>) semaphore(%arg15 : memref<!tpu.dma_semaphore, #tpu.memory_space<semaphore_mem>>) {add = true}
      %dma_wait3A_404 = arith.constant 13 : i32
      %dma_wait3A_405 = arith.constant 0 : i32
      %dma_wait3A_406 = tpu.memref_slice %arg8[%dma_wait3A_404, %dma_wait3A_405] : memref<16x128xi32, #tpu.memory_space<vmem>> -> memref<1x128xi32, #tpu.memory_space<vmem>>
      %dma_wait3A_407 = tpu.memref_squeeze %dma_wait3A_406 : memref<1x128xi32, #tpu.memory_space<vmem>> -> memref<128xi32, #tpu.memory_space<vmem>>
      %dma_wait3A_408 = arith.constant 0 : i32
      %dma_wait3A_409 = arith.constant 0 : i32
      %dma_wait3A_410 = tpu.memref_slice %arg11[%dma_wait3A_408, %dma_wait3A_409] : memref<10240x128xf32, #tpu.memory_space<vmem_shared>> -> memref<10240x128xf32, #tpu.memory_space<vmem_shared>>
      tpu.wait_indirect_dma semaphore(%arg15 : memref<!tpu.dma_semaphore, #tpu.memory_space<semaphore_mem>>) src(%arg10 : memref<128x128xf32, #tpu.memory_space<vmem>>) dst(%dma_wait3A_410 : memref<10240x128xf32, #tpu.memory_space<vmem_shared>>)
      %dma_start3A_411 = arith.constant 15 : i32
      %dma_start3A_412 = arith.constant 0 : i32
      %dma_start3A_413 = tpu.memref_slice %arg7[%dma_start3A_411, %dma_start3A_412] : memref<16x128xi32, #tpu.memory_space<vmem>> -> memref<1x128xi32, #tpu.memory_space<vmem>>
      %dma_start3A_414 = tpu.memref_squeeze %dma_start3A_413 : memref<1x128xi32, #tpu.memory_space<vmem>> -> memref<128xi32, #tpu.memory_space<vmem>>
      %dma_start3A_415 = arith.constant 0 : i32
      %dma_start3A_416 = arith.constant 0 : i32
      %dma_start3A_417 = tpu.memref_slice %arg4[%dma_start3A_415, %dma_start3A_416] : memref<20000x128xf32, #tpu.memory_space<hbm>> -> memref<20000x128xf32, #tpu.memory_space<hbm>>
      tpu.enqueue_indirect_dma source(%dma_start3A_417 : memref<20000x128xf32, #tpu.memory_space<hbm>>) target(%arg10 : memref<128x128xf32, #tpu.memory_space<vmem>>) offsets(%dma_start3A_414 : memref<128xi32, #tpu.memory_space<vmem>>) semaphore(%arg13 : memref<!tpu.dma_semaphore, #tpu.memory_space<semaphore_mem>>)
      %dma_wait3A_418 = arith.constant 14 : i32
      %dma_wait3A_419 = arith.constant 0 : i32
      %dma_wait3A_420 = tpu.memref_slice %arg7[%dma_wait3A_418, %dma_wait3A_419] : memref<16x128xi32, #tpu.memory_space<vmem>> -> memref<1x128xi32, #tpu.memory_space<vmem>>
      %dma_wait3A_421 = tpu.memref_squeeze %dma_wait3A_420 : memref<1x128xi32, #tpu.memory_space<vmem>> -> memref<128xi32, #tpu.memory_space<vmem>>
      %dma_wait3A_422 = arith.constant 0 : i32
      %dma_wait3A_423 = arith.constant 0 : i32
      %dma_wait3A_424 = tpu.memref_slice %arg4[%dma_wait3A_422, %dma_wait3A_423] : memref<20000x128xf32, #tpu.memory_space<hbm>> -> memref<20000x128xf32, #tpu.memory_space<hbm>>
      tpu.wait_indirect_dma semaphore(%arg12 : memref<!tpu.dma_semaphore, #tpu.memory_space<semaphore_mem>>) src(%dma_wait3A_424 : memref<20000x128xf32, #tpu.memory_space<hbm>>) dst(%arg9 : memref<128x128xf32, #tpu.memory_space<vmem>>)
      %dma_start3A_425 = arith.constant 14 : i32
      %dma_start3A_426 = arith.constant 0 : i32
      %dma_start3A_427 = tpu.memref_slice %arg8[%dma_start3A_425, %dma_start3A_426] : memref<16x128xi32, #tpu.memory_space<vmem>> -> memref<1x128xi32, #tpu.memory_space<vmem>>
      %dma_start3A_428 = tpu.memref_squeeze %dma_start3A_427 : memref<1x128xi32, #tpu.memory_space<vmem>> -> memref<128xi32, #tpu.memory_space<vmem>>
      %dma_start3A_429 = arith.constant 0 : i32
      %dma_start3A_430 = arith.constant 0 : i32
      %dma_start3A_431 = tpu.memref_slice %arg11[%dma_start3A_429, %dma_start3A_430] : memref<10240x128xf32, #tpu.memory_space<vmem_shared>> -> memref<10240x128xf32, #tpu.memory_space<vmem_shared>>
      tpu.enqueue_indirect_dma source(%arg9 : memref<128x128xf32, #tpu.memory_space<vmem>>) target(%dma_start3A_431 : memref<10240x128xf32, #tpu.memory_space<vmem_shared>>) offsets(%dma_start3A_428 : memref<128xi32, #tpu.memory_space<vmem>>) semaphore(%arg14 : memref<!tpu.dma_semaphore, #tpu.memory_space<semaphore_mem>>) {add = true}
      %dma_wait3A_432 = arith.constant 15 : i32
      %dma_wait3A_433 = arith.constant 0 : i32
      %dma_wait3A_434 = tpu.memref_slice %arg7[%dma_wait3A_432, %dma_wait3A_433] : memref<16x128xi32, #tpu.memory_space<vmem>> -> memref<1x128xi32, #tpu.memory_space<vmem>>
      %dma_wait3A_435 = tpu.memref_squeeze %dma_wait3A_434 : memref<1x128xi32, #tpu.memory_space<vmem>> -> memref<128xi32, #tpu.memory_space<vmem>>
      %dma_wait3A_436 = arith.constant 0 : i32
      %dma_wait3A_437 = arith.constant 0 : i32
      %dma_wait3A_438 = tpu.memref_slice %arg4[%dma_wait3A_436, %dma_wait3A_437] : memref<20000x128xf32, #tpu.memory_space<hbm>> -> memref<20000x128xf32, #tpu.memory_space<hbm>>
      tpu.wait_indirect_dma semaphore(%arg13 : memref<!tpu.dma_semaphore, #tpu.memory_space<semaphore_mem>>) src(%dma_wait3A_438 : memref<20000x128xf32, #tpu.memory_space<hbm>>) dst(%arg10 : memref<128x128xf32, #tpu.memory_space<vmem>>)
      %dma_start3A_439 = arith.constant 15 : i32
      %dma_start3A_440 = arith.constant 0 : i32
      %dma_start3A_441 = tpu.memref_slice %arg8[%dma_start3A_439, %dma_start3A_440] : memref<16x128xi32, #tpu.memory_space<vmem>> -> memref<1x128xi32, #tpu.memory_space<vmem>>
      %dma_start3A_442 = tpu.memref_squeeze %dma_start3A_441 : memref<1x128xi32, #tpu.memory_space<vmem>> -> memref<128xi32, #tpu.memory_space<vmem>>
      %dma_start3A_443 = arith.constant 0 : i32
      %dma_start3A_444 = arith.constant 0 : i32
      %dma_start3A_445 = tpu.memref_slice %arg11[%dma_start3A_443, %dma_start3A_444] : memref<10240x128xf32, #tpu.memory_space<vmem_shared>> -> memref<10240x128xf32, #tpu.memory_space<vmem_shared>>
      tpu.enqueue_indirect_dma source(%arg10 : memref<128x128xf32, #tpu.memory_space<vmem>>) target(%dma_start3A_445 : memref<10240x128xf32, #tpu.memory_space<vmem_shared>>) offsets(%dma_start3A_442 : memref<128xi32, #tpu.memory_space<vmem>>) semaphore(%arg15 : memref<!tpu.dma_semaphore, #tpu.memory_space<semaphore_mem>>) {add = true}
      %dma_wait3A_446 = arith.constant 14 : i32
      %dma_wait3A_447 = arith.constant 0 : i32
      %dma_wait3A_448 = tpu.memref_slice %arg8[%dma_wait3A_446, %dma_wait3A_447] : memref<16x128xi32, #tpu.memory_space<vmem>> -> memref<1x128xi32, #tpu.memory_space<vmem>>
      %dma_wait3A_449 = tpu.memref_squeeze %dma_wait3A_448 : memref<1x128xi32, #tpu.memory_space<vmem>> -> memref<128xi32, #tpu.memory_space<vmem>>
      %dma_wait3A_450 = arith.constant 0 : i32
      %dma_wait3A_451 = arith.constant 0 : i32
      %dma_wait3A_452 = tpu.memref_slice %arg11[%dma_wait3A_450, %dma_wait3A_451] : memref<10240x128xf32, #tpu.memory_space<vmem_shared>> -> memref<10240x128xf32, #tpu.memory_space<vmem_shared>>
      tpu.wait_indirect_dma semaphore(%arg14 : memref<!tpu.dma_semaphore, #tpu.memory_space<semaphore_mem>>) src(%arg9 : memref<128x128xf32, #tpu.memory_space<vmem>>) dst(%dma_wait3A_452 : memref<10240x128xf32, #tpu.memory_space<vmem_shared>>)
      %dma_wait3A_453 = arith.constant 15 : i32
      %dma_wait3A_454 = arith.constant 0 : i32
      %dma_wait3A_455 = tpu.memref_slice %arg8[%dma_wait3A_453, %dma_wait3A_454] : memref<16x128xi32, #tpu.memory_space<vmem>> -> memref<1x128xi32, #tpu.memory_space<vmem>>
      %dma_wait3A_456 = tpu.memref_squeeze %dma_wait3A_455 : memref<1x128xi32, #tpu.memory_space<vmem>> -> memref<128xi32, #tpu.memory_space<vmem>>
      %dma_wait3A_457 = arith.constant 0 : i32
      %dma_wait3A_458 = arith.constant 0 : i32
      %dma_wait3A_459 = tpu.memref_slice %arg11[%dma_wait3A_457, %dma_wait3A_458] : memref<10240x128xf32, #tpu.memory_space<vmem_shared>> -> memref<10240x128xf32, #tpu.memory_space<vmem_shared>>
      tpu.wait_indirect_dma semaphore(%arg15 : memref<!tpu.dma_semaphore, #tpu.memory_space<semaphore_mem>>) src(%arg10 : memref<128x128xf32, #tpu.memory_space<vmem>>) dst(%dma_wait3A_459 : memref<10240x128xf32, #tpu.memory_space<vmem_shared>>)
    }
    %scan3A_7 = arith.constant 10 : i32
    %barrier3A_8 = arith.constant 0 : index
    tpu.barrier barrier_id(%barrier3A_8)
    %mul3A_9 = arith.constant 640 : i32
    %mul3A_10 = arith.muli %arg1, %mul3A_9 : i32
    %mul3A_11 = arith.constant 640 : i32
    %mul3A_12 = arith.muli %arg1, %mul3A_11 : i32
    "tpu.region"() ({
      %run_scoped3A = tpu.sem_alloc : memref<!tpu.dma_semaphore, #tpu.memory_space<semaphore_mem>>
      %dma_start3A = arith.constant 0 : i32
      %dma_start3A_13 = tpu.memref_slice %arg6[%arg0, %mul3A_12, %dma_start3A] : memref<2x10240x128xf32, #tpu.memory_space<hbm>> -> memref<1x640x128xf32, #tpu.memory_space<hbm>>
      %dma_start3A_14 = tpu.memref_squeeze %dma_start3A_13 : memref<1x640x128xf32, #tpu.memory_space<hbm>> -> memref<640x128xf32, #tpu.memory_space<hbm>>
      %dma_start3A_15 = arith.constant 0 : i32
      %dma_start3A_16 = tpu.memref_slice %arg11[%mul3A_10, %dma_start3A_15] : memref<10240x128xf32, #tpu.memory_space<vmem_shared>> -> memref<640x128xf32, #tpu.memory_space<vmem_shared>>
      tpu.enqueue_dma source(%dma_start3A_16 : memref<640x128xf32, #tpu.memory_space<vmem_shared>>) target(%dma_start3A_14 : memref<640x128xf32, #tpu.memory_space<hbm>>) target_semaphore(%run_scoped3A : memref<!tpu.dma_semaphore, #tpu.memory_space<semaphore_mem>>)
      %dma_wait3A = arith.constant 0 : i32
      %dma_wait3A_17 = tpu.memref_slice %arg6[%arg0, %mul3A_12, %dma_wait3A] : memref<2x10240x128xf32, #tpu.memory_space<hbm>> -> memref<1x640x128xf32, #tpu.memory_space<hbm>>
      %dma_wait3A_18 = tpu.memref_squeeze %dma_wait3A_17 : memref<1x640x128xf32, #tpu.memory_space<hbm>> -> memref<640x128xf32, #tpu.memory_space<hbm>>
      %dma_wait3A_19 = arith.constant 0 : i32
      %dma_wait3A_20 = tpu.memref_slice %arg11[%mul3A_10, %dma_wait3A_19] : memref<10240x128xf32, #tpu.memory_space<vmem_shared>> -> memref<640x128xf32, #tpu.memory_space<vmem_shared>>
      tpu.wait_dma2 semaphore(%run_scoped3A : memref<!tpu.dma_semaphore, #tpu.memory_space<semaphore_mem>>) src(%dma_wait3A_20 : memref<640x128xf32, #tpu.memory_space<vmem_shared>>) dst(%dma_wait3A_18 : memref<640x128xf32, #tpu.memory_space<hbm>>)
      tpu.yield
    }) : () -> ()
    return
  }
}

#map = affine_map<(d0, d1) -> (0, 0, 0, 0)>
#map1 = affine_map<(d0, d1) -> (0, 0)>
#map2 = affine_map<(d0, d1) -> (0, 0, 0)>
module attributes {stable_mosaic.version = 14 : i64} {
  func.func @_agg_kernel(%arg0: i32, %arg1: i32, %arg2: memref<32x10x16x128xi32, #tpu.memory_space<hbm>>, %arg3: memref<32x10x16x128xi32, #tpu.memory_space<hbm>>, %arg4: memref<20000x128xf32, #tpu.memory_space<hbm>>, %arg5: memref<640x128xf32, #tpu.memory_space<hbm>>, %arg6: memref<2x10240x128xf32, #tpu.memory_space<hbm>>, %arg7: memref<16x128xi32, #tpu.memory_space<vmem>>, %arg8: memref<16x128xi32, #tpu.memory_space<vmem>>, %arg9: memref<128x128xf32, #tpu.memory_space<vmem>>, %arg10: memref<128x128xf32, #tpu.memory_space<vmem>>, %arg11: memref<10240x128xf32, #tpu.memory_space<vmem_shared>>, %arg12: memref<!tpu.dma_semaphore, #tpu.memory_space<semaphore_mem>>, %arg13: memref<!tpu.dma_semaphore, #tpu.memory_space<semaphore_mem>>, %arg14: memref<!tpu.dma_semaphore, #tpu.memory_space<semaphore_mem>>, %arg15: memref<!tpu.dma_semaphore, #tpu.memory_space<semaphore_mem>>) attributes {dimension_semantics = [#tpu.dimension_semantics<core_parallel>, #tpu.dimension_semantics<subcore_parallel>], iteration_bounds = array<i64: 2, 16>, scalar_prefetch = 0 : i64, scratch_operands = 9 : i64, tpu.core_type = #tpu.core_type<sc_vector_subcore>, window_params = [{transform_indices = #map}, {transform_indices = #map}, {transform_indices = #map1}, {transform_indices = #map1}, {transform_indices = #map2}]} {
    %mul3A = arith.constant 16 : i32
    %mul3A_0 = arith.muli %arg0, %mul3A : i32
    %add3A = arith.addi %mul3A_0, %arg1 : i32
    %mul3A_1 = arith.constant 640 : i32
    %mul3A_2 = arith.muli %arg1, %mul3A_1 : i32
    "tpu.region"() ({
      %run_scoped3A = tpu.sem_alloc : memref<!tpu.dma_semaphore, #tpu.memory_space<semaphore_mem>>
      %dma_start3A = arith.constant 0 : i32
      %dma_start3A_13 = tpu.memref_slice %arg11[%mul3A_2, %dma_start3A] : memref<10240x128xf32, #tpu.memory_space<vmem_shared>> -> memref<640x128xf32, #tpu.memory_space<vmem_shared>>
      tpu.enqueue_dma source(%arg5 : memref<640x128xf32, #tpu.memory_space<hbm>>) target(%dma_start3A_13 : memref<640x128xf32, #tpu.memory_space<vmem_shared>>) target_semaphore(%run_scoped3A : memref<!tpu.dma_semaphore, #tpu.memory_space<semaphore_mem>>)
      %dma_wait3A = arith.constant 0 : i32
      %dma_wait3A_14 = tpu.memref_slice %arg11[%mul3A_2, %dma_wait3A] : memref<10240x128xf32, #tpu.memory_space<vmem_shared>> -> memref<640x128xf32, #tpu.memory_space<vmem_shared>>
      tpu.wait_dma2 semaphore(%run_scoped3A : memref<!tpu.dma_semaphore, #tpu.memory_space<semaphore_mem>>) src(%arg5 : memref<640x128xf32, #tpu.memory_space<hbm>>) dst(%dma_wait3A_14 : memref<640x128xf32, #tpu.memory_space<vmem_shared>>)
      tpu.yield
    }) : () -> ()
    %barrier3A = arith.constant 0 : index
    tpu.barrier barrier_id(%barrier3A)
    %scan3A = arith.constant 0 : i32
    %scan3A_3 = arith.constant 0 : i32
    %scan3A_4 = arith.constant 10 : i32
    %scan3A_5 = arith.addi %scan3A_3, %scan3A_4 : i32
    %scan3A_6 = arith.constant 1 : i32
    scf.for %scan3A_13 = %scan3A_3 to %scan3A_5 step %scan3A_6  : i32 {
      "tpu.region"() ({
        %run_scoped3A = tpu.sem_alloc : memref<!tpu.dma_semaphore, #tpu.memory_space<semaphore_mem>>
        %dma_start3A_460 = arith.constant 0 : i32
        %dma_start3A_461 = arith.constant 0 : i32
        %dma_start3A_462 = tpu.memref_slice %arg2[%add3A, %scan3A_13, %dma_start3A_460, %dma_start3A_461] : memref<32x10x16x128xi32, #tpu.memory_space<hbm>> -> memref<1x1x16x128xi32, #tpu.memory_space<hbm>>
        %dma_start3A_463 = tpu.memref_squeeze %dma_start3A_462 : memref<1x1x16x128xi32, #tpu.memory_space<hbm>> -> memref<16x128xi32, #tpu.memory_space<hbm>>
        %dma_start3A_464 = arith.constant 0 : i32
        %dma_start3A_465 = arith.constant 0 : i32
        %dma_start3A_466 = tpu.memref_slice %arg2[%add3A, %scan3A_13, %dma_start3A_464, %dma_start3A_465] : memref<32x10x16x128xi32, #tpu.memory_space<hbm>> -> memref<1x1x16x128xi32, #tpu.memory_space<hbm>>
        %dma_start3A_467 = tpu.memref_squeeze %dma_start3A_466 : memref<1x1x16x128xi32, #tpu.memory_space<hbm>> -> memref<16x128xi32, #tpu.memory_space<hbm>>
        tpu.enqueue_dma source(%dma_start3A_467 : memref<16x128xi32, #tpu.memory_space<hbm>>) target(%arg7 : memref<16x128xi32, #tpu.memory_space<vmem>>) target_semaphore(%run_scoped3A : memref<!tpu.dma_semaphore, #tpu.memory_space<semaphore_mem>>)
        %dma_wait3A_468 = arith.constant 0 : i32
        %dma_wait3A_469 = arith.constant 0 : i32
        %dma_wait3A_470 = tpu.memref_slice %arg2[%add3A, %scan3A_13, %dma_wait3A_468, %dma_wait3A_469] : memref<32x10x16x128xi32, #tpu.memory_space<hbm>> -> memref<1x1x16x128xi32, #tpu.memory_space<hbm>>
        %dma_wait3A_471 = tpu.memref_squeeze %dma_wait3A_470 : memref<1x1x16x128xi32, #tpu.memory_space<hbm>> -> memref<16x128xi32, #tpu.memory_space<hbm>>
        %dma_wait3A_472 = arith.constant 0 : i32
        %dma_wait3A_473 = arith.constant 0 : i32
        %dma_wait3A_474 = tpu.memref_slice %arg2[%add3A, %scan3A_13, %dma_wait3A_472, %dma_wait3A_473] : memref<32x10x16x128xi32, #tpu.memory_space<hbm>> -> memref<1x1x16x128xi32, #tpu.memory_space<hbm>>
        %dma_wait3A_475 = tpu.memref_squeeze %dma_wait3A_474 : memref<1x1x16x128xi32, #tpu.memory_space<hbm>> -> memref<16x128xi32, #tpu.memory_space<hbm>>
        tpu.wait_dma2 semaphore(%run_scoped3A : memref<!tpu.dma_semaphore, #tpu.memory_space<semaphore_mem>>) src(%dma_wait3A_475 : memref<16x128xi32, #tpu.memory_space<hbm>>) dst(%arg7 : memref<16x128xi32, #tpu.memory_space<vmem>>)
        tpu.yield
      }) : () -> ()
      "tpu.region"() ({
        %run_scoped3A = tpu.sem_alloc : memref<!tpu.dma_semaphore, #tpu.memory_space<semaphore_mem>>
        %dma_start3A_460 = arith.constant 0 : i32
        %dma_start3A_461 = arith.constant 0 : i32
        %dma_start3A_462 = tpu.memref_slice %arg3[%add3A, %scan3A_13, %dma_start3A_460, %dma_start3A_461] : memref<32x10x16x128xi32, #tpu.memory_space<hbm>> -> memref<1x1x16x128xi32, #tpu.memory_space<hbm>>
        %dma_start3A_463 = tpu.memref_squeeze %dma_start3A_462 : memref<1x1x16x128xi32, #tpu.memory_space<hbm>> -> memref<16x128xi32, #tpu.memory_space<hbm>>
        %dma_start3A_464 = arith.constant 0 : i32
        %dma_start3A_465 = arith.constant 0 : i32
        %dma_start3A_466 = tpu.memref_slice %arg3[%add3A, %scan3A_13, %dma_start3A_464, %dma_start3A_465] : memref<32x10x16x128xi32, #tpu.memory_space<hbm>> -> memref<1x1x16x128xi32, #tpu.memory_space<hbm>>
        %dma_start3A_467 = tpu.memref_squeeze %dma_start3A_466 : memref<1x1x16x128xi32, #tpu.memory_space<hbm>> -> memref<16x128xi32, #tpu.memory_space<hbm>>
        tpu.enqueue_dma source(%dma_start3A_467 : memref<16x128xi32, #tpu.memory_space<hbm>>) target(%arg8 : memref<16x128xi32, #tpu.memory_space<vmem>>) target_semaphore(%run_scoped3A : memref<!tpu.dma_semaphore, #tpu.memory_space<semaphore_mem>>)
        %dma_wait3A_468 = arith.constant 0 : i32
        %dma_wait3A_469 = arith.constant 0 : i32
        %dma_wait3A_470 = tpu.memref_slice %arg3[%add3A, %scan3A_13, %dma_wait3A_468, %dma_wait3A_469] : memref<32x10x16x128xi32, #tpu.memory_space<hbm>> -> memref<1x1x16x128xi32, #tpu.memory_space<hbm>>
        %dma_wait3A_471 = tpu.memref_squeeze %dma_wait3A_470 : memref<1x1x16x128xi32, #tpu.memory_space<hbm>> -> memref<16x128xi32, #tpu.memory_space<hbm>>
        %dma_wait3A_472 = arith.constant 0 : i32
        %dma_wait3A_473 = arith.constant 0 : i32
        %dma_wait3A_474 = tpu.memref_slice %arg3[%add3A, %scan3A_13, %dma_wait3A_472, %dma_wait3A_473] : memref<32x10x16x128xi32, #tpu.memory_space<hbm>> -> memref<1x1x16x128xi32, #tpu.memory_space<hbm>>
        %dma_wait3A_475 = tpu.memref_squeeze %dma_wait3A_474 : memref<1x1x16x128xi32, #tpu.memory_space<hbm>> -> memref<16x128xi32, #tpu.memory_space<hbm>>
        tpu.wait_dma2 semaphore(%run_scoped3A : memref<!tpu.dma_semaphore, #tpu.memory_space<semaphore_mem>>) src(%dma_wait3A_475 : memref<16x128xi32, #tpu.memory_space<hbm>>) dst(%arg8 : memref<16x128xi32, #tpu.memory_space<vmem>>)
        tpu.yield
      }) : () -> ()
      %dma_start3A = arith.constant 0 : i32
      %dma_start3A_14 = arith.constant 0 : i32
      %dma_start3A_15 = tpu.memref_slice %arg7[%dma_start3A, %dma_start3A_14] : memref<16x128xi32, #tpu.memory_space<vmem>> -> memref<1x128xi32, #tpu.memory_space<vmem>>
      %dma_start3A_16 = tpu.memref_squeeze %dma_start3A_15 : memref<1x128xi32, #tpu.memory_space<vmem>> -> memref<128xi32, #tpu.memory_space<vmem>>
      %dma_start3A_17 = arith.constant 0 : i32
      %dma_start3A_18 = arith.constant 0 : i32
      %dma_start3A_19 = tpu.memref_slice %arg4[%dma_start3A_17, %dma_start3A_18] : memref<20000x128xf32, #tpu.memory_space<hbm>> -> memref<20000x128xf32, #tpu.memory_space<hbm>>
      tpu.enqueue_indirect_dma source(%dma_start3A_19 : memref<20000x128xf32, #tpu.memory_space<hbm>>) target(%arg9 : memref<128x128xf32, #tpu.memory_space<vmem>>) offsets(%dma_start3A_16 : memref<128xi32, #tpu.memory_space<vmem>>) semaphore(%arg12 : memref<!tpu.dma_semaphore, #tpu.memory_space<semaphore_mem>>)
      %dma_start3A_20 = arith.constant 1 : i32
      %dma_start3A_21 = arith.constant 0 : i32
      %dma_start3A_22 = tpu.memref_slice %arg7[%dma_start3A_20, %dma_start3A_21] : memref<16x128xi32, #tpu.memory_space<vmem>> -> memref<1x128xi32, #tpu.memory_space<vmem>>
      %dma_start3A_23 = tpu.memref_squeeze %dma_start3A_22 : memref<1x128xi32, #tpu.memory_space<vmem>> -> memref<128xi32, #tpu.memory_space<vmem>>
      %dma_start3A_24 = arith.constant 0 : i32
      %dma_start3A_25 = arith.constant 0 : i32
      %dma_start3A_26 = tpu.memref_slice %arg4[%dma_start3A_24, %dma_start3A_25] : memref<20000x128xf32, #tpu.memory_space<hbm>> -> memref<20000x128xf32, #tpu.memory_space<hbm>>
      tpu.enqueue_indirect_dma source(%dma_start3A_26 : memref<20000x128xf32, #tpu.memory_space<hbm>>) target(%arg10 : memref<128x128xf32, #tpu.memory_space<vmem>>) offsets(%dma_start3A_23 : memref<128xi32, #tpu.memory_space<vmem>>) semaphore(%arg13 : memref<!tpu.dma_semaphore, #tpu.memory_space<semaphore_mem>>)
      %dma_wait3A = arith.constant 0 : i32
      %dma_wait3A_27 = arith.constant 0 : i32
      %dma_wait3A_28 = tpu.memref_slice %arg7[%dma_wait3A, %dma_wait3A_27] : memref<16x128xi32, #tpu.memory_space<vmem>> -> memref<1x128xi32, #tpu.memory_space<vmem>>
      %dma_wait3A_29 = tpu.memref_squeeze %dma_wait3A_28 : memref<1x128xi32, #tpu.memory_space<vmem>> -> memref<128xi32, #tpu.memory_space<vmem>>
      %dma_wait3A_30 = arith.constant 0 : i32
      %dma_wait3A_31 = arith.constant 0 : i32
      %dma_wait3A_32 = tpu.memref_slice %arg4[%dma_wait3A_30, %dma_wait3A_31] : memref<20000x128xf32, #tpu.memory_space<hbm>> -> memref<20000x128xf32, #tpu.memory_space<hbm>>
      tpu.wait_indirect_dma semaphore(%arg12 : memref<!tpu.dma_semaphore, #tpu.memory_space<semaphore_mem>>) src(%dma_wait3A_32 : memref<20000x128xf32, #tpu.memory_space<hbm>>) dst(%arg9 : memref<128x128xf32, #tpu.memory_space<vmem>>)
      %dma_start3A_33 = arith.constant 0 : i32
      %dma_start3A_34 = arith.constant 0 : i32
      %dma_start3A_35 = tpu.memref_slice %arg8[%dma_start3A_33, %dma_start3A_34] : memref<16x128xi32, #tpu.memory_space<vmem>> -> memref<1x128xi32, #tpu.memory_space<vmem>>
      %dma_start3A_36 = tpu.memref_squeeze %dma_start3A_35 : memref<1x128xi32, #tpu.memory_space<vmem>> -> memref<128xi32, #tpu.memory_space<vmem>>
      %dma_start3A_37 = arith.constant 0 : i32
      %dma_start3A_38 = arith.constant 0 : i32
      %dma_start3A_39 = tpu.memref_slice %arg11[%dma_start3A_37, %dma_start3A_38] : memref<10240x128xf32, #tpu.memory_space<vmem_shared>> -> memref<10240x128xf32, #tpu.memory_space<vmem_shared>>
      tpu.enqueue_indirect_dma source(%arg9 : memref<128x128xf32, #tpu.memory_space<vmem>>) target(%dma_start3A_39 : memref<10240x128xf32, #tpu.memory_space<vmem_shared>>) offsets(%dma_start3A_36 : memref<128xi32, #tpu.memory_space<vmem>>) semaphore(%arg14 : memref<!tpu.dma_semaphore, #tpu.memory_space<semaphore_mem>>) {add = true}
      %dma_wait3A_40 = arith.constant 0 : i32
      %dma_wait3A_41 = arith.constant 0 : i32
      %dma_wait3A_42 = tpu.memref_slice %arg8[%dma_wait3A_40, %dma_wait3A_41] : memref<16x128xi32, #tpu.memory_space<vmem>> -> memref<1x128xi32, #tpu.memory_space<vmem>>
      %dma_wait3A_43 = tpu.memref_squeeze %dma_wait3A_42 : memref<1x128xi32, #tpu.memory_space<vmem>> -> memref<128xi32, #tpu.memory_space<vmem>>
      %dma_wait3A_44 = arith.constant 0 : i32
      %dma_wait3A_45 = arith.constant 0 : i32
      %dma_wait3A_46 = tpu.memref_slice %arg11[%dma_wait3A_44, %dma_wait3A_45] : memref<10240x128xf32, #tpu.memory_space<vmem_shared>> -> memref<10240x128xf32, #tpu.memory_space<vmem_shared>>
      tpu.wait_indirect_dma semaphore(%arg14 : memref<!tpu.dma_semaphore, #tpu.memory_space<semaphore_mem>>) src(%arg9 : memref<128x128xf32, #tpu.memory_space<vmem>>) dst(%dma_wait3A_46 : memref<10240x128xf32, #tpu.memory_space<vmem_shared>>)
      %dma_start3A_47 = arith.constant 2 : i32
      %dma_start3A_48 = arith.constant 0 : i32
      %dma_start3A_49 = tpu.memref_slice %arg7[%dma_start3A_47, %dma_start3A_48] : memref<16x128xi32, #tpu.memory_space<vmem>> -> memref<1x128xi32, #tpu.memory_space<vmem>>
      %dma_start3A_50 = tpu.memref_squeeze %dma_start3A_49 : memref<1x128xi32, #tpu.memory_space<vmem>> -> memref<128xi32, #tpu.memory_space<vmem>>
      %dma_start3A_51 = arith.constant 0 : i32
      %dma_start3A_52 = arith.constant 0 : i32
      %dma_start3A_53 = tpu.memref_slice %arg4[%dma_start3A_51, %dma_start3A_52] : memref<20000x128xf32, #tpu.memory_space<hbm>> -> memref<20000x128xf32, #tpu.memory_space<hbm>>
      tpu.enqueue_indirect_dma source(%dma_start3A_53 : memref<20000x128xf32, #tpu.memory_space<hbm>>) target(%arg9 : memref<128x128xf32, #tpu.memory_space<vmem>>) offsets(%dma_start3A_50 : memref<128xi32, #tpu.memory_space<vmem>>) semaphore(%arg12 : memref<!tpu.dma_semaphore, #tpu.memory_space<semaphore_mem>>)
      %dma_wait3A_54 = arith.constant 1 : i32
      %dma_wait3A_55 = arith.constant 0 : i32
      %dma_wait3A_56 = tpu.memref_slice %arg7[%dma_wait3A_54, %dma_wait3A_55] : memref<16x128xi32, #tpu.memory_space<vmem>> -> memref<1x128xi32, #tpu.memory_space<vmem>>
      %dma_wait3A_57 = tpu.memref_squeeze %dma_wait3A_56 : memref<1x128xi32, #tpu.memory_space<vmem>> -> memref<128xi32, #tpu.memory_space<vmem>>
      %dma_wait3A_58 = arith.constant 0 : i32
      %dma_wait3A_59 = arith.constant 0 : i32
      %dma_wait3A_60 = tpu.memref_slice %arg4[%dma_wait3A_58, %dma_wait3A_59] : memref<20000x128xf32, #tpu.memory_space<hbm>> -> memref<20000x128xf32, #tpu.memory_space<hbm>>
      tpu.wait_indirect_dma semaphore(%arg13 : memref<!tpu.dma_semaphore, #tpu.memory_space<semaphore_mem>>) src(%dma_wait3A_60 : memref<20000x128xf32, #tpu.memory_space<hbm>>) dst(%arg10 : memref<128x128xf32, #tpu.memory_space<vmem>>)
      %dma_start3A_61 = arith.constant 1 : i32
      %dma_start3A_62 = arith.constant 0 : i32
      %dma_start3A_63 = tpu.memref_slice %arg8[%dma_start3A_61, %dma_start3A_62] : memref<16x128xi32, #tpu.memory_space<vmem>> -> memref<1x128xi32, #tpu.memory_space<vmem>>
      %dma_start3A_64 = tpu.memref_squeeze %dma_start3A_63 : memref<1x128xi32, #tpu.memory_space<vmem>> -> memref<128xi32, #tpu.memory_space<vmem>>
      %dma_start3A_65 = arith.constant 0 : i32
      %dma_start3A_66 = arith.constant 0 : i32
      %dma_start3A_67 = tpu.memref_slice %arg11[%dma_start3A_65, %dma_start3A_66] : memref<10240x128xf32, #tpu.memory_space<vmem_shared>> -> memref<10240x128xf32, #tpu.memory_space<vmem_shared>>
      tpu.enqueue_indirect_dma source(%arg10 : memref<128x128xf32, #tpu.memory_space<vmem>>) target(%dma_start3A_67 : memref<10240x128xf32, #tpu.memory_space<vmem_shared>>) offsets(%dma_start3A_64 : memref<128xi32, #tpu.memory_space<vmem>>) semaphore(%arg15 : memref<!tpu.dma_semaphore, #tpu.memory_space<semaphore_mem>>) {add = true}
      %dma_wait3A_68 = arith.constant 1 : i32
      %dma_wait3A_69 = arith.constant 0 : i32
      %dma_wait3A_70 = tpu.memref_slice %arg8[%dma_wait3A_68, %dma_wait3A_69] : memref<16x128xi32, #tpu.memory_space<vmem>> -> memref<1x128xi32, #tpu.memory_space<vmem>>
      %dma_wait3A_71 = tpu.memref_squeeze %dma_wait3A_70 : memref<1x128xi32, #tpu.memory_space<vmem>> -> memref<128xi32, #tpu.memory_space<vmem>>
      %dma_wait3A_72 = arith.constant 0 : i32
      %dma_wait3A_73 = arith.constant 0 : i32
      %dma_wait3A_74 = tpu.memref_slice %arg11[%dma_wait3A_72, %dma_wait3A_73] : memref<10240x128xf32, #tpu.memory_space<vmem_shared>> -> memref<10240x128xf32, #tpu.memory_space<vmem_shared>>
      tpu.wait_indirect_dma semaphore(%arg15 : memref<!tpu.dma_semaphore, #tpu.memory_space<semaphore_mem>>) src(%arg10 : memref<128x128xf32, #tpu.memory_space<vmem>>) dst(%dma_wait3A_74 : memref<10240x128xf32, #tpu.memory_space<vmem_shared>>)
      %dma_start3A_75 = arith.constant 3 : i32
      %dma_start3A_76 = arith.constant 0 : i32
      %dma_start3A_77 = tpu.memref_slice %arg7[%dma_start3A_75, %dma_start3A_76] : memref<16x128xi32, #tpu.memory_space<vmem>> -> memref<1x128xi32, #tpu.memory_space<vmem>>
      %dma_start3A_78 = tpu.memref_squeeze %dma_start3A_77 : memref<1x128xi32, #tpu.memory_space<vmem>> -> memref<128xi32, #tpu.memory_space<vmem>>
      %dma_start3A_79 = arith.constant 0 : i32
      %dma_start3A_80 = arith.constant 0 : i32
      %dma_start3A_81 = tpu.memref_slice %arg4[%dma_start3A_79, %dma_start3A_80] : memref<20000x128xf32, #tpu.memory_space<hbm>> -> memref<20000x128xf32, #tpu.memory_space<hbm>>
      tpu.enqueue_indirect_dma source(%dma_start3A_81 : memref<20000x128xf32, #tpu.memory_space<hbm>>) target(%arg10 : memref<128x128xf32, #tpu.memory_space<vmem>>) offsets(%dma_start3A_78 : memref<128xi32, #tpu.memory_space<vmem>>) semaphore(%arg13 : memref<!tpu.dma_semaphore, #tpu.memory_space<semaphore_mem>>)
      %dma_wait3A_82 = arith.constant 2 : i32
      %dma_wait3A_83 = arith.constant 0 : i32
      %dma_wait3A_84 = tpu.memref_slice %arg7[%dma_wait3A_82, %dma_wait3A_83] : memref<16x128xi32, #tpu.memory_space<vmem>> -> memref<1x128xi32, #tpu.memory_space<vmem>>
      %dma_wait3A_85 = tpu.memref_squeeze %dma_wait3A_84 : memref<1x128xi32, #tpu.memory_space<vmem>> -> memref<128xi32, #tpu.memory_space<vmem>>
      %dma_wait3A_86 = arith.constant 0 : i32
      %dma_wait3A_87 = arith.constant 0 : i32
      %dma_wait3A_88 = tpu.memref_slice %arg4[%dma_wait3A_86, %dma_wait3A_87] : memref<20000x128xf32, #tpu.memory_space<hbm>> -> memref<20000x128xf32, #tpu.memory_space<hbm>>
      tpu.wait_indirect_dma semaphore(%arg12 : memref<!tpu.dma_semaphore, #tpu.memory_space<semaphore_mem>>) src(%dma_wait3A_88 : memref<20000x128xf32, #tpu.memory_space<hbm>>) dst(%arg9 : memref<128x128xf32, #tpu.memory_space<vmem>>)
      %dma_start3A_89 = arith.constant 2 : i32
      %dma_start3A_90 = arith.constant 0 : i32
      %dma_start3A_91 = tpu.memref_slice %arg8[%dma_start3A_89, %dma_start3A_90] : memref<16x128xi32, #tpu.memory_space<vmem>> -> memref<1x128xi32, #tpu.memory_space<vmem>>
      %dma_start3A_92 = tpu.memref_squeeze %dma_start3A_91 : memref<1x128xi32, #tpu.memory_space<vmem>> -> memref<128xi32, #tpu.memory_space<vmem>>
      %dma_start3A_93 = arith.constant 0 : i32
      %dma_start3A_94 = arith.constant 0 : i32
      %dma_start3A_95 = tpu.memref_slice %arg11[%dma_start3A_93, %dma_start3A_94] : memref<10240x128xf32, #tpu.memory_space<vmem_shared>> -> memref<10240x128xf32, #tpu.memory_space<vmem_shared>>
      tpu.enqueue_indirect_dma source(%arg9 : memref<128x128xf32, #tpu.memory_space<vmem>>) target(%dma_start3A_95 : memref<10240x128xf32, #tpu.memory_space<vmem_shared>>) offsets(%dma_start3A_92 : memref<128xi32, #tpu.memory_space<vmem>>) semaphore(%arg14 : memref<!tpu.dma_semaphore, #tpu.memory_space<semaphore_mem>>) {add = true}
      %dma_wait3A_96 = arith.constant 2 : i32
      %dma_wait3A_97 = arith.constant 0 : i32
      %dma_wait3A_98 = tpu.memref_slice %arg8[%dma_wait3A_96, %dma_wait3A_97] : memref<16x128xi32, #tpu.memory_space<vmem>> -> memref<1x128xi32, #tpu.memory_space<vmem>>
      %dma_wait3A_99 = tpu.memref_squeeze %dma_wait3A_98 : memref<1x128xi32, #tpu.memory_space<vmem>> -> memref<128xi32, #tpu.memory_space<vmem>>
      %dma_wait3A_100 = arith.constant 0 : i32
      %dma_wait3A_101 = arith.constant 0 : i32
      %dma_wait3A_102 = tpu.memref_slice %arg11[%dma_wait3A_100, %dma_wait3A_101] : memref<10240x128xf32, #tpu.memory_space<vmem_shared>> -> memref<10240x128xf32, #tpu.memory_space<vmem_shared>>
      tpu.wait_indirect_dma semaphore(%arg14 : memref<!tpu.dma_semaphore, #tpu.memory_space<semaphore_mem>>) src(%arg9 : memref<128x128xf32, #tpu.memory_space<vmem>>) dst(%dma_wait3A_102 : memref<10240x128xf32, #tpu.memory_space<vmem_shared>>)
      %dma_start3A_103 = arith.constant 4 : i32
      %dma_start3A_104 = arith.constant 0 : i32
      %dma_start3A_105 = tpu.memref_slice %arg7[%dma_start3A_103, %dma_start3A_104] : memref<16x128xi32, #tpu.memory_space<vmem>> -> memref<1x128xi32, #tpu.memory_space<vmem>>
      %dma_start3A_106 = tpu.memref_squeeze %dma_start3A_105 : memref<1x128xi32, #tpu.memory_space<vmem>> -> memref<128xi32, #tpu.memory_space<vmem>>
      %dma_start3A_107 = arith.constant 0 : i32
      %dma_start3A_108 = arith.constant 0 : i32
      %dma_start3A_109 = tpu.memref_slice %arg4[%dma_start3A_107, %dma_start3A_108] : memref<20000x128xf32, #tpu.memory_space<hbm>> -> memref<20000x128xf32, #tpu.memory_space<hbm>>
      tpu.enqueue_indirect_dma source(%dma_start3A_109 : memref<20000x128xf32, #tpu.memory_space<hbm>>) target(%arg9 : memref<128x128xf32, #tpu.memory_space<vmem>>) offsets(%dma_start3A_106 : memref<128xi32, #tpu.memory_space<vmem>>) semaphore(%arg12 : memref<!tpu.dma_semaphore, #tpu.memory_space<semaphore_mem>>)
      %dma_wait3A_110 = arith.constant 3 : i32
      %dma_wait3A_111 = arith.constant 0 : i32
      %dma_wait3A_112 = tpu.memref_slice %arg7[%dma_wait3A_110, %dma_wait3A_111] : memref<16x128xi32, #tpu.memory_space<vmem>> -> memref<1x128xi32, #tpu.memory_space<vmem>>
      %dma_wait3A_113 = tpu.memref_squeeze %dma_wait3A_112 : memref<1x128xi32, #tpu.memory_space<vmem>> -> memref<128xi32, #tpu.memory_space<vmem>>
      %dma_wait3A_114 = arith.constant 0 : i32
      %dma_wait3A_115 = arith.constant 0 : i32
      %dma_wait3A_116 = tpu.memref_slice %arg4[%dma_wait3A_114, %dma_wait3A_115] : memref<20000x128xf32, #tpu.memory_space<hbm>> -> memref<20000x128xf32, #tpu.memory_space<hbm>>
      tpu.wait_indirect_dma semaphore(%arg13 : memref<!tpu.dma_semaphore, #tpu.memory_space<semaphore_mem>>) src(%dma_wait3A_116 : memref<20000x128xf32, #tpu.memory_space<hbm>>) dst(%arg10 : memref<128x128xf32, #tpu.memory_space<vmem>>)
      %dma_start3A_117 = arith.constant 3 : i32
      %dma_start3A_118 = arith.constant 0 : i32
      %dma_start3A_119 = tpu.memref_slice %arg8[%dma_start3A_117, %dma_start3A_118] : memref<16x128xi32, #tpu.memory_space<vmem>> -> memref<1x128xi32, #tpu.memory_space<vmem>>
      %dma_start3A_120 = tpu.memref_squeeze %dma_start3A_119 : memref<1x128xi32, #tpu.memory_space<vmem>> -> memref<128xi32, #tpu.memory_space<vmem>>
      %dma_start3A_121 = arith.constant 0 : i32
      %dma_start3A_122 = arith.constant 0 : i32
      %dma_start3A_123 = tpu.memref_slice %arg11[%dma_start3A_121, %dma_start3A_122] : memref<10240x128xf32, #tpu.memory_space<vmem_shared>> -> memref<10240x128xf32, #tpu.memory_space<vmem_shared>>
      tpu.enqueue_indirect_dma source(%arg10 : memref<128x128xf32, #tpu.memory_space<vmem>>) target(%dma_start3A_123 : memref<10240x128xf32, #tpu.memory_space<vmem_shared>>) offsets(%dma_start3A_120 : memref<128xi32, #tpu.memory_space<vmem>>) semaphore(%arg15 : memref<!tpu.dma_semaphore, #tpu.memory_space<semaphore_mem>>) {add = true}
      %dma_wait3A_124 = arith.constant 3 : i32
      %dma_wait3A_125 = arith.constant 0 : i32
      %dma_wait3A_126 = tpu.memref_slice %arg8[%dma_wait3A_124, %dma_wait3A_125] : memref<16x128xi32, #tpu.memory_space<vmem>> -> memref<1x128xi32, #tpu.memory_space<vmem>>
      %dma_wait3A_127 = tpu.memref_squeeze %dma_wait3A_126 : memref<1x128xi32, #tpu.memory_space<vmem>> -> memref<128xi32, #tpu.memory_space<vmem>>
      %dma_wait3A_128 = arith.constant 0 : i32
      %dma_wait3A_129 = arith.constant 0 : i32
      %dma_wait3A_130 = tpu.memref_slice %arg11[%dma_wait3A_128, %dma_wait3A_129] : memref<10240x128xf32, #tpu.memory_space<vmem_shared>> -> memref<10240x128xf32, #tpu.memory_space<vmem_shared>>
      tpu.wait_indirect_dma semaphore(%arg15 : memref<!tpu.dma_semaphore, #tpu.memory_space<semaphore_mem>>) src(%arg10 : memref<128x128xf32, #tpu.memory_space<vmem>>) dst(%dma_wait3A_130 : memref<10240x128xf32, #tpu.memory_space<vmem_shared>>)
      %dma_start3A_131 = arith.constant 5 : i32
      %dma_start3A_132 = arith.constant 0 : i32
      %dma_start3A_133 = tpu.memref_slice %arg7[%dma_start3A_131, %dma_start3A_132] : memref<16x128xi32, #tpu.memory_space<vmem>> -> memref<1x128xi32, #tpu.memory_space<vmem>>
      %dma_start3A_134 = tpu.memref_squeeze %dma_start3A_133 : memref<1x128xi32, #tpu.memory_space<vmem>> -> memref<128xi32, #tpu.memory_space<vmem>>
      %dma_start3A_135 = arith.constant 0 : i32
      %dma_start3A_136 = arith.constant 0 : i32
      %dma_start3A_137 = tpu.memref_slice %arg4[%dma_start3A_135, %dma_start3A_136] : memref<20000x128xf32, #tpu.memory_space<hbm>> -> memref<20000x128xf32, #tpu.memory_space<hbm>>
      tpu.enqueue_indirect_dma source(%dma_start3A_137 : memref<20000x128xf32, #tpu.memory_space<hbm>>) target(%arg10 : memref<128x128xf32, #tpu.memory_space<vmem>>) offsets(%dma_start3A_134 : memref<128xi32, #tpu.memory_space<vmem>>) semaphore(%arg13 : memref<!tpu.dma_semaphore, #tpu.memory_space<semaphore_mem>>)
      %dma_wait3A_138 = arith.constant 4 : i32
      %dma_wait3A_139 = arith.constant 0 : i32
      %dma_wait3A_140 = tpu.memref_slice %arg7[%dma_wait3A_138, %dma_wait3A_139] : memref<16x128xi32, #tpu.memory_space<vmem>> -> memref<1x128xi32, #tpu.memory_space<vmem>>
      %dma_wait3A_141 = tpu.memref_squeeze %dma_wait3A_140 : memref<1x128xi32, #tpu.memory_space<vmem>> -> memref<128xi32, #tpu.memory_space<vmem>>
      %dma_wait3A_142 = arith.constant 0 : i32
      %dma_wait3A_143 = arith.constant 0 : i32
      %dma_wait3A_144 = tpu.memref_slice %arg4[%dma_wait3A_142, %dma_wait3A_143] : memref<20000x128xf32, #tpu.memory_space<hbm>> -> memref<20000x128xf32, #tpu.memory_space<hbm>>
      tpu.wait_indirect_dma semaphore(%arg12 : memref<!tpu.dma_semaphore, #tpu.memory_space<semaphore_mem>>) src(%dma_wait3A_144 : memref<20000x128xf32, #tpu.memory_space<hbm>>) dst(%arg9 : memref<128x128xf32, #tpu.memory_space<vmem>>)
      %dma_start3A_145 = arith.constant 4 : i32
      %dma_start3A_146 = arith.constant 0 : i32
      %dma_start3A_147 = tpu.memref_slice %arg8[%dma_start3A_145, %dma_start3A_146] : memref<16x128xi32, #tpu.memory_space<vmem>> -> memref<1x128xi32, #tpu.memory_space<vmem>>
      %dma_start3A_148 = tpu.memref_squeeze %dma_start3A_147 : memref<1x128xi32, #tpu.memory_space<vmem>> -> memref<128xi32, #tpu.memory_space<vmem>>
      %dma_start3A_149 = arith.constant 0 : i32
      %dma_start3A_150 = arith.constant 0 : i32
      %dma_start3A_151 = tpu.memref_slice %arg11[%dma_start3A_149, %dma_start3A_150] : memref<10240x128xf32, #tpu.memory_space<vmem_shared>> -> memref<10240x128xf32, #tpu.memory_space<vmem_shared>>
      tpu.enqueue_indirect_dma source(%arg9 : memref<128x128xf32, #tpu.memory_space<vmem>>) target(%dma_start3A_151 : memref<10240x128xf32, #tpu.memory_space<vmem_shared>>) offsets(%dma_start3A_148 : memref<128xi32, #tpu.memory_space<vmem>>) semaphore(%arg14 : memref<!tpu.dma_semaphore, #tpu.memory_space<semaphore_mem>>) {add = true}
      %dma_wait3A_152 = arith.constant 4 : i32
      %dma_wait3A_153 = arith.constant 0 : i32
      %dma_wait3A_154 = tpu.memref_slice %arg8[%dma_wait3A_152, %dma_wait3A_153] : memref<16x128xi32, #tpu.memory_space<vmem>> -> memref<1x128xi32, #tpu.memory_space<vmem>>
      %dma_wait3A_155 = tpu.memref_squeeze %dma_wait3A_154 : memref<1x128xi32, #tpu.memory_space<vmem>> -> memref<128xi32, #tpu.memory_space<vmem>>
      %dma_wait3A_156 = arith.constant 0 : i32
      %dma_wait3A_157 = arith.constant 0 : i32
      %dma_wait3A_158 = tpu.memref_slice %arg11[%dma_wait3A_156, %dma_wait3A_157] : memref<10240x128xf32, #tpu.memory_space<vmem_shared>> -> memref<10240x128xf32, #tpu.memory_space<vmem_shared>>
      tpu.wait_indirect_dma semaphore(%arg14 : memref<!tpu.dma_semaphore, #tpu.memory_space<semaphore_mem>>) src(%arg9 : memref<128x128xf32, #tpu.memory_space<vmem>>) dst(%dma_wait3A_158 : memref<10240x128xf32, #tpu.memory_space<vmem_shared>>)
      %dma_start3A_159 = arith.constant 6 : i32
      %dma_start3A_160 = arith.constant 0 : i32
      %dma_start3A_161 = tpu.memref_slice %arg7[%dma_start3A_159, %dma_start3A_160] : memref<16x128xi32, #tpu.memory_space<vmem>> -> memref<1x128xi32, #tpu.memory_space<vmem>>
      %dma_start3A_162 = tpu.memref_squeeze %dma_start3A_161 : memref<1x128xi32, #tpu.memory_space<vmem>> -> memref<128xi32, #tpu.memory_space<vmem>>
      %dma_start3A_163 = arith.constant 0 : i32
      %dma_start3A_164 = arith.constant 0 : i32
      %dma_start3A_165 = tpu.memref_slice %arg4[%dma_start3A_163, %dma_start3A_164] : memref<20000x128xf32, #tpu.memory_space<hbm>> -> memref<20000x128xf32, #tpu.memory_space<hbm>>
      tpu.enqueue_indirect_dma source(%dma_start3A_165 : memref<20000x128xf32, #tpu.memory_space<hbm>>) target(%arg9 : memref<128x128xf32, #tpu.memory_space<vmem>>) offsets(%dma_start3A_162 : memref<128xi32, #tpu.memory_space<vmem>>) semaphore(%arg12 : memref<!tpu.dma_semaphore, #tpu.memory_space<semaphore_mem>>)
      %dma_wait3A_166 = arith.constant 5 : i32
      %dma_wait3A_167 = arith.constant 0 : i32
      %dma_wait3A_168 = tpu.memref_slice %arg7[%dma_wait3A_166, %dma_wait3A_167] : memref<16x128xi32, #tpu.memory_space<vmem>> -> memref<1x128xi32, #tpu.memory_space<vmem>>
      %dma_wait3A_169 = tpu.memref_squeeze %dma_wait3A_168 : memref<1x128xi32, #tpu.memory_space<vmem>> -> memref<128xi32, #tpu.memory_space<vmem>>
      %dma_wait3A_170 = arith.constant 0 : i32
      %dma_wait3A_171 = arith.constant 0 : i32
      %dma_wait3A_172 = tpu.memref_slice %arg4[%dma_wait3A_170, %dma_wait3A_171] : memref<20000x128xf32, #tpu.memory_space<hbm>> -> memref<20000x128xf32, #tpu.memory_space<hbm>>
      tpu.wait_indirect_dma semaphore(%arg13 : memref<!tpu.dma_semaphore, #tpu.memory_space<semaphore_mem>>) src(%dma_wait3A_172 : memref<20000x128xf32, #tpu.memory_space<hbm>>) dst(%arg10 : memref<128x128xf32, #tpu.memory_space<vmem>>)
      %dma_start3A_173 = arith.constant 5 : i32
      %dma_start3A_174 = arith.constant 0 : i32
      %dma_start3A_175 = tpu.memref_slice %arg8[%dma_start3A_173, %dma_start3A_174] : memref<16x128xi32, #tpu.memory_space<vmem>> -> memref<1x128xi32, #tpu.memory_space<vmem>>
      %dma_start3A_176 = tpu.memref_squeeze %dma_start3A_175 : memref<1x128xi32, #tpu.memory_space<vmem>> -> memref<128xi32, #tpu.memory_space<vmem>>
      %dma_start3A_177 = arith.constant 0 : i32
      %dma_start3A_178 = arith.constant 0 : i32
      %dma_start3A_179 = tpu.memref_slice %arg11[%dma_start3A_177, %dma_start3A_178] : memref<10240x128xf32, #tpu.memory_space<vmem_shared>> -> memref<10240x128xf32, #tpu.memory_space<vmem_shared>>
      tpu.enqueue_indirect_dma source(%arg10 : memref<128x128xf32, #tpu.memory_space<vmem>>) target(%dma_start3A_179 : memref<10240x128xf32, #tpu.memory_space<vmem_shared>>) offsets(%dma_start3A_176 : memref<128xi32, #tpu.memory_space<vmem>>) semaphore(%arg15 : memref<!tpu.dma_semaphore, #tpu.memory_space<semaphore_mem>>) {add = true}
      %dma_wait3A_180 = arith.constant 5 : i32
      %dma_wait3A_181 = arith.constant 0 : i32
      %dma_wait3A_182 = tpu.memref_slice %arg8[%dma_wait3A_180, %dma_wait3A_181] : memref<16x128xi32, #tpu.memory_space<vmem>> -> memref<1x128xi32, #tpu.memory_space<vmem>>
      %dma_wait3A_183 = tpu.memref_squeeze %dma_wait3A_182 : memref<1x128xi32, #tpu.memory_space<vmem>> -> memref<128xi32, #tpu.memory_space<vmem>>
      %dma_wait3A_184 = arith.constant 0 : i32
      %dma_wait3A_185 = arith.constant 0 : i32
      %dma_wait3A_186 = tpu.memref_slice %arg11[%dma_wait3A_184, %dma_wait3A_185] : memref<10240x128xf32, #tpu.memory_space<vmem_shared>> -> memref<10240x128xf32, #tpu.memory_space<vmem_shared>>
      tpu.wait_indirect_dma semaphore(%arg15 : memref<!tpu.dma_semaphore, #tpu.memory_space<semaphore_mem>>) src(%arg10 : memref<128x128xf32, #tpu.memory_space<vmem>>) dst(%dma_wait3A_186 : memref<10240x128xf32, #tpu.memory_space<vmem_shared>>)
      %dma_start3A_187 = arith.constant 7 : i32
      %dma_start3A_188 = arith.constant 0 : i32
      %dma_start3A_189 = tpu.memref_slice %arg7[%dma_start3A_187, %dma_start3A_188] : memref<16x128xi32, #tpu.memory_space<vmem>> -> memref<1x128xi32, #tpu.memory_space<vmem>>
      %dma_start3A_190 = tpu.memref_squeeze %dma_start3A_189 : memref<1x128xi32, #tpu.memory_space<vmem>> -> memref<128xi32, #tpu.memory_space<vmem>>
      %dma_start3A_191 = arith.constant 0 : i32
      %dma_start3A_192 = arith.constant 0 : i32
      %dma_start3A_193 = tpu.memref_slice %arg4[%dma_start3A_191, %dma_start3A_192] : memref<20000x128xf32, #tpu.memory_space<hbm>> -> memref<20000x128xf32, #tpu.memory_space<hbm>>
      tpu.enqueue_indirect_dma source(%dma_start3A_193 : memref<20000x128xf32, #tpu.memory_space<hbm>>) target(%arg10 : memref<128x128xf32, #tpu.memory_space<vmem>>) offsets(%dma_start3A_190 : memref<128xi32, #tpu.memory_space<vmem>>) semaphore(%arg13 : memref<!tpu.dma_semaphore, #tpu.memory_space<semaphore_mem>>)
      %dma_wait3A_194 = arith.constant 6 : i32
      %dma_wait3A_195 = arith.constant 0 : i32
      %dma_wait3A_196 = tpu.memref_slice %arg7[%dma_wait3A_194, %dma_wait3A_195] : memref<16x128xi32, #tpu.memory_space<vmem>> -> memref<1x128xi32, #tpu.memory_space<vmem>>
      %dma_wait3A_197 = tpu.memref_squeeze %dma_wait3A_196 : memref<1x128xi32, #tpu.memory_space<vmem>> -> memref<128xi32, #tpu.memory_space<vmem>>
      %dma_wait3A_198 = arith.constant 0 : i32
      %dma_wait3A_199 = arith.constant 0 : i32
      %dma_wait3A_200 = tpu.memref_slice %arg4[%dma_wait3A_198, %dma_wait3A_199] : memref<20000x128xf32, #tpu.memory_space<hbm>> -> memref<20000x128xf32, #tpu.memory_space<hbm>>
      tpu.wait_indirect_dma semaphore(%arg12 : memref<!tpu.dma_semaphore, #tpu.memory_space<semaphore_mem>>) src(%dma_wait3A_200 : memref<20000x128xf32, #tpu.memory_space<hbm>>) dst(%arg9 : memref<128x128xf32, #tpu.memory_space<vmem>>)
      %dma_start3A_201 = arith.constant 6 : i32
      %dma_start3A_202 = arith.constant 0 : i32
      %dma_start3A_203 = tpu.memref_slice %arg8[%dma_start3A_201, %dma_start3A_202] : memref<16x128xi32, #tpu.memory_space<vmem>> -> memref<1x128xi32, #tpu.memory_space<vmem>>
      %dma_start3A_204 = tpu.memref_squeeze %dma_start3A_203 : memref<1x128xi32, #tpu.memory_space<vmem>> -> memref<128xi32, #tpu.memory_space<vmem>>
      %dma_start3A_205 = arith.constant 0 : i32
      %dma_start3A_206 = arith.constant 0 : i32
      %dma_start3A_207 = tpu.memref_slice %arg11[%dma_start3A_205, %dma_start3A_206] : memref<10240x128xf32, #tpu.memory_space<vmem_shared>> -> memref<10240x128xf32, #tpu.memory_space<vmem_shared>>
      tpu.enqueue_indirect_dma source(%arg9 : memref<128x128xf32, #tpu.memory_space<vmem>>) target(%dma_start3A_207 : memref<10240x128xf32, #tpu.memory_space<vmem_shared>>) offsets(%dma_start3A_204 : memref<128xi32, #tpu.memory_space<vmem>>) semaphore(%arg14 : memref<!tpu.dma_semaphore, #tpu.memory_space<semaphore_mem>>) {add = true}
      %dma_wait3A_208 = arith.constant 6 : i32
      %dma_wait3A_209 = arith.constant 0 : i32
      %dma_wait3A_210 = tpu.memref_slice %arg8[%dma_wait3A_208, %dma_wait3A_209] : memref<16x128xi32, #tpu.memory_space<vmem>> -> memref<1x128xi32, #tpu.memory_space<vmem>>
      %dma_wait3A_211 = tpu.memref_squeeze %dma_wait3A_210 : memref<1x128xi32, #tpu.memory_space<vmem>> -> memref<128xi32, #tpu.memory_space<vmem>>
      %dma_wait3A_212 = arith.constant 0 : i32
      %dma_wait3A_213 = arith.constant 0 : i32
      %dma_wait3A_214 = tpu.memref_slice %arg11[%dma_wait3A_212, %dma_wait3A_213] : memref<10240x128xf32, #tpu.memory_space<vmem_shared>> -> memref<10240x128xf32, #tpu.memory_space<vmem_shared>>
      tpu.wait_indirect_dma semaphore(%arg14 : memref<!tpu.dma_semaphore, #tpu.memory_space<semaphore_mem>>) src(%arg9 : memref<128x128xf32, #tpu.memory_space<vmem>>) dst(%dma_wait3A_214 : memref<10240x128xf32, #tpu.memory_space<vmem_shared>>)
      %dma_start3A_215 = arith.constant 8 : i32
      %dma_start3A_216 = arith.constant 0 : i32
      %dma_start3A_217 = tpu.memref_slice %arg7[%dma_start3A_215, %dma_start3A_216] : memref<16x128xi32, #tpu.memory_space<vmem>> -> memref<1x128xi32, #tpu.memory_space<vmem>>
      %dma_start3A_218 = tpu.memref_squeeze %dma_start3A_217 : memref<1x128xi32, #tpu.memory_space<vmem>> -> memref<128xi32, #tpu.memory_space<vmem>>
      %dma_start3A_219 = arith.constant 0 : i32
      %dma_start3A_220 = arith.constant 0 : i32
      %dma_start3A_221 = tpu.memref_slice %arg4[%dma_start3A_219, %dma_start3A_220] : memref<20000x128xf32, #tpu.memory_space<hbm>> -> memref<20000x128xf32, #tpu.memory_space<hbm>>
      tpu.enqueue_indirect_dma source(%dma_start3A_221 : memref<20000x128xf32, #tpu.memory_space<hbm>>) target(%arg9 : memref<128x128xf32, #tpu.memory_space<vmem>>) offsets(%dma_start3A_218 : memref<128xi32, #tpu.memory_space<vmem>>) semaphore(%arg12 : memref<!tpu.dma_semaphore, #tpu.memory_space<semaphore_mem>>)
      %dma_wait3A_222 = arith.constant 7 : i32
      %dma_wait3A_223 = arith.constant 0 : i32
      %dma_wait3A_224 = tpu.memref_slice %arg7[%dma_wait3A_222, %dma_wait3A_223] : memref<16x128xi32, #tpu.memory_space<vmem>> -> memref<1x128xi32, #tpu.memory_space<vmem>>
      %dma_wait3A_225 = tpu.memref_squeeze %dma_wait3A_224 : memref<1x128xi32, #tpu.memory_space<vmem>> -> memref<128xi32, #tpu.memory_space<vmem>>
      %dma_wait3A_226 = arith.constant 0 : i32
      %dma_wait3A_227 = arith.constant 0 : i32
      %dma_wait3A_228 = tpu.memref_slice %arg4[%dma_wait3A_226, %dma_wait3A_227] : memref<20000x128xf32, #tpu.memory_space<hbm>> -> memref<20000x128xf32, #tpu.memory_space<hbm>>
      tpu.wait_indirect_dma semaphore(%arg13 : memref<!tpu.dma_semaphore, #tpu.memory_space<semaphore_mem>>) src(%dma_wait3A_228 : memref<20000x128xf32, #tpu.memory_space<hbm>>) dst(%arg10 : memref<128x128xf32, #tpu.memory_space<vmem>>)
      %dma_start3A_229 = arith.constant 7 : i32
      %dma_start3A_230 = arith.constant 0 : i32
      %dma_start3A_231 = tpu.memref_slice %arg8[%dma_start3A_229, %dma_start3A_230] : memref<16x128xi32, #tpu.memory_space<vmem>> -> memref<1x128xi32, #tpu.memory_space<vmem>>
      %dma_start3A_232 = tpu.memref_squeeze %dma_start3A_231 : memref<1x128xi32, #tpu.memory_space<vmem>> -> memref<128xi32, #tpu.memory_space<vmem>>
      %dma_start3A_233 = arith.constant 0 : i32
      %dma_start3A_234 = arith.constant 0 : i32
      %dma_start3A_235 = tpu.memref_slice %arg11[%dma_start3A_233, %dma_start3A_234] : memref<10240x128xf32, #tpu.memory_space<vmem_shared>> -> memref<10240x128xf32, #tpu.memory_space<vmem_shared>>
      tpu.enqueue_indirect_dma source(%arg10 : memref<128x128xf32, #tpu.memory_space<vmem>>) target(%dma_start3A_235 : memref<10240x128xf32, #tpu.memory_space<vmem_shared>>) offsets(%dma_start3A_232 : memref<128xi32, #tpu.memory_space<vmem>>) semaphore(%arg15 : memref<!tpu.dma_semaphore, #tpu.memory_space<semaphore_mem>>) {add = true}
      %dma_wait3A_236 = arith.constant 7 : i32
      %dma_wait3A_237 = arith.constant 0 : i32
      %dma_wait3A_238 = tpu.memref_slice %arg8[%dma_wait3A_236, %dma_wait3A_237] : memref<16x128xi32, #tpu.memory_space<vmem>> -> memref<1x128xi32, #tpu.memory_space<vmem>>
      %dma_wait3A_239 = tpu.memref_squeeze %dma_wait3A_238 : memref<1x128xi32, #tpu.memory_space<vmem>> -> memref<128xi32, #tpu.memory_space<vmem>>
      %dma_wait3A_240 = arith.constant 0 : i32
      %dma_wait3A_241 = arith.constant 0 : i32
      %dma_wait3A_242 = tpu.memref_slice %arg11[%dma_wait3A_240, %dma_wait3A_241] : memref<10240x128xf32, #tpu.memory_space<vmem_shared>> -> memref<10240x128xf32, #tpu.memory_space<vmem_shared>>
      tpu.wait_indirect_dma semaphore(%arg15 : memref<!tpu.dma_semaphore, #tpu.memory_space<semaphore_mem>>) src(%arg10 : memref<128x128xf32, #tpu.memory_space<vmem>>) dst(%dma_wait3A_242 : memref<10240x128xf32, #tpu.memory_space<vmem_shared>>)
      %dma_start3A_243 = arith.constant 9 : i32
      %dma_start3A_244 = arith.constant 0 : i32
      %dma_start3A_245 = tpu.memref_slice %arg7[%dma_start3A_243, %dma_start3A_244] : memref<16x128xi32, #tpu.memory_space<vmem>> -> memref<1x128xi32, #tpu.memory_space<vmem>>
      %dma_start3A_246 = tpu.memref_squeeze %dma_start3A_245 : memref<1x128xi32, #tpu.memory_space<vmem>> -> memref<128xi32, #tpu.memory_space<vmem>>
      %dma_start3A_247 = arith.constant 0 : i32
      %dma_start3A_248 = arith.constant 0 : i32
      %dma_start3A_249 = tpu.memref_slice %arg4[%dma_start3A_247, %dma_start3A_248] : memref<20000x128xf32, #tpu.memory_space<hbm>> -> memref<20000x128xf32, #tpu.memory_space<hbm>>
      tpu.enqueue_indirect_dma source(%dma_start3A_249 : memref<20000x128xf32, #tpu.memory_space<hbm>>) target(%arg10 : memref<128x128xf32, #tpu.memory_space<vmem>>) offsets(%dma_start3A_246 : memref<128xi32, #tpu.memory_space<vmem>>) semaphore(%arg13 : memref<!tpu.dma_semaphore, #tpu.memory_space<semaphore_mem>>)
      %dma_wait3A_250 = arith.constant 8 : i32
      %dma_wait3A_251 = arith.constant 0 : i32
      %dma_wait3A_252 = tpu.memref_slice %arg7[%dma_wait3A_250, %dma_wait3A_251] : memref<16x128xi32, #tpu.memory_space<vmem>> -> memref<1x128xi32, #tpu.memory_space<vmem>>
      %dma_wait3A_253 = tpu.memref_squeeze %dma_wait3A_252 : memref<1x128xi32, #tpu.memory_space<vmem>> -> memref<128xi32, #tpu.memory_space<vmem>>
      %dma_wait3A_254 = arith.constant 0 : i32
      %dma_wait3A_255 = arith.constant 0 : i32
      %dma_wait3A_256 = tpu.memref_slice %arg4[%dma_wait3A_254, %dma_wait3A_255] : memref<20000x128xf32, #tpu.memory_space<hbm>> -> memref<20000x128xf32, #tpu.memory_space<hbm>>
      tpu.wait_indirect_dma semaphore(%arg12 : memref<!tpu.dma_semaphore, #tpu.memory_space<semaphore_mem>>) src(%dma_wait3A_256 : memref<20000x128xf32, #tpu.memory_space<hbm>>) dst(%arg9 : memref<128x128xf32, #tpu.memory_space<vmem>>)
      %dma_start3A_257 = arith.constant 8 : i32
      %dma_start3A_258 = arith.constant 0 : i32
      %dma_start3A_259 = tpu.memref_slice %arg8[%dma_start3A_257, %dma_start3A_258] : memref<16x128xi32, #tpu.memory_space<vmem>> -> memref<1x128xi32, #tpu.memory_space<vmem>>
      %dma_start3A_260 = tpu.memref_squeeze %dma_start3A_259 : memref<1x128xi32, #tpu.memory_space<vmem>> -> memref<128xi32, #tpu.memory_space<vmem>>
      %dma_start3A_261 = arith.constant 0 : i32
      %dma_start3A_262 = arith.constant 0 : i32
      %dma_start3A_263 = tpu.memref_slice %arg11[%dma_start3A_261, %dma_start3A_262] : memref<10240x128xf32, #tpu.memory_space<vmem_shared>> -> memref<10240x128xf32, #tpu.memory_space<vmem_shared>>
      tpu.enqueue_indirect_dma source(%arg9 : memref<128x128xf32, #tpu.memory_space<vmem>>) target(%dma_start3A_263 : memref<10240x128xf32, #tpu.memory_space<vmem_shared>>) offsets(%dma_start3A_260 : memref<128xi32, #tpu.memory_space<vmem>>) semaphore(%arg14 : memref<!tpu.dma_semaphore, #tpu.memory_space<semaphore_mem>>) {add = true}
      %dma_wait3A_264 = arith.constant 8 : i32
      %dma_wait3A_265 = arith.constant 0 : i32
      %dma_wait3A_266 = tpu.memref_slice %arg8[%dma_wait3A_264, %dma_wait3A_265] : memref<16x128xi32, #tpu.memory_space<vmem>> -> memref<1x128xi32, #tpu.memory_space<vmem>>
      %dma_wait3A_267 = tpu.memref_squeeze %dma_wait3A_266 : memref<1x128xi32, #tpu.memory_space<vmem>> -> memref<128xi32, #tpu.memory_space<vmem>>
      %dma_wait3A_268 = arith.constant 0 : i32
      %dma_wait3A_269 = arith.constant 0 : i32
      %dma_wait3A_270 = tpu.memref_slice %arg11[%dma_wait3A_268, %dma_wait3A_269] : memref<10240x128xf32, #tpu.memory_space<vmem_shared>> -> memref<10240x128xf32, #tpu.memory_space<vmem_shared>>
      tpu.wait_indirect_dma semaphore(%arg14 : memref<!tpu.dma_semaphore, #tpu.memory_space<semaphore_mem>>) src(%arg9 : memref<128x128xf32, #tpu.memory_space<vmem>>) dst(%dma_wait3A_270 : memref<10240x128xf32, #tpu.memory_space<vmem_shared>>)
      %dma_start3A_271 = arith.constant 10 : i32
      %dma_start3A_272 = arith.constant 0 : i32
      %dma_start3A_273 = tpu.memref_slice %arg7[%dma_start3A_271, %dma_start3A_272] : memref<16x128xi32, #tpu.memory_space<vmem>> -> memref<1x128xi32, #tpu.memory_space<vmem>>
      %dma_start3A_274 = tpu.memref_squeeze %dma_start3A_273 : memref<1x128xi32, #tpu.memory_space<vmem>> -> memref<128xi32, #tpu.memory_space<vmem>>
      %dma_start3A_275 = arith.constant 0 : i32
      %dma_start3A_276 = arith.constant 0 : i32
      %dma_start3A_277 = tpu.memref_slice %arg4[%dma_start3A_275, %dma_start3A_276] : memref<20000x128xf32, #tpu.memory_space<hbm>> -> memref<20000x128xf32, #tpu.memory_space<hbm>>
      tpu.enqueue_indirect_dma source(%dma_start3A_277 : memref<20000x128xf32, #tpu.memory_space<hbm>>) target(%arg9 : memref<128x128xf32, #tpu.memory_space<vmem>>) offsets(%dma_start3A_274 : memref<128xi32, #tpu.memory_space<vmem>>) semaphore(%arg12 : memref<!tpu.dma_semaphore, #tpu.memory_space<semaphore_mem>>)
      %dma_wait3A_278 = arith.constant 9 : i32
      %dma_wait3A_279 = arith.constant 0 : i32
      %dma_wait3A_280 = tpu.memref_slice %arg7[%dma_wait3A_278, %dma_wait3A_279] : memref<16x128xi32, #tpu.memory_space<vmem>> -> memref<1x128xi32, #tpu.memory_space<vmem>>
      %dma_wait3A_281 = tpu.memref_squeeze %dma_wait3A_280 : memref<1x128xi32, #tpu.memory_space<vmem>> -> memref<128xi32, #tpu.memory_space<vmem>>
      %dma_wait3A_282 = arith.constant 0 : i32
      %dma_wait3A_283 = arith.constant 0 : i32
      %dma_wait3A_284 = tpu.memref_slice %arg4[%dma_wait3A_282, %dma_wait3A_283] : memref<20000x128xf32, #tpu.memory_space<hbm>> -> memref<20000x128xf32, #tpu.memory_space<hbm>>
      tpu.wait_indirect_dma semaphore(%arg13 : memref<!tpu.dma_semaphore, #tpu.memory_space<semaphore_mem>>) src(%dma_wait3A_284 : memref<20000x128xf32, #tpu.memory_space<hbm>>) dst(%arg10 : memref<128x128xf32, #tpu.memory_space<vmem>>)
      %dma_start3A_285 = arith.constant 9 : i32
      %dma_start3A_286 = arith.constant 0 : i32
      %dma_start3A_287 = tpu.memref_slice %arg8[%dma_start3A_285, %dma_start3A_286] : memref<16x128xi32, #tpu.memory_space<vmem>> -> memref<1x128xi32, #tpu.memory_space<vmem>>
      %dma_start3A_288 = tpu.memref_squeeze %dma_start3A_287 : memref<1x128xi32, #tpu.memory_space<vmem>> -> memref<128xi32, #tpu.memory_space<vmem>>
      %dma_start3A_289 = arith.constant 0 : i32
      %dma_start3A_290 = arith.constant 0 : i32
      %dma_start3A_291 = tpu.memref_slice %arg11[%dma_start3A_289, %dma_start3A_290] : memref<10240x128xf32, #tpu.memory_space<vmem_shared>> -> memref<10240x128xf32, #tpu.memory_space<vmem_shared>>
      tpu.enqueue_indirect_dma source(%arg10 : memref<128x128xf32, #tpu.memory_space<vmem>>) target(%dma_start3A_291 : memref<10240x128xf32, #tpu.memory_space<vmem_shared>>) offsets(%dma_start3A_288 : memref<128xi32, #tpu.memory_space<vmem>>) semaphore(%arg15 : memref<!tpu.dma_semaphore, #tpu.memory_space<semaphore_mem>>) {add = true}
      %dma_wait3A_292 = arith.constant 9 : i32
      %dma_wait3A_293 = arith.constant 0 : i32
      %dma_wait3A_294 = tpu.memref_slice %arg8[%dma_wait3A_292, %dma_wait3A_293] : memref<16x128xi32, #tpu.memory_space<vmem>> -> memref<1x128xi32, #tpu.memory_space<vmem>>
      %dma_wait3A_295 = tpu.memref_squeeze %dma_wait3A_294 : memref<1x128xi32, #tpu.memory_space<vmem>> -> memref<128xi32, #tpu.memory_space<vmem>>
      %dma_wait3A_296 = arith.constant 0 : i32
      %dma_wait3A_297 = arith.constant 0 : i32
      %dma_wait3A_298 = tpu.memref_slice %arg11[%dma_wait3A_296, %dma_wait3A_297] : memref<10240x128xf32, #tpu.memory_space<vmem_shared>> -> memref<10240x128xf32, #tpu.memory_space<vmem_shared>>
      tpu.wait_indirect_dma semaphore(%arg15 : memref<!tpu.dma_semaphore, #tpu.memory_space<semaphore_mem>>) src(%arg10 : memref<128x128xf32, #tpu.memory_space<vmem>>) dst(%dma_wait3A_298 : memref<10240x128xf32, #tpu.memory_space<vmem_shared>>)
      %dma_start3A_299 = arith.constant 11 : i32
      %dma_start3A_300 = arith.constant 0 : i32
      %dma_start3A_301 = tpu.memref_slice %arg7[%dma_start3A_299, %dma_start3A_300] : memref<16x128xi32, #tpu.memory_space<vmem>> -> memref<1x128xi32, #tpu.memory_space<vmem>>
      %dma_start3A_302 = tpu.memref_squeeze %dma_start3A_301 : memref<1x128xi32, #tpu.memory_space<vmem>> -> memref<128xi32, #tpu.memory_space<vmem>>
      %dma_start3A_303 = arith.constant 0 : i32
      %dma_start3A_304 = arith.constant 0 : i32
      %dma_start3A_305 = tpu.memref_slice %arg4[%dma_start3A_303, %dma_start3A_304] : memref<20000x128xf32, #tpu.memory_space<hbm>> -> memref<20000x128xf32, #tpu.memory_space<hbm>>
      tpu.enqueue_indirect_dma source(%dma_start3A_305 : memref<20000x128xf32, #tpu.memory_space<hbm>>) target(%arg10 : memref<128x128xf32, #tpu.memory_space<vmem>>) offsets(%dma_start3A_302 : memref<128xi32, #tpu.memory_space<vmem>>) semaphore(%arg13 : memref<!tpu.dma_semaphore, #tpu.memory_space<semaphore_mem>>)
      %dma_wait3A_306 = arith.constant 10 : i32
      %dma_wait3A_307 = arith.constant 0 : i32
      %dma_wait3A_308 = tpu.memref_slice %arg7[%dma_wait3A_306, %dma_wait3A_307] : memref<16x128xi32, #tpu.memory_space<vmem>> -> memref<1x128xi32, #tpu.memory_space<vmem>>
      %dma_wait3A_309 = tpu.memref_squeeze %dma_wait3A_308 : memref<1x128xi32, #tpu.memory_space<vmem>> -> memref<128xi32, #tpu.memory_space<vmem>>
      %dma_wait3A_310 = arith.constant 0 : i32
      %dma_wait3A_311 = arith.constant 0 : i32
      %dma_wait3A_312 = tpu.memref_slice %arg4[%dma_wait3A_310, %dma_wait3A_311] : memref<20000x128xf32, #tpu.memory_space<hbm>> -> memref<20000x128xf32, #tpu.memory_space<hbm>>
      tpu.wait_indirect_dma semaphore(%arg12 : memref<!tpu.dma_semaphore, #tpu.memory_space<semaphore_mem>>) src(%dma_wait3A_312 : memref<20000x128xf32, #tpu.memory_space<hbm>>) dst(%arg9 : memref<128x128xf32, #tpu.memory_space<vmem>>)
      %dma_start3A_313 = arith.constant 10 : i32
      %dma_start3A_314 = arith.constant 0 : i32
      %dma_start3A_315 = tpu.memref_slice %arg8[%dma_start3A_313, %dma_start3A_314] : memref<16x128xi32, #tpu.memory_space<vmem>> -> memref<1x128xi32, #tpu.memory_space<vmem>>
      %dma_start3A_316 = tpu.memref_squeeze %dma_start3A_315 : memref<1x128xi32, #tpu.memory_space<vmem>> -> memref<128xi32, #tpu.memory_space<vmem>>
      %dma_start3A_317 = arith.constant 0 : i32
      %dma_start3A_318 = arith.constant 0 : i32
      %dma_start3A_319 = tpu.memref_slice %arg11[%dma_start3A_317, %dma_start3A_318] : memref<10240x128xf32, #tpu.memory_space<vmem_shared>> -> memref<10240x128xf32, #tpu.memory_space<vmem_shared>>
      tpu.enqueue_indirect_dma source(%arg9 : memref<128x128xf32, #tpu.memory_space<vmem>>) target(%dma_start3A_319 : memref<10240x128xf32, #tpu.memory_space<vmem_shared>>) offsets(%dma_start3A_316 : memref<128xi32, #tpu.memory_space<vmem>>) semaphore(%arg14 : memref<!tpu.dma_semaphore, #tpu.memory_space<semaphore_mem>>) {add = true}
      %dma_wait3A_320 = arith.constant 10 : i32
      %dma_wait3A_321 = arith.constant 0 : i32
      %dma_wait3A_322 = tpu.memref_slice %arg8[%dma_wait3A_320, %dma_wait3A_321] : memref<16x128xi32, #tpu.memory_space<vmem>> -> memref<1x128xi32, #tpu.memory_space<vmem>>
      %dma_wait3A_323 = tpu.memref_squeeze %dma_wait3A_322 : memref<1x128xi32, #tpu.memory_space<vmem>> -> memref<128xi32, #tpu.memory_space<vmem>>
      %dma_wait3A_324 = arith.constant 0 : i32
      %dma_wait3A_325 = arith.constant 0 : i32
      %dma_wait3A_326 = tpu.memref_slice %arg11[%dma_wait3A_324, %dma_wait3A_325] : memref<10240x128xf32, #tpu.memory_space<vmem_shared>> -> memref<10240x128xf32, #tpu.memory_space<vmem_shared>>
      tpu.wait_indirect_dma semaphore(%arg14 : memref<!tpu.dma_semaphore, #tpu.memory_space<semaphore_mem>>) src(%arg9 : memref<128x128xf32, #tpu.memory_space<vmem>>) dst(%dma_wait3A_326 : memref<10240x128xf32, #tpu.memory_space<vmem_shared>>)
      %dma_start3A_327 = arith.constant 12 : i32
      %dma_start3A_328 = arith.constant 0 : i32
      %dma_start3A_329 = tpu.memref_slice %arg7[%dma_start3A_327, %dma_start3A_328] : memref<16x128xi32, #tpu.memory_space<vmem>> -> memref<1x128xi32, #tpu.memory_space<vmem>>
      %dma_start3A_330 = tpu.memref_squeeze %dma_start3A_329 : memref<1x128xi32, #tpu.memory_space<vmem>> -> memref<128xi32, #tpu.memory_space<vmem>>
      %dma_start3A_331 = arith.constant 0 : i32
      %dma_start3A_332 = arith.constant 0 : i32
      %dma_start3A_333 = tpu.memref_slice %arg4[%dma_start3A_331, %dma_start3A_332] : memref<20000x128xf32, #tpu.memory_space<hbm>> -> memref<20000x128xf32, #tpu.memory_space<hbm>>
      tpu.enqueue_indirect_dma source(%dma_start3A_333 : memref<20000x128xf32, #tpu.memory_space<hbm>>) target(%arg9 : memref<128x128xf32, #tpu.memory_space<vmem>>) offsets(%dma_start3A_330 : memref<128xi32, #tpu.memory_space<vmem>>) semaphore(%arg12 : memref<!tpu.dma_semaphore, #tpu.memory_space<semaphore_mem>>)
      %dma_wait3A_334 = arith.constant 11 : i32
      %dma_wait3A_335 = arith.constant 0 : i32
      %dma_wait3A_336 = tpu.memref_slice %arg7[%dma_wait3A_334, %dma_wait3A_335] : memref<16x128xi32, #tpu.memory_space<vmem>> -> memref<1x128xi32, #tpu.memory_space<vmem>>
      %dma_wait3A_337 = tpu.memref_squeeze %dma_wait3A_336 : memref<1x128xi32, #tpu.memory_space<vmem>> -> memref<128xi32, #tpu.memory_space<vmem>>
      %dma_wait3A_338 = arith.constant 0 : i32
      %dma_wait3A_339 = arith.constant 0 : i32
      %dma_wait3A_340 = tpu.memref_slice %arg4[%dma_wait3A_338, %dma_wait3A_339] : memref<20000x128xf32, #tpu.memory_space<hbm>> -> memref<20000x128xf32, #tpu.memory_space<hbm>>
      tpu.wait_indirect_dma semaphore(%arg13 : memref<!tpu.dma_semaphore, #tpu.memory_space<semaphore_mem>>) src(%dma_wait3A_340 : memref<20000x128xf32, #tpu.memory_space<hbm>>) dst(%arg10 : memref<128x128xf32, #tpu.memory_space<vmem>>)
      %dma_start3A_341 = arith.constant 11 : i32
      %dma_start3A_342 = arith.constant 0 : i32
      %dma_start3A_343 = tpu.memref_slice %arg8[%dma_start3A_341, %dma_start3A_342] : memref<16x128xi32, #tpu.memory_space<vmem>> -> memref<1x128xi32, #tpu.memory_space<vmem>>
      %dma_start3A_344 = tpu.memref_squeeze %dma_start3A_343 : memref<1x128xi32, #tpu.memory_space<vmem>> -> memref<128xi32, #tpu.memory_space<vmem>>
      %dma_start3A_345 = arith.constant 0 : i32
      %dma_start3A_346 = arith.constant 0 : i32
      %dma_start3A_347 = tpu.memref_slice %arg11[%dma_start3A_345, %dma_start3A_346] : memref<10240x128xf32, #tpu.memory_space<vmem_shared>> -> memref<10240x128xf32, #tpu.memory_space<vmem_shared>>
      tpu.enqueue_indirect_dma source(%arg10 : memref<128x128xf32, #tpu.memory_space<vmem>>) target(%dma_start3A_347 : memref<10240x128xf32, #tpu.memory_space<vmem_shared>>) offsets(%dma_start3A_344 : memref<128xi32, #tpu.memory_space<vmem>>) semaphore(%arg15 : memref<!tpu.dma_semaphore, #tpu.memory_space<semaphore_mem>>) {add = true}
      %dma_wait3A_348 = arith.constant 11 : i32
      %dma_wait3A_349 = arith.constant 0 : i32
      %dma_wait3A_350 = tpu.memref_slice %arg8[%dma_wait3A_348, %dma_wait3A_349] : memref<16x128xi32, #tpu.memory_space<vmem>> -> memref<1x128xi32, #tpu.memory_space<vmem>>
      %dma_wait3A_351 = tpu.memref_squeeze %dma_wait3A_350 : memref<1x128xi32, #tpu.memory_space<vmem>> -> memref<128xi32, #tpu.memory_space<vmem>>
      %dma_wait3A_352 = arith.constant 0 : i32
      %dma_wait3A_353 = arith.constant 0 : i32
      %dma_wait3A_354 = tpu.memref_slice %arg11[%dma_wait3A_352, %dma_wait3A_353] : memref<10240x128xf32, #tpu.memory_space<vmem_shared>> -> memref<10240x128xf32, #tpu.memory_space<vmem_shared>>
      tpu.wait_indirect_dma semaphore(%arg15 : memref<!tpu.dma_semaphore, #tpu.memory_space<semaphore_mem>>) src(%arg10 : memref<128x128xf32, #tpu.memory_space<vmem>>) dst(%dma_wait3A_354 : memref<10240x128xf32, #tpu.memory_space<vmem_shared>>)
      %dma_start3A_355 = arith.constant 13 : i32
      %dma_start3A_356 = arith.constant 0 : i32
      %dma_start3A_357 = tpu.memref_slice %arg7[%dma_start3A_355, %dma_start3A_356] : memref<16x128xi32, #tpu.memory_space<vmem>> -> memref<1x128xi32, #tpu.memory_space<vmem>>
      %dma_start3A_358 = tpu.memref_squeeze %dma_start3A_357 : memref<1x128xi32, #tpu.memory_space<vmem>> -> memref<128xi32, #tpu.memory_space<vmem>>
      %dma_start3A_359 = arith.constant 0 : i32
      %dma_start3A_360 = arith.constant 0 : i32
      %dma_start3A_361 = tpu.memref_slice %arg4[%dma_start3A_359, %dma_start3A_360] : memref<20000x128xf32, #tpu.memory_space<hbm>> -> memref<20000x128xf32, #tpu.memory_space<hbm>>
      tpu.enqueue_indirect_dma source(%dma_start3A_361 : memref<20000x128xf32, #tpu.memory_space<hbm>>) target(%arg10 : memref<128x128xf32, #tpu.memory_space<vmem>>) offsets(%dma_start3A_358 : memref<128xi32, #tpu.memory_space<vmem>>) semaphore(%arg13 : memref<!tpu.dma_semaphore, #tpu.memory_space<semaphore_mem>>)
      %dma_wait3A_362 = arith.constant 12 : i32
      %dma_wait3A_363 = arith.constant 0 : i32
      %dma_wait3A_364 = tpu.memref_slice %arg7[%dma_wait3A_362, %dma_wait3A_363] : memref<16x128xi32, #tpu.memory_space<vmem>> -> memref<1x128xi32, #tpu.memory_space<vmem>>
      %dma_wait3A_365 = tpu.memref_squeeze %dma_wait3A_364 : memref<1x128xi32, #tpu.memory_space<vmem>> -> memref<128xi32, #tpu.memory_space<vmem>>
      %dma_wait3A_366 = arith.constant 0 : i32
      %dma_wait3A_367 = arith.constant 0 : i32
      %dma_wait3A_368 = tpu.memref_slice %arg4[%dma_wait3A_366, %dma_wait3A_367] : memref<20000x128xf32, #tpu.memory_space<hbm>> -> memref<20000x128xf32, #tpu.memory_space<hbm>>
      tpu.wait_indirect_dma semaphore(%arg12 : memref<!tpu.dma_semaphore, #tpu.memory_space<semaphore_mem>>) src(%dma_wait3A_368 : memref<20000x128xf32, #tpu.memory_space<hbm>>) dst(%arg9 : memref<128x128xf32, #tpu.memory_space<vmem>>)
      %dma_start3A_369 = arith.constant 12 : i32
      %dma_start3A_370 = arith.constant 0 : i32
      %dma_start3A_371 = tpu.memref_slice %arg8[%dma_start3A_369, %dma_start3A_370] : memref<16x128xi32, #tpu.memory_space<vmem>> -> memref<1x128xi32, #tpu.memory_space<vmem>>
      %dma_start3A_372 = tpu.memref_squeeze %dma_start3A_371 : memref<1x128xi32, #tpu.memory_space<vmem>> -> memref<128xi32, #tpu.memory_space<vmem>>
      %dma_start3A_373 = arith.constant 0 : i32
      %dma_start3A_374 = arith.constant 0 : i32
      %dma_start3A_375 = tpu.memref_slice %arg11[%dma_start3A_373, %dma_start3A_374] : memref<10240x128xf32, #tpu.memory_space<vmem_shared>> -> memref<10240x128xf32, #tpu.memory_space<vmem_shared>>
      tpu.enqueue_indirect_dma source(%arg9 : memref<128x128xf32, #tpu.memory_space<vmem>>) target(%dma_start3A_375 : memref<10240x128xf32, #tpu.memory_space<vmem_shared>>) offsets(%dma_start3A_372 : memref<128xi32, #tpu.memory_space<vmem>>) semaphore(%arg14 : memref<!tpu.dma_semaphore, #tpu.memory_space<semaphore_mem>>) {add = true}
      %dma_wait3A_376 = arith.constant 12 : i32
      %dma_wait3A_377 = arith.constant 0 : i32
      %dma_wait3A_378 = tpu.memref_slice %arg8[%dma_wait3A_376, %dma_wait3A_377] : memref<16x128xi32, #tpu.memory_space<vmem>> -> memref<1x128xi32, #tpu.memory_space<vmem>>
      %dma_wait3A_379 = tpu.memref_squeeze %dma_wait3A_378 : memref<1x128xi32, #tpu.memory_space<vmem>> -> memref<128xi32, #tpu.memory_space<vmem>>
      %dma_wait3A_380 = arith.constant 0 : i32
      %dma_wait3A_381 = arith.constant 0 : i32
      %dma_wait3A_382 = tpu.memref_slice %arg11[%dma_wait3A_380, %dma_wait3A_381] : memref<10240x128xf32, #tpu.memory_space<vmem_shared>> -> memref<10240x128xf32, #tpu.memory_space<vmem_shared>>
      tpu.wait_indirect_dma semaphore(%arg14 : memref<!tpu.dma_semaphore, #tpu.memory_space<semaphore_mem>>) src(%arg9 : memref<128x128xf32, #tpu.memory_space<vmem>>) dst(%dma_wait3A_382 : memref<10240x128xf32, #tpu.memory_space<vmem_shared>>)
      %dma_start3A_383 = arith.constant 14 : i32
      %dma_start3A_384 = arith.constant 0 : i32
      %dma_start3A_385 = tpu.memref_slice %arg7[%dma_start3A_383, %dma_start3A_384] : memref<16x128xi32, #tpu.memory_space<vmem>> -> memref<1x128xi32, #tpu.memory_space<vmem>>
      %dma_start3A_386 = tpu.memref_squeeze %dma_start3A_385 : memref<1x128xi32, #tpu.memory_space<vmem>> -> memref<128xi32, #tpu.memory_space<vmem>>
      %dma_start3A_387 = arith.constant 0 : i32
      %dma_start3A_388 = arith.constant 0 : i32
      %dma_start3A_389 = tpu.memref_slice %arg4[%dma_start3A_387, %dma_start3A_388] : memref<20000x128xf32, #tpu.memory_space<hbm>> -> memref<20000x128xf32, #tpu.memory_space<hbm>>
      tpu.enqueue_indirect_dma source(%dma_start3A_389 : memref<20000x128xf32, #tpu.memory_space<hbm>>) target(%arg9 : memref<128x128xf32, #tpu.memory_space<vmem>>) offsets(%dma_start3A_386 : memref<128xi32, #tpu.memory_space<vmem>>) semaphore(%arg12 : memref<!tpu.dma_semaphore, #tpu.memory_space<semaphore_mem>>)
      %dma_wait3A_390 = arith.constant 13 : i32
      %dma_wait3A_391 = arith.constant 0 : i32
      %dma_wait3A_392 = tpu.memref_slice %arg7[%dma_wait3A_390, %dma_wait3A_391] : memref<16x128xi32, #tpu.memory_space<vmem>> -> memref<1x128xi32, #tpu.memory_space<vmem>>
      %dma_wait3A_393 = tpu.memref_squeeze %dma_wait3A_392 : memref<1x128xi32, #tpu.memory_space<vmem>> -> memref<128xi32, #tpu.memory_space<vmem>>
      %dma_wait3A_394 = arith.constant 0 : i32
      %dma_wait3A_395 = arith.constant 0 : i32
      %dma_wait3A_396 = tpu.memref_slice %arg4[%dma_wait3A_394, %dma_wait3A_395] : memref<20000x128xf32, #tpu.memory_space<hbm>> -> memref<20000x128xf32, #tpu.memory_space<hbm>>
      tpu.wait_indirect_dma semaphore(%arg13 : memref<!tpu.dma_semaphore, #tpu.memory_space<semaphore_mem>>) src(%dma_wait3A_396 : memref<20000x128xf32, #tpu.memory_space<hbm>>) dst(%arg10 : memref<128x128xf32, #tpu.memory_space<vmem>>)
      %dma_start3A_397 = arith.constant 13 : i32
      %dma_start3A_398 = arith.constant 0 : i32
      %dma_start3A_399 = tpu.memref_slice %arg8[%dma_start3A_397, %dma_start3A_398] : memref<16x128xi32, #tpu.memory_space<vmem>> -> memref<1x128xi32, #tpu.memory_space<vmem>>
      %dma_start3A_400 = tpu.memref_squeeze %dma_start3A_399 : memref<1x128xi32, #tpu.memory_space<vmem>> -> memref<128xi32, #tpu.memory_space<vmem>>
      %dma_start3A_401 = arith.constant 0 : i32
      %dma_start3A_402 = arith.constant 0 : i32
      %dma_start3A_403 = tpu.memref_slice %arg11[%dma_start3A_401, %dma_start3A_402] : memref<10240x128xf32, #tpu.memory_space<vmem_shared>> -> memref<10240x128xf32, #tpu.memory_space<vmem_shared>>
      tpu.enqueue_indirect_dma source(%arg10 : memref<128x128xf32, #tpu.memory_space<vmem>>) target(%dma_start3A_403 : memref<10240x128xf32, #tpu.memory_space<vmem_shared>>) offsets(%dma_start3A_400 : memref<128xi32, #tpu.memory_space<vmem>>) semaphore(%arg15 : memref<!tpu.dma_semaphore, #tpu.memory_space<semaphore_mem>>) {add = true}
      %dma_wait3A_404 = arith.constant 13 : i32
      %dma_wait3A_405 = arith.constant 0 : i32
      %dma_wait3A_406 = tpu.memref_slice %arg8[%dma_wait3A_404, %dma_wait3A_405] : memref<16x128xi32, #tpu.memory_space<vmem>> -> memref<1x128xi32, #tpu.memory_space<vmem>>
      %dma_wait3A_407 = tpu.memref_squeeze %dma_wait3A_406 : memref<1x128xi32, #tpu.memory_space<vmem>> -> memref<128xi32, #tpu.memory_space<vmem>>
      %dma_wait3A_408 = arith.constant 0 : i32
      %dma_wait3A_409 = arith.constant 0 : i32
      %dma_wait3A_410 = tpu.memref_slice %arg11[%dma_wait3A_408, %dma_wait3A_409] : memref<10240x128xf32, #tpu.memory_space<vmem_shared>> -> memref<10240x128xf32, #tpu.memory_space<vmem_shared>>
      tpu.wait_indirect_dma semaphore(%arg15 : memref<!tpu.dma_semaphore, #tpu.memory_space<semaphore_mem>>) src(%arg10 : memref<128x128xf32, #tpu.memory_space<vmem>>) dst(%dma_wait3A_410 : memref<10240x128xf32, #tpu.memory_space<vmem_shared>>)
      %dma_start3A_411 = arith.constant 15 : i32
      %dma_start3A_412 = arith.constant 0 : i32
      %dma_start3A_413 = tpu.memref_slice %arg7[%dma_start3A_411, %dma_start3A_412] : memref<16x128xi32, #tpu.memory_space<vmem>> -> memref<1x128xi32, #tpu.memory_space<vmem>>
      %dma_start3A_414 = tpu.memref_squeeze %dma_start3A_413 : memref<1x128xi32, #tpu.memory_space<vmem>> -> memref<128xi32, #tpu.memory_space<vmem>>
      %dma_start3A_415 = arith.constant 0 : i32
      %dma_start3A_416 = arith.constant 0 : i32
      %dma_start3A_417 = tpu.memref_slice %arg4[%dma_start3A_415, %dma_start3A_416] : memref<20000x128xf32, #tpu.memory_space<hbm>> -> memref<20000x128xf32, #tpu.memory_space<hbm>>
      tpu.enqueue_indirect_dma source(%dma_start3A_417 : memref<20000x128xf32, #tpu.memory_space<hbm>>) target(%arg10 : memref<128x128xf32, #tpu.memory_space<vmem>>) offsets(%dma_start3A_414 : memref<128xi32, #tpu.memory_space<vmem>>) semaphore(%arg13 : memref<!tpu.dma_semaphore, #tpu.memory_space<semaphore_mem>>)
      %dma_wait3A_418 = arith.constant 14 : i32
      %dma_wait3A_419 = arith.constant 0 : i32
      %dma_wait3A_420 = tpu.memref_slice %arg7[%dma_wait3A_418, %dma_wait3A_419] : memref<16x128xi32, #tpu.memory_space<vmem>> -> memref<1x128xi32, #tpu.memory_space<vmem>>
      %dma_wait3A_421 = tpu.memref_squeeze %dma_wait3A_420 : memref<1x128xi32, #tpu.memory_space<vmem>> -> memref<128xi32, #tpu.memory_space<vmem>>
      %dma_wait3A_422 = arith.constant 0 : i32
      %dma_wait3A_423 = arith.constant 0 : i32
      %dma_wait3A_424 = tpu.memref_slice %arg4[%dma_wait3A_422, %dma_wait3A_423] : memref<20000x128xf32, #tpu.memory_space<hbm>> -> memref<20000x128xf32, #tpu.memory_space<hbm>>
      tpu.wait_indirect_dma semaphore(%arg12 : memref<!tpu.dma_semaphore, #tpu.memory_space<semaphore_mem>>) src(%dma_wait3A_424 : memref<20000x128xf32, #tpu.memory_space<hbm>>) dst(%arg9 : memref<128x128xf32, #tpu.memory_space<vmem>>)
      %dma_start3A_425 = arith.constant 14 : i32
      %dma_start3A_426 = arith.constant 0 : i32
      %dma_start3A_427 = tpu.memref_slice %arg8[%dma_start3A_425, %dma_start3A_426] : memref<16x128xi32, #tpu.memory_space<vmem>> -> memref<1x128xi32, #tpu.memory_space<vmem>>
      %dma_start3A_428 = tpu.memref_squeeze %dma_start3A_427 : memref<1x128xi32, #tpu.memory_space<vmem>> -> memref<128xi32, #tpu.memory_space<vmem>>
      %dma_start3A_429 = arith.constant 0 : i32
      %dma_start3A_430 = arith.constant 0 : i32
      %dma_start3A_431 = tpu.memref_slice %arg11[%dma_start3A_429, %dma_start3A_430] : memref<10240x128xf32, #tpu.memory_space<vmem_shared>> -> memref<10240x128xf32, #tpu.memory_space<vmem_shared>>
      tpu.enqueue_indirect_dma source(%arg9 : memref<128x128xf32, #tpu.memory_space<vmem>>) target(%dma_start3A_431 : memref<10240x128xf32, #tpu.memory_space<vmem_shared>>) offsets(%dma_start3A_428 : memref<128xi32, #tpu.memory_space<vmem>>) semaphore(%arg14 : memref<!tpu.dma_semaphore, #tpu.memory_space<semaphore_mem>>) {add = true}
      %dma_wait3A_432 = arith.constant 15 : i32
      %dma_wait3A_433 = arith.constant 0 : i32
      %dma_wait3A_434 = tpu.memref_slice %arg7[%dma_wait3A_432, %dma_wait3A_433] : memref<16x128xi32, #tpu.memory_space<vmem>> -> memref<1x128xi32, #tpu.memory_space<vmem>>
      %dma_wait3A_435 = tpu.memref_squeeze %dma_wait3A_434 : memref<1x128xi32, #tpu.memory_space<vmem>> -> memref<128xi32, #tpu.memory_space<vmem>>
      %dma_wait3A_436 = arith.constant 0 : i32
      %dma_wait3A_437 = arith.constant 0 : i32
      %dma_wait3A_438 = tpu.memref_slice %arg4[%dma_wait3A_436, %dma_wait3A_437] : memref<20000x128xf32, #tpu.memory_space<hbm>> -> memref<20000x128xf32, #tpu.memory_space<hbm>>
      tpu.wait_indirect_dma semaphore(%arg13 : memref<!tpu.dma_semaphore, #tpu.memory_space<semaphore_mem>>) src(%dma_wait3A_438 : memref<20000x128xf32, #tpu.memory_space<hbm>>) dst(%arg10 : memref<128x128xf32, #tpu.memory_space<vmem>>)
      %dma_start3A_439 = arith.constant 15 : i32
      %dma_start3A_440 = arith.constant 0 : i32
      %dma_start3A_441 = tpu.memref_slice %arg8[%dma_start3A_439, %dma_start3A_440] : memref<16x128xi32, #tpu.memory_space<vmem>> -> memref<1x128xi32, #tpu.memory_space<vmem>>
      %dma_start3A_442 = tpu.memref_squeeze %dma_start3A_441 : memref<1x128xi32, #tpu.memory_space<vmem>> -> memref<128xi32, #tpu.memory_space<vmem>>
      %dma_start3A_443 = arith.constant 0 : i32
      %dma_start3A_444 = arith.constant 0 : i32
      %dma_start3A_445 = tpu.memref_slice %arg11[%dma_start3A_443, %dma_start3A_444] : memref<10240x128xf32, #tpu.memory_space<vmem_shared>> -> memref<10240x128xf32, #tpu.memory_space<vmem_shared>>
      tpu.enqueue_indirect_dma source(%arg10 : memref<128x128xf32, #tpu.memory_space<vmem>>) target(%dma_start3A_445 : memref<10240x128xf32, #tpu.memory_space<vmem_shared>>) offsets(%dma_start3A_442 : memref<128xi32, #tpu.memory_space<vmem>>) semaphore(%arg15 : memref<!tpu.dma_semaphore, #tpu.memory_space<semaphore_mem>>) {add = true}
      %dma_wait3A_446 = arith.constant 14 : i32
      %dma_wait3A_447 = arith.constant 0 : i32
      %dma_wait3A_448 = tpu.memref_slice %arg8[%dma_wait3A_446, %dma_wait3A_447] : memref<16x128xi32, #tpu.memory_space<vmem>> -> memref<1x128xi32, #tpu.memory_space<vmem>>
      %dma_wait3A_449 = tpu.memref_squeeze %dma_wait3A_448 : memref<1x128xi32, #tpu.memory_space<vmem>> -> memref<128xi32, #tpu.memory_space<vmem>>
      %dma_wait3A_450 = arith.constant 0 : i32
      %dma_wait3A_451 = arith.constant 0 : i32
      %dma_wait3A_452 = tpu.memref_slice %arg11[%dma_wait3A_450, %dma_wait3A_451] : memref<10240x128xf32, #tpu.memory_space<vmem_shared>> -> memref<10240x128xf32, #tpu.memory_space<vmem_shared>>
      tpu.wait_indirect_dma semaphore(%arg14 : memref<!tpu.dma_semaphore, #tpu.memory_space<semaphore_mem>>) src(%arg9 : memref<128x128xf32, #tpu.memory_space<vmem>>) dst(%dma_wait3A_452 : memref<10240x128xf32, #tpu.memory_space<vmem_shared>>)
      %dma_wait3A_453 = arith.constant 15 : i32
      %dma_wait3A_454 = arith.constant 0 : i32
      %dma_wait3A_455 = tpu.memref_slice %arg8[%dma_wait3A_453, %dma_wait3A_454] : memref<16x128xi32, #tpu.memory_space<vmem>> -> memref<1x128xi32, #tpu.memory_space<vmem>>
      %dma_wait3A_456 = tpu.memref_squeeze %dma_wait3A_455 : memref<1x128xi32, #tpu.memory_space<vmem>> -> memref<128xi32, #tpu.memory_space<vmem>>
      %dma_wait3A_457 = arith.constant 0 : i32
      %dma_wait3A_458 = arith.constant 0 : i32
      %dma_wait3A_459 = tpu.memref_slice %arg11[%dma_wait3A_457, %dma_wait3A_458] : memref<10240x128xf32, #tpu.memory_space<vmem_shared>> -> memref<10240x128xf32, #tpu.memory_space<vmem_shared>>
      tpu.wait_indirect_dma semaphore(%arg15 : memref<!tpu.dma_semaphore, #tpu.memory_space<semaphore_mem>>) src(%arg10 : memref<128x128xf32, #tpu.memory_space<vmem>>) dst(%dma_wait3A_459 : memref<10240x128xf32, #tpu.memory_space<vmem_shared>>)
    }
    %scan3A_7 = arith.constant 10 : i32
    %barrier3A_8 = arith.constant 0 : index
    tpu.barrier barrier_id(%barrier3A_8)
    %mul3A_9 = arith.constant 640 : i32
    %mul3A_10 = arith.muli %arg1, %mul3A_9 : i32
    %mul3A_11 = arith.constant 640 : i32
    %mul3A_12 = arith.muli %arg1, %mul3A_11 : i32
    "tpu.region"() ({
      %run_scoped3A = tpu.sem_alloc : memref<!tpu.dma_semaphore, #tpu.memory_space<semaphore_mem>>
      %dma_start3A = arith.constant 0 : i32
      %dma_start3A_13 = tpu.memref_slice %arg6[%arg0, %mul3A_12, %dma_start3A] : memref<2x10240x128xf32, #tpu.memory_space<hbm>> -> memref<1x640x128xf32, #tpu.memory_space<hbm>>
      %dma_start3A_14 = tpu.memref_squeeze %dma_start3A_13 : memref<1x640x128xf32, #tpu.memory_space<hbm>> -> memref<640x128xf32, #tpu.memory_space<hbm>>
      %dma_start3A_15 = arith.constant 0 : i32
      %dma_start3A_16 = tpu.memref_slice %arg11[%mul3A_10, %dma_start3A_15] : memref<10240x128xf32, #tpu.memory_space<vmem_shared>> -> memref<640x128xf32, #tpu.memory_space<vmem_shared>>
      tpu.enqueue_dma source(%dma_start3A_16 : memref<640x128xf32, #tpu.memory_space<vmem_shared>>) target(%dma_start3A_14 : memref<640x128xf32, #tpu.memory_space<hbm>>) target_semaphore(%run_scoped3A : memref<!tpu.dma_semaphore, #tpu.memory_space<semaphore_mem>>)
      %dma_wait3A = arith.constant 0 : i32
      %dma_wait3A_17 = tpu.memref_slice %arg6[%arg0, %mul3A_12, %dma_wait3A] : memref<2x10240x128xf32, #tpu.memory_space<hbm>> -> memref<1x640x128xf32, #tpu.memory_space<hbm>>
      %dma_wait3A_18 = tpu.memref_squeeze %dma_wait3A_17 : memref<1x640x128xf32, #tpu.memory_space<hbm>> -> memref<640x128xf32, #tpu.memory_space<hbm>>
      %dma_wait3A_19 = arith.constant 0 : i32
      %dma_wait3A_20 = tpu.memref_slice %arg11[%mul3A_10, %dma_wait3A_19] : memref<10240x128xf32, #tpu.memory_space<vmem_shared>> -> memref<640x128xf32, #tpu.memory_space<vmem_shared>>
      tpu.wait_dma2 semaphore(%run_scoped3A : memref<!tpu.dma_semaphore, #tpu.memory_space<semaphore_mem>>) src(%dma_wait3A_20 : memref<640x128xf32, #tpu.memory_space<vmem_shared>>) dst(%dma_wait3A_18 : memref<640x128xf32, #tpu.memory_space<hbm>>)
      tpu.yield
    }) : () -> ()
    return
  }
}

module attributes {stable_mosaic.version = 14 : i64} {
  func.func @_pre_body(%arg0: i32, %arg1: i32, %arg2: memref<1x1000x256xf32, #tpu.memory_space<vmem>>, %arg3: memref<1x1000x128xf32, #tpu.memory_space<vmem>>, %arg4: memref<256x128xf32, #tpu.memory_space<vmem>>, %arg5: memref<1x128xf32, #tpu.memory_space<vmem>>, %arg6: memref<128x128xf32, #tpu.memory_space<vmem>>, %arg7: memref<1x128xf32, #tpu.memory_space<vmem>>, %arg8: memref<128x128xf32, #tpu.memory_space<vmem>>, %arg9: memref<1x1000x128xf32, #tpu.memory_space<vmem>>, %arg10: memref<1x1000x128xf32, #tpu.memory_space<vmem>>) attributes {dimension_semantics = [#tpu.dimension_semantics<arbitrary>, #tpu.dimension_semantics<arbitrary>], iteration_bounds = array<i64: 2, 10>, scalar_prefetch = 0 : i64, scratch_operands = 0 : i64, tpu.core_type = #tpu.core_type<tc>, window_params = [{transform_indices = @transform_0, window_bounds = array<i64: 1, 1000, 256>}, {transform_indices = @transform_1, window_bounds = array<i64: 1, 1000, 128>}, {pipeline_mode = #tpu.pipeline_mode<synchronous>, transform_indices = @transform_2, window_bounds = array<i64: 256, 128>}, {pipeline_mode = #tpu.pipeline_mode<synchronous>, transform_indices = @transform_3, window_bounds = array<i64: 1, 128>}, {pipeline_mode = #tpu.pipeline_mode<synchronous>, transform_indices = @transform_4, window_bounds = array<i64: 128, 128>}, {pipeline_mode = #tpu.pipeline_mode<synchronous>, transform_indices = @transform_5, window_bounds = array<i64: 1, 128>}, {pipeline_mode = #tpu.pipeline_mode<synchronous>, transform_indices = @transform_6, window_bounds = array<i64: 128, 128>}, {transform_indices = @transform_7, window_bounds = array<i64: 1, 1000, 128>}, {transform_indices = @transform_8, window_bounds = array<i64: 1, 1000, 128>}]} {
    %get3A = arith.constant 0 : index
    %get3A_0 = arith.constant 0 : index
    %get3A_1 = arith.constant 0 : index
    %get3A_2 = vector.load %arg2[%get3A, %get3A_0, %get3A_1] : memref<1x1000x256xf32, #tpu.memory_space<vmem>>, vector<1x1000x256xf32>
    %get3A_3 = vector.shape_cast %get3A_2 : vector<1x1000x256xf32> to vector<1000x256xf32>
    %get3A_4 = arith.constant 0 : index
    %get3A_5 = arith.constant 0 : index
    %get3A_6 = vector.load %arg4[%get3A_4, %get3A_5] : memref<256x128xf32, #tpu.memory_space<vmem>>, vector<256x128xf32>
    %dot_general3A = arith.constant dense<0.000000e+00> : vector<1000x128xf32>
    %dot_general3A_7 = tpu.matmul %get3A_3, %get3A_6, %dot_general3A {dimension_numbers = #tpu.dot_dimension_numbers<[1], [0], [0], [1], [0, 0, 1, 1], [], []>, transpose_lhs_hint = false} : vector<1000x256xf32>, vector<256x128xf32>, vector<1000x128xf32> -> vector<1000x128xf32>
    %get3A_8 = arith.constant 0 : index
    %get3A_9 = arith.constant 0 : index
    %get3A_10 = vector.load %arg5[%get3A_8, %get3A_9] : memref<1x128xf32, #tpu.memory_space<vmem>>, vector<1x128xf32>
    %add3A = vector.broadcast %get3A_10 : vector<1x128xf32> to vector<1000x128xf32>
    %add3A_11 = arith.addf %dot_general3A_7, %add3A : vector<1000x128xf32>
    %max3A = arith.constant 0.000000e+00 : f32
    %max3A_12 = vector.broadcast %max3A : f32 to vector<1000x128xf32>
    %max3A_13 = arith.maximumf %add3A_11, %max3A_12 : vector<1000x128xf32>
    %get3A_14 = arith.constant 0 : index
    %get3A_15 = arith.constant 0 : index
    %get3A_16 = vector.load %arg6[%get3A_14, %get3A_15] : memref<128x128xf32, #tpu.memory_space<vmem>>, vector<128x128xf32>
    %dot_general3A_17 = arith.constant dense<0.000000e+00> : vector<1000x128xf32>
    %dot_general3A_18 = tpu.matmul %max3A_13, %get3A_16, %dot_general3A_17 {dimension_numbers = #tpu.dot_dimension_numbers<[1], [0], [0], [1], [0, 0, 1, 1], [], []>, transpose_lhs_hint = false} : vector<1000x128xf32>, vector<128x128xf32>, vector<1000x128xf32> -> vector<1000x128xf32>
    %get3A_19 = arith.constant 0 : index
    %get3A_20 = arith.constant 0 : index
    %get3A_21 = vector.load %arg7[%get3A_19, %get3A_20] : memref<1x128xf32, #tpu.memory_space<vmem>>, vector<1x128xf32>
    %add3A_22 = vector.broadcast %get3A_21 : vector<1x128xf32> to vector<1000x128xf32>
    %add3A_23 = arith.addf %dot_general3A_18, %add3A_22 : vector<1000x128xf32>
    %max3A_24 = arith.constant 0.000000e+00 : f32
    %max3A_25 = vector.broadcast %max3A_24 : f32 to vector<1000x128xf32>
    %max3A_26 = arith.maximumf %add3A_23, %max3A_25 : vector<1000x128xf32>
    %swap3A = arith.constant 0 : index
    %swap3A_27 = arith.constant 0 : index
    %swap3A_28 = arith.constant 0 : index
    %swap3A_29 = vector.load %arg9[%swap3A, %swap3A_27, %swap3A_28] : memref<1x1000x128xf32, #tpu.memory_space<vmem>>, vector<1x1000x128xf32>
    %swap3A_30 = vector.shape_cast %swap3A_29 : vector<1x1000x128xf32> to vector<1000x128xf32>
    %swap3A_31 = vector.shape_cast %max3A_26 : vector<1000x128xf32> to vector<1x1000x128xf32>
    tpu.vector_store %arg9[%swap3A, %swap3A_27, %swap3A_28], %swap3A_31 {strides = array<i32>} : memref<1x1000x128xf32, #tpu.memory_space<vmem>>, vector<1x1000x128xf32>,
    %get3A_32 = arith.constant 0 : index
    %get3A_33 = arith.constant 0 : index
    %get3A_34 = arith.constant 0 : index
    %get3A_35 = vector.load %arg3[%get3A_32, %get3A_33, %get3A_34] : memref<1x1000x128xf32, #tpu.memory_space<vmem>>, vector<1x1000x128xf32>
    %get3A_36 = vector.shape_cast %get3A_35 : vector<1x1000x128xf32> to vector<1000x128xf32>
    %get3A_37 = arith.constant 0 : index
    %get3A_38 = arith.constant 0 : index
    %get3A_39 = vector.load %arg8[%get3A_37, %get3A_38] : memref<128x128xf32, #tpu.memory_space<vmem>>, vector<128x128xf32>
    %dot_general3A_40 = arith.constant dense<0.000000e+00> : vector<1000x128xf32>
    %dot_general3A_41 = tpu.matmul %get3A_36, %get3A_39, %dot_general3A_40 {dimension_numbers = #tpu.dot_dimension_numbers<[1], [0], [0], [1], [0, 0, 1, 1], [], []>, transpose_lhs_hint = false} : vector<1000x128xf32>, vector<128x128xf32>, vector<1000x128xf32> -> vector<1000x128xf32>
    %swap3A_42 = arith.constant 0 : index
    %swap3A_43 = arith.constant 0 : index
    %swap3A_44 = arith.constant 0 : index
    %swap3A_45 = vector.load %arg10[%swap3A_42, %swap3A_43, %swap3A_44] : memref<1x1000x128xf32, #tpu.memory_space<vmem>>, vector<1x1000x128xf32>
    %swap3A_46 = vector.shape_cast %swap3A_45 : vector<1x1000x128xf32> to vector<1000x128xf32>
    %swap3A_47 = vector.shape_cast %dot_general3A_41 : vector<1000x128xf32> to vector<1x1000x128xf32>
    tpu.vector_store %arg10[%swap3A_42, %swap3A_43, %swap3A_44], %swap3A_47 {strides = array<i32>} : memref<1x1000x128xf32, #tpu.memory_space<vmem>>, vector<1x1000x128xf32>,
    return
  }
  func.func @transform_0(%arg0: i32, %arg1: i32) -> (i32, i32, i32) {
    %c0_i32 = arith.constant 0 : i32
    %c0_i32_0 = arith.constant 0 : i32
    return %arg0, %arg1, %c0_i32 : i32, i32, i32
  }
  func.func @transform_1(%arg0: i32, %arg1: i32) -> (i32, i32, i32) {
    %c0_i32 = arith.constant 0 : i32
    %c0_i32_0 = arith.constant 0 : i32
    return %arg0, %arg1, %c0_i32 : i32, i32, i32
  }
  func.func @transform_2(%arg0: i32, %arg1: i32) -> (i32, i32) {
    %c0_i32 = arith.constant 0 : i32
    %c0_i32_0 = arith.constant 0 : i32
    %c0_i32_1 = arith.constant 0 : i32
    return %c0_i32, %c0_i32_0 : i32, i32
  }
  func.func @transform_3(%arg0: i32, %arg1: i32) -> (i32, i32) {
    %c0_i32 = arith.constant 0 : i32
    %c0_i32_0 = arith.constant 0 : i32
    %c0_i32_1 = arith.constant 0 : i32
    return %c0_i32, %c0_i32_0 : i32, i32
  }
  func.func @transform_4(%arg0: i32, %arg1: i32) -> (i32, i32) {
    %c0_i32 = arith.constant 0 : i32
    %c0_i32_0 = arith.constant 0 : i32
    %c0_i32_1 = arith.constant 0 : i32
    return %c0_i32, %c0_i32_0 : i32, i32
  }
  func.func @transform_5(%arg0: i32, %arg1: i32) -> (i32, i32) {
    %c0_i32 = arith.constant 0 : i32
    %c0_i32_0 = arith.constant 0 : i32
    %c0_i32_1 = arith.constant 0 : i32
    return %c0_i32, %c0_i32_0 : i32, i32
  }
  func.func @transform_6(%arg0: i32, %arg1: i32) -> (i32, i32) {
    %c0_i32 = arith.constant 0 : i32
    %c0_i32_0 = arith.constant 0 : i32
    %c0_i32_1 = arith.constant 0 : i32
    return %c0_i32, %c0_i32_0 : i32, i32
  }
  func.func @transform_7(%arg0: i32, %arg1: i32) -> (i32, i32, i32) {
    %c0_i32 = arith.constant 0 : i32
    %c0_i32_0 = arith.constant 0 : i32
    return %arg0, %arg1, %c0_i32 : i32, i32, i32
  }
  func.func @transform_8(%arg0: i32, %arg1: i32) -> (i32, i32, i32) {
    %c0_i32 = arith.constant 0 : i32
    %c0_i32_0 = arith.constant 0 : i32
    return %arg0, %arg1, %c0_i32 : i32, i32, i32
  }
}

module attributes {stable_mosaic.version = 14 : i64} {
  func.func @_scale_body(%arg0: i32, %arg1: i32, %arg2: memref<1x1000x128xf32, #tpu.memory_space<vmem>>, %arg3: memref<1x1000x128xf32, #tpu.memory_space<vmem>>, %arg4: memref<1x1000x128xf32, #tpu.memory_space<vmem>>) attributes {dimension_semantics = [#tpu.dimension_semantics<arbitrary>, #tpu.dimension_semantics<arbitrary>], iteration_bounds = array<i64: 2, 10>, scalar_prefetch = 0 : i64, scratch_operands = 0 : i64, tpu.core_type = #tpu.core_type<tc>, window_params = [{transform_indices = @transform_0, window_bounds = array<i64: 1, 1000, 128>}, {transform_indices = @transform_1, window_bounds = array<i64: 1, 1000, 128>}, {transform_indices = @transform_2, window_bounds = array<i64: 1, 1000, 128>}]} {
    %get3A = arith.constant 0 : index
    %get3A_0 = arith.constant 0 : index
    %get3A_1 = arith.constant 0 : index
    %get3A_2 = vector.load %arg3[%get3A, %get3A_0, %get3A_1] : memref<1x1000x128xf32, #tpu.memory_space<vmem>>, vector<1x1000x128xf32>
    %get3A_3 = vector.shape_cast %get3A_2 : vector<1x1000x128xf32> to vector<1000x128xf32>
    %slice3A = vector.extract_strided_slice %get3A_3 {offsets = [0, 0], sizes = [1000, 1], strides = [1, 1]} : vector<1000x128xf32> to vector<1000x1xf32>
    %add3A = arith.constant 1.000000e+00 : f32
    %add3A_4 = vector.broadcast %add3A : f32 to vector<1000x1xf32>
    %add3A_5 = arith.addf %slice3A, %add3A_4 : vector<1000x1xf32>
    %sqrt3A = math.sqrt %add3A_5 : vector<1000x1xf32>
    %div3A = arith.constant 1.000000e+00 : f32
    %div3A_6 = vector.broadcast %div3A : f32 to vector<1000x1xf32>
    %div3A_7 = arith.divf %div3A_6, %sqrt3A : vector<1000x1xf32>
    %get3A_8 = arith.constant 0 : index
    %get3A_9 = arith.constant 0 : index
    %get3A_10 = arith.constant 0 : index
    %get3A_11 = vector.load %arg2[%get3A_8, %get3A_9, %get3A_10] : memref<1x1000x128xf32, #tpu.memory_space<vmem>>, vector<1x1000x128xf32>
    %get3A_12 = vector.shape_cast %get3A_11 : vector<1x1000x128xf32> to vector<1000x128xf32>
    %mul3A = vector.broadcast %div3A_7 : vector<1000x1xf32> to vector<1000x128xf32>
    %mul3A_13 = arith.mulf %get3A_12, %mul3A : vector<1000x128xf32>
    %swap3A = arith.constant 0 : index
    %swap3A_14 = arith.constant 0 : index
    %swap3A_15 = arith.constant 0 : index
    %swap3A_16 = vector.load %arg4[%swap3A, %swap3A_14, %swap3A_15] : memref<1x1000x128xf32, #tpu.memory_space<vmem>>, vector<1x1000x128xf32>
    %swap3A_17 = vector.shape_cast %swap3A_16 : vector<1x1000x128xf32> to vector<1000x128xf32>
    %swap3A_18 = vector.shape_cast %mul3A_13 : vector<1000x128xf32> to vector<1x1000x128xf32>
    tpu.vector_store %arg4[%swap3A, %swap3A_14, %swap3A_15], %swap3A_18 {strides = array<i32>} : memref<1x1000x128xf32, #tpu.memory_space<vmem>>, vector<1x1000x128xf32>,
    return
  }
  func.func @transform_0(%arg0: i32, %arg1: i32) -> (i32, i32, i32) {
    %c0_i32 = arith.constant 0 : i32
    %c0_i32_0 = arith.constant 0 : i32
    return %arg0, %arg1, %c0_i32 : i32, i32, i32
  }
  func.func @transform_1(%arg0: i32, %arg1: i32) -> (i32, i32, i32) {
    %c0_i32 = arith.constant 0 : i32
    %c0_i32_0 = arith.constant 0 : i32
    return %arg0, %arg1, %c0_i32 : i32, i32, i32
  }
  func.func @transform_2(%arg0: i32, %arg1: i32) -> (i32, i32, i32) {
    %c0_i32 = arith.constant 0 : i32
    %c0_i32_0 = arith.constant 0 : i32
    return %arg0, %arg1, %c0_i32 : i32, i32, i32
  }
}

module attributes {stable_mosaic.version = 14 : i64} {
  func.func @_mid_body(%arg0: i32, %arg1: i32, %arg2: memref<1x1000x128xf32, #tpu.memory_space<vmem>>, %arg3: memref<1x1000x128xf32, #tpu.memory_space<vmem>>, %arg4: memref<1x1000x128xf32, #tpu.memory_space<vmem>>, %arg5: memref<1x128xf32, #tpu.memory_space<vmem>>, %arg6: memref<128x128xf32, #tpu.memory_space<vmem>>, %arg7: memref<1x1000x128xf32, #tpu.memory_space<vmem>>, %arg8: memref<1x1000x128xf32, #tpu.memory_space<vmem>>) attributes {dimension_semantics = [#tpu.dimension_semantics<arbitrary>, #tpu.dimension_semantics<arbitrary>], iteration_bounds = array<i64: 2, 10>, scalar_prefetch = 0 : i64, scratch_operands = 0 : i64, tpu.core_type = #tpu.core_type<tc>, window_params = [{transform_indices = @transform_0, window_bounds = array<i64: 1, 1000, 128>}, {transform_indices = @transform_1, window_bounds = array<i64: 1, 1000, 128>}, {transform_indices = @transform_2, window_bounds = array<i64: 1, 1000, 128>}, {pipeline_mode = #tpu.pipeline_mode<synchronous>, transform_indices = @transform_3, window_bounds = array<i64: 1, 128>}, {pipeline_mode = #tpu.pipeline_mode<synchronous>, transform_indices = @transform_4, window_bounds = array<i64: 128, 128>}, {transform_indices = @transform_5, window_bounds = array<i64: 1, 1000, 128>}, {transform_indices = @transform_6, window_bounds = array<i64: 1, 1000, 128>}]} {
    %get3A = arith.constant 0 : index
    %get3A_0 = arith.constant 0 : index
    %get3A_1 = arith.constant 0 : index
    %get3A_2 = vector.load %arg4[%get3A, %get3A_0, %get3A_1] : memref<1x1000x128xf32, #tpu.memory_space<vmem>>, vector<1x1000x128xf32>
    %get3A_3 = vector.shape_cast %get3A_2 : vector<1x1000x128xf32> to vector<1000x128xf32>
    %slice3A = vector.extract_strided_slice %get3A_3 {offsets = [0, 0], sizes = [1000, 1], strides = [1, 1]} : vector<1000x128xf32> to vector<1000x1xf32>
    %add3A = arith.constant 1.000000e+00 : f32
    %add3A_4 = vector.broadcast %add3A : f32 to vector<1000x1xf32>
    %add3A_5 = arith.addf %slice3A, %add3A_4 : vector<1000x1xf32>
    %sqrt3A = math.sqrt %add3A_5 : vector<1000x1xf32>
    %div3A = arith.constant 1.000000e+00 : f32
    %div3A_6 = vector.broadcast %div3A : f32 to vector<1000x1xf32>
    %div3A_7 = arith.divf %div3A_6, %sqrt3A : vector<1000x1xf32>
    %get3A_8 = arith.constant 0 : index
    %get3A_9 = arith.constant 0 : index
    %get3A_10 = arith.constant 0 : index
    %get3A_11 = vector.load %arg3[%get3A_8, %get3A_9, %get3A_10] : memref<1x1000x128xf32, #tpu.memory_space<vmem>>, vector<1x1000x128xf32>
    %get3A_12 = vector.shape_cast %get3A_11 : vector<1x1000x128xf32> to vector<1000x128xf32>
    %mul3A = vector.broadcast %div3A_7 : vector<1000x1xf32> to vector<1000x128xf32>
    %mul3A_13 = arith.mulf %mul3A, %get3A_12 : vector<1000x128xf32>
    %mul3A_14 = arith.mulf %div3A_7, %div3A_7 : vector<1000x1xf32>
    %get3A_15 = arith.constant 0 : index
    %get3A_16 = arith.constant 0 : index
    %get3A_17 = arith.constant 0 : index
    %get3A_18 = vector.load %arg2[%get3A_15, %get3A_16, %get3A_17] : memref<1x1000x128xf32, #tpu.memory_space<vmem>>, vector<1x1000x128xf32>
    %get3A_19 = vector.shape_cast %get3A_18 : vector<1x1000x128xf32> to vector<1000x128xf32>
    %mul3A_20 = vector.broadcast %mul3A_14 : vector<1000x1xf32> to vector<1000x128xf32>
    %mul3A_21 = arith.mulf %mul3A_20, %get3A_19 : vector<1000x128xf32>
    %add3A_22 = arith.addf %mul3A_13, %mul3A_21 : vector<1000x128xf32>
    %get3A_23 = arith.constant 0 : index
    %get3A_24 = arith.constant 0 : index
    %get3A_25 = vector.load %arg5[%get3A_23, %get3A_24] : memref<1x128xf32, #tpu.memory_space<vmem>>, vector<1x128xf32>
    %add3A_26 = vector.broadcast %get3A_25 : vector<1x128xf32> to vector<1000x128xf32>
    %add3A_27 = arith.addf %add3A_22, %add3A_26 : vector<1000x128xf32>
    %max3A = arith.constant 0.000000e+00 : f32
    %max3A_28 = vector.broadcast %max3A : f32 to vector<1000x128xf32>
    %max3A_29 = arith.maximumf %add3A_27, %max3A_28 : vector<1000x128xf32>
    %get3A_30 = arith.constant 0 : index
    %get3A_31 = arith.constant 0 : index
    %get3A_32 = vector.load %arg6[%get3A_30, %get3A_31] : memref<128x128xf32, #tpu.memory_space<vmem>>, vector<128x128xf32>
    %dot_general3A = arith.constant dense<0.000000e+00> : vector<1000x128xf32>
    %dot_general3A_33 = tpu.matmul %max3A_29, %get3A_32, %dot_general3A {dimension_numbers = #tpu.dot_dimension_numbers<[1], [0], [0], [1], [0, 0, 1, 1], [], []>, transpose_lhs_hint = false} : vector<1000x128xf32>, vector<128x128xf32>, vector<1000x128xf32> -> vector<1000x128xf32>
    %swap3A = arith.constant 0 : index
    %swap3A_34 = arith.constant 0 : index
    %swap3A_35 = arith.constant 0 : index
    %swap3A_36 = vector.load %arg7[%swap3A, %swap3A_34, %swap3A_35] : memref<1x1000x128xf32, #tpu.memory_space<vmem>>, vector<1x1000x128xf32>
    %swap3A_37 = vector.shape_cast %swap3A_36 : vector<1x1000x128xf32> to vector<1000x128xf32>
    %swap3A_38 = vector.shape_cast %dot_general3A_33 : vector<1000x128xf32> to vector<1x1000x128xf32>
    tpu.vector_store %arg7[%swap3A, %swap3A_34, %swap3A_35], %swap3A_38 {strides = array<i32>} : memref<1x1000x128xf32, #tpu.memory_space<vmem>>, vector<1x1000x128xf32>,
    %mul3A_39 = vector.broadcast %div3A_7 : vector<1000x1xf32> to vector<1000x128xf32>
    %mul3A_40 = arith.mulf %dot_general3A_33, %mul3A_39 : vector<1000x128xf32>
    %swap3A_41 = arith.constant 0 : index
    %swap3A_42 = arith.constant 0 : index
    %swap3A_43 = arith.constant 0 : index
    %swap3A_44 = vector.load %arg8[%swap3A_41, %swap3A_42, %swap3A_43] : memref<1x1000x128xf32, #tpu.memory_space<vmem>>, vector<1x1000x128xf32>
    %swap3A_45 = vector.shape_cast %swap3A_44 : vector<1x1000x128xf32> to vector<1000x128xf32>
    %swap3A_46 = vector.shape_cast %mul3A_40 : vector<1000x128xf32> to vector<1x1000x128xf32>
    tpu.vector_store %arg8[%swap3A_41, %swap3A_42, %swap3A_43], %swap3A_46 {strides = array<i32>} : memref<1x1000x128xf32, #tpu.memory_space<vmem>>, vector<1x1000x128xf32>,
    return
  }
  func.func @transform_0(%arg0: i32, %arg1: i32) -> (i32, i32, i32) {
    %c0_i32 = arith.constant 0 : i32
    %c0_i32_0 = arith.constant 0 : i32
    return %arg0, %arg1, %c0_i32 : i32, i32, i32
  }
  func.func @transform_1(%arg0: i32, %arg1: i32) -> (i32, i32, i32) {
    %c0_i32 = arith.constant 0 : i32
    %c0_i32_0 = arith.constant 0 : i32
    return %arg0, %arg1, %c0_i32 : i32, i32, i32
  }
  func.func @transform_2(%arg0: i32, %arg1: i32) -> (i32, i32, i32) {
    %c0_i32 = arith.constant 0 : i32
    %c0_i32_0 = arith.constant 0 : i32
    return %arg0, %arg1, %c0_i32 : i32, i32, i32
  }
  func.func @transform_3(%arg0: i32, %arg1: i32) -> (i32, i32) {
    %c0_i32 = arith.constant 0 : i32
    %c0_i32_0 = arith.constant 0 : i32
    %c0_i32_1 = arith.constant 0 : i32
    return %c0_i32, %c0_i32_0 : i32, i32
  }
  func.func @transform_4(%arg0: i32, %arg1: i32) -> (i32, i32) {
    %c0_i32 = arith.constant 0 : i32
    %c0_i32_0 = arith.constant 0 : i32
    %c0_i32_1 = arith.constant 0 : i32
    return %c0_i32, %c0_i32_0 : i32, i32
  }
  func.func @transform_5(%arg0: i32, %arg1: i32) -> (i32, i32, i32) {
    %c0_i32 = arith.constant 0 : i32
    %c0_i32_0 = arith.constant 0 : i32
    return %arg0, %arg1, %c0_i32 : i32, i32, i32
  }
  func.func @transform_6(%arg0: i32, %arg1: i32) -> (i32, i32, i32) {
    %c0_i32 = arith.constant 0 : i32
    %c0_i32_0 = arith.constant 0 : i32
    return %arg0, %arg1, %c0_i32 : i32, i32, i32
  }
}

module attributes {stable_mosaic.version = 14 : i64} {
  func.func @_post_body(%arg0: i32, %arg1: memref<2x1000x128xf32, #tpu.memory_space<vmem>>, %arg2: memref<2x1000x128xf32, #tpu.memory_space<vmem>>, %arg3: memref<2x1000x128xf32, #tpu.memory_space<vmem>>, %arg4: memref<2x1000x128xf32, #tpu.memory_space<vmem>>, %arg5: memref<1x128xf32, #tpu.memory_space<vmem>>, %arg6: memref<4x128x128xf32, #tpu.memory_space<vmem>>, %arg7: memref<1x128xf32, #tpu.memory_space<vmem>>, %arg8: memref<1x128xf32, #tpu.memory_space<vmem>>, %arg9: memref<1x1xf32, #tpu.memory_space<vmem>>, %arg10: memref<1000x1xf32, #tpu.memory_space<vmem>>) attributes {dimension_semantics = [#tpu.dimension_semantics<arbitrary>], iteration_bounds = array<i64: 10>, scalar_prefetch = 0 : i64, scratch_operands = 0 : i64, tpu.core_type = #tpu.core_type<tc>, window_params = [{transform_indices = @transform_0, window_bounds = array<i64: 2, 1000, 128>}, {transform_indices = @transform_1, window_bounds = array<i64: 2, 1000, 128>}, {transform_indices = @transform_2, window_bounds = array<i64: 2, 1000, 128>}, {transform_indices = @transform_3, window_bounds = array<i64: 2, 1000, 128>}, {pipeline_mode = #tpu.pipeline_mode<synchronous>, transform_indices = @transform_4, window_bounds = array<i64: 1, 128>}, {pipeline_mode = #tpu.pipeline_mode<synchronous>, transform_indices = @transform_5, window_bounds = array<i64: 4, 128, 128>}, {pipeline_mode = #tpu.pipeline_mode<synchronous>, transform_indices = @transform_6, window_bounds = array<i64: 1, 128>}, {pipeline_mode = #tpu.pipeline_mode<synchronous>, transform_indices = @transform_7, window_bounds = array<i64: 1, 128>}, {pipeline_mode = #tpu.pipeline_mode<synchronous>, transform_indices = @transform_8, window_bounds = array<i64: 1, 1>}, {transform_indices = @transform_9, window_bounds = array<i64: 1000, 1>}]} {
    %get3A = arith.constant 0 : index
    %get3A_0 = arith.constant 0 : index
    %get3A_1 = arith.constant 0 : index
    %get3A_2 = vector.load %arg4[%get3A, %get3A_0, %get3A_1] : memref<2x1000x128xf32, #tpu.memory_space<vmem>>, vector<1x1000x128xf32>
    %get3A_3 = vector.shape_cast %get3A_2 : vector<1x1000x128xf32> to vector<1000x128xf32>
    %slice3A = vector.extract_strided_slice %get3A_3 {offsets = [0, 0], sizes = [1000, 1], strides = [1, 1]} : vector<1000x128xf32> to vector<1000x1xf32>
    %add3A = arith.constant 1.000000e+00 : f32
    %add3A_4 = vector.broadcast %add3A : f32 to vector<1000x1xf32>
    %add3A_5 = arith.addf %slice3A, %add3A_4 : vector<1000x1xf32>
    %sqrt3A = math.sqrt %add3A_5 : vector<1000x1xf32>
    %div3A = arith.constant 1.000000e+00 : f32
    %div3A_6 = vector.broadcast %div3A : f32 to vector<1000x1xf32>
    %div3A_7 = arith.divf %div3A_6, %sqrt3A : vector<1000x1xf32>
    %get3A_8 = arith.constant 1 : index
    %get3A_9 = arith.constant 0 : index
    %get3A_10 = arith.constant 0 : index
    %get3A_11 = vector.load %arg4[%get3A_8, %get3A_9, %get3A_10] : memref<2x1000x128xf32, #tpu.memory_space<vmem>>, vector<1x1000x128xf32>
    %get3A_12 = vector.shape_cast %get3A_11 : vector<1x1000x128xf32> to vector<1000x128xf32>
    %slice3A_13 = vector.extract_strided_slice %get3A_12 {offsets = [0, 0], sizes = [1000, 1], strides = [1, 1]} : vector<1000x128xf32> to vector<1000x1xf32>
    %add3A_14 = arith.constant 1.000000e+00 : f32
    %add3A_15 = vector.broadcast %add3A_14 : f32 to vector<1000x1xf32>
    %add3A_16 = arith.addf %slice3A_13, %add3A_15 : vector<1000x1xf32>
    %sqrt3A_17 = math.sqrt %add3A_16 : vector<1000x1xf32>
    %div3A_18 = arith.constant 1.000000e+00 : f32
    %div3A_19 = vector.broadcast %div3A_18 : f32 to vector<1000x1xf32>
    %div3A_20 = arith.divf %div3A_19, %sqrt3A_17 : vector<1000x1xf32>
    %get3A_21 = arith.constant 0 : index
    %get3A_22 = arith.constant 0 : index
    %get3A_23 = arith.constant 0 : index
    %get3A_24 = vector.load %arg3[%get3A_21, %get3A_22, %get3A_23] : memref<2x1000x128xf32, #tpu.memory_space<vmem>>, vector<1x1000x128xf32>
    %get3A_25 = vector.shape_cast %get3A_24 : vector<1x1000x128xf32> to vector<1000x128xf32>
    %mul3A = vector.broadcast %div3A_7 : vector<1000x1xf32> to vector<1000x128xf32>
    %mul3A_26 = arith.mulf %mul3A, %get3A_25 : vector<1000x128xf32>
    %mul3A_27 = arith.mulf %div3A_7, %div3A_7 : vector<1000x1xf32>
    %get3A_28 = arith.constant 0 : index
    %get3A_29 = arith.constant 0 : index
    %get3A_30 = arith.constant 0 : index
    %get3A_31 = vector.load %arg2[%get3A_28, %get3A_29, %get3A_30] : memref<2x1000x128xf32, #tpu.memory_space<vmem>>, vector<1x1000x128xf32>
    %get3A_32 = vector.shape_cast %get3A_31 : vector<1x1000x128xf32> to vector<1000x128xf32>
    %mul3A_33 = vector.broadcast %mul3A_27 : vector<1000x1xf32> to vector<1000x128xf32>
    %mul3A_34 = arith.mulf %mul3A_33, %get3A_32 : vector<1000x128xf32>
    %add3A_35 = arith.addf %mul3A_26, %mul3A_34 : vector<1000x128xf32>
    %get3A_36 = arith.constant 0 : index
    %get3A_37 = arith.constant 0 : index
    %get3A_38 = vector.load %arg5[%get3A_36, %get3A_37] : memref<1x128xf32, #tpu.memory_space<vmem>>, vector<1x128xf32>
    %add3A_39 = vector.broadcast %get3A_38 : vector<1x128xf32> to vector<1000x128xf32>
    %add3A_40 = arith.addf %add3A_35, %add3A_39 : vector<1000x128xf32>
    %max3A = arith.constant 0.000000e+00 : f32
    %max3A_41 = vector.broadcast %max3A : f32 to vector<1000x128xf32>
    %max3A_42 = arith.maximumf %add3A_40, %max3A_41 : vector<1000x128xf32>
    %get3A_43 = arith.constant 1 : index
    %get3A_44 = arith.constant 0 : index
    %get3A_45 = arith.constant 0 : index
    %get3A_46 = vector.load %arg3[%get3A_43, %get3A_44, %get3A_45] : memref<2x1000x128xf32, #tpu.memory_space<vmem>>, vector<1x1000x128xf32>
    %get3A_47 = vector.shape_cast %get3A_46 : vector<1x1000x128xf32> to vector<1000x128xf32>
    %mul3A_48 = vector.broadcast %div3A_20 : vector<1000x1xf32> to vector<1000x128xf32>
    %mul3A_49 = arith.mulf %mul3A_48, %get3A_47 : vector<1000x128xf32>
    %mul3A_50 = arith.mulf %div3A_20, %div3A_20 : vector<1000x1xf32>
    %get3A_51 = arith.constant 1 : index
    %get3A_52 = arith.constant 0 : index
    %get3A_53 = arith.constant 0 : index
    %get3A_54 = vector.load %arg2[%get3A_51, %get3A_52, %get3A_53] : memref<2x1000x128xf32, #tpu.memory_space<vmem>>, vector<1x1000x128xf32>
    %get3A_55 = vector.shape_cast %get3A_54 : vector<1x1000x128xf32> to vector<1000x128xf32>
    %mul3A_56 = vector.broadcast %mul3A_50 : vector<1000x1xf32> to vector<1000x128xf32>
    %mul3A_57 = arith.mulf %mul3A_56, %get3A_55 : vector<1000x128xf32>
    %add3A_58 = arith.addf %mul3A_49, %mul3A_57 : vector<1000x128xf32>
    %get3A_59 = arith.constant 0 : index
    %get3A_60 = arith.constant 0 : index
    %get3A_61 = vector.load %arg5[%get3A_59, %get3A_60] : memref<1x128xf32, #tpu.memory_space<vmem>>, vector<1x128xf32>
    %add3A_62 = vector.broadcast %get3A_61 : vector<1x128xf32> to vector<1000x128xf32>
    %add3A_63 = arith.addf %add3A_58, %add3A_62 : vector<1000x128xf32>
    %max3A_64 = arith.constant 0.000000e+00 : f32
    %max3A_65 = vector.broadcast %max3A_64 : f32 to vector<1000x128xf32>
    %max3A_66 = arith.maximumf %add3A_63, %max3A_65 : vector<1000x128xf32>
    %get3A_67 = arith.constant 0 : index
    %get3A_68 = arith.constant 0 : index
    %get3A_69 = arith.constant 0 : index
    %get3A_70 = vector.load %arg1[%get3A_67, %get3A_68, %get3A_69] : memref<2x1000x128xf32, #tpu.memory_space<vmem>>, vector<1x1000x128xf32>
    %get3A_71 = vector.shape_cast %get3A_70 : vector<1x1000x128xf32> to vector<1000x128xf32>
    %get3A_72 = arith.constant 0 : index
    %get3A_73 = arith.constant 0 : index
    %get3A_74 = arith.constant 0 : index
    %get3A_75 = vector.load %arg6[%get3A_72, %get3A_73, %get3A_74] : memref<4x128x128xf32, #tpu.memory_space<vmem>>, vector<1x128x128xf32>
    %get3A_76 = vector.shape_cast %get3A_75 : vector<1x128x128xf32> to vector<128x128xf32>
    %dot_general3A = arith.constant dense<0.000000e+00> : vector<1000x128xf32>
    %dot_general3A_77 = tpu.matmul %get3A_71, %get3A_76, %dot_general3A {dimension_numbers = #tpu.dot_dimension_numbers<[1], [0], [0], [1], [0, 0, 1, 1], [], []>, transpose_lhs_hint = false} : vector<1000x128xf32>, vector<128x128xf32>, vector<1000x128xf32> -> vector<1000x128xf32>
    %get3A_78 = arith.constant 1 : index
    %get3A_79 = arith.constant 0 : index
    %get3A_80 = arith.constant 0 : index
    %get3A_81 = vector.load %arg1[%get3A_78, %get3A_79, %get3A_80] : memref<2x1000x128xf32, #tpu.memory_space<vmem>>, vector<1x1000x128xf32>
    %get3A_82 = vector.shape_cast %get3A_81 : vector<1x1000x128xf32> to vector<1000x128xf32>
    %get3A_83 = arith.constant 1 : index
    %get3A_84 = arith.constant 0 : index
    %get3A_85 = arith.constant 0 : index
    %get3A_86 = vector.load %arg6[%get3A_83, %get3A_84, %get3A_85] : memref<4x128x128xf32, #tpu.memory_space<vmem>>, vector<1x128x128xf32>
    %get3A_87 = vector.shape_cast %get3A_86 : vector<1x128x128xf32> to vector<128x128xf32>
    %dot_general3A_88 = arith.constant dense<0.000000e+00> : vector<1000x128xf32>
    %dot_general3A_89 = tpu.matmul %get3A_82, %get3A_87, %dot_general3A_88 {dimension_numbers = #tpu.dot_dimension_numbers<[1], [0], [0], [1], [0, 0, 1, 1], [], []>, transpose_lhs_hint = false} : vector<1000x128xf32>, vector<128x128xf32>, vector<1000x128xf32> -> vector<1000x128xf32>
    %add3A_90 = arith.addf %dot_general3A_77, %dot_general3A_89 : vector<1000x128xf32>
    %get3A_91 = arith.constant 2 : index
    %get3A_92 = arith.constant 0 : index
    %get3A_93 = arith.constant 0 : index
    %get3A_94 = vector.load %arg6[%get3A_91, %get3A_92, %get3A_93] : memref<4x128x128xf32, #tpu.memory_space<vmem>>, vector<1x128x128xf32>
    %get3A_95 = vector.shape_cast %get3A_94 : vector<1x128x128xf32> to vector<128x128xf32>
    %dot_general3A_96 = arith.constant dense<0.000000e+00> : vector<1000x128xf32>
    %dot_general3A_97 = tpu.matmul %max3A_42, %get3A_95, %dot_general3A_96 {dimension_numbers = #tpu.dot_dimension_numbers<[1], [0], [0], [1], [0, 0, 1, 1], [], []>, transpose_lhs_hint = false} : vector<1000x128xf32>, vector<128x128xf32>, vector<1000x128xf32> -> vector<1000x128xf32>
    %add3A_98 = arith.addf %add3A_90, %dot_general3A_97 : vector<1000x128xf32>
    %get3A_99 = arith.constant 3 : index
    %get3A_100 = arith.constant 0 : index
    %get3A_101 = arith.constant 0 : index
    %get3A_102 = vector.load %arg6[%get3A_99, %get3A_100, %get3A_101] : memref<4x128x128xf32, #tpu.memory_space<vmem>>, vector<1x128x128xf32>
    %get3A_103 = vector.shape_cast %get3A_102 : vector<1x128x128xf32> to vector<128x128xf32>
    %dot_general3A_104 = arith.constant dense<0.000000e+00> : vector<1000x128xf32>
    %dot_general3A_105 = tpu.matmul %max3A_66, %get3A_103, %dot_general3A_104 {dimension_numbers = #tpu.dot_dimension_numbers<[1], [0], [0], [1], [0, 0, 1, 1], [], []>, transpose_lhs_hint = false} : vector<1000x128xf32>, vector<128x128xf32>, vector<1000x128xf32> -> vector<1000x128xf32>
    %add3A_106 = arith.addf %add3A_98, %dot_general3A_105 : vector<1000x128xf32>
    %get3A_107 = arith.constant 0 : index
    %get3A_108 = arith.constant 0 : index
    %get3A_109 = vector.load %arg7[%get3A_107, %get3A_108] : memref<1x128xf32, #tpu.memory_space<vmem>>, vector<1x128xf32>
    %add3A_110 = vector.broadcast %get3A_109 : vector<1x128xf32> to vector<1000x128xf32>
    %add3A_111 = arith.addf %add3A_106, %add3A_110 : vector<1000x128xf32>
    %max3A_112 = arith.constant 0.000000e+00 : f32
    %max3A_113 = vector.broadcast %max3A_112 : f32 to vector<1000x128xf32>
    %max3A_114 = arith.maximumf %add3A_111, %max3A_113 : vector<1000x128xf32>
    %get3A_115 = arith.constant 0 : index
    %get3A_116 = arith.constant 0 : index
    %get3A_117 = vector.load %arg8[%get3A_115, %get3A_116] : memref<1x128xf32, #tpu.memory_space<vmem>>, vector<1x128xf32>
    %mul3A_118 = vector.broadcast %get3A_117 : vector<1x128xf32> to vector<1000x128xf32>
    %mul3A_119 = arith.mulf %max3A_114, %mul3A_118 : vector<1000x128xf32>
    %reduce_sum3A = arith.constant dense<0.000000e+00> : vector<1000xf32>
    %reduce_sum3A_120 = vector.multi_reduction <add>, %mul3A_119, %reduce_sum3A [1] : vector<1000x128xf32> to vector<1000xf32>
    %broadcast_in_dim3A = vector.shape_cast %reduce_sum3A_120 : vector<1000xf32> to vector<1000x1xf32>
    %get3A_121 = arith.constant 0 : index
    %get3A_122 = arith.constant 0 : index
    %get3A_123 = vector.load %arg9[%get3A_121, %get3A_122] : memref<1x1xf32, #tpu.memory_space<vmem>>, vector<1x1xf32>
    %add3A_124 = vector.broadcast %get3A_123 : vector<1x1xf32> to vector<1000x1xf32>
    %add3A_125 = arith.addf %broadcast_in_dim3A, %add3A_124 : vector<1000x1xf32>
    %logistic3A = arith.negf %add3A_125 : vector<1000x1xf32>
    %logistic3A_126 = math.exp %logistic3A : vector<1000x1xf32>
    %logistic3A_127 = arith.constant 1.000000e+00 : f32
    %logistic3A_128 = vector.broadcast %logistic3A_127 : f32 to vector<1000x1xf32>
    %logistic3A_129 = arith.addf %logistic3A_128, %logistic3A_126 : vector<1000x1xf32>
    %logistic3A_130 = arith.divf %logistic3A_128, %logistic3A_129 : vector<1000x1xf32>
    %swap3A = arith.constant 0 : index
    %swap3A_131 = arith.constant 0 : index
    %swap3A_132 = vector.load %arg10[%swap3A, %swap3A_131] : memref<1000x1xf32, #tpu.memory_space<vmem>>, vector<1000x1xf32>
    tpu.vector_store %arg10[%swap3A, %swap3A_131], %logistic3A_130 {strides = array<i32>} : memref<1000x1xf32, #tpu.memory_space<vmem>>, vector<1000x1xf32>,
    return
  }
  func.func @transform_0(%arg0: i32) -> (i32, i32, i32) {
    %c0_i32 = arith.constant 0 : i32
    %c0_i32_0 = arith.constant 0 : i32
    %c0_i32_1 = arith.constant 0 : i32
    return %c0_i32, %arg0, %c0_i32_0 : i32, i32, i32
  }
  func.func @transform_1(%arg0: i32) -> (i32, i32, i32) {
    %c0_i32 = arith.constant 0 : i32
    %c0_i32_0 = arith.constant 0 : i32
    %c0_i32_1 = arith.constant 0 : i32
    return %c0_i32, %arg0, %c0_i32_0 : i32, i32, i32
  }
  func.func @transform_2(%arg0: i32) -> (i32, i32, i32) {
    %c0_i32 = arith.constant 0 : i32
    %c0_i32_0 = arith.constant 0 : i32
    %c0_i32_1 = arith.constant 0 : i32
    return %c0_i32, %arg0, %c0_i32_0 : i32, i32, i32
  }
  func.func @transform_3(%arg0: i32) -> (i32, i32, i32) {
    %c0_i32 = arith.constant 0 : i32
    %c0_i32_0 = arith.constant 0 : i32
    %c0_i32_1 = arith.constant 0 : i32
    return %c0_i32, %arg0, %c0_i32_0 : i32, i32, i32
  }
  func.func @transform_4(%arg0: i32) -> (i32, i32) {
    %c0_i32 = arith.constant 0 : i32
    %c0_i32_0 = arith.constant 0 : i32
    %c0_i32_1 = arith.constant 0 : i32
    return %c0_i32, %c0_i32_0 : i32, i32
  }
  func.func @transform_5(%arg0: i32) -> (i32, i32, i32) {
    %c0_i32 = arith.constant 0 : i32
    %c0_i32_0 = arith.constant 0 : i32
    %c0_i32_1 = arith.constant 0 : i32
    %c0_i32_2 = arith.constant 0 : i32
    return %c0_i32, %c0_i32_0, %c0_i32_1 : i32, i32, i32
  }
  func.func @transform_6(%arg0: i32) -> (i32, i32) {
    %c0_i32 = arith.constant 0 : i32
    %c0_i32_0 = arith.constant 0 : i32
    %c0_i32_1 = arith.constant 0 : i32
    return %c0_i32, %c0_i32_0 : i32, i32
  }
  func.func @transform_7(%arg0: i32) -> (i32, i32) {
    %c0_i32 = arith.constant 0 : i32
    %c0_i32_0 = arith.constant 0 : i32
    %c0_i32_1 = arith.constant 0 : i32
    return %c0_i32, %c0_i32_0 : i32, i32
  }
  func.func @transform_8(%arg0: i32) -> (i32, i32) {
    %c0_i32 = arith.constant 0 : i32
    %c0_i32_0 = arith.constant 0 : i32
    %c0_i32_1 = arith.constant 0 : i32
    return %c0_i32, %c0_i32_0 : i32, i32
  }
  func.func @transform_9(%arg0: i32) -> (i32, i32) {
    %c0_i32 = arith.constant 0 : i32
    %c0_i32_0 = arith.constant 0 : i32
    return %arg0, %c0_i32 : i32, i32
  }
}

</mosaic_0001>

<sc_bundles>
// kernel: kernel.12.cloned.1.call-start
scs
__scs_entry_jumppad:
0x0: {  	(pc) =	sbr.rel $0x88, $3  }
0x1: {  	(tag) =	ssettag $0x0;
	lr =	simm.s32 $0x1  }
0x2: {  	[smem:$0x3F8F] =	sst lr;
	_ =	strace $0xD0000000  }
0x3: {  	_ = 	snop  }
0x4: {  	_ = 	snop  }
0x5: {  	_ = 	snop  }
0x6: {  	_ = 	snop  }
0x7: {  	_ = 	snop  }
__scs_overlays_trampoline_lowered:
0x8: {  	[smem:$0x3F9E] =	sst s0  }
0x9: {  	[smem:$0x3F9F] =	sst s1  }
0xa: {  	[smem:$0x3FA0] =	sst s2  }
0xb: {  	[smem:$0x3FA1] =	sst s3  }
0xc: {  	[smem:$0x3FA2] =	sst s4  }
0xd: {  	[smem:$0x3FA3] =	sst s5  }
0xe: {  	[smem:$0x3FA4] =	sst s6  }
0xf: {  	[smem:$0x3FA5] =	sst s7  }
0x10: {  	[smem:$0x3FA6] =	sst s8  }
0x11: {  	[smem:$0x3FA7] =	sst s9;
	s0 =	simm.s32 @!p0 $0x0  }
0x12: {  	s1 =	sld [smem:$0x3F8D];
	s0 =	simm.s32 @p0 $0x1  }
0x13: {  	[smem:$0x3FA8] =	sst s0;
	s0 =	simm.s32 @!p1 $0x0  }
0x14: {  	s2 =	sld [smem:$0x3F8C];
	s0 =	simm.s32 @p1 $0x1  }
0x15: {  	[smem:$0x3FA9] =	sst s0;
	s0 =	simm.s32 @!p2 $0x0  }
0x16: {  	s3 =	sld [smem:$0x3FDB];
	s0 =	simm.s32 @p2 $0x1  }
0x17: {  	s4 =	simm.s32 $0x1BF5;
	[smem:$0x3FAB] =	sst s0  }
0x18: {  	s0 =	sld [smem:$0x3F8E];
	_ =	swait.ge [sflag:s4], $0x0  }
0x19: {  	s7 =	sld [smem:$0x3F8F]  }
0x1a: {  	s8 =	sadd.s32 $0xFFFFE003, lr  }
0x1b: {  	s9 =	sadd.s32 $0xFFFFFEF7, lr;
	s5 =	simm.s32 $0xFFFFFFFF;
	p2 =	slt.u32 s8, $0xFFFFF086  }
0x1c: {  	p1 =	slt.u32 s9, $0xF7A;
	s5 =	simm.s32 @!p2 $0x0  }
0x1d: {  	s5 =	simm.s32 @p1 $0x1;
	p0 =	seq.s32 s7, s2  }
0x1e: {  	s7 =	smul.u32 @!p0 $0xF7A, s2;
	p2 =	seq.s32 @!p0 s5, $0x0  }
0x1f: {  	s9 =	smul.u32 $0xF7A, s1;
	s8 =	simm.s32 @!p0 $0x1BF5;
	p2 =	por !p2, p0  }
0x20: {  	[sflag:s8] =	ssyncset.s32 @!p0 $0xFFFFF086;
	s6 =	sadd.s32 @!p0 s3, s7;
	s7 =	simm.s32 @!p0 $0x108  }
0x21: {  	s3 =	sadd.s32 s3, s9;
	s6 =	sadd.s32 @!p0 $0x88, s6;
	s7 =	simm.s32 @p2 $0x1082  }
0x22: {  	[simem:s7], [sflag:s8] =	dma.local @!p0 [hbm:s6], $0xF7A  }
0x23: {  	s9 =	sor.u32 $0xD0000000, s2;
	s6 =	simm.s32 $0x108;
	_ =	swait.ge @!p0 [sflag:s8], $0x0  }
0x24: {  	s3 =	sadd.s32 $0x88, s3;
	s6 =	simm.s32 @!p1 $0x1082;
	[sflag:s4] =	ssyncset.s32 $0xFFFFF086  }
0x25: {  	[simem:s6], [sflag:s4] =	dma.local [hbm:s3], $0xF7A  }
0x26: {  	[smem:$0x3F8F] =	sst s1;
	(tag) =	ssettag s2;
	_ =	strace s9  }
0x27: {  	s1 =	sld [smem:$0x3F9F]  }
0x28: {  	s2 =	sld [smem:$0x3FA0]  }
0x29: {  	s4 =	sld [smem:$0x3FA2]  }
0x2a: {  	p0 =	seq.s32 s5, $0x0;
	s5 =	sld [smem:$0x3FA3]  }
0x2b: {  	s6 =	sld [smem:$0x3FA4]  }
0x2c: {  	s7 =	sld [smem:$0x3FA5]  }
0x2d: {  	s3 =	simm.s32 $0x108;
	s8 =	sld [smem:$0x3FA6]  }
0x2e: {  	s3 =	simm.s32 @!p0 $0x1082;
	s9 =	sld [smem:$0x3FA7]  }
0x2f: {  	lr =	sadd.s32 s0, s3;
	s0 =	sld [smem:$0x3F9E]  }
0x30: {  	s3 =	sld [smem:$0x3FA1]  }
0x31: {  	[smem:$0x3FAA] =	sst s10  }
0x32: {  	s10 =	sld [smem:$0x3FA8];
	_ =	sdelay $0x3  }
0x33: {  	p0 =	seq.s32 s10, $0x1;
	s10 =	sld [smem:$0x3FAA];
	_ =	sdelay $0x3  }
0x34: {  	[smem:$0x3FAA] =	sst s10  }
0x35: {  	s10 =	sld [smem:$0x3FA9];
	_ =	sdelay $0x3  }
0x36: {  	p1 =	seq.s32 s10, $0x1;
	s10 =	sld [smem:$0x3FAA];
	_ =	sdelay $0x3  }
0x37: {  	[smem:$0x3FAA] =	sst s10  }
0x38: {  	s10 =	sld [smem:$0x3FAB]  }
0x39: {  	_ = 	snop;
	(pc) =	sbr.ind lr, $3  }
0x3a: {  	_ = 	snop  }
0x3b: {  	_ = 	snop  }
0x3c: {  	p2 =	seq.s32 s10, $0x1;
	s10 =	sld [smem:$0x3FAA]  }
0x3d: {  	_ =	shalt  }
0x3e: {  	_ =	shalt  }
0x3f: {  	_ =	shalt  }
0x40: {  	_ =	shalt  }
0x41: {  	_ =	shalt  }
0x42: {  	_ =	shalt  }
0x43: {  	_ =	shalt  }
0x44: {  	_ =	shalt  }
0x45: {  	_ =	shalt  }
0x46: {  	_ =	shalt  }
0x47: {  	_ =	shalt  }
0x48: {  	_ =	shalt  }
0x49: {  	_ =	shalt  }
0x4a: {  	_ =	shalt  }
0x4b: {  	_ =	shalt  }
0x4c: {  	_ =	shalt  }
0x4d: {  	_ =	shalt  }
0x4e: {  	_ =	shalt  }
0x4f: {  	_ =	shalt  }
0x50: {  	_ =	shalt  }
0x51: {  	_ =	shalt  }
0x52: {  	_ =	shalt  }
0x53: {  	_ =	shalt  }
0x54: {  	_ =	shalt  }
0x55: {  	_ =	shalt  }
0x56: {  	_ =	shalt  }
0x57: {  	_ =	shalt  }
0x58: {  	_ =	shalt  }
0x59: {  	_ =	shalt  }
0x5a: {  	_ =	shalt  }
0x5b: {  	_ =	shalt  }
0x5c: {  	_ =	shalt  }
0x5d: {  	_ =	shalt  }
0x5e: {  	_ =	shalt  }
0x5f: {  	_ =	shalt  }
0x60: {  	_ =	shalt  }
0x61: {  	_ =	shalt  }
0x62: {  	_ =	shalt  }
0x63: {  	_ =	shalt  }
0x64: {  	_ =	shalt  }
0x65: {  	_ =	shalt  }
0x66: {  	_ =	shalt  }
0x67: {  	_ =	shalt  }
0x68: {  	_ =	shalt  }
0x69: {  	_ =	shalt  }
0x6a: {  	_ =	shalt  }
0x6b: {  	_ =	shalt  }
0x6c: {  	_ =	shalt  }
0x6d: {  	_ =	shalt  }
0x6e: {  	_ =	shalt  }
0x6f: {  	_ =	shalt  }
0x70: {  	_ =	shalt  }
0x71: {  	_ =	shalt  }
0x72: {  	_ =	shalt  }
0x73: {  	_ =	shalt  }
0x74: {  	_ =	shalt  }
0x75: {  	_ =	shalt  }
0x76: {  	_ =	shalt  }
0x77: {  	_ =	shalt  }
0x78: {  	_ =	shalt  }
0x79: {  	_ =	shalt  }
0x7a: {  	_ =	shalt  }
0x7b: {  	_ =	shalt  }
0x7c: {  	_ =	shalt  }
0x7d: {  	_ =	shalt  }
0x7e: {  	_ =	shalt  }
0x7f: {  	_ =	shalt  }
0x80: {  	_ =	shalt  }
0x81: {  	_ =	shalt  }
0x82: {  	_ =	shalt  }
0x83: {  	_ =	shalt  }
0x84: {  	_ =	shalt  }
0x85: {  	_ =	shalt  }
0x86: {  	_ =	shalt  }
0x87: {  	_ =	shalt  }
.Lfunc_end0:
.L_simem_size_0:
called_computation.1_lowered:
.L_overlay_start_0:
0x88: {  	s2 =	sld [smem:$0x3FD9]  }
0x89: {  	s3 =	sld [smem:$0x3FFE];
	_ =	sdelay $0x1  }
0x8a: {  	s1 =	srdreg.scid  }
0x8b: {  	s0 =	sand.u32 $0x1, s1  }
0x8c: {  	s16 =	sshll.u32 s0, $0xA;
	s2 =	sadd.s32 s3, s2  }
0x8d: {  	s2 =	sadd.s32 s2, s16  }
0x8e: {  	[smem:$0x3FB6] =	sst s2  }
0x8f: {  	_ = 	snop  }
0x90: {  	(tm) =	ssettm $0x1  }
0x91: {  	s17 =	sld [smem:$0x3FFB];
	_ =	sdelay $0x3  }
0x92: {  	_ =	strace s17  }
0x93: {  	s2 =	sld [smem:$0x3FFC];
	_ =	sdelay $0x3  }
0x94: {  	_ =	strace s2  }
0x95: {  	s2 =	sld [smem:$0x3FFD];
	_ =	sdelay $0x3  }
0x96: {  	_ =	strace s2  }
0x97: {  	_ =	strace $0x8FFFFFFF  }
0x98: {  	s18 =	sld [smem:$0x3FDB];
	_ =	sdelay $0x1  }
0x99: {  	s19 =	simm.s32 $_scs_section_size  }
0x9a: {  	s4 =	simm.s32 $_size__tile_overlayer_lowered;
	s5 =	simm.s32 $_tile_overlayer_lowered  }
0x9b: {  	s22 =	simm.s32 $0x1BFF;
	s21 =	sshll.u32 s5, $0x1;
	s2 =	sadd.s32 s19, s18  }
0x9c: {  	s6 =	simm.s32 $0x0;
	s20 =	sshll.u32 s4, $0x1;
	s4 =	sadd.s32 s21, s2  }
0x9d: {  	[timem:s6], [sflag:s22] =	dma.local [hbm:s4], s20  }
0x9e: {  	_ =	swait.ge [sflag:s22], s20  }
0x9f: {  	s3 =	ssub.s32 $0x0, s20;
	[sflag:s22] =	ssyncset.done $0x0  }
0xa0: {  	[sflag:s22] =	ssyncadd.s32 s3;
	_ =	sdelay $0x1  }
0xa1: {  	s23 =	simm.s32 $0x1B8B  }
0xa2: {  	_ =	swait.ge [sflag:s23], $0x1  }
0xa3: {  	[sflag:s23] =	ssyncset.done $0x0  }
0xa4: {  	s25 =	simm.s32 $0x1B8E;
	s24 =	sld [smem:$0x3FFE];
	[sflag:s23] =	ssyncadd.s32 $0xFFFFFFFF  }
0xa5: {  	s26 =	simm.s32 $execute0_lowered;
	[smem:$0x3FD2] =	sst s25  }
0xa6: {  	s4 =	sshll.u32 s26, $0x1;
	_ =	strace $0x80000049;
	[dreg:$0x1] =	wrdreg $0xFFFFFFFF  }
0xa7: {  	s28 =	simm.s32 $_size_execute0_lowered;
	s2 =	sadd.s32 s2, s4;
	[dreg:$0x0] =	wrdreg $0x0  }
0xa8: {  	s4 =	sshll.u32 s28, $0x1;
	[dreg:$0x2] =	wrdreg s2  }
0xa9: {  	[dreg:$0x3] =	wrdreg s4  }
0xaa: {  	[dreg:$0x4] =	wrdreg $0xC0  }
0xab: {  	_ =	task [dreg:s6], $0x5FFFF  }
0xac: {  	[dreg:$0x1] =	wrdreg $0xFFFFFFFF  }
0xad: {  	[dreg:$0x0] =	wrdreg $0x60  }
0xae: {  	[dreg:$0x2] =	wrdreg s24  }
0xaf: {  	[dreg:$0x3] =	wrdreg $0x90000  }
0xb0: {  	[dreg:$0x4] =	wrdreg $0x9  }
0xb1: {  	_ =	task.clear_ibuf [dreg:s6], $0x5FFFF;
	_ =	strace $0x90000049  }
0xb2: {  	s29 =	simm.s32 $0x9;
	_ =	strace $0x8000004B  }
0xb3: {  	_ =	swait.ge [sflag:s29], $0x1  }
0xb4: {  	[sflag:s29] =	ssyncadd.s32 $0xFFFFFFFF  }
0xb5: {  	_ =	strace $0x9000004B  }
0xb6: {  	_ =	sfence  }
0xb7: {  	s30 =	sld [smem:$0x0];
	_ =	sdelay $0x2  }
0xb8: {  	s31 =	sshll.u32 s1, $0xD;
	s1 =	sshrl.u32 s1, $0x2  }
0xb9: {  	s3 =	sand.u32 $0x4000, s31;
	s1 =	sadd.s32 s1, s30  }
0xba: {  	s0 =	sor.u32 s3, s0;
	s1 =	sshll.u32 s1, $0x11  }
0xbb: {  	s0 =	sor.u32 s1, s0  }
0xbc: {  	s0 =	sadd.s32 $0x8F2B, s0  }
0xbd: {  	[sflag:s0] =	ssyncadd.remote.s32 $0x1  }
0xbe: {  	_ =	sfence.sel $0xFFFF  }
0xbf: {  	[dreg:$0x0] =	wrdreg $0xFFFFFFFF;
	(pc) =	sbr.abs _section_cstart, $3  }
0xc0: {  	[dreg:$0x1] =	wrdreg $0xFFFFFFFF  }
0xc1: {  	_ =	task.clear_ibuf [dreg:s6], $0x2FFFF;
	_ =	strace $0x9FFFFFFF  }
0xc2: {  	(tm) =	ssettm $0x7FFFFFFF  }
0xc3: {  	_ =	shalt  }
tec
execute0_lowered:
.L_overlay_start_1:
0x0: {  	(tag) =	ssettag $0x1  }
0x1: {  	s0 =	srdreg.scid  }
0x2: {  	s1 =	rddreg [dreg:$0x0];
	s9 =	stileid.u32  }
0x3: {  	s2 =	rddreg [dreg:$0x1];
	s3 =	simm.s32 $0x0;
	s12 =	simm.s32 $0x100  }
0x4: {  	s14 =	simm.s32 $0x880;
	s15 =	simm.s32 $0x180;
	s16 =	simm.s32 $0x900  }
0x5: {  	s17 =	simm.s32 $0x200;
	[smem:$0x7FF] =	sst s3;
	s8 =	sadd.s32 $0x2D600, s1  }
0x6: {  	s18 =	simm.s32 $0x980;
	_ =	strace $0x8000004A;
	[dreg:$0x13] =	wrdreg s8  }
0x7: {  	s19 =	simm.s32 $0x280;
	s20 =	simm.s32 $0xA00;
	[dreg:$0x5] =	wrdreg s12  }
0x8: {  	s21 =	simm.s32 $0x300;
	s22 =	simm.s32 $0xA80;
	[dreg:$0x6] =	wrdreg s14  }
0x9: {  	s23 =	simm.s32 $0x380;
	s28 =	simm.s32 $0x680;
	[dreg:$0x7] =	wrdreg s15  }
0xa: {  	s29 =	simm.s32 $0xE00;
	s30 =	simm.s32 $0x700;
	[dreg:$0x8] =	wrdreg s16  }
0xb: {  	s31 =	simm.s32 $0xE80;
	s5 =	smul.u32 $0x5000, s9;
	[dreg:$0x9] =	wrdreg s17  }
0xc: {  	s0 =	sand.u32 $0x1, s0;
	s6 =	smul.u32 $0x14000, s9;
	[dreg:$0xa] =	wrdreg s18  }
0xd: {  	s26 =	smul.u32 $0x50000, s9;
	s13 =	sshll.u32 s9, $0x6;
	[dreg:$0xb] =	wrdreg s19  }
0xe: {  	s9 =	simm.s32 $0x0;
	s4 =	smul.u32 $0x50000, s0;
	[dreg:$0xc] =	wrdreg s20  }
0xf: {  	s24 =	smul.u32 $0x140000, s0;
	s0 =	ssub.s32 $0x2, s0;
	[dreg:$0xd] =	wrdreg s21  }
0x10: {  	s12 =	simm.s32 $0x80;
	s14 =	simm.s32 $0x5000;
	[dreg:$0xe] =	wrdreg s22  }
0x11: {  	s15 =	simm.s32 $0x1;
	[dreg:$0xf] =	wrdreg s23;
	s16 =	simm.s32 $0x3  }
0x12: {  	s17 =	simm.s32 $0x2;
	s18 =	simm.s32 $0x4;
	s19 =	simm.s32 $0x480  }
0x13: {  	s20 =	simm.s32 $0xC00;
	s21 =	simm.s32 $0x500;
	s22 =	simm.s32 $0xC80  }
0x14: {  	s23 =	simm.s32 $0x580;
	s25 =	sshrl.u32 s0, $0x1;
	s10 =	sshrl.u32 s26, $0x2  }
0x15: {  	s26 =	simm.s32 $0xB80;
	s4 =	sadd.s32 s5, s4;
	s5 =	sadd.s32 s6, s24  }
0x16: {  	s0 =	ssub.s32 s0, s25;
	s24 =	simm.s32 $0xB00;
	s25 =	simm.s32 $0x400  }
0x17: {  	[dreg:$0x12] =	wrdreg s26;
	s26 =	simm.s32 $0xD80;
	s4 =	sshrl.u32 s4, $0x3  }
0x18: {  	s5 =	sshrl.u32 s5, $0x3;
	s0 =	smax.u32 s0, $0x1;
	[dreg:$0x10] =	wrdreg s24  }
0x19: {  	[dreg:$0x11] =	wrdreg s25;
	s24 =	simm.s32 $0xD00;
	s25 =	simm.s32 $0x600  }
0x1a: {  	s7 =	sadd.s32 s4, s1;
	s4 =	sadd.s32 $0x11CA00, s1;
	s1 =	sadd.s32 s5, s1  }
0x1b: {  	[dreg:$0x16] =	wrdreg s0;
	s0 =	simm.s32 $0xF00;
	s6 =	sadd.s32 $0x19600, s7  }
0x1c: {  	s5 =	simm.s32 $0xF80;
	s11 =	sadd.s32 $0x5600, s7;
	[dreg:$0x3] =	wrdreg s6  }
0x1d: {  	s7 =	sor.u32 $0x1C05, s13;
	s1 =	sadd.s32 $0x16AC00, s1;
	[dreg:$0x4] =	wrdreg s11  }
0x1e: {  	s13 =	simm.s32 $0x1000;
	s6 =	sadd.s32 s10, s2;
	[dreg:$0x15] =	wrdreg s1  }
0x1f: {  	s10 =	simm.s32 $0x5;
	[dreg:$0x14] =	wrdreg s7;
	s8 =	sshrl.u32 s6, $0x3  }
0x20: {  	s11 =	simm.s32 $0x800;
	s1 =	simm.s32 $0x780;
	[dreg:$0x17] =	wrdreg s8  }
.LBB2_1:
0x21: {  	[dreg:$0x18] =	wrdreg s9  }
0x22: {  	s6 =	rddreg [dreg:$0x13]  }
0x23: {  	[spmem:s8], [sflag:s7] =	dma.local [hbm:s6], $0x2800  }
0x24: {  	_ =	swait.ge [sflag:s10], $0x2800  }
0x25: {  	[sflag:s10] =	ssyncset.done $0x0  }
0x26: {  	[sflag:s10] =	ssyncadd.s32 $0xFFFFD800  }
0x27: {  	[bflag:$0x0] =	sbarrier.arrive $0xFFFF  }
0x28: {  	s9 =	rddreg [dreg:$0x4]  }
0x29: {  	s6 =	sadd.s32 $0x0, s9  }
0x2a: {  	[tilespmem:s3], [sflag:$0x5] =	stream.linear.gather [hbm4b:s6+s3], $0x800, $0x38;
	[tilespmem:$0x1D000] =	vst v63  }
0x2b: {  	_ =	swait.ge [sflag:s10], $0x800  }
0x2c: {  	s7 =	rddreg [dreg:$0x3];
	[sflag:s10] =	ssyncset.done $0x0  }
0x2d: {  	[sflag:s10] =	ssyncadd.s32 $0xFFFFF800;
	s6 =	sadd.s32 $0x0, s7  }
0x2e: {  	[tilespmem:s11], [sflag:$0x5] =	stream.linear.gather [hbm4b:s6+s3], $0x800, $0x38;
	[tilespmem:$0x1D000] =	vst v63  }
0x2f: {  	_ =	swait.ge [sflag:s10], $0x800  }
0x30: {  	[sflag:s10] =	ssyncset.done $0x0  }
0x31: {  	[sflag:s10] =	ssyncadd.s32 $0xFFFFF800  }
0x32: {  	[tilespmem:s13], [sflag:$0x1] =	stream.indirect.gather [hbm4b:s4+s12], $0x80, s3, s12, $0xb8;
	[tilespmem:$0x1D000] =	vst v63  }
0x33: {  	_ = 	snop  }
0x34: {  	[tilespmem:s14], [sflag:$0x2] =	stream.indirect.gather [hbm4b:s4+s12], $0x80, s12, s12, $0xb8;
	[tilespmem:$0x1D000] =	vst v63  }
0x35: {  	_ =	swait.ge [sflag:s15], $0x4000  }
0x36: {  	[sflag:s15] =	ssyncset.done $0x0  }
0x37: {  	[sflag:s15] =	ssyncadd.s32 $0xFFFFC000  }
0x38: {  	[spmem:s2] =	stream.indirect.scatter.add.f32 [tilespmem:s13], [sflag:$0x3], $0x80, s11, s12, $0xb8;
	[tilespmem:$0x1D000] =	vst v63  }
0x39: {  	_ =	swait.ge [sflag:s16], $0x4000  }
0x3a: {  	[sflag:s16] =	ssyncset.done $0x0  }
0x3b: {  	s8 =	rddreg [dreg:$0x5];
	[sflag:s16] =	ssyncadd.s32 $0xFFFFC000  }
0x3c: {  	[tilespmem:s13], [sflag:$0x1] =	stream.indirect.gather [hbm4b:s4+s12], $0x80, s8, s12, $0xb8;
	[tilespmem:$0x1D000] =	vst v63  }
0x3d: {  	_ =	swait.ge [sflag:s17], $0x4000  }
0x3e: {  	[sflag:s17] =	ssyncset.done $0x0  }
0x3f: {  	s9 =	rddreg [dreg:$0x6];
	[sflag:s17] =	ssyncadd.s32 $0xFFFFC000  }
0x40: {  	[spmem:s2] =	stream.indirect.scatter.add.f32 [tilespmem:s14], [sflag:$0x4], $0x80, s9, s12, $0xb8;
	[tilespmem:$0x1D000] =	vst v63  }
0x41: {  	_ =	swait.ge [sflag:s18], $0x4000  }
0x42: {  	[sflag:s18] =	ssyncset.done $0x0  }
0x43: {  	s7 =	rddreg [dreg:$0x7];
	[sflag:s18] =	ssyncadd.s32 $0xFFFFC000  }
0x44: {  	[tilespmem:s14], [sflag:$0x2] =	stream.indirect.gather [hbm4b:s4+s12], $0x80, s7, s12, $0xb8;
	[tilespmem:$0x1D000] =	vst v63  }
0x45: {  	_ =	swait.ge [sflag:s15], $0x4000  }
0x46: {  	[sflag:s15] =	ssyncset.done $0x0  }
0x47: {  	s8 =	rddreg [dreg:$0x8];
	[sflag:s15] =	ssyncadd.s32 $0xFFFFC000  }
0x48: {  	[spmem:s2] =	stream.indirect.scatter.add.f32 [tilespmem:s13], [sflag:$0x3], $0x80, s8, s12, $0xb8;
	[tilespmem:$0x1D000] =	vst v63  }
0x49: {  	_ =	swait.ge [sflag:s16], $0x4000  }
0x4a: {  	[sflag:s16] =	ssyncset.done $0x0  }
0x4b: {  	s9 =	rddreg [dreg:$0x9];
	[sflag:s16] =	ssyncadd.s32 $0xFFFFC000  }
0x4c: {  	[tilespmem:s13], [sflag:$0x1] =	stream.indirect.gather [hbm4b:s4+s12], $0x80, s9, s12, $0xb8;
	[tilespmem:$0x1D000] =	vst v63  }
0x4d: {  	_ =	swait.ge [sflag:s17], $0x4000  }
0x4e: {  	[sflag:s17] =	ssyncset.done $0x0  }
0x4f: {  	s7 =	rddreg [dreg:$0xa];
	[sflag:s17] =	ssyncadd.s32 $0xFFFFC000  }
0x50: {  	[spmem:s2] =	stream.indirect.scatter.add.f32 [tilespmem:s14], [sflag:$0x4], $0x80, s7, s12, $0xb8;
	[tilespmem:$0x1D000] =	vst v63  }
0x51: {  	_ =	swait.ge [sflag:s18], $0x4000  }
0x52: {  	[sflag:s18] =	ssyncset.done $0x0  }
0x53: {  	s8 =	rddreg [dreg:$0xb];
	[sflag:s18] =	ssyncadd.s32 $0xFFFFC000  }
0x54: {  	[tilespmem:s14], [sflag:$0x2] =	stream.indirect.gather [hbm4b:s4+s12], $0x80, s8, s12, $0xb8;
	[tilespmem:$0x1D000] =	vst v63  }
0x55: {  	_ =	swait.ge [sflag:s15], $0x4000  }
0x56: {  	[sflag:s15] =	ssyncset.done $0x0  }
0x57: {  	s9 =	rddreg [dreg:$0xc];
	[sflag:s15] =	ssyncadd.s32 $0xFFFFC000  }
0x58: {  	[spmem:s2] =	stream.indirect.scatter.add.f32 [tilespmem:s13], [sflag:$0x3], $0x80, s9, s12, $0xb8;
	[tilespmem:$0x1D000] =	vst v63  }
0x59: {  	_ =	swait.ge [sflag:s16], $0x4000  }
0x5a: {  	[sflag:s16] =	ssyncset.done $0x0  }
0x5b: {  	s7 =	rddreg [dreg:$0xd];
	[sflag:s16] =	ssyncadd.s32 $0xFFFFC000  }
0x5c: {  	[tilespmem:s13], [sflag:$0x1] =	stream.indirect.gather [hbm4b:s4+s12], $0x80, s7, s12, $0xb8;
	[tilespmem:$0x1D000] =	vst v63  }
0x5d: {  	_ =	swait.ge [sflag:s17], $0x4000  }
0x5e: {  	[sflag:s17] =	ssyncset.done $0x0  }
0x5f: {  	s8 =	rddreg [dreg:$0xe];
	[sflag:s17] =	ssyncadd.s32 $0xFFFFC000  }
0x60: {  	[spmem:s2] =	stream.indirect.scatter.add.f32 [tilespmem:s14], [sflag:$0x4], $0x80, s8, s12, $0xb8;
	[tilespmem:$0x1D000] =	vst v63  }
0x61: {  	_ =	swait.ge [sflag:s18], $0x4000  }
0x62: {  	[sflag:s18] =	ssyncset.done $0x0  }
0x63: {  	s9 =	rddreg [dreg:$0xf];
	[sflag:s18] =	ssyncadd.s32 $0xFFFFC000  }
0x64: {  	[tilespmem:s14], [sflag:$0x2] =	stream.indirect.gather [hbm4b:s4+s12], $0x80, s9, s12, $0xb8;
	[tilespmem:$0x1D000] =	vst v63  }
0x65: {  	_ =	swait.ge [sflag:s15], $0x4000  }
0x66: {  	[sflag:s15] =	ssyncset.done $0x0  }
0x67: {  	s7 =	rddreg [dreg:$0x10];
	[sflag:s15] =	ssyncadd.s32 $0xFFFFC000  }
0x68: {  	[spmem:s2] =	stream.indirect.scatter.add.f32 [tilespmem:s13], [sflag:$0x3], $0x80, s7, s12, $0xb8;
	[tilespmem:$0x1D000] =	vst v63  }
0x69: {  	_ =	swait.ge [sflag:s16], $0x4000  }
0x6a: {  	[sflag:s16] =	ssyncset.done $0x0  }
0x6b: {  	s8 =	rddreg [dreg:$0x11];
	[sflag:s16] =	ssyncadd.s32 $0xFFFFC000  }
0x6c: {  	[tilespmem:s13], [sflag:$0x1] =	stream.indirect.gather [hbm4b:s4+s12], $0x80, s8, s12, $0xb8;
	[tilespmem:$0x1D000] =	vst v63  }
0x6d: {  	_ =	swait.ge [sflag:s17], $0x4000  }
0x6e: {  	[sflag:s17] =	ssyncset.done $0x0  }
0x6f: {  	s9 =	rddreg [dreg:$0x12];
	[sflag:s17] =	ssyncadd.s32 $0xFFFFC000  }
0x70: {  	[spmem:s2] =	stream.indirect.scatter.add.f32 [tilespmem:s14], [sflag:$0x4], $0x80, s9, s12, $0xb8;
	[tilespmem:$0x1D000] =	vst v63  }
0x71: {  	_ =	swait.ge [sflag:s18], $0x4000  }
0x72: {  	[sflag:s18] =	ssyncset.done $0x0  }
0x73: {  	[sflag:s18] =	ssyncadd.s32 $0xFFFFC000  }
0x74: {  	[tilespmem:s14], [sflag:$0x2] =	stream.indirect.gather [hbm4b:s4+s12], $0x80, s19, s12, $0xb8;
	[tilespmem:$0x1D000] =	vst v63  }
0x75: {  	_ =	swait.ge [sflag:s15], $0x4000  }
0x76: {  	[sflag:s15] =	ssyncset.done $0x0  }
0x77: {  	[sflag:s15] =	ssyncadd.s32 $0xFFFFC000  }
0x78: {  	[spmem:s2] =	stream.indirect.scatter.add.f32 [tilespmem:s13], [sflag:$0x3], $0x80, s20, s12, $0xb8;
	[tilespmem:$0x1D000] =	vst v63  }
0x79: {  	_ =	swait.ge [sflag:s16], $0x4000  }
0x7a: {  	[sflag:s16] =	ssyncset.done $0x0  }
0x7b: {  	[sflag:s16] =	ssyncadd.s32 $0xFFFFC000  }
0x7c: {  	[tilespmem:s13], [sflag:$0x1] =	stream.indirect.gather [hbm4b:s4+s12], $0x80, s21, s12, $0xb8;
	[tilespmem:$0x1D000] =	vst v63  }
0x7d: {  	_ =	swait.ge [sflag:s17], $0x4000  }
0x7e: {  	[sflag:s17] =	ssyncset.done $0x0  }
0x7f: {  	[sflag:s17] =	ssyncadd.s32 $0xFFFFC000  }
0x80: {  	[spmem:s2] =	stream.indirect.scatter.add.f32 [tilespmem:s14], [sflag:$0x4], $0x80, s22, s12, $0xb8;
	[tilespmem:$0x1D000] =	vst v63  }
0x81: {  	_ =	swait.ge [sflag:s18], $0x4000  }
0x82: {  	[sflag:s18] =	ssyncset.done $0x0  }
0x83: {  	[sflag:s18] =	ssyncadd.s32 $0xFFFFC000  }
0x84: {  	[tilespmem:s14], [sflag:$0x2] =	stream.indirect.gather [hbm4b:s4+s12], $0x80, s23, s12, $0xb8;
	[tilespmem:$0x1D000] =	vst v63  }
0x85: {  	_ =	swait.ge [sflag:s15], $0x4000  }
0x86: {  	[sflag:s15] =	ssyncset.done $0x0  }
0x87: {  	[sflag:s15] =	ssyncadd.s32 $0xFFFFC000  }
0x88: {  	[spmem:s2] =	stream.indirect.scatter.add.f32 [tilespmem:s13], [sflag:$0x3], $0x80, s24, s12, $0xb8;
	[tilespmem:$0x1D000] =	vst v63  }
0x89: {  	_ =	swait.ge [sflag:s16], $0x4000  }
0x8a: {  	[sflag:s16] =	ssyncset.done $0x0  }
0x8b: {  	[sflag:s16] =	ssyncadd.s32 $0xFFFFC000  }
0x8c: {  	[tilespmem:s13], [sflag:$0x1] =	stream.indirect.gather [hbm4b:s4+s12], $0x80, s25, s12, $0xb8;
	[tilespmem:$0x1D000] =	vst v63  }
0x8d: {  	_ =	swait.ge [sflag:s17], $0x4000  }
0x8e: {  	[sflag:s17] =	ssyncset.done $0x0  }
0x8f: {  	[sflag:s17] =	ssyncadd.s32 $0xFFFFC000  }
0x90: {  	[spmem:s2] =	stream.indirect.scatter.add.f32 [tilespmem:s14], [sflag:$0x4], $0x80, s26, s12, $0xb8;
	[tilespmem:$0x1D000] =	vst v63  }
0x91: {  	_ =	swait.ge [sflag:s18], $0x4000  }
0x92: {  	[sflag:s18] =	ssyncset.done $0x0  }
0x93: {  	[sflag:s18] =	ssyncadd.s32 $0xFFFFC000  }
0x94: {  	[tilespmem:s14], [sflag:$0x2] =	stream.indirect.gather [hbm4b:s4+s12], $0x80, s28, s12, $0xb8;
	[tilespmem:$0x1D000] =	vst v63  }
0x95: {  	_ =	swait.ge [sflag:s15], $0x4000  }
0x96: {  	[sflag:s15] =	ssyncset.done $0x0  }
0x97: {  	[sflag:s15] =	ssyncadd.s32 $0xFFFFC000  }
0x98: {  	[spmem:s2] =	stream.indirect.scatter.add.f32 [tilespmem:s13], [sflag:$0x3], $0x80, s29, s12, $0xb8;
	[tilespmem:$0x1D000] =	vst v63  }
0x99: {  	_ =	swait.ge [sflag:s16], $0x4000  }
0x9a: {  	[sflag:s16] =	ssyncset.done $0x0  }
0x9b: {  	[sflag:s16] =	ssyncadd.s32 $0xFFFFC000  }
0x9c: {  	[tilespmem:s13], [sflag:$0x1] =	stream.indirect.gather [hbm4b:s4+s12], $0x80, s30, s12, $0xb8;
	[tilespmem:$0x1D000] =	vst v63  }
0x9d: {  	_ =	swait.ge [sflag:s17], $0x4000  }
0x9e: {  	[sflag:s17] =	ssyncset.done $0x0  }
0x9f: {  	[sflag:s17] =	ssyncadd.s32 $0xFFFFC000  }
0xa0: {  	[spmem:s2] =	stream.indirect.scatter.add.f32 [tilespmem:s14], [sflag:$0x4], $0x80, s31, s12, $0xb8;
	[tilespmem:$0x1D000] =	vst v63  }
0xa1: {  	_ =	swait.ge [sflag:s18], $0x4000  }
0xa2: {  	[sflag:s18] =	ssyncset.done $0x0  }
0xa3: {  	[sflag:s18] =	ssyncadd.s32 $0xFFFFC000  }
0xa4: {  	[tilespmem:s14], [sflag:$0x2] =	stream.indirect.gather [hbm4b:s4+s12], $0x80, s1, s12, $0xb8;
	[tilespmem:$0x1D000] =	vst v63  }
0xa5: {  	_ =	swait.ge [sflag:s15], $0x4000  }
0xa6: {  	[sflag:s15] =	ssyncset.done $0x0  }
0xa7: {  	[sflag:s15] =	ssyncadd.s32 $0xFFFFC000  }
0xa8: {  	[spmem:s2] =	stream.indirect.scatter.add.f32 [tilespmem:s13], [sflag:$0x3], $0x80, s0, s12, $0xb8;
	[tilespmem:$0x1D000] =	vst v63  }
0xa9: {  	_ =	swait.ge [sflag:s17], $0x4000  }
0xaa: {  	[sflag:s17] =	ssyncset.done $0x0  }
0xab: {  	[sflag:s17] =	ssyncadd.s32 $0xFFFFC000  }
0xac: {  	[spmem:s2] =	stream.indirect.scatter.add.f32 [tilespmem:s14], [sflag:$0x4], $0x80, s5, s12, $0xb8;
	[tilespmem:$0x1D000] =	vst v63  }
0xad: {  	_ =	swait.ge [sflag:s16], $0x4000  }
0xae: {  	[sflag:s16] =	ssyncset.done $0x0  }
0xaf: {  	[sflag:s16] =	ssyncadd.s32 $0xFFFFC000  }
0xb0: {  	s6 =	simm.s32 $0x200;
	_ =	swait.ge [sflag:s18], $0x4000  }
0xb1: {  	s8 =	simm.s32 $0x100;
	s9 =	rddreg [dreg:$0x4];
	[sflag:s18] =	ssyncset.done $0x0  }
.LBB2_2:
0xb2: {  	[sflag:s18] =	ssyncadd.s32 $0xFFFFC000;
	s9 =	sadd.s32 s8, s9  }
0xb3: {  	[tilespmem:s3], [sflag:$0x5] =	stream.linear.gather [hbm4b:s9+s3], $0x800, $0x38;
	[tilespmem:$0x1D000] =	vst v63  }
0xb4: {  	_ =	swait.ge [sflag:s10], $0x800  }
0xb5: {  	s9 =	rddreg [dreg:$0x3];
	[sflag:s10] =	ssyncset.done $0x0  }
0xb6: {  	[sflag:s10] =	ssyncadd.s32 $0xFFFFF800;
	s9 =	sadd.s32 s8, s9  }
0xb7: {  	[tilespmem:s11], [sflag:$0x5] =	stream.linear.gather [hbm4b:s9+s3], $0x800, $0x38;
	[tilespmem:$0x1D000] =	vst v63  }
0xb8: {  	_ =	swait.ge [sflag:s10], $0x800  }
0xb9: {  	[sflag:s10] =	ssyncset.done $0x0  }
0xba: {  	[sflag:s10] =	ssyncadd.s32 $0xFFFFF800  }
0xbb: {  	[tilespmem:s13], [sflag:$0x1] =	stream.indirect.gather [hbm4b:s4+s12], $0x80, s3, s12, $0xb8;
	[tilespmem:$0x1D000] =	vst v63  }
0xbc: {  	_ = 	snop  }
0xbd: {  	[tilespmem:s14], [sflag:$0x2] =	stream.indirect.gather [hbm4b:s4+s12], $0x80, s12, s12, $0xb8;
	[tilespmem:$0x1D000] =	vst v63  }
0xbe: {  	_ =	swait.ge [sflag:s15], $0x4000  }
0xbf: {  	[sflag:s15] =	ssyncset.done $0x0  }
0xc0: {  	[sflag:s15] =	ssyncadd.s32 $0xFFFFC000  }
0xc1: {  	[spmem:s2] =	stream.indirect.scatter.add.f32 [tilespmem:s13], [sflag:$0x3], $0x80, s11, s12, $0xb8;
	[tilespmem:$0x1D000] =	vst v63  }
0xc2: {  	_ =	swait.ge [sflag:s16], $0x4000  }
0xc3: {  	[sflag:s16] =	ssyncset.done $0x0  }
0xc4: {  	s9 =	rddreg [dreg:$0x5];
	[sflag:s16] =	ssyncadd.s32 $0xFFFFC000  }
0xc5: {  	[tilespmem:s13], [sflag:$0x1] =	stream.indirect.gather [hbm4b:s4+s12], $0x80, s9, s12, $0xb8;
	[tilespmem:$0x1D000] =	vst v63  }
0xc6: {  	_ =	swait.ge [sflag:s17], $0x4000  }
0xc7: {  	[sflag:s17] =	ssyncset.done $0x0  }
0xc8: {  	s9 =	rddreg [dreg:$0x6];
	[sflag:s17] =	ssyncadd.s32 $0xFFFFC000  }
0xc9: {  	[spmem:s2] =	stream.indirect.scatter.add.f32 [tilespmem:s14], [sflag:$0x4], $0x80, s9, s12, $0xb8;
	[tilespmem:$0x1D000] =	vst v63  }
0xca: {  	_ =	swait.ge [sflag:s18], $0x4000  }
0xcb: {  	[sflag:s18] =	ssyncset.done $0x0  }
0xcc: {  	s9 =	rddreg [dreg:$0x7];
	[sflag:s18] =	ssyncadd.s32 $0xFFFFC000  }
0xcd: {  	[tilespmem:s14], [sflag:$0x2] =	stream.indirect.gather [hbm4b:s4+s12], $0x80, s9, s12, $0xb8;
	[tilespmem:$0x1D000] =	vst v63  }
0xce: {  	_ =	swait.ge [sflag:s15], $0x4000  }
0xcf: {  	[sflag:s15] =	ssyncset.done $0x0  }
0xd0: {  	s9 =	rddreg [dreg:$0x8];
	[sflag:s15] =	ssyncadd.s32 $0xFFFFC000  }
0xd1: {  	[spmem:s2] =	stream.indirect.scatter.add.f32 [tilespmem:s13], [sflag:$0x3], $0x80, s9, s12, $0xb8;
	[tilespmem:$0x1D000] =	vst v63  }
0xd2: {  	_ =	swait.ge [sflag:s16], $0x4000  }
0xd3: {  	[sflag:s16] =	ssyncset.done $0x0  }
0xd4: {  	s9 =	rddreg [dreg:$0x9];
	[sflag:s16] =	ssyncadd.s32 $0xFFFFC000  }
0xd5: {  	[tilespmem:s13], [sflag:$0x1] =	stream.indirect.gather [hbm4b:s4+s12], $0x80, s9, s12, $0xb8;
	[tilespmem:$0x1D000] =	vst v63  }
0xd6: {  	_ =	swait.ge [sflag:s17], $0x4000  }
0xd7: {  	[sflag:s17] =	ssyncset.done $0x0  }
0xd8: {  	s9 =	rddreg [dreg:$0xa];
	[sflag:s17] =	ssyncadd.s32 $0xFFFFC000  }
0xd9: {  	[spmem:s2] =	stream.indirect.scatter.add.f32 [tilespmem:s14], [sflag:$0x4], $0x80, s9, s12, $0xb8;
	[tilespmem:$0x1D000] =	vst v63  }
0xda: {  	_ =	swait.ge [sflag:s18], $0x4000  }
0xdb: {  	[sflag:s18] =	ssyncset.done $0x0  }
0xdc: {  	s9 =	rddreg [dreg:$0xb];
	[sflag:s18] =	ssyncadd.s32 $0xFFFFC000  }
0xdd: {  	[tilespmem:s14], [sflag:$0x2] =	stream.indirect.gather [hbm4b:s4+s12], $0x80, s9, s12, $0xb8;
	[tilespmem:$0x1D000] =	vst v63  }
0xde: {  	_ =	swait.ge [sflag:s15], $0x4000  }
0xdf: {  	[sflag:s15] =	ssyncset.done $0x0  }
0xe0: {  	s9 =	rddreg [dreg:$0xc];
	[sflag:s15] =	ssyncadd.s32 $0xFFFFC000  }
0xe1: {  	[spmem:s2] =	stream.indirect.scatter.add.f32 [tilespmem:s13], [sflag:$0x3], $0x80, s9, s12, $0xb8;
	[tilespmem:$0x1D000] =	vst v63  }
0xe2: {  	_ =	swait.ge [sflag:s16], $0x4000  }
0xe3: {  	[sflag:s16] =	ssyncset.done $0x0  }
0xe4: {  	s9 =	rddreg [dreg:$0xd];
	[sflag:s16] =	ssyncadd.s32 $0xFFFFC000  }
0xe5: {  	[tilespmem:s13], [sflag:$0x1] =	stream.indirect.gather [hbm4b:s4+s12], $0x80, s9, s12, $0xb8;
	[tilespmem:$0x1D000] =	vst v63  }
0xe6: {  	_ =	swait.ge [sflag:s17], $0x4000  }
0xe7: {  	[sflag:s17] =	ssyncset.done $0x0  }
0xe8: {  	s9 =	rddreg [dreg:$0xe];
	[sflag:s17] =	ssyncadd.s32 $0xFFFFC000  }
0xe9: {  	[spmem:s2] =	stream.indirect.scatter.add.f32 [tilespmem:s14], [sflag:$0x4], $0x80, s9, s12, $0xb8;
	[tilespmem:$0x1D000] =	vst v63  }
0xea: {  	_ =	swait.ge [sflag:s18], $0x4000  }
0xeb: {  	[sflag:s18] =	ssyncset.done $0x0  }
0xec: {  	s9 =	rddreg [dreg:$0xf];
	[sflag:s18] =	ssyncadd.s32 $0xFFFFC000  }
0xed: {  	[tilespmem:s14], [sflag:$0x2] =	stream.indirect.gather [hbm4b:s4+s12], $0x80, s9, s12, $0xb8;
	[tilespmem:$0x1D000] =	vst v63  }
0xee: {  	_ =	swait.ge [sflag:s15], $0x4000  }
0xef: {  	[sflag:s15] =	ssyncset.done $0x0  }
0xf0: {  	s9 =	rddreg [dreg:$0x10];
	[sflag:s15] =	ssyncadd.s32 $0xFFFFC000  }
0xf1: {  	[spmem:s2] =	stream.indirect.scatter.add.f32 [tilespmem:s13], [sflag:$0x3], $0x80, s9, s12, $0xb8;
	[tilespmem:$0x1D000] =	vst v63  }
0xf2: {  	_ =	swait.ge [sflag:s16], $0x4000  }
0xf3: {  	[sflag:s16] =	ssyncset.done $0x0  }
0xf4: {  	s9 =	rddreg [dreg:$0x11];
	[sflag:s16] =	ssyncadd.s32 $0xFFFFC000  }
0xf5: {  	[tilespmem:s13], [sflag:$0x1] =	stream.indirect.gather [hbm4b:s4+s12], $0x80, s9, s12, $0xb8;
	[tilespmem:$0x1D000] =	vst v63  }
0xf6: {  	_ =	swait.ge [sflag:s17], $0x4000  }
0xf7: {  	[sflag:s17] =	ssyncset.done $0x0  }
0xf8: {  	s9 =	rddreg [dreg:$0x12];
	[sflag:s17] =	ssyncadd.s32 $0xFFFFC000  }
0xf9: {  	[spmem:s2] =	stream.indirect.scatter.add.f32 [tilespmem:s14], [sflag:$0x4], $0x80, s9, s12, $0xb8;
	[tilespmem:$0x1D000] =	vst v63  }
0xfa: {  	_ =	swait.ge [sflag:s18], $0x4000  }
0xfb: {  	[sflag:s18] =	ssyncset.done $0x0  }
0xfc: {  	[sflag:s18] =	ssyncadd.s32 $0xFFFFC000  }
0xfd: {  	[tilespmem:s14], [sflag:$0x2] =	stream.indirect.gather [hbm4b:s4+s12], $0x80, s19, s12, $0xb8;
	[tilespmem:$0x1D000] =	vst v63  }
0xfe: {  	_ =	swait.ge [sflag:s15], $0x4000  }
0xff: {  	[sflag:s15] =	ssyncset.done $0x0  }
0x100: {  	[sflag:s15] =	ssyncadd.s32 $0xFFFFC000  }
0x101: {  	[spmem:s2] =	stream.indirect.scatter.add.f32 [tilespmem:s13], [sflag:$0x3], $0x80, s20, s12, $0xb8;
	[tilespmem:$0x1D000] =	vst v63  }
0x102: {  	_ =	swait.ge [sflag:s16], $0x4000  }
0x103: {  	[sflag:s16] =	ssyncset.done $0x0  }
0x104: {  	[sflag:s16] =	ssyncadd.s32 $0xFFFFC000  }
0x105: {  	[tilespmem:s13], [sflag:$0x1] =	stream.indirect.gather [hbm4b:s4+s12], $0x80, s21, s12, $0xb8;
	[tilespmem:$0x1D000] =	vst v63  }
0x106: {  	_ =	swait.ge [sflag:s17], $0x4000  }
0x107: {  	[sflag:s17] =	ssyncset.done $0x0  }
0x108: {  	[sflag:s17] =	ssyncadd.s32 $0xFFFFC000  }
0x109: {  	[spmem:s2] =	stream.indirect.scatter.add.f32 [tilespmem:s14], [sflag:$0x4], $0x80, s22, s12, $0xb8;
	[tilespmem:$0x1D000] =	vst v63  }
0x10a: {  	_ =	swait.ge [sflag:s18], $0x4000  }
0x10b: {  	[sflag:s18] =	ssyncset.done $0x0  }
0x10c: {  	[sflag:s18] =	ssyncadd.s32 $0xFFFFC000  }
0x10d: {  	[tilespmem:s14], [sflag:$0x2] =	stream.indirect.gather [hbm4b:s4+s12], $0x80, s23, s12, $0xb8;
	[tilespmem:$0x1D000] =	vst v63  }
0x10e: {  	_ =	swait.ge [sflag:s15], $0x4000  }
0x10f: {  	[sflag:s15] =	ssyncset.done $0x0  }
0x110: {  	[sflag:s15] =	ssyncadd.s32 $0xFFFFC000  }
0x111: {  	[spmem:s2] =	stream.indirect.scatter.add.f32 [tilespmem:s13], [sflag:$0x3], $0x80, s24, s12, $0xb8;
	[tilespmem:$0x1D000] =	vst v63  }
0x112: {  	_ =	swait.ge [sflag:s16], $0x4000  }
0x113: {  	[sflag:s16] =	ssyncset.done $0x0  }
0x114: {  	[sflag:s16] =	ssyncadd.s32 $0xFFFFC000  }
0x115: {  	[tilespmem:s13], [sflag:$0x1] =	stream.indirect.gather [hbm4b:s4+s12], $0x80, s25, s12, $0xb8;
	[tilespmem:$0x1D000] =	vst v63  }
0x116: {  	_ =	swait.ge [sflag:s17], $0x4000  }
0x117: {  	[sflag:s17] =	ssyncset.done $0x0  }
0x118: {  	[sflag:s17] =	ssyncadd.s32 $0xFFFFC000  }
0x119: {  	[spmem:s2] =	stream.indirect.scatter.add.f32 [tilespmem:s14], [sflag:$0x4], $0x80, s26, s12, $0xb8;
	[tilespmem:$0x1D000] =	vst v63  }
0x11a: {  	_ =	swait.ge [sflag:s18], $0x4000  }
0x11b: {  	[sflag:s18] =	ssyncset.done $0x0  }
0x11c: {  	[sflag:s18] =	ssyncadd.s32 $0xFFFFC000  }
0x11d: {  	[tilespmem:s14], [sflag:$0x2] =	stream.indirect.gather [hbm4b:s4+s12], $0x80, s28, s12, $0xb8;
	[tilespmem:$0x1D000] =	vst v63  }
0x11e: {  	_ =	swait.ge [sflag:s15], $0x4000  }
0x11f: {  	[sflag:s15] =	ssyncset.done $0x0  }
0x120: {  	[sflag:s15] =	ssyncadd.s32 $0xFFFFC000  }
0x121: {  	[spmem:s2] =	stream.indirect.scatter.add.f32 [tilespmem:s13], [sflag:$0x3], $0x80, s29, s12, $0xb8;
	[tilespmem:$0x1D000] =	vst v63  }
0x122: {  	_ =	swait.ge [sflag:s16], $0x4000  }
0x123: {  	[sflag:s16] =	ssyncset.done $0x0  }
0x124: {  	[sflag:s16] =	ssyncadd.s32 $0xFFFFC000  }
0x125: {  	[tilespmem:s13], [sflag:$0x1] =	stream.indirect.gather [hbm4b:s4+s12], $0x80, s30, s12, $0xb8;
	[tilespmem:$0x1D000] =	vst v63  }
0x126: {  	_ =	swait.ge [sflag:s17], $0x4000  }
0x127: {  	[sflag:s17] =	ssyncset.done $0x0  }
0x128: {  	[sflag:s17] =	ssyncadd.s32 $0xFFFFC000  }
0x129: {  	[spmem:s2] =	stream.indirect.scatter.add.f32 [tilespmem:s14], [sflag:$0x4], $0x80, s31, s12, $0xb8;
	[tilespmem:$0x1D000] =	vst v63  }
0x12a: {  	_ =	swait.ge [sflag:s18], $0x4000  }
0x12b: {  	[sflag:s18] =	ssyncset.done $0x0  }
0x12c: {  	[sflag:s18] =	ssyncadd.s32 $0xFFFFC000  }
0x12d: {  	[tilespmem:s14], [sflag:$0x2] =	stream.indirect.gather [hbm4b:s4+s12], $0x80, s1, s12, $0xb8;
	[tilespmem:$0x1D000] =	vst v63  }
0x12e: {  	_ =	swait.ge [sflag:s15], $0x4000  }
0x12f: {  	[sflag:s15] =	ssyncset.done $0x0  }
0x130: {  	[sflag:s15] =	ssyncadd.s32 $0xFFFFC000  }
0x131: {  	[spmem:s2] =	stream.indirect.scatter.add.f32 [tilespmem:s13], [sflag:$0x3], $0x80, s0, s12, $0xb8;
	[tilespmem:$0x1D000] =	vst v63  }
0x132: {  	_ =	swait.ge [sflag:s17], $0x4000  }
0x133: {  	[sflag:s17] =	ssyncset.done $0x0  }
0x134: {  	p0 =	sne.s32 s6, $0x900;
	[sflag:s17] =	ssyncadd.s32 $0xFFFFC000  }
0x135: {  	[spmem:s2] =	stream.indirect.scatter.add.f32 [tilespmem:s14], [sflag:$0x4], $0x80, s5, s12, $0xb8;
	[tilespmem:$0x1D000] =	vst v63  }
.Ltmp0:
0x136: {  	_ =	swait.ge [sflag:s16], $0x4000;
	(pc) =	sbr.rel @p0 .LBB2_2-.Ltmp0, $4  }
0x137: {  	[sflag:s16] =	ssyncset.done $0x0  }
0x138: {  	[sflag:s16] =	ssyncadd.s32 $0xFFFFC000  }
0x139: {  	s7 =	smov.u32 s6;
	s6 =	sadd.s32 $0x100, s6;
	_ =	swait.ge [sflag:s18], $0x4000  }
0x13a: {  	s8 =	smov.u32 s7;
	s9 =	rddreg [dreg:$0x4];
	[sflag:s18] =	ssyncset.done $0x0  }
0x13b: {  	[sflag:s18] =	ssyncadd.s32 $0xFFFFC000;
	s6 =	sadd.s32 s8, s9  }
0x13c: {  	[tilespmem:s3], [sflag:$0x5] =	stream.linear.gather [hbm4b:s6+s3], $0x800, $0x38;
	[tilespmem:$0x1D000] =	vst v63  }
0x13d: {  	_ =	swait.ge [sflag:s10], $0x800  }
0x13e: {  	s9 =	rddreg [dreg:$0x3];
	[sflag:s10] =	ssyncset.done $0x0  }
0x13f: {  	s6 =	sadd.s32 s8, s9;
	[sflag:s10] =	ssyncadd.s32 $0xFFFFF800  }
0x140: {  	[tilespmem:s11], [sflag:$0x5] =	stream.linear.gather [hbm4b:s6+s3], $0x800, $0x38;
	[tilespmem:$0x1D000] =	vst v63  }
0x141: {  	_ =	swait.ge [sflag:s10], $0x800  }
0x142: {  	[sflag:s10] =	ssyncset.done $0x0  }
0x143: {  	[sflag:s10] =	ssyncadd.s32 $0xFFFFF800  }
0x144: {  	[tilespmem:s13], [sflag:$0x1] =	stream.indirect.gather [hbm4b:s4+s12], $0x80, s3, s12, $0xb8;
	[tilespmem:$0x1D000] =	vst v63  }
0x145: {  	_ = 	snop  }
0x146: {  	[tilespmem:s14], [sflag:$0x2] =	stream.indirect.gather [hbm4b:s4+s12], $0x80, s12, s12, $0xb8;
	[tilespmem:$0x1D000] =	vst v63  }
0x147: {  	_ =	swait.ge [sflag:s15], $0x4000  }
0x148: {  	[sflag:s15] =	ssyncset.done $0x0  }
0x149: {  	[sflag:s15] =	ssyncadd.s32 $0xFFFFC000  }
0x14a: {  	[spmem:s2] =	stream.indirect.scatter.add.f32 [tilespmem:s13], [sflag:$0x3], $0x80, s11, s12, $0xb8;
	[tilespmem:$0x1D000] =	vst v63  }
0x14b: {  	_ =	swait.ge [sflag:s16], $0x4000  }
0x14c: {  	[sflag:s16] =	ssyncset.done $0x0  }
0x14d: {  	s7 =	rddreg [dreg:$0x5];
	[sflag:s16] =	ssyncadd.s32 $0xFFFFC000  }
0x14e: {  	[tilespmem:s13], [sflag:$0x1] =	stream.indirect.gather [hbm4b:s4+s12], $0x80, s7, s12, $0xb8;
	[tilespmem:$0x1D000] =	vst v63  }
0x14f: {  	_ =	swait.ge [sflag:s17], $0x4000  }
0x150: {  	[sflag:s17] =	ssyncset.done $0x0  }
0x151: {  	s8 =	rddreg [dreg:$0x6];
	[sflag:s17] =	ssyncadd.s32 $0xFFFFC000  }
0x152: {  	[spmem:s2] =	stream.indirect.scatter.add.f32 [tilespmem:s14], [sflag:$0x4], $0x80, s8, s12, $0xb8;
	[tilespmem:$0x1D000] =	vst v63  }
0x153: {  	_ =	swait.ge [sflag:s18], $0x4000  }
0x154: {  	[sflag:s18] =	ssyncset.done $0x0  }
0x155: {  	s9 =	rddreg [dreg:$0x7];
	[sflag:s18] =	ssyncadd.s32 $0xFFFFC000  }
0x156: {  	[tilespmem:s14], [sflag:$0x2] =	stream.indirect.gather [hbm4b:s4+s12], $0x80, s9, s12, $0xb8;
	[tilespmem:$0x1D000] =	vst v63  }
0x157: {  	_ =	swait.ge [sflag:s15], $0x4000  }
0x158: {  	[sflag:s15] =	ssyncset.done $0x0  }
0x159: {  	s7 =	rddreg [dreg:$0x8];
	[sflag:s15] =	ssyncadd.s32 $0xFFFFC000  }
0x15a: {  	[spmem:s2] =	stream.indirect.scatter.add.f32 [tilespmem:s13], [sflag:$0x3], $0x80, s7, s12, $0xb8;
	[tilespmem:$0x1D000] =	vst v63  }
0x15b: {  	_ =	swait.ge [sflag:s16], $0x4000  }
0x15c: {  	[sflag:s16] =	ssyncset.done $0x0  }
0x15d: {  	s8 =	rddreg [dreg:$0x9];
	[sflag:s16] =	ssyncadd.s32 $0xFFFFC000  }
0x15e: {  	[tilespmem:s13], [sflag:$0x1] =	stream.indirect.gather [hbm4b:s4+s12], $0x80, s8, s12, $0xb8;
	[tilespmem:$0x1D000] =	vst v63  }
0x15f: {  	_ =	swait.ge [sflag:s17], $0x4000  }
0x160: {  	[sflag:s17] =	ssyncset.done $0x0  }
0x161: {  	s9 =	rddreg [dreg:$0xa];
	[sflag:s17] =	ssyncadd.s32 $0xFFFFC000  }
0x162: {  	[spmem:s2] =	stream.indirect.scatter.add.f32 [tilespmem:s14], [sflag:$0x4], $0x80, s9, s12, $0xb8;
	[tilespmem:$0x1D000] =	vst v63  }
0x163: {  	_ =	swait.ge [sflag:s18], $0x4000  }
0x164: {  	[sflag:s18] =	ssyncset.done $0x0  }
0x165: {  	s7 =	rddreg [dreg:$0xb];
	[sflag:s18] =	ssyncadd.s32 $0xFFFFC000  }
0x166: {  	[tilespmem:s14], [sflag:$0x2] =	stream.indirect.gather [hbm4b:s4+s12], $0x80, s7, s12, $0xb8;
	[tilespmem:$0x1D000] =	vst v63  }
0x167: {  	_ =	swait.ge [sflag:s15], $0x4000  }
0x168: {  	[sflag:s15] =	ssyncset.done $0x0  }
0x169: {  	s8 =	rddreg [dreg:$0xc];
	[sflag:s15] =	ssyncadd.s32 $0xFFFFC000  }
0x16a: {  	[spmem:s2] =	stream.indirect.scatter.add.f32 [tilespmem:s13], [sflag:$0x3], $0x80, s8, s12, $0xb8;
	[tilespmem:$0x1D000] =	vst v63  }
0x16b: {  	_ =	swait.ge [sflag:s16], $0x4000  }
0x16c: {  	[sflag:s16] =	ssyncset.done $0x0  }
0x16d: {  	s9 =	rddreg [dreg:$0xd];
	[sflag:s16] =	ssyncadd.s32 $0xFFFFC000  }
0x16e: {  	[tilespmem:s13], [sflag:$0x1] =	stream.indirect.gather [hbm4b:s4+s12], $0x80, s9, s12, $0xb8;
	[tilespmem:$0x1D000] =	vst v63  }
0x16f: {  	_ =	swait.ge [sflag:s17], $0x4000  }
0x170: {  	[sflag:s17] =	ssyncset.done $0x0  }
0x171: {  	s7 =	rddreg [dreg:$0xe];
	[sflag:s17] =	ssyncadd.s32 $0xFFFFC000  }
0x172: {  	[spmem:s2] =	stream.indirect.scatter.add.f32 [tilespmem:s14], [sflag:$0x4], $0x80, s7, s12, $0xb8;
	[tilespmem:$0x1D000] =	vst v63  }
0x173: {  	_ =	swait.ge [sflag:s18], $0x4000  }
0x174: {  	[sflag:s18] =	ssyncset.done $0x0  }
0x175: {  	s8 =	rddreg [dreg:$0xf];
	[sflag:s18] =	ssyncadd.s32 $0xFFFFC000  }
0x176: {  	[tilespmem:s14], [sflag:$0x2] =	stream.indirect.gather [hbm4b:s4+s12], $0x80, s8, s12, $0xb8;
	[tilespmem:$0x1D000] =	vst v63  }
0x177: {  	_ =	swait.ge [sflag:s15], $0x4000  }
0x178: {  	[sflag:s15] =	ssyncset.done $0x0  }
0x179: {  	s9 =	rddreg [dreg:$0x10];
	[sflag:s15] =	ssyncadd.s32 $0xFFFFC000  }
0x17a: {  	[spmem:s2] =	stream.indirect.scatter.add.f32 [tilespmem:s13], [sflag:$0x3], $0x80, s9, s12, $0xb8;
	[tilespmem:$0x1D000] =	vst v63  }
0x17b: {  	_ =	swait.ge [sflag:s16], $0x4000  }
0x17c: {  	[sflag:s16] =	ssyncset.done $0x0  }
0x17d: {  	s7 =	rddreg [dreg:$0x11];
	[sflag:s16] =	ssyncadd.s32 $0xFFFFC000  }
0x17e: {  	[tilespmem:s13], [sflag:$0x1] =	stream.indirect.gather [hbm4b:s4+s12], $0x80, s7, s12, $0xb8;
	[tilespmem:$0x1D000] =	vst v63  }
0x17f: {  	_ =	swait.ge [sflag:s17], $0x4000  }
0x180: {  	[sflag:s17] =	ssyncset.done $0x0  }
0x181: {  	s8 =	rddreg [dreg:$0x12];
	[sflag:s17] =	ssyncadd.s32 $0xFFFFC000  }
0x182: {  	[spmem:s2] =	stream.indirect.scatter.add.f32 [tilespmem:s14], [sflag:$0x4], $0x80, s8, s12, $0xb8;
	[tilespmem:$0x1D000] =	vst v63  }
0x183: {  	_ =	swait.ge [sflag:s18], $0x4000  }
0x184: {  	[sflag:s18] =	ssyncset.done $0x0  }
0x185: {  	[sflag:s18] =	ssyncadd.s32 $0xFFFFC000  }
0x186: {  	[tilespmem:s14], [sflag:$0x2] =	stream.indirect.gather [hbm4b:s4+s12], $0x80, s19, s12, $0xb8;
	[tilespmem:$0x1D000] =	vst v63  }
0x187: {  	_ =	swait.ge [sflag:s15], $0x4000  }
0x188: {  	[sflag:s15] =	ssyncset.done $0x0  }
0x189: {  	[sflag:s15] =	ssyncadd.s32 $0xFFFFC000  }
0x18a: {  	[spmem:s2] =	stream.indirect.scatter.add.f32 [tilespmem:s13], [sflag:$0x3], $0x80, s20, s12, $0xb8;
	[tilespmem:$0x1D000] =	vst v63  }
0x18b: {  	_ =	swait.ge [sflag:s16], $0x4000  }
0x18c: {  	[sflag:s16] =	ssyncset.done $0x0  }
0x18d: {  	[sflag:s16] =	ssyncadd.s32 $0xFFFFC000  }
0x18e: {  	[tilespmem:s13], [sflag:$0x1] =	stream.indirect.gather [hbm4b:s4+s12], $0x80, s21, s12, $0xb8;
	[tilespmem:$0x1D000] =	vst v63  }
0x18f: {  	_ =	swait.ge [sflag:s17], $0x4000  }
0x190: {  	[sflag:s17] =	ssyncset.done $0x0  }
0x191: {  	[sflag:s17] =	ssyncadd.s32 $0xFFFFC000  }
0x192: {  	[spmem:s2] =	stream.indirect.scatter.add.f32 [tilespmem:s14], [sflag:$0x4], $0x80, s22, s12, $0xb8;
	[tilespmem:$0x1D000] =	vst v63  }
0x193: {  	_ =	swait.ge [sflag:s18], $0x4000  }
0x194: {  	[sflag:s18] =	ssyncset.done $0x0  }
0x195: {  	[sflag:s18] =	ssyncadd.s32 $0xFFFFC000  }
0x196: {  	[tilespmem:s14], [sflag:$0x2] =	stream.indirect.gather [hbm4b:s4+s12], $0x80, s23, s12, $0xb8;
	[tilespmem:$0x1D000] =	vst v63  }
0x197: {  	_ =	swait.ge [sflag:s15], $0x4000  }
0x198: {  	[sflag:s15] =	ssyncset.done $0x0  }
0x199: {  	[sflag:s15] =	ssyncadd.s32 $0xFFFFC000  }
0x19a: {  	[spmem:s2] =	stream.indirect.scatter.add.f32 [tilespmem:s13], [sflag:$0x3], $0x80, s24, s12, $0xb8;
	[tilespmem:$0x1D000] =	vst v63  }
0x19b: {  	_ =	swait.ge [sflag:s16], $0x4000  }
0x19c: {  	[sflag:s16] =	ssyncset.done $0x0  }
0x19d: {  	[sflag:s16] =	ssyncadd.s32 $0xFFFFC000  }
0x19e: {  	[tilespmem:s13], [sflag:$0x1] =	stream.indirect.gather [hbm4b:s4+s12], $0x80, s25, s12, $0xb8;
	[tilespmem:$0x1D000] =	vst v63  }
0x19f: {  	_ =	swait.ge [sflag:s17], $0x4000  }
0x1a0: {  	[sflag:s17] =	ssyncset.done $0x0  }
0x1a1: {  	[sflag:s17] =	ssyncadd.s32 $0xFFFFC000  }
0x1a2: {  	[spmem:s2] =	stream.indirect.scatter.add.f32 [tilespmem:s14], [sflag:$0x4], $0x80, s26, s12, $0xb8;
	[tilespmem:$0x1D000] =	vst v63  }
0x1a3: {  	_ =	swait.ge [sflag:s18], $0x4000  }
0x1a4: {  	[sflag:s18] =	ssyncset.done $0x0  }
0x1a5: {  	[sflag:s18] =	ssyncadd.s32 $0xFFFFC000  }
0x1a6: {  	[tilespmem:s14], [sflag:$0x2] =	stream.indirect.gather [hbm4b:s4+s12], $0x80, s28, s12, $0xb8;
	[tilespmem:$0x1D000] =	vst v63  }
0x1a7: {  	_ =	swait.ge [sflag:s15], $0x4000  }
0x1a8: {  	[sflag:s15] =	ssyncset.done $0x0  }
0x1a9: {  	[sflag:s15] =	ssyncadd.s32 $0xFFFFC000  }
0x1aa: {  	[spmem:s2] =	stream.indirect.scatter.add.f32 [tilespmem:s13], [sflag:$0x3], $0x80, s29, s12, $0xb8;
	[tilespmem:$0x1D000] =	vst v63  }
0x1ab: {  	_ =	swait.ge [sflag:s16], $0x4000  }
0x1ac: {  	[sflag:s16] =	ssyncset.done $0x0  }
0x1ad: {  	[sflag:s16] =	ssyncadd.s32 $0xFFFFC000  }
0x1ae: {  	[tilespmem:s13], [sflag:$0x1] =	stream.indirect.gather [hbm4b:s4+s12], $0x80, s30, s12, $0xb8;
	[tilespmem:$0x1D000] =	vst v63  }
0x1af: {  	_ =	swait.ge [sflag:s17], $0x4000  }
0x1b0: {  	[sflag:s17] =	ssyncset.done $0x0  }
0x1b1: {  	[sflag:s17] =	ssyncadd.s32 $0xFFFFC000  }
0x1b2: {  	[spmem:s2] =	stream.indirect.scatter.add.f32 [tilespmem:s14], [sflag:$0x4], $0x80, s31, s12, $0xb8;
	[tilespmem:$0x1D000] =	vst v63  }
0x1b3: {  	_ =	swait.ge [sflag:s18], $0x4000  }
0x1b4: {  	[sflag:s18] =	ssyncset.done $0x0  }
0x1b5: {  	[sflag:s18] =	ssyncadd.s32 $0xFFFFC000  }
0x1b6: {  	[tilespmem:s14], [sflag:$0x2] =	stream.indirect.gather [hbm4b:s4+s12], $0x80, s1, s12, $0xb8;
	[tilespmem:$0x1D000] =	vst v63  }
0x1b7: {  	_ =	swait.ge [sflag:s15], $0x4000  }
0x1b8: {  	[sflag:s15] =	ssyncset.done $0x0  }
0x1b9: {  	[sflag:s15] =	ssyncadd.s32 $0xFFFFC000  }
0x1ba: {  	[spmem:s2] =	stream.indirect.scatter.add.f32 [tilespmem:s13], [sflag:$0x3], $0x80, s0, s12, $0xb8;
	[tilespmem:$0x1D000] =	vst v63  }
0x1bb: {  	_ =	swait.ge [sflag:s17], $0x4000  }
0x1bc: {  	[sflag:s17] =	ssyncset.done $0x0  }
0x1bd: {  	[sflag:s17] =	ssyncadd.s32 $0xFFFFC000  }
0x1be: {  	[spmem:s2] =	stream.indirect.scatter.add.f32 [tilespmem:s14], [sflag:$0x4], $0x80, s5, s12, $0xb8;
	[tilespmem:$0x1D000] =	vst v63  }
0x1bf: {  	_ =	swait.ge [sflag:s16], $0x4000  }
0x1c0: {  	[sflag:s16] =	ssyncset.done $0x0  }
0x1c1: {  	[sflag:s16] =	ssyncadd.s32 $0xFFFFC000  }
0x1c2: {  	_ =	swait.ge [sflag:s18], $0x4000  }
0x1c3: {  	[sflag:s18] =	ssyncset.done $0x0  }
0x1c4: {  	[sflag:s18] =	ssyncadd.s32 $0xFFFFC000  }
0x1c5: {  	[bflag:$0x0] =	sbarrier.arrive $0xFFFF  }
0x1c6: {  	s7 =	rddreg [dreg:$0x14]  }
0x1c7: {  	s9 =	rddreg [dreg:$0x15]  }
0x1c8: {  	s8 =	rddreg [dreg:$0x17]  }
0x1c9: {  	[hbm:s9], [sflag:s7] =	dma.local [spmem:s8], $0x2800  }
0x1ca: {  	_ =	swait.ge [sflag:s10], $0x2800  }
0x1cb: {  	s6 =	rddreg [dreg:$0x18]  }
0x1cc: {  	s9 =	sadd.s32 $0x1, s6;
	s6 =	rddreg [dreg:$0x16]  }
0x1cd: {  	p0 =	sne.s32 s9, s6  }
.Ltmp1:
0x1ce: {  	_ = 	snop;
	(pc) =	sbr.rel @p0 .LBB2_1-.Ltmp1, $3  }
0x1cf: {  	_ =	sdelay $0x1  }
0x1d0: {  	[sflag:s10] =	ssyncset.done $0x0  }
0x1d1: {  	[sflag:s10] =	ssyncadd.s32 $0xFFFFD800  }
0x1d2: {  	_ =	sfence.sel $0x180000  }
0x1d3: {  	[bflag:$0x0] =	sbarrier.arrive $0xFFFF  }
0x1d4: {  	_ =	strace $0x9000004A  }
0x1d5: {  	s0 =	stileid.u32;
	[bflag:$0x2] =	sbarrier.arrive $0xFFFF  }
0x1d6: {  	p0 =	sne.s32 s0, $0x0;
	s0 =	rddreg [dreg:$0x2]  }
0x1d7: {  	s0 =	sadd.s32 @!p0 $0x100000, s0  }
0x1d8: {  	[sflag:s0] =	ssyncadd.tile.s32 @!p0 $0x1;
	_ =	shalt  }
.Lfunc_end2:
_tile_overlayer_lowered:
.L_overlay_start_2:
0x1d9: {  	(tag) =	ssettag $0x2  }
0x1da: {  	s0 =	rddreg [dreg:$0x0];
	s2 =	stileid.u32  }
0x1db: {  	s1 =	rddreg [dreg:$0x1];
	p0 =	sne.s32 s2, $0x0  }
0x1dc: {  	s3 =	rddreg [dreg:$0x2];
	[bflag:$0x3] =	sbarrier.arrive $0xFFFF;
	s2 =	simm.s32 @!p0 $0x1C05  }
0x1dd: {  	[timem:s3], [sflag:s2] =	dma.local @!p0 [hbm:s0], s1  }
0x1de: {  	s0 =	simm.s32 @!p0 $0x5  }
0x1df: {  	_ =	swait.ge @!p0 [sflag:s0], s1  }
0x1e0: {  	s1 =	ssub.s32 @!p0 $0x0, s1;
	[sflag:s0] =	ssyncset.done @!p0 $0x0  }
0x1e1: {  	[sflag:s0] =	ssyncadd.s32 @!p0 s1  }
0x1e2: {  	[bflag:$0x3] =	sbarrier.arrive $0xFFFF  }
0x1e3: {  	_ =	shalt  }

// kernel: kernel.15.cloned.1.call-start
scs
__scs_entry_jumppad:
0x0: {  	(pc) =	sbr.rel $0x88, $3  }
0x1: {  	(tag) =	ssettag $0x0;
	lr =	simm.s32 $0x1  }
0x2: {  	[smem:$0x3F8F] =	sst lr;
	_ =	strace $0xD0000000  }
0x3: {  	_ = 	snop  }
0x4: {  	_ = 	snop  }
0x5: {  	_ = 	snop  }
0x6: {  	_ = 	snop  }
0x7: {  	_ = 	snop  }
__scs_overlays_trampoline_lowered:
0x8: {  	[smem:$0x3F9E] =	sst s0  }
0x9: {  	[smem:$0x3F9F] =	sst s1  }
0xa: {  	[smem:$0x3FA0] =	sst s2  }
0xb: {  	[smem:$0x3FA1] =	sst s3  }
0xc: {  	[smem:$0x3FA2] =	sst s4  }
0xd: {  	[smem:$0x3FA3] =	sst s5  }
0xe: {  	[smem:$0x3FA4] =	sst s6  }
0xf: {  	[smem:$0x3FA5] =	sst s7  }
0x10: {  	[smem:$0x3FA6] =	sst s8  }
0x11: {  	[smem:$0x3FA7] =	sst s9;
	s0 =	simm.s32 @!p0 $0x0  }
0x12: {  	s1 =	sld [smem:$0x3F8D];
	s0 =	simm.s32 @p0 $0x1  }
0x13: {  	[smem:$0x3FA8] =	sst s0;
	s0 =	simm.s32 @!p1 $0x0  }
0x14: {  	s2 =	sld [smem:$0x3F8C];
	s0 =	simm.s32 @p1 $0x1  }
0x15: {  	[smem:$0x3FA9] =	sst s0;
	s0 =	simm.s32 @!p2 $0x0  }
0x16: {  	s3 =	sld [smem:$0x3FDB];
	s0 =	simm.s32 @p2 $0x1  }
0x17: {  	s4 =	simm.s32 $0x1BF5;
	[smem:$0x3FAB] =	sst s0  }
0x18: {  	s0 =	sld [smem:$0x3F8E];
	_ =	swait.ge [sflag:s4], $0x0  }
0x19: {  	s7 =	sld [smem:$0x3F8F]  }
0x1a: {  	s8 =	sadd.s32 $0xFFFFE003, lr  }
0x1b: {  	s9 =	sadd.s32 $0xFFFFFEF7, lr;
	s5 =	simm.s32 $0xFFFFFFFF;
	p2 =	slt.u32 s8, $0xFFFFF086  }
0x1c: {  	p1 =	slt.u32 s9, $0xF7A;
	s5 =	simm.s32 @!p2 $0x0  }
0x1d: {  	s5 =	simm.s32 @p1 $0x1;
	p0 =	seq.s32 s7, s2  }
0x1e: {  	s7 =	smul.u32 @!p0 $0xF7A, s2;
	p2 =	seq.s32 @!p0 s5, $0x0  }
0x1f: {  	s9 =	smul.u32 $0xF7A, s1;
	s8 =	simm.s32 @!p0 $0x1BF5;
	p2 =	por !p2, p0  }
0x20: {  	[sflag:s8] =	ssyncset.s32 @!p0 $0xFFFFF086;
	s6 =	sadd.s32 @!p0 s3, s7;
	s7 =	simm.s32 @!p0 $0x108  }
0x21: {  	s3 =	sadd.s32 s3, s9;
	s6 =	sadd.s32 @!p0 $0x88, s6;
	s7 =	simm.s32 @p2 $0x1082  }
0x22: {  	[simem:s7], [sflag:s8] =	dma.local @!p0 [hbm:s6], $0xF7A  }
0x23: {  	s9 =	sor.u32 $0xD0000000, s2;
	s6 =	simm.s32 $0x108;
	_ =	swait.ge @!p0 [sflag:s8], $0x0  }
0x24: {  	s3 =	sadd.s32 $0x88, s3;
	s6 =	simm.s32 @!p1 $0x1082;
	[sflag:s4] =	ssyncset.s32 $0xFFFFF086  }
0x25: {  	[simem:s6], [sflag:s4] =	dma.local [hbm:s3], $0xF7A  }
0x26: {  	[smem:$0x3F8F] =	sst s1;
	(tag) =	ssettag s2;
	_ =	strace s9  }
0x27: {  	s1 =	sld [smem:$0x3F9F]  }
0x28: {  	s2 =	sld [smem:$0x3FA0]  }
0x29: {  	s4 =	sld [smem:$0x3FA2]  }
0x2a: {  	p0 =	seq.s32 s5, $0x0;
	s5 =	sld [smem:$0x3FA3]  }
0x2b: {  	s6 =	sld [smem:$0x3FA4]  }
0x2c: {  	s7 =	sld [smem:$0x3FA5]  }
0x2d: {  	s3 =	simm.s32 $0x108;
	s8 =	sld [smem:$0x3FA6]  }
0x2e: {  	s3 =	simm.s32 @!p0 $0x1082;
	s9 =	sld [smem:$0x3FA7]  }
0x2f: {  	lr =	sadd.s32 s0, s3;
	s0 =	sld [smem:$0x3F9E]  }
0x30: {  	s3 =	sld [smem:$0x3FA1]  }
0x31: {  	[smem:$0x3FAA] =	sst s10  }
0x32: {  	s10 =	sld [smem:$0x3FA8];
	_ =	sdelay $0x3  }
0x33: {  	p0 =	seq.s32 s10, $0x1;
	s10 =	sld [smem:$0x3FAA];
	_ =	sdelay $0x3  }
0x34: {  	[smem:$0x3FAA] =	sst s10  }
0x35: {  	s10 =	sld [smem:$0x3FA9];
	_ =	sdelay $0x3  }
0x36: {  	p1 =	seq.s32 s10, $0x1;
	s10 =	sld [smem:$0x3FAA];
	_ =	sdelay $0x3  }
0x37: {  	[smem:$0x3FAA] =	sst s10  }
0x38: {  	s10 =	sld [smem:$0x3FAB]  }
0x39: {  	_ = 	snop;
	(pc) =	sbr.ind lr, $3  }
0x3a: {  	_ = 	snop  }
0x3b: {  	_ = 	snop  }
0x3c: {  	p2 =	seq.s32 s10, $0x1;
	s10 =	sld [smem:$0x3FAA]  }
0x3d: {  	_ =	shalt  }
0x3e: {  	_ =	shalt  }
0x3f: {  	_ =	shalt  }
0x40: {  	_ =	shalt  }
0x41: {  	_ =	shalt  }
0x42: {  	_ =	shalt  }
0x43: {  	_ =	shalt  }
0x44: {  	_ =	shalt  }
0x45: {  	_ =	shalt  }
0x46: {  	_ =	shalt  }
0x47: {  	_ =	shalt  }
0x48: {  	_ =	shalt  }
0x49: {  	_ =	shalt  }
0x4a: {  	_ =	shalt  }
0x4b: {  	_ =	shalt  }
0x4c: {  	_ =	shalt  }
0x4d: {  	_ =	shalt  }
0x4e: {  	_ =	shalt  }
0x4f: {  	_ =	shalt  }
0x50: {  	_ =	shalt  }
0x51: {  	_ =	shalt  }
0x52: {  	_ =	shalt  }
0x53: {  	_ =	shalt  }
0x54: {  	_ =	shalt  }
0x55: {  	_ =	shalt  }
0x56: {  	_ =	shalt  }
0x57: {  	_ =	shalt  }
0x58: {  	_ =	shalt  }
0x59: {  	_ =	shalt  }
0x5a: {  	_ =	shalt  }
0x5b: {  	_ =	shalt  }
0x5c: {  	_ =	shalt  }
0x5d: {  	_ =	shalt  }
0x5e: {  	_ =	shalt  }
0x5f: {  	_ =	shalt  }
0x60: {  	_ =	shalt  }
0x61: {  	_ =	shalt  }
0x62: {  	_ =	shalt  }
0x63: {  	_ =	shalt  }
0x64: {  	_ =	shalt  }
0x65: {  	_ =	shalt  }
0x66: {  	_ =	shalt  }
0x67: {  	_ =	shalt  }
0x68: {  	_ =	shalt  }
0x69: {  	_ =	shalt  }
0x6a: {  	_ =	shalt  }
0x6b: {  	_ =	shalt  }
0x6c: {  	_ =	shalt  }
0x6d: {  	_ =	shalt  }
0x6e: {  	_ =	shalt  }
0x6f: {  	_ =	shalt  }
0x70: {  	_ =	shalt  }
0x71: {  	_ =	shalt  }
0x72: {  	_ =	shalt  }
0x73: {  	_ =	shalt  }
0x74: {  	_ =	shalt  }
0x75: {  	_ =	shalt  }
0x76: {  	_ =	shalt  }
0x77: {  	_ =	shalt  }
0x78: {  	_ =	shalt  }
0x79: {  	_ =	shalt  }
0x7a: {  	_ =	shalt  }
0x7b: {  	_ =	shalt  }
0x7c: {  	_ =	shalt  }
0x7d: {  	_ =	shalt  }
0x7e: {  	_ =	shalt  }
0x7f: {  	_ =	shalt  }
0x80: {  	_ =	shalt  }
0x81: {  	_ =	shalt  }
0x82: {  	_ =	shalt  }
0x83: {  	_ =	shalt  }
0x84: {  	_ =	shalt  }
0x85: {  	_ =	shalt  }
0x86: {  	_ =	shalt  }
0x87: {  	_ =	shalt  }
.Lfunc_end0:
.L_simem_size_0:
called_computation.2_lowered:
.L_overlay_start_0:
0x88: {  	s2 =	sld [smem:$0x3FD9]  }
0x89: {  	s3 =	sld [smem:$0x3FFE];
	_ =	sdelay $0x1  }
0x8a: {  	s1 =	srdreg.scid  }
0x8b: {  	s0 =	sand.u32 $0x1, s1  }
0x8c: {  	s16 =	sshll.u32 s0, $0xA;
	s2 =	sadd.s32 s3, s2  }
0x8d: {  	s2 =	sadd.s32 s2, s16  }
0x8e: {  	[smem:$0x3FB6] =	sst s2  }
0x8f: {  	_ = 	snop  }
0x90: {  	(tm) =	ssettm $0x1  }
0x91: {  	s17 =	sld [smem:$0x3FFB];
	_ =	sdelay $0x3  }
0x92: {  	_ =	strace s17  }
0x93: {  	s2 =	sld [smem:$0x3FFC];
	_ =	sdelay $0x3  }
0x94: {  	_ =	strace s2  }
0x95: {  	s2 =	sld [smem:$0x3FFD];
	_ =	sdelay $0x3  }
0x96: {  	_ =	strace s2  }
0x97: {  	_ =	strace $0x8FFFFFFF  }
0x98: {  	s18 =	sld [smem:$0x3FDB];
	_ =	sdelay $0x1  }
0x99: {  	s19 =	simm.s32 $_scs_section_size  }
0x9a: {  	s4 =	simm.s32 $_size__tile_overlayer_lowered;
	s5 =	simm.s32 $_tile_overlayer_lowered  }
0x9b: {  	s22 =	simm.s32 $0x1BFF;
	s21 =	sshll.u32 s5, $0x1;
	s2 =	sadd.s32 s19, s18  }
0x9c: {  	s6 =	simm.s32 $0x0;
	s20 =	sshll.u32 s4, $0x1;
	s4 =	sadd.s32 s21, s2  }
0x9d: {  	[timem:s6], [sflag:s22] =	dma.local [hbm:s4], s20  }
0x9e: {  	_ =	swait.ge [sflag:s22], s20  }
0x9f: {  	s3 =	ssub.s32 $0x0, s20;
	[sflag:s22] =	ssyncset.done $0x0  }
0xa0: {  	[sflag:s22] =	ssyncadd.s32 s3;
	_ =	sdelay $0x1  }
0xa1: {  	s23 =	simm.s32 $0x1B8B  }
0xa2: {  	_ =	swait.ge [sflag:s23], $0x1  }
0xa3: {  	[sflag:s23] =	ssyncset.done $0x0  }
0xa4: {  	s25 =	simm.s32 $0x1B8E;
	s24 =	sld [smem:$0x3FFE];
	[sflag:s23] =	ssyncadd.s32 $0xFFFFFFFF  }
0xa5: {  	s26 =	simm.s32 $execute0_lowered;
	[smem:$0x3FD2] =	sst s25  }
0xa6: {  	s4 =	sshll.u32 s26, $0x1;
	_ =	strace $0x8000004C;
	[dreg:$0x1] =	wrdreg $0xFFFFFFFF  }
0xa7: {  	s28 =	simm.s32 $_size_execute0_lowered;
	s2 =	sadd.s32 s2, s4;
	[dreg:$0x0] =	wrdreg $0x0  }
0xa8: {  	s4 =	sshll.u32 s28, $0x1;
	[dreg:$0x2] =	wrdreg s2  }
0xa9: {  	[dreg:$0x3] =	wrdreg s4  }
0xaa: {  	[dreg:$0x4] =	wrdreg $0xC0  }
0xab: {  	_ =	task [dreg:s6], $0x5FFFF  }
0xac: {  	[dreg:$0x1] =	wrdreg $0xFFFFFFFF  }
0xad: {  	[dreg:$0x0] =	wrdreg $0x60  }
0xae: {  	[dreg:$0x2] =	wrdreg s24  }
0xaf: {  	[dreg:$0x3] =	wrdreg $0x90000  }
0xb0: {  	[dreg:$0x4] =	wrdreg $0x9  }
0xb1: {  	_ =	task.clear_ibuf [dreg:s6], $0x5FFFF;
	_ =	strace $0x9000004C  }
0xb2: {  	s29 =	simm.s32 $0x9;
	_ =	strace $0x8000004E  }
0xb3: {  	_ =	swait.ge [sflag:s29], $0x1  }
0xb4: {  	[sflag:s29] =	ssyncadd.s32 $0xFFFFFFFF  }
0xb5: {  	_ =	strace $0x9000004E  }
0xb6: {  	_ =	sfence  }
0xb7: {  	s30 =	sld [smem:$0x0];
	_ =	sdelay $0x2  }
0xb8: {  	s31 =	sshll.u32 s1, $0xD;
	s1 =	sshrl.u32 s1, $0x2  }
0xb9: {  	s3 =	sand.u32 $0x4000, s31;
	s1 =	sadd.s32 s1, s30  }
0xba: {  	s0 =	sor.u32 s3, s0;
	s1 =	sshll.u32 s1, $0x11  }
0xbb: {  	s0 =	sor.u32 s1, s0  }
0xbc: {  	s0 =	sadd.s32 $0x8F2B, s0  }
0xbd: {  	[sflag:s0] =	ssyncadd.remote.s32 $0x1  }
0xbe: {  	_ =	sfence.sel $0xFFFF  }
0xbf: {  	[dreg:$0x0] =	wrdreg $0xFFFFFFFF;
	(pc) =	sbr.abs _section_cstart, $3  }
0xc0: {  	[dreg:$0x1] =	wrdreg $0xFFFFFFFF  }
0xc1: {  	_ =	task.clear_ibuf [dreg:s6], $0x2FFFF;
	_ =	strace $0x9FFFFFFF  }
0xc2: {  	(tm) =	ssettm $0x7FFFFFFF  }
0xc3: {  	_ =	shalt  }
tec
execute0_lowered:
.L_overlay_start_1:
0x0: {  	(tag) =	ssettag $0x1  }
0x1: {  	s0 =	srdreg.scid  }
0x2: {  	s1 =	rddreg [dreg:$0x0];
	s9 =	stileid.u32  }
0x3: {  	s2 =	rddreg [dreg:$0x1];
	s3 =	simm.s32 $0x0;
	s12 =	simm.s32 $0x100  }
0x4: {  	s14 =	simm.s32 $0x880;
	s15 =	simm.s32 $0x180;
	s16 =	simm.s32 $0x900  }
0x5: {  	s17 =	simm.s32 $0x200;
	[smem:$0x7FF] =	sst s3;
	s8 =	sadd.s32 $0x2D600, s1  }
0x6: {  	s18 =	simm.s32 $0x980;
	_ =	strace $0x8000004D;
	[dreg:$0x13] =	wrdreg s8  }
0x7: {  	s19 =	simm.s32 $0x280;
	s20 =	simm.s32 $0xA00;
	[dreg:$0x5] =	wrdreg s12  }
0x8: {  	s21 =	simm.s32 $0x300;
	s22 =	simm.s32 $0xA80;
	[dreg:$0x6] =	wrdreg s14  }
0x9: {  	s23 =	simm.s32 $0x380;
	s28 =	simm.s32 $0x680;
	[dreg:$0x7] =	wrdreg s15  }
0xa: {  	s29 =	simm.s32 $0xE00;
	s30 =	simm.s32 $0x700;
	[dreg:$0x8] =	wrdreg s16  }
0xb: {  	s31 =	simm.s32 $0xE80;
	s5 =	smul.u32 $0x5000, s9;
	[dreg:$0x9] =	wrdreg s17  }
0xc: {  	s0 =	sand.u32 $0x1, s0;
	s6 =	smul.u32 $0x14000, s9;
	[dreg:$0xa] =	wrdreg s18  }
0xd: {  	s26 =	smul.u32 $0x50000, s9;
	s13 =	sshll.u32 s9, $0x6;
	[dreg:$0xb] =	wrdreg s19  }
0xe: {  	s9 =	simm.s32 $0x0;
	s4 =	smul.u32 $0x50000, s0;
	[dreg:$0xc] =	wrdreg s20  }
0xf: {  	s24 =	smul.u32 $0x140000, s0;
	s0 =	ssub.s32 $0x2, s0;
	[dreg:$0xd] =	wrdreg s21  }
0x10: {  	s12 =	simm.s32 $0x80;
	s14 =	simm.s32 $0x5000;
	[dreg:$0xe] =	wrdreg s22  }
0x11: {  	s15 =	simm.s32 $0x1;
	[dreg:$0xf] =	wrdreg s23;
	s16 =	simm.s32 $0x3  }
0x12: {  	s17 =	simm.s32 $0x2;
	s18 =	simm.s32 $0x4;
	s19 =	simm.s32 $0x480  }
0x13: {  	s20 =	simm.s32 $0xC00;
	s21 =	simm.s32 $0x500;
	s22 =	simm.s32 $0xC80  }
0x14: {  	s23 =	simm.s32 $0x580;
	s25 =	sshrl.u32 s0, $0x1;
	s10 =	sshrl.u32 s26, $0x2  }
0x15: {  	s26 =	simm.s32 $0xB80;
	s4 =	sadd.s32 s5, s4;
	s5 =	sadd.s32 s6, s24  }
0x16: {  	s0 =	ssub.s32 s0, s25;
	s24 =	simm.s32 $0xB00;
	s25 =	simm.s32 $0x400  }
0x17: {  	[dreg:$0x12] =	wrdreg s26;
	s26 =	simm.s32 $0xD80;
	s4 =	sshrl.u32 s4, $0x3  }
0x18: {  	s5 =	sshrl.u32 s5, $0x3;
	s0 =	smax.u32 s0, $0x1;
	[dreg:$0x10] =	wrdreg s24  }
0x19: {  	[dreg:$0x11] =	wrdreg s25;
	s24 =	simm.s32 $0xD00;
	s25 =	simm.s32 $0x600  }
0x1a: {  	s7 =	sadd.s32 s4, s1;
	s4 =	sadd.s32 $0xCE800, s1;
	s1 =	sadd.s32 s5, s1  }
0x1b: {  	[dreg:$0x16] =	wrdreg s0;
	s0 =	simm.s32 $0xF00;
	s6 =	sadd.s32 $0x19600, s7  }
0x1c: {  	s5 =	simm.s32 $0xF80;
	s11 =	sadd.s32 $0x5600, s7;
	[dreg:$0x3] =	wrdreg s6  }
0x1d: {  	s7 =	sor.u32 $0x1C05, s13;
	s1 =	sadd.s32 $0x16AC00, s1;
	[dreg:$0x4] =	wrdreg s11  }
0x1e: {  	s13 =	simm.s32 $0x1000;
	s6 =	sadd.s32 s10, s2;
	[dreg:$0x15] =	wrdreg s1  }
0x1f: {  	s10 =	simm.s32 $0x5;
	[dreg:$0x14] =	wrdreg s7;
	s8 =	sshrl.u32 s6, $0x3  }
0x20: {  	s11 =	simm.s32 $0x800;
	s1 =	simm.s32 $0x780;
	[dreg:$0x17] =	wrdreg s8  }
.LBB2_1:
0x21: {  	[dreg:$0x18] =	wrdreg s9  }
0x22: {  	s6 =	rddreg [dreg:$0x13]  }
0x23: {  	[spmem:s8], [sflag:s7] =	dma.local [hbm:s6], $0x2800  }
0x24: {  	_ =	swait.ge [sflag:s10], $0x2800  }
0x25: {  	[sflag:s10] =	ssyncset.done $0x0  }
0x26: {  	[sflag:s10] =	ssyncadd.s32 $0xFFFFD800  }
0x27: {  	[bflag:$0x0] =	sbarrier.arrive $0xFFFF  }
0x28: {  	s9 =	rddreg [dreg:$0x4]  }
0x29: {  	s6 =	sadd.s32 $0x0, s9  }
0x2a: {  	[tilespmem:s3], [sflag:$0x5] =	stream.linear.gather [hbm4b:s6+s3], $0x800, $0x38;
	[tilespmem:$0x1D000] =	vst v63  }
0x2b: {  	_ =	swait.ge [sflag:s10], $0x800  }
0x2c: {  	s7 =	rddreg [dreg:$0x3];
	[sflag:s10] =	ssyncset.done $0x0  }
0x2d: {  	[sflag:s10] =	ssyncadd.s32 $0xFFFFF800;
	s6 =	sadd.s32 $0x0, s7  }
0x2e: {  	[tilespmem:s11], [sflag:$0x5] =	stream.linear.gather [hbm4b:s6+s3], $0x800, $0x38;
	[tilespmem:$0x1D000] =	vst v63  }
0x2f: {  	_ =	swait.ge [sflag:s10], $0x800  }
0x30: {  	[sflag:s10] =	ssyncset.done $0x0  }
0x31: {  	[sflag:s10] =	ssyncadd.s32 $0xFFFFF800  }
0x32: {  	[tilespmem:s13], [sflag:$0x1] =	stream.indirect.gather [hbm4b:s4+s12], $0x80, s3, s12, $0xb8;
	[tilespmem:$0x1D000] =	vst v63  }
0x33: {  	_ = 	snop  }
0x34: {  	[tilespmem:s14], [sflag:$0x2] =	stream.indirect.gather [hbm4b:s4+s12], $0x80, s12, s12, $0xb8;
	[tilespmem:$0x1D000] =	vst v63  }
0x35: {  	_ =	swait.ge [sflag:s15], $0x4000  }
0x36: {  	[sflag:s15] =	ssyncset.done $0x0  }
0x37: {  	[sflag:s15] =	ssyncadd.s32 $0xFFFFC000  }
0x38: {  	[spmem:s2] =	stream.indirect.scatter.add.f32 [tilespmem:s13], [sflag:$0x3], $0x80, s11, s12, $0xb8;
	[tilespmem:$0x1D000] =	vst v63  }
0x39: {  	_ =	swait.ge [sflag:s16], $0x4000  }
0x3a: {  	[sflag:s16] =	ssyncset.done $0x0  }
0x3b: {  	s8 =	rddreg [dreg:$0x5];
	[sflag:s16] =	ssyncadd.s32 $0xFFFFC000  }
0x3c: {  	[tilespmem:s13], [sflag:$0x1] =	stream.indirect.gather [hbm4b:s4+s12], $0x80, s8, s12, $0xb8;
	[tilespmem:$0x1D000] =	vst v63  }
0x3d: {  	_ =	swait.ge [sflag:s17], $0x4000  }
0x3e: {  	[sflag:s17] =	ssyncset.done $0x0  }
0x3f: {  	s9 =	rddreg [dreg:$0x6];
	[sflag:s17] =	ssyncadd.s32 $0xFFFFC000  }
0x40: {  	[spmem:s2] =	stream.indirect.scatter.add.f32 [tilespmem:s14], [sflag:$0x4], $0x80, s9, s12, $0xb8;
	[tilespmem:$0x1D000] =	vst v63  }
0x41: {  	_ =	swait.ge [sflag:s18], $0x4000  }
0x42: {  	[sflag:s18] =	ssyncset.done $0x0  }
0x43: {  	s7 =	rddreg [dreg:$0x7];
	[sflag:s18] =	ssyncadd.s32 $0xFFFFC000  }
0x44: {  	[tilespmem:s14], [sflag:$0x2] =	stream.indirect.gather [hbm4b:s4+s12], $0x80, s7, s12, $0xb8;
	[tilespmem:$0x1D000] =	vst v63  }
0x45: {  	_ =	swait.ge [sflag:s15], $0x4000  }
0x46: {  	[sflag:s15] =	ssyncset.done $0x0  }
0x47: {  	s8 =	rddreg [dreg:$0x8];
	[sflag:s15] =	ssyncadd.s32 $0xFFFFC000  }
0x48: {  	[spmem:s2] =	stream.indirect.scatter.add.f32 [tilespmem:s13], [sflag:$0x3], $0x80, s8, s12, $0xb8;
	[tilespmem:$0x1D000] =	vst v63  }
0x49: {  	_ =	swait.ge [sflag:s16], $0x4000  }
0x4a: {  	[sflag:s16] =	ssyncset.done $0x0  }
0x4b: {  	s9 =	rddreg [dreg:$0x9];
	[sflag:s16] =	ssyncadd.s32 $0xFFFFC000  }
0x4c: {  	[tilespmem:s13], [sflag:$0x1] =	stream.indirect.gather [hbm4b:s4+s12], $0x80, s9, s12, $0xb8;
	[tilespmem:$0x1D000] =	vst v63  }
0x4d: {  	_ =	swait.ge [sflag:s17], $0x4000  }
0x4e: {  	[sflag:s17] =	ssyncset.done $0x0  }
0x4f: {  	s7 =	rddreg [dreg:$0xa];
	[sflag:s17] =	ssyncadd.s32 $0xFFFFC000  }
0x50: {  	[spmem:s2] =	stream.indirect.scatter.add.f32 [tilespmem:s14], [sflag:$0x4], $0x80, s7, s12, $0xb8;
	[tilespmem:$0x1D000] =	vst v63  }
0x51: {  	_ =	swait.ge [sflag:s18], $0x4000  }
0x52: {  	[sflag:s18] =	ssyncset.done $0x0  }
0x53: {  	s8 =	rddreg [dreg:$0xb];
	[sflag:s18] =	ssyncadd.s32 $0xFFFFC000  }
0x54: {  	[tilespmem:s14], [sflag:$0x2] =	stream.indirect.gather [hbm4b:s4+s12], $0x80, s8, s12, $0xb8;
	[tilespmem:$0x1D000] =	vst v63  }
0x55: {  	_ =	swait.ge [sflag:s15], $0x4000  }
0x56: {  	[sflag:s15] =	ssyncset.done $0x0  }
0x57: {  	s9 =	rddreg [dreg:$0xc];
	[sflag:s15] =	ssyncadd.s32 $0xFFFFC000  }
0x58: {  	[spmem:s2] =	stream.indirect.scatter.add.f32 [tilespmem:s13], [sflag:$0x3], $0x80, s9, s12, $0xb8;
	[tilespmem:$0x1D000] =	vst v63  }
0x59: {  	_ =	swait.ge [sflag:s16], $0x4000  }
0x5a: {  	[sflag:s16] =	ssyncset.done $0x0  }
0x5b: {  	s7 =	rddreg [dreg:$0xd];
	[sflag:s16] =	ssyncadd.s32 $0xFFFFC000  }
0x5c: {  	[tilespmem:s13], [sflag:$0x1] =	stream.indirect.gather [hbm4b:s4+s12], $0x80, s7, s12, $0xb8;
	[tilespmem:$0x1D000] =	vst v63  }
0x5d: {  	_ =	swait.ge [sflag:s17], $0x4000  }
0x5e: {  	[sflag:s17] =	ssyncset.done $0x0  }
0x5f: {  	s8 =	rddreg [dreg:$0xe];
	[sflag:s17] =	ssyncadd.s32 $0xFFFFC000  }
0x60: {  	[spmem:s2] =	stream.indirect.scatter.add.f32 [tilespmem:s14], [sflag:$0x4], $0x80, s8, s12, $0xb8;
	[tilespmem:$0x1D000] =	vst v63  }
0x61: {  	_ =	swait.ge [sflag:s18], $0x4000  }
0x62: {  	[sflag:s18] =	ssyncset.done $0x0  }
0x63: {  	s9 =	rddreg [dreg:$0xf];
	[sflag:s18] =	ssyncadd.s32 $0xFFFFC000  }
0x64: {  	[tilespmem:s14], [sflag:$0x2] =	stream.indirect.gather [hbm4b:s4+s12], $0x80, s9, s12, $0xb8;
	[tilespmem:$0x1D000] =	vst v63  }
0x65: {  	_ =	swait.ge [sflag:s15], $0x4000  }
0x66: {  	[sflag:s15] =	ssyncset.done $0x0  }
0x67: {  	s7 =	rddreg [dreg:$0x10];
	[sflag:s15] =	ssyncadd.s32 $0xFFFFC000  }
0x68: {  	[spmem:s2] =	stream.indirect.scatter.add.f32 [tilespmem:s13], [sflag:$0x3], $0x80, s7, s12, $0xb8;
	[tilespmem:$0x1D000] =	vst v63  }
0x69: {  	_ =	swait.ge [sflag:s16], $0x4000  }
0x6a: {  	[sflag:s16] =	ssyncset.done $0x0  }
0x6b: {  	s8 =	rddreg [dreg:$0x11];
	[sflag:s16] =	ssyncadd.s32 $0xFFFFC000  }
0x6c: {  	[tilespmem:s13], [sflag:$0x1] =	stream.indirect.gather [hbm4b:s4+s12], $0x80, s8, s12, $0xb8;
	[tilespmem:$0x1D000] =	vst v63  }
0x6d: {  	_ =	swait.ge [sflag:s17], $0x4000  }
0x6e: {  	[sflag:s17] =	ssyncset.done $0x0  }
0x6f: {  	s9 =	rddreg [dreg:$0x12];
	[sflag:s17] =	ssyncadd.s32 $0xFFFFC000  }
0x70: {  	[spmem:s2] =	stream.indirect.scatter.add.f32 [tilespmem:s14], [sflag:$0x4], $0x80, s9, s12, $0xb8;
	[tilespmem:$0x1D000] =	vst v63  }
0x71: {  	_ =	swait.ge [sflag:s18], $0x4000  }
0x72: {  	[sflag:s18] =	ssyncset.done $0x0  }
0x73: {  	[sflag:s18] =	ssyncadd.s32 $0xFFFFC000  }
0x74: {  	[tilespmem:s14], [sflag:$0x2] =	stream.indirect.gather [hbm4b:s4+s12], $0x80, s19, s12, $0xb8;
	[tilespmem:$0x1D000] =	vst v63  }
0x75: {  	_ =	swait.ge [sflag:s15], $0x4000  }
0x76: {  	[sflag:s15] =	ssyncset.done $0x0  }
0x77: {  	[sflag:s15] =	ssyncadd.s32 $0xFFFFC000  }
0x78: {  	[spmem:s2] =	stream.indirect.scatter.add.f32 [tilespmem:s13], [sflag:$0x3], $0x80, s20, s12, $0xb8;
	[tilespmem:$0x1D000] =	vst v63  }
0x79: {  	_ =	swait.ge [sflag:s16], $0x4000  }
0x7a: {  	[sflag:s16] =	ssyncset.done $0x0  }
0x7b: {  	[sflag:s16] =	ssyncadd.s32 $0xFFFFC000  }
0x7c: {  	[tilespmem:s13], [sflag:$0x1] =	stream.indirect.gather [hbm4b:s4+s12], $0x80, s21, s12, $0xb8;
	[tilespmem:$0x1D000] =	vst v63  }
0x7d: {  	_ =	swait.ge [sflag:s17], $0x4000  }
0x7e: {  	[sflag:s17] =	ssyncset.done $0x0  }
0x7f: {  	[sflag:s17] =	ssyncadd.s32 $0xFFFFC000  }
0x80: {  	[spmem:s2] =	stream.indirect.scatter.add.f32 [tilespmem:s14], [sflag:$0x4], $0x80, s22, s12, $0xb8;
	[tilespmem:$0x1D000] =	vst v63  }
0x81: {  	_ =	swait.ge [sflag:s18], $0x4000  }
0x82: {  	[sflag:s18] =	ssyncset.done $0x0  }
0x83: {  	[sflag:s18] =	ssyncadd.s32 $0xFFFFC000  }
0x84: {  	[tilespmem:s14], [sflag:$0x2] =	stream.indirect.gather [hbm4b:s4+s12], $0x80, s23, s12, $0xb8;
	[tilespmem:$0x1D000] =	vst v63  }
0x85: {  	_ =	swait.ge [sflag:s15], $0x4000  }
0x86: {  	[sflag:s15] =	ssyncset.done $0x0  }
0x87: {  	[sflag:s15] =	ssyncadd.s32 $0xFFFFC000  }
0x88: {  	[spmem:s2] =	stream.indirect.scatter.add.f32 [tilespmem:s13], [sflag:$0x3], $0x80, s24, s12, $0xb8;
	[tilespmem:$0x1D000] =	vst v63  }
0x89: {  	_ =	swait.ge [sflag:s16], $0x4000  }
0x8a: {  	[sflag:s16] =	ssyncset.done $0x0  }
0x8b: {  	[sflag:s16] =	ssyncadd.s32 $0xFFFFC000  }
0x8c: {  	[tilespmem:s13], [sflag:$0x1] =	stream.indirect.gather [hbm4b:s4+s12], $0x80, s25, s12, $0xb8;
	[tilespmem:$0x1D000] =	vst v63  }
0x8d: {  	_ =	swait.ge [sflag:s17], $0x4000  }
0x8e: {  	[sflag:s17] =	ssyncset.done $0x0  }
0x8f: {  	[sflag:s17] =	ssyncadd.s32 $0xFFFFC000  }
0x90: {  	[spmem:s2] =	stream.indirect.scatter.add.f32 [tilespmem:s14], [sflag:$0x4], $0x80, s26, s12, $0xb8;
	[tilespmem:$0x1D000] =	vst v63  }
0x91: {  	_ =	swait.ge [sflag:s18], $0x4000  }
0x92: {  	[sflag:s18] =	ssyncset.done $0x0  }
0x93: {  	[sflag:s18] =	ssyncadd.s32 $0xFFFFC000  }
0x94: {  	[tilespmem:s14], [sflag:$0x2] =	stream.indirect.gather [hbm4b:s4+s12], $0x80, s28, s12, $0xb8;
	[tilespmem:$0x1D000] =	vst v63  }
0x95: {  	_ =	swait.ge [sflag:s15], $0x4000  }
0x96: {  	[sflag:s15] =	ssyncset.done $0x0  }
0x97: {  	[sflag:s15] =	ssyncadd.s32 $0xFFFFC000  }
0x98: {  	[spmem:s2] =	stream.indirect.scatter.add.f32 [tilespmem:s13], [sflag:$0x3], $0x80, s29, s12, $0xb8;
	[tilespmem:$0x1D000] =	vst v63  }
0x99: {  	_ =	swait.ge [sflag:s16], $0x4000  }
0x9a: {  	[sflag:s16] =	ssyncset.done $0x0  }
0x9b: {  	[sflag:s16] =	ssyncadd.s32 $0xFFFFC000  }
0x9c: {  	[tilespmem:s13], [sflag:$0x1] =	stream.indirect.gather [hbm4b:s4+s12], $0x80, s30, s12, $0xb8;
	[tilespmem:$0x1D000] =	vst v63  }
0x9d: {  	_ =	swait.ge [sflag:s17], $0x4000  }
0x9e: {  	[sflag:s17] =	ssyncset.done $0x0  }
0x9f: {  	[sflag:s17] =	ssyncadd.s32 $0xFFFFC000  }
0xa0: {  	[spmem:s2] =	stream.indirect.scatter.add.f32 [tilespmem:s14], [sflag:$0x4], $0x80, s31, s12, $0xb8;
	[tilespmem:$0x1D000] =	vst v63  }
0xa1: {  	_ =	swait.ge [sflag:s18], $0x4000  }
0xa2: {  	[sflag:s18] =	ssyncset.done $0x0  }
0xa3: {  	[sflag:s18] =	ssyncadd.s32 $0xFFFFC000  }
0xa4: {  	[tilespmem:s14], [sflag:$0x2] =	stream.indirect.gather [hbm4b:s4+s12], $0x80, s1, s12, $0xb8;
	[tilespmem:$0x1D000] =	vst v63  }
0xa5: {  	_ =	swait.ge [sflag:s15], $0x4000  }
0xa6: {  	[sflag:s15] =	ssyncset.done $0x0  }
0xa7: {  	[sflag:s15] =	ssyncadd.s32 $0xFFFFC000  }
0xa8: {  	[spmem:s2] =	stream.indirect.scatter.add.f32 [tilespmem:s13], [sflag:$0x3], $0x80, s0, s12, $0xb8;
	[tilespmem:$0x1D000] =	vst v63  }
0xa9: {  	_ =	swait.ge [sflag:s17], $0x4000  }
0xaa: {  	[sflag:s17] =	ssyncset.done $0x0  }
0xab: {  	[sflag:s17] =	ssyncadd.s32 $0xFFFFC000  }
0xac: {  	[spmem:s2] =	stream.indirect.scatter.add.f32 [tilespmem:s14], [sflag:$0x4], $0x80, s5, s12, $0xb8;
	[tilespmem:$0x1D000] =	vst v63  }
0xad: {  	_ =	swait.ge [sflag:s16], $0x4000  }
0xae: {  	[sflag:s16] =	ssyncset.done $0x0  }
0xaf: {  	[sflag:s16] =	ssyncadd.s32 $0xFFFFC000  }
0xb0: {  	s6 =	simm.s32 $0x200;
	_ =	swait.ge [sflag:s18], $0x4000  }
0xb1: {  	s8 =	simm.s32 $0x100;
	s9 =	rddreg [dreg:$0x4];
	[sflag:s18] =	ssyncset.done $0x0  }
.LBB2_2:
0xb2: {  	[sflag:s18] =	ssyncadd.s32 $0xFFFFC000;
	s9 =	sadd.s32 s8, s9  }
0xb3: {  	[tilespmem:s3], [sflag:$0x5] =	stream.linear.gather [hbm4b:s9+s3], $0x800, $0x38;
	[tilespmem:$0x1D000] =	vst v63  }
0xb4: {  	_ =	swait.ge [sflag:s10], $0x800  }
0xb5: {  	s9 =	rddreg [dreg:$0x3];
	[sflag:s10] =	ssyncset.done $0x0  }
0xb6: {  	[sflag:s10] =	ssyncadd.s32 $0xFFFFF800;
	s9 =	sadd.s32 s8, s9  }
0xb7: {  	[tilespmem:s11], [sflag:$0x5] =	stream.linear.gather [hbm4b:s9+s3], $0x800, $0x38;
	[tilespmem:$0x1D000] =	vst v63  }
0xb8: {  	_ =	swait.ge [sflag:s10], $0x800  }
0xb9: {  	[sflag:s10] =	ssyncset.done $0x0  }
0xba: {  	[sflag:s10] =	ssyncadd.s32 $0xFFFFF800  }
0xbb: {  	[tilespmem:s13], [sflag:$0x1] =	stream.indirect.gather [hbm4b:s4+s12], $0x80, s3, s12, $0xb8;
	[tilespmem:$0x1D000] =	vst v63  }
0xbc: {  	_ = 	snop  }
0xbd: {  	[tilespmem:s14], [sflag:$0x2] =	stream.indirect.gather [hbm4b:s4+s12], $0x80, s12, s12, $0xb8;
	[tilespmem:$0x1D000] =	vst v63  }
0xbe: {  	_ =	swait.ge [sflag:s15], $0x4000  }
0xbf: {  	[sflag:s15] =	ssyncset.done $0x0  }
0xc0: {  	[sflag:s15] =	ssyncadd.s32 $0xFFFFC000  }
0xc1: {  	[spmem:s2] =	stream.indirect.scatter.add.f32 [tilespmem:s13], [sflag:$0x3], $0x80, s11, s12, $0xb8;
	[tilespmem:$0x1D000] =	vst v63  }
0xc2: {  	_ =	swait.ge [sflag:s16], $0x4000  }
0xc3: {  	[sflag:s16] =	ssyncset.done $0x0  }
0xc4: {  	s9 =	rddreg [dreg:$0x5];
	[sflag:s16] =	ssyncadd.s32 $0xFFFFC000  }
0xc5: {  	[tilespmem:s13], [sflag:$0x1] =	stream.indirect.gather [hbm4b:s4+s12], $0x80, s9, s12, $0xb8;
	[tilespmem:$0x1D000] =	vst v63  }
0xc6: {  	_ =	swait.ge [sflag:s17], $0x4000  }
0xc7: {  	[sflag:s17] =	ssyncset.done $0x0  }
0xc8: {  	s9 =	rddreg [dreg:$0x6];
	[sflag:s17] =	ssyncadd.s32 $0xFFFFC000  }
0xc9: {  	[spmem:s2] =	stream.indirect.scatter.add.f32 [tilespmem:s14], [sflag:$0x4], $0x80, s9, s12, $0xb8;
	[tilespmem:$0x1D000] =	vst v63  }
0xca: {  	_ =	swait.ge [sflag:s18], $0x4000  }
0xcb: {  	[sflag:s18] =	ssyncset.done $0x0  }
0xcc: {  	s9 =	rddreg [dreg:$0x7];
	[sflag:s18] =	ssyncadd.s32 $0xFFFFC000  }
0xcd: {  	[tilespmem:s14], [sflag:$0x2] =	stream.indirect.gather [hbm4b:s4+s12], $0x80, s9, s12, $0xb8;
	[tilespmem:$0x1D000] =	vst v63  }
0xce: {  	_ =	swait.ge [sflag:s15], $0x4000  }
0xcf: {  	[sflag:s15] =	ssyncset.done $0x0  }
0xd0: {  	s9 =	rddreg [dreg:$0x8];
	[sflag:s15] =	ssyncadd.s32 $0xFFFFC000  }
0xd1: {  	[spmem:s2] =	stream.indirect.scatter.add.f32 [tilespmem:s13], [sflag:$0x3], $0x80, s9, s12, $0xb8;
	[tilespmem:$0x1D000] =	vst v63  }
0xd2: {  	_ =	swait.ge [sflag:s16], $0x4000  }
0xd3: {  	[sflag:s16] =	ssyncset.done $0x0  }
0xd4: {  	s9 =	rddreg [dreg:$0x9];
	[sflag:s16] =	ssyncadd.s32 $0xFFFFC000  }
0xd5: {  	[tilespmem:s13], [sflag:$0x1] =	stream.indirect.gather [hbm4b:s4+s12], $0x80, s9, s12, $0xb8;
	[tilespmem:$0x1D000] =	vst v63  }
0xd6: {  	_ =	swait.ge [sflag:s17], $0x4000  }
0xd7: {  	[sflag:s17] =	ssyncset.done $0x0  }
0xd8: {  	s9 =	rddreg [dreg:$0xa];
	[sflag:s17] =	ssyncadd.s32 $0xFFFFC000  }
0xd9: {  	[spmem:s2] =	stream.indirect.scatter.add.f32 [tilespmem:s14], [sflag:$0x4], $0x80, s9, s12, $0xb8;
	[tilespmem:$0x1D000] =	vst v63  }
0xda: {  	_ =	swait.ge [sflag:s18], $0x4000  }
0xdb: {  	[sflag:s18] =	ssyncset.done $0x0  }
0xdc: {  	s9 =	rddreg [dreg:$0xb];
	[sflag:s18] =	ssyncadd.s32 $0xFFFFC000  }
0xdd: {  	[tilespmem:s14], [sflag:$0x2] =	stream.indirect.gather [hbm4b:s4+s12], $0x80, s9, s12, $0xb8;
	[tilespmem:$0x1D000] =	vst v63  }
0xde: {  	_ =	swait.ge [sflag:s15], $0x4000  }
0xdf: {  	[sflag:s15] =	ssyncset.done $0x0  }
0xe0: {  	s9 =	rddreg [dreg:$0xc];
	[sflag:s15] =	ssyncadd.s32 $0xFFFFC000  }
0xe1: {  	[spmem:s2] =	stream.indirect.scatter.add.f32 [tilespmem:s13], [sflag:$0x3], $0x80, s9, s12, $0xb8;
	[tilespmem:$0x1D000] =	vst v63  }
0xe2: {  	_ =	swait.ge [sflag:s16], $0x4000  }
0xe3: {  	[sflag:s16] =	ssyncset.done $0x0  }
0xe4: {  	s9 =	rddreg [dreg:$0xd];
	[sflag:s16] =	ssyncadd.s32 $0xFFFFC000  }
0xe5: {  	[tilespmem:s13], [sflag:$0x1] =	stream.indirect.gather [hbm4b:s4+s12], $0x80, s9, s12, $0xb8;
	[tilespmem:$0x1D000] =	vst v63  }
0xe6: {  	_ =	swait.ge [sflag:s17], $0x4000  }
0xe7: {  	[sflag:s17] =	ssyncset.done $0x0  }
0xe8: {  	s9 =	rddreg [dreg:$0xe];
	[sflag:s17] =	ssyncadd.s32 $0xFFFFC000  }
0xe9: {  	[spmem:s2] =	stream.indirect.scatter.add.f32 [tilespmem:s14], [sflag:$0x4], $0x80, s9, s12, $0xb8;
	[tilespmem:$0x1D000] =	vst v63  }
0xea: {  	_ =	swait.ge [sflag:s18], $0x4000  }
0xeb: {  	[sflag:s18] =	ssyncset.done $0x0  }
0xec: {  	s9 =	rddreg [dreg:$0xf];
	[sflag:s18] =	ssyncadd.s32 $0xFFFFC000  }
0xed: {  	[tilespmem:s14], [sflag:$0x2] =	stream.indirect.gather [hbm4b:s4+s12], $0x80, s9, s12, $0xb8;
	[tilespmem:$0x1D000] =	vst v63  }
0xee: {  	_ =	swait.ge [sflag:s15], $0x4000  }
0xef: {  	[sflag:s15] =	ssyncset.done $0x0  }
0xf0: {  	s9 =	rddreg [dreg:$0x10];
	[sflag:s15] =	ssyncadd.s32 $0xFFFFC000  }
0xf1: {  	[spmem:s2] =	stream.indirect.scatter.add.f32 [tilespmem:s13], [sflag:$0x3], $0x80, s9, s12, $0xb8;
	[tilespmem:$0x1D000] =	vst v63  }
0xf2: {  	_ =	swait.ge [sflag:s16], $0x4000  }
0xf3: {  	[sflag:s16] =	ssyncset.done $0x0  }
0xf4: {  	s9 =	rddreg [dreg:$0x11];
	[sflag:s16] =	ssyncadd.s32 $0xFFFFC000  }
0xf5: {  	[tilespmem:s13], [sflag:$0x1] =	stream.indirect.gather [hbm4b:s4+s12], $0x80, s9, s12, $0xb8;
	[tilespmem:$0x1D000] =	vst v63  }
0xf6: {  	_ =	swait.ge [sflag:s17], $0x4000  }
0xf7: {  	[sflag:s17] =	ssyncset.done $0x0  }
0xf8: {  	s9 =	rddreg [dreg:$0x12];
	[sflag:s17] =	ssyncadd.s32 $0xFFFFC000  }
0xf9: {  	[spmem:s2] =	stream.indirect.scatter.add.f32 [tilespmem:s14], [sflag:$0x4], $0x80, s9, s12, $0xb8;
	[tilespmem:$0x1D000] =	vst v63  }
0xfa: {  	_ =	swait.ge [sflag:s18], $0x4000  }
0xfb: {  	[sflag:s18] =	ssyncset.done $0x0  }
0xfc: {  	[sflag:s18] =	ssyncadd.s32 $0xFFFFC000  }
0xfd: {  	[tilespmem:s14], [sflag:$0x2] =	stream.indirect.gather [hbm4b:s4+s12], $0x80, s19, s12, $0xb8;
	[tilespmem:$0x1D000] =	vst v63  }
0xfe: {  	_ =	swait.ge [sflag:s15], $0x4000  }
0xff: {  	[sflag:s15] =	ssyncset.done $0x0  }
0x100: {  	[sflag:s15] =	ssyncadd.s32 $0xFFFFC000  }
0x101: {  	[spmem:s2] =	stream.indirect.scatter.add.f32 [tilespmem:s13], [sflag:$0x3], $0x80, s20, s12, $0xb8;
	[tilespmem:$0x1D000] =	vst v63  }
0x102: {  	_ =	swait.ge [sflag:s16], $0x4000  }
0x103: {  	[sflag:s16] =	ssyncset.done $0x0  }
0x104: {  	[sflag:s16] =	ssyncadd.s32 $0xFFFFC000  }
0x105: {  	[tilespmem:s13], [sflag:$0x1] =	stream.indirect.gather [hbm4b:s4+s12], $0x80, s21, s12, $0xb8;
	[tilespmem:$0x1D000] =	vst v63  }
0x106: {  	_ =	swait.ge [sflag:s17], $0x4000  }
0x107: {  	[sflag:s17] =	ssyncset.done $0x0  }
0x108: {  	[sflag:s17] =	ssyncadd.s32 $0xFFFFC000  }
0x109: {  	[spmem:s2] =	stream.indirect.scatter.add.f32 [tilespmem:s14], [sflag:$0x4], $0x80, s22, s12, $0xb8;
	[tilespmem:$0x1D000] =	vst v63  }
0x10a: {  	_ =	swait.ge [sflag:s18], $0x4000  }
0x10b: {  	[sflag:s18] =	ssyncset.done $0x0  }
0x10c: {  	[sflag:s18] =	ssyncadd.s32 $0xFFFFC000  }
0x10d: {  	[tilespmem:s14], [sflag:$0x2] =	stream.indirect.gather [hbm4b:s4+s12], $0x80, s23, s12, $0xb8;
	[tilespmem:$0x1D000] =	vst v63  }
0x10e: {  	_ =	swait.ge [sflag:s15], $0x4000  }
0x10f: {  	[sflag:s15] =	ssyncset.done $0x0  }
0x110: {  	[sflag:s15] =	ssyncadd.s32 $0xFFFFC000  }
0x111: {  	[spmem:s2] =	stream.indirect.scatter.add.f32 [tilespmem:s13], [sflag:$0x3], $0x80, s24, s12, $0xb8;
	[tilespmem:$0x1D000] =	vst v63  }
0x112: {  	_ =	swait.ge [sflag:s16], $0x4000  }
0x113: {  	[sflag:s16] =	ssyncset.done $0x0  }
0x114: {  	[sflag:s16] =	ssyncadd.s32 $0xFFFFC000  }
0x115: {  	[tilespmem:s13], [sflag:$0x1] =	stream.indirect.gather [hbm4b:s4+s12], $0x80, s25, s12, $0xb8;
	[tilespmem:$0x1D000] =	vst v63  }
0x116: {  	_ =	swait.ge [sflag:s17], $0x4000  }
0x117: {  	[sflag:s17] =	ssyncset.done $0x0  }
0x118: {  	[sflag:s17] =	ssyncadd.s32 $0xFFFFC000  }
0x119: {  	[spmem:s2] =	stream.indirect.scatter.add.f32 [tilespmem:s14], [sflag:$0x4], $0x80, s26, s12, $0xb8;
	[tilespmem:$0x1D000] =	vst v63  }
0x11a: {  	_ =	swait.ge [sflag:s18], $0x4000  }
0x11b: {  	[sflag:s18] =	ssyncset.done $0x0  }
0x11c: {  	[sflag:s18] =	ssyncadd.s32 $0xFFFFC000  }
0x11d: {  	[tilespmem:s14], [sflag:$0x2] =	stream.indirect.gather [hbm4b:s4+s12], $0x80, s28, s12, $0xb8;
	[tilespmem:$0x1D000] =	vst v63  }
0x11e: {  	_ =	swait.ge [sflag:s15], $0x4000  }
0x11f: {  	[sflag:s15] =	ssyncset.done $0x0  }
0x120: {  	[sflag:s15] =	ssyncadd.s32 $0xFFFFC000  }
0x121: {  	[spmem:s2] =	stream.indirect.scatter.add.f32 [tilespmem:s13], [sflag:$0x3], $0x80, s29, s12, $0xb8;
	[tilespmem:$0x1D000] =	vst v63  }
0x122: {  	_ =	swait.ge [sflag:s16], $0x4000  }
0x123: {  	[sflag:s16] =	ssyncset.done $0x0  }
0x124: {  	[sflag:s16] =	ssyncadd.s32 $0xFFFFC000  }
0x125: {  	[tilespmem:s13], [sflag:$0x1] =	stream.indirect.gather [hbm4b:s4+s12], $0x80, s30, s12, $0xb8;
	[tilespmem:$0x1D000] =	vst v63  }
0x126: {  	_ =	swait.ge [sflag:s17], $0x4000  }
0x127: {  	[sflag:s17] =	ssyncset.done $0x0  }
0x128: {  	[sflag:s17] =	ssyncadd.s32 $0xFFFFC000  }
0x129: {  	[spmem:s2] =	stream.indirect.scatter.add.f32 [tilespmem:s14], [sflag:$0x4], $0x80, s31, s12, $0xb8;
	[tilespmem:$0x1D000] =	vst v63  }
0x12a: {  	_ =	swait.ge [sflag:s18], $0x4000  }
0x12b: {  	[sflag:s18] =	ssyncset.done $0x0  }
0x12c: {  	[sflag:s18] =	ssyncadd.s32 $0xFFFFC000  }
0x12d: {  	[tilespmem:s14], [sflag:$0x2] =	stream.indirect.gather [hbm4b:s4+s12], $0x80, s1, s12, $0xb8;
	[tilespmem:$0x1D000] =	vst v63  }
0x12e: {  	_ =	swait.ge [sflag:s15], $0x4000  }
0x12f: {  	[sflag:s15] =	ssyncset.done $0x0  }
0x130: {  	[sflag:s15] =	ssyncadd.s32 $0xFFFFC000  }
0x131: {  	[spmem:s2] =	stream.indirect.scatter.add.f32 [tilespmem:s13], [sflag:$0x3], $0x80, s0, s12, $0xb8;
	[tilespmem:$0x1D000] =	vst v63  }
0x132: {  	_ =	swait.ge [sflag:s17], $0x4000  }
0x133: {  	[sflag:s17] =	ssyncset.done $0x0  }
0x134: {  	p0 =	sne.s32 s6, $0x900;
	[sflag:s17] =	ssyncadd.s32 $0xFFFFC000  }
0x135: {  	[spmem:s2] =	stream.indirect.scatter.add.f32 [tilespmem:s14], [sflag:$0x4], $0x80, s5, s12, $0xb8;
	[tilespmem:$0x1D000] =	vst v63  }
.Ltmp0:
0x136: {  	_ =	swait.ge [sflag:s16], $0x4000;
	(pc) =	sbr.rel @p0 .LBB2_2-.Ltmp0, $4  }
0x137: {  	[sflag:s16] =	ssyncset.done $0x0  }
0x138: {  	[sflag:s16] =	ssyncadd.s32 $0xFFFFC000  }
0x139: {  	s7 =	smov.u32 s6;
	s6 =	sadd.s32 $0x100, s6;
	_ =	swait.ge [sflag:s18], $0x4000  }
0x13a: {  	s8 =	smov.u32 s7;
	s9 =	rddreg [dreg:$0x4];
	[sflag:s18] =	ssyncset.done $0x0  }
0x13b: {  	[sflag:s18] =	ssyncadd.s32 $0xFFFFC000;
	s6 =	sadd.s32 s8, s9  }
0x13c: {  	[tilespmem:s3], [sflag:$0x5] =	stream.linear.gather [hbm4b:s6+s3], $0x800, $0x38;
	[tilespmem:$0x1D000] =	vst v63  }
0x13d: {  	_ =	swait.ge [sflag:s10], $0x800  }
0x13e: {  	s9 =	rddreg [dreg:$0x3];
	[sflag:s10] =	ssyncset.done $0x0  }
0x13f: {  	s6 =	sadd.s32 s8, s9;
	[sflag:s10] =	ssyncadd.s32 $0xFFFFF800  }
0x140: {  	[tilespmem:s11], [sflag:$0x5] =	stream.linear.gather [hbm4b:s6+s3], $0x800, $0x38;
	[tilespmem:$0x1D000] =	vst v63  }
0x141: {  	_ =	swait.ge [sflag:s10], $0x800  }
0x142: {  	[sflag:s10] =	ssyncset.done $0x0  }
0x143: {  	[sflag:s10] =	ssyncadd.s32 $0xFFFFF800  }
0x144: {  	[tilespmem:s13], [sflag:$0x1] =	stream.indirect.gather [hbm4b:s4+s12], $0x80, s3, s12, $0xb8;
	[tilespmem:$0x1D000] =	vst v63  }
0x145: {  	_ = 	snop  }
0x146: {  	[tilespmem:s14], [sflag:$0x2] =	stream.indirect.gather [hbm4b:s4+s12], $0x80, s12, s12, $0xb8;
	[tilespmem:$0x1D000] =	vst v63  }
0x147: {  	_ =	swait.ge [sflag:s15], $0x4000  }
0x148: {  	[sflag:s15] =	ssyncset.done $0x0  }
0x149: {  	[sflag:s15] =	ssyncadd.s32 $0xFFFFC000  }
0x14a: {  	[spmem:s2] =	stream.indirect.scatter.add.f32 [tilespmem:s13], [sflag:$0x3], $0x80, s11, s12, $0xb8;
	[tilespmem:$0x1D000] =	vst v63  }
0x14b: {  	_ =	swait.ge [sflag:s16], $0x4000  }
0x14c: {  	[sflag:s16] =	ssyncset.done $0x0  }
0x14d: {  	s7 =	rddreg [dreg:$0x5];
	[sflag:s16] =	ssyncadd.s32 $0xFFFFC000  }
0x14e: {  	[tilespmem:s13], [sflag:$0x1] =	stream.indirect.gather [hbm4b:s4+s12], $0x80, s7, s12, $0xb8;
	[tilespmem:$0x1D000] =	vst v63  }
0x14f: {  	_ =	swait.ge [sflag:s17], $0x4000  }
0x150: {  	[sflag:s17] =	ssyncset.done $0x0  }
0x151: {  	s8 =	rddreg [dreg:$0x6];
	[sflag:s17] =	ssyncadd.s32 $0xFFFFC000  }
0x152: {  	[spmem:s2] =	stream.indirect.scatter.add.f32 [tilespmem:s14], [sflag:$0x4], $0x80, s8, s12, $0xb8;
	[tilespmem:$0x1D000] =	vst v63  }
0x153: {  	_ =	swait.ge [sflag:s18], $0x4000  }
0x154: {  	[sflag:s18] =	ssyncset.done $0x0  }
0x155: {  	s9 =	rddreg [dreg:$0x7];
	[sflag:s18] =	ssyncadd.s32 $0xFFFFC000  }
0x156: {  	[tilespmem:s14], [sflag:$0x2] =	stream.indirect.gather [hbm4b:s4+s12], $0x80, s9, s12, $0xb8;
	[tilespmem:$0x1D000] =	vst v63  }
0x157: {  	_ =	swait.ge [sflag:s15], $0x4000  }
0x158: {  	[sflag:s15] =	ssyncset.done $0x0  }
0x159: {  	s7 =	rddreg [dreg:$0x8];
	[sflag:s15] =	ssyncadd.s32 $0xFFFFC000  }
0x15a: {  	[spmem:s2] =	stream.indirect.scatter.add.f32 [tilespmem:s13], [sflag:$0x3], $0x80, s7, s12, $0xb8;
	[tilespmem:$0x1D000] =	vst v63  }
0x15b: {  	_ =	swait.ge [sflag:s16], $0x4000  }
0x15c: {  	[sflag:s16] =	ssyncset.done $0x0  }
0x15d: {  	s8 =	rddreg [dreg:$0x9];
	[sflag:s16] =	ssyncadd.s32 $0xFFFFC000  }
0x15e: {  	[tilespmem:s13], [sflag:$0x1] =	stream.indirect.gather [hbm4b:s4+s12], $0x80, s8, s12, $0xb8;
	[tilespmem:$0x1D000] =	vst v63  }
0x15f: {  	_ =	swait.ge [sflag:s17], $0x4000  }
0x160: {  	[sflag:s17] =	ssyncset.done $0x0  }
0x161: {  	s9 =	rddreg [dreg:$0xa];
	[sflag:s17] =	ssyncadd.s32 $0xFFFFC000  }
0x162: {  	[spmem:s2] =	stream.indirect.scatter.add.f32 [tilespmem:s14], [sflag:$0x4], $0x80, s9, s12, $0xb8;
	[tilespmem:$0x1D000] =	vst v63  }
0x163: {  	_ =	swait.ge [sflag:s18], $0x4000  }
0x164: {  	[sflag:s18] =	ssyncset.done $0x0  }
0x165: {  	s7 =	rddreg [dreg:$0xb];
	[sflag:s18] =	ssyncadd.s32 $0xFFFFC000  }
0x166: {  	[tilespmem:s14], [sflag:$0x2] =	stream.indirect.gather [hbm4b:s4+s12], $0x80, s7, s12, $0xb8;
	[tilespmem:$0x1D000] =	vst v63  }
0x167: {  	_ =	swait.ge [sflag:s15], $0x4000  }
0x168: {  	[sflag:s15] =	ssyncset.done $0x0  }
0x169: {  	s8 =	rddreg [dreg:$0xc];
	[sflag:s15] =	ssyncadd.s32 $0xFFFFC000  }
0x16a: {  	[spmem:s2] =	stream.indirect.scatter.add.f32 [tilespmem:s13], [sflag:$0x3], $0x80, s8, s12, $0xb8;
	[tilespmem:$0x1D000] =	vst v63  }
0x16b: {  	_ =	swait.ge [sflag:s16], $0x4000  }
0x16c: {  	[sflag:s16] =	ssyncset.done $0x0  }
0x16d: {  	s9 =	rddreg [dreg:$0xd];
	[sflag:s16] =	ssyncadd.s32 $0xFFFFC000  }
0x16e: {  	[tilespmem:s13], [sflag:$0x1] =	stream.indirect.gather [hbm4b:s4+s12], $0x80, s9, s12, $0xb8;
	[tilespmem:$0x1D000] =	vst v63  }
0x16f: {  	_ =	swait.ge [sflag:s17], $0x4000  }
0x170: {  	[sflag:s17] =	ssyncset.done $0x0  }
0x171: {  	s7 =	rddreg [dreg:$0xe];
	[sflag:s17] =	ssyncadd.s32 $0xFFFFC000  }
0x172: {  	[spmem:s2] =	stream.indirect.scatter.add.f32 [tilespmem:s14], [sflag:$0x4], $0x80, s7, s12, $0xb8;
	[tilespmem:$0x1D000] =	vst v63  }
0x173: {  	_ =	swait.ge [sflag:s18], $0x4000  }
0x174: {  	[sflag:s18] =	ssyncset.done $0x0  }
0x175: {  	s8 =	rddreg [dreg:$0xf];
	[sflag:s18] =	ssyncadd.s32 $0xFFFFC000  }
0x176: {  	[tilespmem:s14], [sflag:$0x2] =	stream.indirect.gather [hbm4b:s4+s12], $0x80, s8, s12, $0xb8;
	[tilespmem:$0x1D000] =	vst v63  }
0x177: {  	_ =	swait.ge [sflag:s15], $0x4000  }
0x178: {  	[sflag:s15] =	ssyncset.done $0x0  }
0x179: {  	s9 =	rddreg [dreg:$0x10];
	[sflag:s15] =	ssyncadd.s32 $0xFFFFC000  }
0x17a: {  	[spmem:s2] =	stream.indirect.scatter.add.f32 [tilespmem:s13], [sflag:$0x3], $0x80, s9, s12, $0xb8;
	[tilespmem:$0x1D000] =	vst v63  }
0x17b: {  	_ =	swait.ge [sflag:s16], $0x4000  }
0x17c: {  	[sflag:s16] =	ssyncset.done $0x0  }
0x17d: {  	s7 =	rddreg [dreg:$0x11];
	[sflag:s16] =	ssyncadd.s32 $0xFFFFC000  }
0x17e: {  	[tilespmem:s13], [sflag:$0x1] =	stream.indirect.gather [hbm4b:s4+s12], $0x80, s7, s12, $0xb8;
	[tilespmem:$0x1D000] =	vst v63  }
0x17f: {  	_ =	swait.ge [sflag:s17], $0x4000  }
0x180: {  	[sflag:s17] =	ssyncset.done $0x0  }
0x181: {  	s8 =	rddreg [dreg:$0x12];
	[sflag:s17] =	ssyncadd.s32 $0xFFFFC000  }
0x182: {  	[spmem:s2] =	stream.indirect.scatter.add.f32 [tilespmem:s14], [sflag:$0x4], $0x80, s8, s12, $0xb8;
	[tilespmem:$0x1D000] =	vst v63  }
0x183: {  	_ =	swait.ge [sflag:s18], $0x4000  }
0x184: {  	[sflag:s18] =	ssyncset.done $0x0  }
0x185: {  	[sflag:s18] =	ssyncadd.s32 $0xFFFFC000  }
0x186: {  	[tilespmem:s14], [sflag:$0x2] =	stream.indirect.gather [hbm4b:s4+s12], $0x80, s19, s12, $0xb8;
	[tilespmem:$0x1D000] =	vst v63  }
0x187: {  	_ =	swait.ge [sflag:s15], $0x4000  }
0x188: {  	[sflag:s15] =	ssyncset.done $0x0  }
0x189: {  	[sflag:s15] =	ssyncadd.s32 $0xFFFFC000  }
0x18a: {  	[spmem:s2] =	stream.indirect.scatter.add.f32 [tilespmem:s13], [sflag:$0x3], $0x80, s20, s12, $0xb8;
	[tilespmem:$0x1D000] =	vst v63  }
0x18b: {  	_ =	swait.ge [sflag:s16], $0x4000  }
0x18c: {  	[sflag:s16] =	ssyncset.done $0x0  }
0x18d: {  	[sflag:s16] =	ssyncadd.s32 $0xFFFFC000  }
0x18e: {  	[tilespmem:s13], [sflag:$0x1] =	stream.indirect.gather [hbm4b:s4+s12], $0x80, s21, s12, $0xb8;
	[tilespmem:$0x1D000] =	vst v63  }
0x18f: {  	_ =	swait.ge [sflag:s17], $0x4000  }
0x190: {  	[sflag:s17] =	ssyncset.done $0x0  }
0x191: {  	[sflag:s17] =	ssyncadd.s32 $0xFFFFC000  }
0x192: {  	[spmem:s2] =	stream.indirect.scatter.add.f32 [tilespmem:s14], [sflag:$0x4], $0x80, s22, s12, $0xb8;
	[tilespmem:$0x1D000] =	vst v63  }
0x193: {  	_ =	swait.ge [sflag:s18], $0x4000  }
0x194: {  	[sflag:s18] =	ssyncset.done $0x0  }
0x195: {  	[sflag:s18] =	ssyncadd.s32 $0xFFFFC000  }
0x196: {  	[tilespmem:s14], [sflag:$0x2] =	stream.indirect.gather [hbm4b:s4+s12], $0x80, s23, s12, $0xb8;
	[tilespmem:$0x1D000] =	vst v63  }
0x197: {  	_ =	swait.ge [sflag:s15], $0x4000  }
0x198: {  	[sflag:s15] =	ssyncset.done $0x0  }
0x199: {  	[sflag:s15] =	ssyncadd.s32 $0xFFFFC000  }
0x19a: {  	[spmem:s2] =	stream.indirect.scatter.add.f32 [tilespmem:s13], [sflag:$0x3], $0x80, s24, s12, $0xb8;
	[tilespmem:$0x1D000] =	vst v63  }
0x19b: {  	_ =	swait.ge [sflag:s16], $0x4000  }
0x19c: {  	[sflag:s16] =	ssyncset.done $0x0  }
0x19d: {  	[sflag:s16] =	ssyncadd.s32 $0xFFFFC000  }
0x19e: {  	[tilespmem:s13], [sflag:$0x1] =	stream.indirect.gather [hbm4b:s4+s12], $0x80, s25, s12, $0xb8;
	[tilespmem:$0x1D000] =	vst v63  }
0x19f: {  	_ =	swait.ge [sflag:s17], $0x4000  }
0x1a0: {  	[sflag:s17] =	ssyncset.done $0x0  }
0x1a1: {  	[sflag:s17] =	ssyncadd.s32 $0xFFFFC000  }
0x1a2: {  	[spmem:s2] =	stream.indirect.scatter.add.f32 [tilespmem:s14], [sflag:$0x4], $0x80, s26, s12, $0xb8;
	[tilespmem:$0x1D000] =	vst v63  }
0x1a3: {  	_ =	swait.ge [sflag:s18], $0x4000  }
0x1a4: {  	[sflag:s18] =	ssyncset.done $0x0  }
0x1a5: {  	[sflag:s18] =	ssyncadd.s32 $0xFFFFC000  }
0x1a6: {  	[tilespmem:s14], [sflag:$0x2] =	stream.indirect.gather [hbm4b:s4+s12], $0x80, s28, s12, $0xb8;
	[tilespmem:$0x1D000] =	vst v63  }
0x1a7: {  	_ =	swait.ge [sflag:s15], $0x4000  }
0x1a8: {  	[sflag:s15] =	ssyncset.done $0x0  }
0x1a9: {  	[sflag:s15] =	ssyncadd.s32 $0xFFFFC000  }
0x1aa: {  	[spmem:s2] =	stream.indirect.scatter.add.f32 [tilespmem:s13], [sflag:$0x3], $0x80, s29, s12, $0xb8;
	[tilespmem:$0x1D000] =	vst v63  }
0x1ab: {  	_ =	swait.ge [sflag:s16], $0x4000  }
0x1ac: {  	[sflag:s16] =	ssyncset.done $0x0  }
0x1ad: {  	[sflag:s16] =	ssyncadd.s32 $0xFFFFC000  }
0x1ae: {  	[tilespmem:s13], [sflag:$0x1] =	stream.indirect.gather [hbm4b:s4+s12], $0x80, s30, s12, $0xb8;
	[tilespmem:$0x1D000] =	vst v63  }
0x1af: {  	_ =	swait.ge [sflag:s17], $0x4000  }
0x1b0: {  	[sflag:s17] =	ssyncset.done $0x0  }
0x1b1: {  	[sflag:s17] =	ssyncadd.s32 $0xFFFFC000  }
0x1b2: {  	[spmem:s2] =	stream.indirect.scatter.add.f32 [tilespmem:s14], [sflag:$0x4], $0x80, s31, s12, $0xb8;
	[tilespmem:$0x1D000] =	vst v63  }
0x1b3: {  	_ =	swait.ge [sflag:s18], $0x4000  }
0x1b4: {  	[sflag:s18] =	ssyncset.done $0x0  }
0x1b5: {  	[sflag:s18] =	ssyncadd.s32 $0xFFFFC000  }
0x1b6: {  	[tilespmem:s14], [sflag:$0x2] =	stream.indirect.gather [hbm4b:s4+s12], $0x80, s1, s12, $0xb8;
	[tilespmem:$0x1D000] =	vst v63  }
0x1b7: {  	_ =	swait.ge [sflag:s15], $0x4000  }
0x1b8: {  	[sflag:s15] =	ssyncset.done $0x0  }
0x1b9: {  	[sflag:s15] =	ssyncadd.s32 $0xFFFFC000  }
0x1ba: {  	[spmem:s2] =	stream.indirect.scatter.add.f32 [tilespmem:s13], [sflag:$0x3], $0x80, s0, s12, $0xb8;
	[tilespmem:$0x1D000] =	vst v63  }
0x1bb: {  	_ =	swait.ge [sflag:s17], $0x4000  }
0x1bc: {  	[sflag:s17] =	ssyncset.done $0x0  }
0x1bd: {  	[sflag:s17] =	ssyncadd.s32 $0xFFFFC000  }
0x1be: {  	[spmem:s2] =	stream.indirect.scatter.add.f32 [tilespmem:s14], [sflag:$0x4], $0x80, s5, s12, $0xb8;
	[tilespmem:$0x1D000] =	vst v63  }
0x1bf: {  	_ =	swait.ge [sflag:s16], $0x4000  }
0x1c0: {  	[sflag:s16] =	ssyncset.done $0x0  }
0x1c1: {  	[sflag:s16] =	ssyncadd.s32 $0xFFFFC000  }
0x1c2: {  	_ =	swait.ge [sflag:s18], $0x4000  }
0x1c3: {  	[sflag:s18] =	ssyncset.done $0x0  }
0x1c4: {  	[sflag:s18] =	ssyncadd.s32 $0xFFFFC000  }
0x1c5: {  	[bflag:$0x0] =	sbarrier.arrive $0xFFFF  }
0x1c6: {  	s7 =	rddreg [dreg:$0x14]  }
0x1c7: {  	s9 =	rddreg [dreg:$0x15]  }
0x1c8: {  	s8 =	rddreg [dreg:$0x17]  }
0x1c9: {  	[hbm:s9], [sflag:s7] =	dma.local [spmem:s8], $0x2800  }
0x1ca: {  	_ =	swait.ge [sflag:s10], $0x2800  }
0x1cb: {  	s6 =	rddreg [dreg:$0x18]  }
0x1cc: {  	s9 =	sadd.s32 $0x1, s6;
	s6 =	rddreg [dreg:$0x16]  }
0x1cd: {  	p0 =	sne.s32 s9, s6  }
.Ltmp1:
0x1ce: {  	_ = 	snop;
	(pc) =	sbr.rel @p0 .LBB2_1-.Ltmp1, $3  }
0x1cf: {  	_ =	sdelay $0x1  }
0x1d0: {  	[sflag:s10] =	ssyncset.done $0x0  }
0x1d1: {  	[sflag:s10] =	ssyncadd.s32 $0xFFFFD800  }
0x1d2: {  	_ =	sfence.sel $0x180000  }
0x1d3: {  	[bflag:$0x0] =	sbarrier.arrive $0xFFFF  }
0x1d4: {  	_ =	strace $0x9000004D  }
0x1d5: {  	s0 =	stileid.u32;
	[bflag:$0x2] =	sbarrier.arrive $0xFFFF  }
0x1d6: {  	p0 =	sne.s32 s0, $0x0;
	s0 =	rddreg [dreg:$0x2]  }
0x1d7: {  	s0 =	sadd.s32 @!p0 $0x100000, s0  }
0x1d8: {  	[sflag:s0] =	ssyncadd.tile.s32 @!p0 $0x1;
	_ =	shalt  }
.Lfunc_end2:
_tile_overlayer_lowered:
.L_overlay_start_2:
0x1d9: {  	(tag) =	ssettag $0x2  }
0x1da: {  	s0 =	rddreg [dreg:$0x0];
	s2 =	stileid.u32  }
0x1db: {  	s1 =	rddreg [dreg:$0x1];
	p0 =	sne.s32 s2, $0x0  }
0x1dc: {  	s3 =	rddreg [dreg:$0x2];
	[bflag:$0x3] =	sbarrier.arrive $0xFFFF;
	s2 =	simm.s32 @!p0 $0x1C05  }
0x1dd: {  	[timem:s3], [sflag:s2] =	dma.local @!p0 [hbm:s0], s1  }
0x1de: {  	s0 =	simm.s32 @!p0 $0x5  }
0x1df: {  	_ =	swait.ge @!p0 [sflag:s0], s1  }
0x1e0: {  	s1 =	ssub.s32 @!p0 $0x0, s1;
	[sflag:s0] =	ssyncset.done @!p0 $0x0  }
0x1e1: {  	[sflag:s0] =	ssyncadd.s32 @!p0 s1  }
0x1e2: {  	[bflag:$0x3] =	sbarrier.arrive $0xFFFF  }
0x1e3: {  	_ =	shalt  }

// kernel: kernel.9.cloned.1.call-start
scs
__scs_entry_jumppad:
0x0: {  	(pc) =	sbr.rel $0x88, $3  }
0x1: {  	(tag) =	ssettag $0x0;
	lr =	simm.s32 $0x1  }
0x2: {  	[smem:$0x3F8F] =	sst lr;
	_ =	strace $0xD0000000  }
0x3: {  	_ = 	snop  }
0x4: {  	_ = 	snop  }
0x5: {  	_ = 	snop  }
0x6: {  	_ = 	snop  }
0x7: {  	_ = 	snop  }
__scs_overlays_trampoline_lowered:
0x8: {  	[smem:$0x3F9E] =	sst s0  }
0x9: {  	[smem:$0x3F9F] =	sst s1  }
0xa: {  	[smem:$0x3FA0] =	sst s2  }
0xb: {  	[smem:$0x3FA1] =	sst s3  }
0xc: {  	[smem:$0x3FA2] =	sst s4  }
0xd: {  	[smem:$0x3FA3] =	sst s5  }
0xe: {  	[smem:$0x3FA4] =	sst s6  }
0xf: {  	[smem:$0x3FA5] =	sst s7  }
0x10: {  	[smem:$0x3FA6] =	sst s8  }
0x11: {  	[smem:$0x3FA7] =	sst s9;
	s0 =	simm.s32 @!p0 $0x0  }
0x12: {  	s1 =	sld [smem:$0x3F8D];
	s0 =	simm.s32 @p0 $0x1  }
0x13: {  	[smem:$0x3FA8] =	sst s0;
	s0 =	simm.s32 @!p1 $0x0  }
0x14: {  	s2 =	sld [smem:$0x3F8C];
	s0 =	simm.s32 @p1 $0x1  }
0x15: {  	[smem:$0x3FA9] =	sst s0;
	s0 =	simm.s32 @!p2 $0x0  }
0x16: {  	s3 =	sld [smem:$0x3FDB];
	s0 =	simm.s32 @p2 $0x1  }
0x17: {  	s4 =	simm.s32 $0x1BF5;
	[smem:$0x3FAB] =	sst s0  }
0x18: {  	s0 =	sld [smem:$0x3F8E];
	_ =	swait.ge [sflag:s4], $0x0  }
0x19: {  	s7 =	sld [smem:$0x3F8F]  }
0x1a: {  	s8 =	sadd.s32 $0xFFFFE003, lr  }
0x1b: {  	s9 =	sadd.s32 $0xFFFFFEF7, lr;
	s5 =	simm.s32 $0xFFFFFFFF;
	p2 =	slt.u32 s8, $0xFFFFF086  }
0x1c: {  	p1 =	slt.u32 s9, $0xF7A;
	s5 =	simm.s32 @!p2 $0x0  }
0x1d: {  	s5 =	simm.s32 @p1 $0x1;
	p0 =	seq.s32 s7, s2  }
0x1e: {  	s7 =	smul.u32 @!p0 $0xF7A, s2;
	p2 =	seq.s32 @!p0 s5, $0x0  }
0x1f: {  	s9 =	smul.u32 $0xF7A, s1;
	s8 =	simm.s32 @!p0 $0x1BF5;
	p2 =	por !p2, p0  }
0x20: {  	[sflag:s8] =	ssyncset.s32 @!p0 $0xFFFFF086;
	s6 =	sadd.s32 @!p0 s3, s7;
	s7 =	simm.s32 @!p0 $0x108  }
0x21: {  	s3 =	sadd.s32 s3, s9;
	s6 =	sadd.s32 @!p0 $0x88, s6;
	s7 =	simm.s32 @p2 $0x1082  }
0x22: {  	[simem:s7], [sflag:s8] =	dma.local @!p0 [hbm:s6], $0xF7A  }
0x23: {  	s9 =	sor.u32 $0xD0000000, s2;
	s6 =	simm.s32 $0x108;
	_ =	swait.ge @!p0 [sflag:s8], $0x0  }
0x24: {  	s3 =	sadd.s32 $0x88, s3;
	s6 =	simm.s32 @!p1 $0x1082;
	[sflag:s4] =	ssyncset.s32 $0xFFFFF086  }
0x25: {  	[simem:s6], [sflag:s4] =	dma.local [hbm:s3], $0xF7A  }
0x26: {  	[smem:$0x3F8F] =	sst s1;
	(tag) =	ssettag s2;
	_ =	strace s9  }
0x27: {  	s1 =	sld [smem:$0x3F9F]  }
0x28: {  	s2 =	sld [smem:$0x3FA0]  }
0x29: {  	s4 =	sld [smem:$0x3FA2]  }
0x2a: {  	p0 =	seq.s32 s5, $0x0;
	s5 =	sld [smem:$0x3FA3]  }
0x2b: {  	s6 =	sld [smem:$0x3FA4]  }
0x2c: {  	s7 =	sld [smem:$0x3FA5]  }
0x2d: {  	s3 =	simm.s32 $0x108;
	s8 =	sld [smem:$0x3FA6]  }
0x2e: {  	s3 =	simm.s32 @!p0 $0x1082;
	s9 =	sld [smem:$0x3FA7]  }
0x2f: {  	lr =	sadd.s32 s0, s3;
	s0 =	sld [smem:$0x3F9E]  }
0x30: {  	s3 =	sld [smem:$0x3FA1]  }
0x31: {  	[smem:$0x3FAA] =	sst s10  }
0x32: {  	s10 =	sld [smem:$0x3FA8];
	_ =	sdelay $0x3  }
0x33: {  	p0 =	seq.s32 s10, $0x1;
	s10 =	sld [smem:$0x3FAA];
	_ =	sdelay $0x3  }
0x34: {  	[smem:$0x3FAA] =	sst s10  }
0x35: {  	s10 =	sld [smem:$0x3FA9];
	_ =	sdelay $0x3  }
0x36: {  	p1 =	seq.s32 s10, $0x1;
	s10 =	sld [smem:$0x3FAA];
	_ =	sdelay $0x3  }
0x37: {  	[smem:$0x3FAA] =	sst s10  }
0x38: {  	s10 =	sld [smem:$0x3FAB]  }
0x39: {  	_ = 	snop;
	(pc) =	sbr.ind lr, $3  }
0x3a: {  	_ = 	snop  }
0x3b: {  	_ = 	snop  }
0x3c: {  	p2 =	seq.s32 s10, $0x1;
	s10 =	sld [smem:$0x3FAA]  }
0x3d: {  	_ =	shalt  }
0x3e: {  	_ =	shalt  }
0x3f: {  	_ =	shalt  }
0x40: {  	_ =	shalt  }
0x41: {  	_ =	shalt  }
0x42: {  	_ =	shalt  }
0x43: {  	_ =	shalt  }
0x44: {  	_ =	shalt  }
0x45: {  	_ =	shalt  }
0x46: {  	_ =	shalt  }
0x47: {  	_ =	shalt  }
0x48: {  	_ =	shalt  }
0x49: {  	_ =	shalt  }
0x4a: {  	_ =	shalt  }
0x4b: {  	_ =	shalt  }
0x4c: {  	_ =	shalt  }
0x4d: {  	_ =	shalt  }
0x4e: {  	_ =	shalt  }
0x4f: {  	_ =	shalt  }
0x50: {  	_ =	shalt  }
0x51: {  	_ =	shalt  }
0x52: {  	_ =	shalt  }
0x53: {  	_ =	shalt  }
0x54: {  	_ =	shalt  }
0x55: {  	_ =	shalt  }
0x56: {  	_ =	shalt  }
0x57: {  	_ =	shalt  }
0x58: {  	_ =	shalt  }
0x59: {  	_ =	shalt  }
0x5a: {  	_ =	shalt  }
0x5b: {  	_ =	shalt  }
0x5c: {  	_ =	shalt  }
0x5d: {  	_ =	shalt  }
0x5e: {  	_ =	shalt  }
0x5f: {  	_ =	shalt  }
0x60: {  	_ =	shalt  }
0x61: {  	_ =	shalt  }
0x62: {  	_ =	shalt  }
0x63: {  	_ =	shalt  }
0x64: {  	_ =	shalt  }
0x65: {  	_ =	shalt  }
0x66: {  	_ =	shalt  }
0x67: {  	_ =	shalt  }
0x68: {  	_ =	shalt  }
0x69: {  	_ =	shalt  }
0x6a: {  	_ =	shalt  }
0x6b: {  	_ =	shalt  }
0x6c: {  	_ =	shalt  }
0x6d: {  	_ =	shalt  }
0x6e: {  	_ =	shalt  }
0x6f: {  	_ =	shalt  }
0x70: {  	_ =	shalt  }
0x71: {  	_ =	shalt  }
0x72: {  	_ =	shalt  }
0x73: {  	_ =	shalt  }
0x74: {  	_ =	shalt  }
0x75: {  	_ =	shalt  }
0x76: {  	_ =	shalt  }
0x77: {  	_ =	shalt  }
0x78: {  	_ =	shalt  }
0x79: {  	_ =	shalt  }
0x7a: {  	_ =	shalt  }
0x7b: {  	_ =	shalt  }
0x7c: {  	_ =	shalt  }
0x7d: {  	_ =	shalt  }
0x7e: {  	_ =	shalt  }
0x7f: {  	_ =	shalt  }
0x80: {  	_ =	shalt  }
0x81: {  	_ =	shalt  }
0x82: {  	_ =	shalt  }
0x83: {  	_ =	shalt  }
0x84: {  	_ =	shalt  }
0x85: {  	_ =	shalt  }
0x86: {  	_ =	shalt  }
0x87: {  	_ =	shalt  }
.Lfunc_end0:
.L_simem_size_0:
called_computation_lowered:
.L_overlay_start_0:
0x88: {  	s2 =	sld [smem:$0x3FD9]  }
0x89: {  	s3 =	sld [smem:$0x3FFE];
	_ =	sdelay $0x1  }
0x8a: {  	s1 =	srdreg.scid  }
0x8b: {  	s0 =	sand.u32 $0x1, s1  }
0x8c: {  	s16 =	sshll.u32 s0, $0xA;
	s2 =	sadd.s32 s3, s2  }
0x8d: {  	s2 =	sadd.s32 s2, s16  }
0x8e: {  	[smem:$0x3FB6] =	sst s2  }
0x8f: {  	_ = 	snop  }
0x90: {  	(tm) =	ssettm $0x1  }
0x91: {  	s17 =	sld [smem:$0x3FFB];
	_ =	sdelay $0x3  }
0x92: {  	_ =	strace s17  }
0x93: {  	s2 =	sld [smem:$0x3FFC];
	_ =	sdelay $0x3  }
0x94: {  	_ =	strace s2  }
0x95: {  	s2 =	sld [smem:$0x3FFD];
	_ =	sdelay $0x3  }
0x96: {  	_ =	strace s2  }
0x97: {  	_ =	strace $0x8FFFFFFF  }
0x98: {  	s18 =	sld [smem:$0x3FDB];
	_ =	sdelay $0x1  }
0x99: {  	s19 =	simm.s32 $_scs_section_size  }
0x9a: {  	s4 =	simm.s32 $_size__tile_overlayer_lowered;
	s5 =	simm.s32 $_tile_overlayer_lowered  }
0x9b: {  	s22 =	simm.s32 $0x1BFF;
	s21 =	sshll.u32 s5, $0x1;
	s2 =	sadd.s32 s19, s18  }
0x9c: {  	s6 =	simm.s32 $0x0;
	s20 =	sshll.u32 s4, $0x1;
	s4 =	sadd.s32 s21, s2  }
0x9d: {  	[timem:s6], [sflag:s22] =	dma.local [hbm:s4], s20  }
0x9e: {  	_ =	swait.ge [sflag:s22], s20  }
0x9f: {  	s3 =	ssub.s32 $0x0, s20;
	[sflag:s22] =	ssyncset.done $0x0  }
0xa0: {  	[sflag:s22] =	ssyncadd.s32 s3;
	_ =	sdelay $0x1  }
0xa1: {  	s23 =	simm.s32 $0x1B8B  }
0xa2: {  	_ =	swait.ge [sflag:s23], $0x1  }
0xa3: {  	[sflag:s23] =	ssyncset.done $0x0  }
0xa4: {  	s25 =	simm.s32 $0x1B8E;
	s24 =	sld [smem:$0x3FFE];
	[sflag:s23] =	ssyncadd.s32 $0xFFFFFFFF  }
0xa5: {  	s26 =	simm.s32 $execute0_lowered;
	[smem:$0x3FD2] =	sst s25  }
0xa6: {  	s4 =	sshll.u32 s26, $0x1;
	_ =	strace $0x80000046;
	[dreg:$0x1] =	wrdreg $0xFFFFFFFF  }
0xa7: {  	s28 =	simm.s32 $_size_execute0_lowered;
	s2 =	sadd.s32 s2, s4;
	[dreg:$0x0] =	wrdreg $0x0  }
0xa8: {  	s4 =	sshll.u32 s28, $0x1;
	[dreg:$0x2] =	wrdreg s2  }
0xa9: {  	[dreg:$0x3] =	wrdreg s4  }
0xaa: {  	[dreg:$0x4] =	wrdreg $0xC0  }
0xab: {  	_ =	task [dreg:s6], $0x5FFFF  }
0xac: {  	[dreg:$0x1] =	wrdreg $0xFFFFFFFF  }
0xad: {  	[dreg:$0x0] =	wrdreg $0x60  }
0xae: {  	[dreg:$0x2] =	wrdreg s24  }
0xaf: {  	[dreg:$0x3] =	wrdreg $0x48000  }
0xb0: {  	[dreg:$0x4] =	wrdreg $0x9  }
0xb1: {  	_ =	task.clear_ibuf [dreg:s6], $0x5FFFF;
	_ =	strace $0x90000046  }
0xb2: {  	s29 =	simm.s32 $0x9;
	_ =	strace $0x80000048  }
0xb3: {  	_ =	swait.ge [sflag:s29], $0x1  }
0xb4: {  	[sflag:s29] =	ssyncadd.s32 $0xFFFFFFFF  }
0xb5: {  	_ =	strace $0x90000048  }
0xb6: {  	_ =	sfence  }
0xb7: {  	s30 =	sld [smem:$0x0];
	_ =	sdelay $0x2  }
0xb8: {  	s31 =	sshll.u32 s1, $0xD;
	s1 =	sshrl.u32 s1, $0x2  }
0xb9: {  	s3 =	sand.u32 $0x4000, s31;
	s1 =	sadd.s32 s1, s30  }
0xba: {  	s0 =	sor.u32 s3, s0;
	s1 =	sshll.u32 s1, $0x11  }
0xbb: {  	s0 =	sor.u32 s1, s0  }
0xbc: {  	s0 =	sadd.s32 $0x8F2B, s0  }
0xbd: {  	[sflag:s0] =	ssyncadd.remote.s32 $0x1  }
0xbe: {  	_ =	sfence.sel $0xFFFF  }
0xbf: {  	[dreg:$0x0] =	wrdreg $0xFFFFFFFF;
	(pc) =	sbr.abs _section_cstart, $3  }
0xc0: {  	[dreg:$0x1] =	wrdreg $0xFFFFFFFF  }
0xc1: {  	_ =	task.clear_ibuf [dreg:s6], $0x2FFFF;
	_ =	strace $0x9FFFFFFF  }
0xc2: {  	(tm) =	ssettm $0x7FFFFFFF  }
0xc3: {  	_ =	shalt  }
tec
execute0_lowered:
.L_overlay_start_1:
0x0: {  	(tag) =	ssettag $0x1  }
0x1: {  	s0 =	srdreg.scid;
	s1 =	rddreg [dreg:$0x0]  }
0x2: {  	s8 =	stileid.u32;
	s2 =	rddreg [dreg:$0x1]  }
0x3: {  	s3 =	simm.s32 $0x0;
	s11 =	simm.s32 $0x2;
	s12 =	simm.s32 $0x800  }
0x4: {  	s13 =	simm.s32 $0x80;
	s14 =	simm.s32 $0x100;
	s15 =	simm.s32 $0x180  }
0x5: {  	s16 =	simm.s32 $0x200;
	s17 =	simm.s32 $0x280;
	s18 =	simm.s32 $0x300  }
0x6: {  	s19 =	simm.s32 $0x380;
	s20 =	simm.s32 $0x400;
	s21 =	simm.s32 $0x480  }
0x7: {  	s22 =	simm.s32 $0x500;
	s23 =	simm.s32 $0x580;
	s5 =	smul.u32 $0x5000, s8  }
0x8: {  	s28 =	simm.s32 $0x780;
	s29 =	simm.s32 $0x1;
	s6 =	smul.u32 $0x14000, s8  }
0x9: {  	s30 =	simm.s32 $0x0;
	s0 =	sand.u32 $0x1, s0;
	s7 =	smul.u32 $0x50000, s8  }
0xa: {  	[smem:$0x7FF] =	sst s3;
	s25 =	sadd.s32 $0x2D600, s1;
	s4 =	smul.u32 $0x50000, s0  }
0xb: {  	s31 =	sshll.u32 s8, $0x6;
	s24 =	smul.u32 $0x140000, s0;
	_ =	strace $0x80000047  }
0xc: {  	[dreg:$0x3] =	wrdreg s25;
	s0 =	ssub.s32 $0x2, s0;
	s25 =	simm.s32 $0x680  }
0xd: {  	s26 =	sshrl.u32 s0, $0x1;
	s7 =	sshrl.u32 s7, $0x2;
	s4 =	sadd.s32 s5, s4  }
0xe: {  	s6 =	sadd.s32 s6, s24;
	s5 =	sadd.s32 $0x2FE00, s1;
	s0 =	ssub.s32 s0, s26  }
0xf: {  	s10 =	sadd.s32 s7, s2;
	s24 =	simm.s32 $0x600;
	s26 =	simm.s32 $0x700  }
0x10: {  	s4 =	sshrl.u32 s4, $0x3;
	s6 =	sshrl.u32 s6, $0x3;
	s8 =	smax.u32 s0, $0x1  }
0x11: {  	s10 =	sshrl.u32 s10, $0x3;
	s9 =	sadd.s32 s4, s1;
	s1 =	sadd.s32 s6, s1  }
0x12: {  	s6 =	sor.u32 $0x1C02, s31;
	s7 =	sadd.s32 $0x30600, s1;
	s9 =	sadd.s32 $0x19600, s9  }
.LBB2_1:
0x13: {  	s0 =	rddreg [dreg:$0x3]  }
0x14: {  	[spmem:s10], [sflag:s6] =	dma.local [hbm:s0], $0x2800  }
0x15: {  	_ =	swait.ge [sflag:s11], $0x2800  }
0x16: {  	[sflag:s11] =	ssyncset.done $0x0  }
0x17: {  	[sflag:s11] =	ssyncadd.s32 $0xFFFFD800  }
0x18: {  	[tilespmem:s12], [sflag:$0x2] =	stream.linear.gather [hbm4b:s5+s3], $0x4000, $0x38;
	[tilespmem:$0x18800] =	vst v63  }
0x19: {  	_ =	swait.ge [sflag:s11], $0x4000  }
0x1a: {  	[sflag:s11] =	ssyncset.done $0x0  }
0x1b: {  	[sflag:s11] =	ssyncadd.s32 $0xFFFFC000  }
0x1c: {  	s4 =	sadd.s32 $0x0, s9;
	[bflag:$0x0] =	sbarrier.arrive $0xFFFF  }
0x1d: {  	[tilespmem:s3], [sflag:$0x2] =	stream.linear.gather [hbm4b:s4+s3], $0x800, $0x38;
	[tilespmem:$0x18800] =	vst v63  }
0x1e: {  	_ =	swait.ge [sflag:s11], $0x800  }
0x1f: {  	[sflag:s11] =	ssyncset.done $0x0  }
0x20: {  	[sflag:s11] =	ssyncadd.s32 $0xFFFFF800  }
0x21: {  	[spmem:s2] =	stream.indirect.scatter.add.f32 [tilespmem:s12], [sflag:$0x1], $0x80, s3, s13, $0xb8;
	[tilespmem:$0x18800] =	vst v63  }
0x22: {  	_ = 	snop  }
0x23: {  	[spmem:s2] =	stream.indirect.scatter.add.f32 [tilespmem:s12], [sflag:$0x1], $0x80, s13, s13, $0xb8;
	[tilespmem:$0x18800] =	vst v63  }
0x24: {  	_ = 	snop  }
0x25: {  	[spmem:s2] =	stream.indirect.scatter.add.f32 [tilespmem:s12], [sflag:$0x1], $0x80, s14, s13, $0xb8;
	[tilespmem:$0x18800] =	vst v63  }
0x26: {  	_ = 	snop  }
0x27: {  	[spmem:s2] =	stream.indirect.scatter.add.f32 [tilespmem:s12], [sflag:$0x1], $0x80, s15, s13, $0xb8;
	[tilespmem:$0x18800] =	vst v63  }
0x28: {  	_ = 	snop  }
0x29: {  	[spmem:s2] =	stream.indirect.scatter.add.f32 [tilespmem:s12], [sflag:$0x1], $0x80, s16, s13, $0xb8;
	[tilespmem:$0x18800] =	vst v63  }
0x2a: {  	_ = 	snop  }
0x2b: {  	[spmem:s2] =	stream.indirect.scatter.add.f32 [tilespmem:s12], [sflag:$0x1], $0x80, s17, s13, $0xb8;
	[tilespmem:$0x18800] =	vst v63  }
0x2c: {  	_ = 	snop  }
0x2d: {  	[spmem:s2] =	stream.indirect.scatter.add.f32 [tilespmem:s12], [sflag:$0x1], $0x80, s18, s13, $0xb8;
	[tilespmem:$0x18800] =	vst v63  }
0x2e: {  	_ = 	snop  }
0x2f: {  	[spmem:s2] =	stream.indirect.scatter.add.f32 [tilespmem:s12], [sflag:$0x1], $0x80, s19, s13, $0xb8;
	[tilespmem:$0x18800] =	vst v63  }
0x30: {  	_ = 	snop  }
0x31: {  	[spmem:s2] =	stream.indirect.scatter.add.f32 [tilespmem:s12], [sflag:$0x1], $0x80, s20, s13, $0xb8;
	[tilespmem:$0x18800] =	vst v63  }
0x32: {  	_ = 	snop  }
0x33: {  	[spmem:s2] =	stream.indirect.scatter.add.f32 [tilespmem:s12], [sflag:$0x1], $0x80, s21, s13, $0xb8;
	[tilespmem:$0x18800] =	vst v63  }
0x34: {  	_ = 	snop  }
0x35: {  	[spmem:s2] =	stream.indirect.scatter.add.f32 [tilespmem:s12], [sflag:$0x1], $0x80, s22, s13, $0xb8;
	[tilespmem:$0x18800] =	vst v63  }
0x36: {  	_ = 	snop  }
0x37: {  	[spmem:s2] =	stream.indirect.scatter.add.f32 [tilespmem:s12], [sflag:$0x1], $0x80, s23, s13, $0xb8;
	[tilespmem:$0x18800] =	vst v63  }
0x38: {  	_ = 	snop  }
0x39: {  	[spmem:s2] =	stream.indirect.scatter.add.f32 [tilespmem:s12], [sflag:$0x1], $0x80, s24, s13, $0xb8;
	[tilespmem:$0x18800] =	vst v63  }
0x3a: {  	_ = 	snop  }
0x3b: {  	[spmem:s2] =	stream.indirect.scatter.add.f32 [tilespmem:s12], [sflag:$0x1], $0x80, s25, s13, $0xb8;
	[tilespmem:$0x18800] =	vst v63  }
0x3c: {  	_ = 	snop  }
0x3d: {  	[spmem:s2] =	stream.indirect.scatter.add.f32 [tilespmem:s12], [sflag:$0x1], $0x80, s26, s13, $0xb8;
	[tilespmem:$0x18800] =	vst v63  }
0x3e: {  	_ = 	snop  }
0x3f: {  	[spmem:s2] =	stream.indirect.scatter.add.f32 [tilespmem:s12], [sflag:$0x1], $0x80, s28, s13, $0xb8;
	[tilespmem:$0x18800] =	vst v63  }
0x40: {  	_ =	swait.ge [sflag:s29], $0x4000  }
0x41: {  	[sflag:s29] =	ssyncset.done $0x0  }
0x42: {  	[sflag:s29] =	ssyncadd.s32 $0xFFFFC000  }
0x43: {  	_ =	swait.ge [sflag:s29], $0x4000  }
0x44: {  	[sflag:s29] =	ssyncset.done $0x0  }
0x45: {  	[sflag:s29] =	ssyncadd.s32 $0xFFFFC000  }
0x46: {  	_ =	swait.ge [sflag:s29], $0x4000  }
0x47: {  	[sflag:s29] =	ssyncset.done $0x0  }
0x48: {  	[sflag:s29] =	ssyncadd.s32 $0xFFFFC000  }
0x49: {  	_ =	swait.ge [sflag:s29], $0x4000  }
0x4a: {  	[sflag:s29] =	ssyncset.done $0x0  }
0x4b: {  	[sflag:s29] =	ssyncadd.s32 $0xFFFFC000  }
0x4c: {  	_ =	swait.ge [sflag:s29], $0x4000  }
0x4d: {  	[sflag:s29] =	ssyncset.done $0x0  }
0x4e: {  	[sflag:s29] =	ssyncadd.s32 $0xFFFFC000  }
0x4f: {  	_ =	swait.ge [sflag:s29], $0x4000  }
0x50: {  	[sflag:s29] =	ssyncset.done $0x0  }
0x51: {  	[sflag:s29] =	ssyncadd.s32 $0xFFFFC000  }
0x52: {  	_ =	swait.ge [sflag:s29], $0x4000  }
0x53: {  	[sflag:s29] =	ssyncset.done $0x0  }
0x54: {  	[sflag:s29] =	ssyncadd.s32 $0xFFFFC000  }
0x55: {  	_ =	swait.ge [sflag:s29], $0x4000  }
0x56: {  	[sflag:s29] =	ssyncset.done $0x0  }
0x57: {  	[sflag:s29] =	ssyncadd.s32 $0xFFFFC000  }
0x58: {  	_ =	swait.ge [sflag:s29], $0x4000  }
0x59: {  	[sflag:s29] =	ssyncset.done $0x0  }
0x5a: {  	[sflag:s29] =	ssyncadd.s32 $0xFFFFC000  }
0x5b: {  	_ =	swait.ge [sflag:s29], $0x4000  }
0x5c: {  	[sflag:s29] =	ssyncset.done $0x0  }
0x5d: {  	[sflag:s29] =	ssyncadd.s32 $0xFFFFC000  }
0x5e: {  	_ =	swait.ge [sflag:s29], $0x4000  }
0x5f: {  	[sflag:s29] =	ssyncset.done $0x0  }
0x60: {  	[sflag:s29] =	ssyncadd.s32 $0xFFFFC000  }
0x61: {  	_ =	swait.ge [sflag:s29], $0x4000  }
0x62: {  	[sflag:s29] =	ssyncset.done $0x0  }
0x63: {  	[sflag:s29] =	ssyncadd.s32 $0xFFFFC000  }
0x64: {  	_ =	swait.ge [sflag:s29], $0x4000  }
0x65: {  	[sflag:s29] =	ssyncset.done $0x0  }
0x66: {  	[sflag:s29] =	ssyncadd.s32 $0xFFFFC000  }
0x67: {  	_ =	swait.ge [sflag:s29], $0x4000  }
0x68: {  	[sflag:s29] =	ssyncset.done $0x0  }
0x69: {  	[sflag:s29] =	ssyncadd.s32 $0xFFFFC000  }
0x6a: {  	_ =	swait.ge [sflag:s29], $0x4000  }
0x6b: {  	[sflag:s29] =	ssyncset.done $0x0  }
0x6c: {  	[sflag:s29] =	ssyncadd.s32 $0xFFFFC000  }
0x6d: {  	_ =	swait.ge [sflag:s29], $0x4000  }
0x6e: {  	s31 =	simm.s32 $0x100;
	s1 =	simm.s32 $0x200;
	[sflag:s29] =	ssyncset.done $0x0  }
.LBB2_2:
0x6f: {  	s4 =	sadd.s32 s31, s9  }
0x70: {  	[sflag:s29] =	ssyncadd.s32 $0xFFFFC000;
	s31 =	smov.u32 s1;
	s0 =	sadd.s32 $0x100, s1  }
0x71: {  	[tilespmem:s3], [sflag:$0x2] =	stream.linear.gather [hbm4b:s4+s3], $0x800, $0x38;
	[tilespmem:$0x18800] =	vst v63  }
0x72: {  	p0 =	sne.s32 s1, $0x900;
	_ =	swait.ge [sflag:s11], $0x800  }
0x73: {  	[sflag:s11] =	ssyncset.done $0x0  }
0x74: {  	[sflag:s11] =	ssyncadd.s32 $0xFFFFF800  }
0x75: {  	[spmem:s2] =	stream.indirect.scatter.add.f32 [tilespmem:s12], [sflag:$0x1], $0x80, s3, s13, $0xb8;
	[tilespmem:$0x18800] =	vst v63  }
0x76: {  	_ = 	snop  }
0x77: {  	[spmem:s2] =	stream.indirect.scatter.add.f32 [tilespmem:s12], [sflag:$0x1], $0x80, s13, s13, $0xb8;
	[tilespmem:$0x18800] =	vst v63  }
0x78: {  	_ = 	snop  }
0x79: {  	[spmem:s2] =	stream.indirect.scatter.add.f32 [tilespmem:s12], [sflag:$0x1], $0x80, s14, s13, $0xb8;
	[tilespmem:$0x18800] =	vst v63  }
0x7a: {  	_ = 	snop  }
0x7b: {  	[spmem:s2] =	stream.indirect.scatter.add.f32 [tilespmem:s12], [sflag:$0x1], $0x80, s15, s13, $0xb8;
	[tilespmem:$0x18800] =	vst v63  }
0x7c: {  	_ = 	snop  }
0x7d: {  	[spmem:s2] =	stream.indirect.scatter.add.f32 [tilespmem:s12], [sflag:$0x1], $0x80, s16, s13, $0xb8;
	[tilespmem:$0x18800] =	vst v63  }
0x7e: {  	_ = 	snop  }
0x7f: {  	[spmem:s2] =	stream.indirect.scatter.add.f32 [tilespmem:s12], [sflag:$0x1], $0x80, s17, s13, $0xb8;
	[tilespmem:$0x18800] =	vst v63  }
0x80: {  	_ = 	snop  }
0x81: {  	[spmem:s2] =	stream.indirect.scatter.add.f32 [tilespmem:s12], [sflag:$0x1], $0x80, s18, s13, $0xb8;
	[tilespmem:$0x18800] =	vst v63  }
0x82: {  	_ = 	snop  }
0x83: {  	[spmem:s2] =	stream.indirect.scatter.add.f32 [tilespmem:s12], [sflag:$0x1], $0x80, s19, s13, $0xb8;
	[tilespmem:$0x18800] =	vst v63  }
0x84: {  	_ = 	snop  }
0x85: {  	[spmem:s2] =	stream.indirect.scatter.add.f32 [tilespmem:s12], [sflag:$0x1], $0x80, s20, s13, $0xb8;
	[tilespmem:$0x18800] =	vst v63  }
0x86: {  	_ = 	snop  }
0x87: {  	[spmem:s2] =	stream.indirect.scatter.add.f32 [tilespmem:s12], [sflag:$0x1], $0x80, s21, s13, $0xb8;
	[tilespmem:$0x18800] =	vst v63  }
0x88: {  	_ = 	snop  }
0x89: {  	[spmem:s2] =	stream.indirect.scatter.add.f32 [tilespmem:s12], [sflag:$0x1], $0x80, s22, s13, $0xb8;
	[tilespmem:$0x18800] =	vst v63  }
0x8a: {  	_ = 	snop  }
0x8b: {  	[spmem:s2] =	stream.indirect.scatter.add.f32 [tilespmem:s12], [sflag:$0x1], $0x80, s23, s13, $0xb8;
	[tilespmem:$0x18800] =	vst v63  }
0x8c: {  	_ = 	snop  }
0x8d: {  	[spmem:s2] =	stream.indirect.scatter.add.f32 [tilespmem:s12], [sflag:$0x1], $0x80, s24, s13, $0xb8;
	[tilespmem:$0x18800] =	vst v63  }
0x8e: {  	_ = 	snop  }
0x8f: {  	[spmem:s2] =	stream.indirect.scatter.add.f32 [tilespmem:s12], [sflag:$0x1], $0x80, s25, s13, $0xb8;
	[tilespmem:$0x18800] =	vst v63  }
0x90: {  	_ = 	snop  }
0x91: {  	[spmem:s2] =	stream.indirect.scatter.add.f32 [tilespmem:s12], [sflag:$0x1], $0x80, s26, s13, $0xb8;
	[tilespmem:$0x18800] =	vst v63  }
0x92: {  	_ = 	snop  }
0x93: {  	[spmem:s2] =	stream.indirect.scatter.add.f32 [tilespmem:s12], [sflag:$0x1], $0x80, s28, s13, $0xb8;
	[tilespmem:$0x18800] =	vst v63  }
0x94: {  	_ =	swait.ge [sflag:s29], $0x4000  }
0x95: {  	[sflag:s29] =	ssyncset.done $0x0  }
0x96: {  	[sflag:s29] =	ssyncadd.s32 $0xFFFFC000  }
0x97: {  	_ =	swait.ge [sflag:s29], $0x4000  }
0x98: {  	[sflag:s29] =	ssyncset.done $0x0  }
0x99: {  	[sflag:s29] =	ssyncadd.s32 $0xFFFFC000  }
0x9a: {  	_ =	swait.ge [sflag:s29], $0x4000  }
0x9b: {  	[sflag:s29] =	ssyncset.done $0x0  }
0x9c: {  	[sflag:s29] =	ssyncadd.s32 $0xFFFFC000  }
0x9d: {  	_ =	swait.ge [sflag:s29], $0x4000  }
0x9e: {  	[sflag:s29] =	ssyncset.done $0x0  }
0x9f: {  	[sflag:s29] =	ssyncadd.s32 $0xFFFFC000  }
0xa0: {  	_ =	swait.ge [sflag:s29], $0x4000  }
0xa1: {  	[sflag:s29] =	ssyncset.done $0x0  }
0xa2: {  	[sflag:s29] =	ssyncadd.s32 $0xFFFFC000  }
0xa3: {  	_ =	swait.ge [sflag:s29], $0x4000  }
0xa4: {  	[sflag:s29] =	ssyncset.done $0x0  }
0xa5: {  	[sflag:s29] =	ssyncadd.s32 $0xFFFFC000  }
0xa6: {  	_ =	swait.ge [sflag:s29], $0x4000  }
0xa7: {  	[sflag:s29] =	ssyncset.done $0x0  }
0xa8: {  	[sflag:s29] =	ssyncadd.s32 $0xFFFFC000  }
0xa9: {  	_ =	swait.ge [sflag:s29], $0x4000  }
0xaa: {  	[sflag:s29] =	ssyncset.done $0x0  }
0xab: {  	[sflag:s29] =	ssyncadd.s32 $0xFFFFC000  }
0xac: {  	_ =	swait.ge [sflag:s29], $0x4000  }
0xad: {  	[sflag:s29] =	ssyncset.done $0x0  }
0xae: {  	[sflag:s29] =	ssyncadd.s32 $0xFFFFC000  }
0xaf: {  	_ =	swait.ge [sflag:s29], $0x4000  }
0xb0: {  	[sflag:s29] =	ssyncset.done $0x0  }
0xb1: {  	[sflag:s29] =	ssyncadd.s32 $0xFFFFC000  }
0xb2: {  	_ =	swait.ge [sflag:s29], $0x4000  }
0xb3: {  	[sflag:s29] =	ssyncset.done $0x0  }
0xb4: {  	[sflag:s29] =	ssyncadd.s32 $0xFFFFC000  }
0xb5: {  	_ =	swait.ge [sflag:s29], $0x4000  }
0xb6: {  	[sflag:s29] =	ssyncset.done $0x0  }
0xb7: {  	[sflag:s29] =	ssyncadd.s32 $0xFFFFC000  }
0xb8: {  	_ =	swait.ge [sflag:s29], $0x4000  }
0xb9: {  	[sflag:s29] =	ssyncset.done $0x0  }
0xba: {  	[sflag:s29] =	ssyncadd.s32 $0xFFFFC000  }
0xbb: {  	_ =	swait.ge [sflag:s29], $0x4000  }
0xbc: {  	[sflag:s29] =	ssyncset.done $0x0  }
0xbd: {  	[sflag:s29] =	ssyncadd.s32 $0xFFFFC000  }
.Ltmp0:
0xbe: {  	_ =	swait.ge [sflag:s29], $0x4000;
	(pc) =	sbr.rel @p0 .LBB2_2-.Ltmp0, $4  }
0xbf: {  	[sflag:s29] =	ssyncset.done $0x0  }
0xc0: {  	[sflag:s29] =	ssyncadd.s32 $0xFFFFC000  }
0xc1: {  	_ =	swait.ge [sflag:s29], $0x4000  }
0xc2: {  	s1 =	smov.u32 s0;
	[sflag:s29] =	ssyncset.done $0x0  }
0xc3: {  	s0 =	sadd.s32 s31, s9;
	[sflag:s29] =	ssyncadd.s32 $0xFFFFC000  }
0xc4: {  	[tilespmem:s3], [sflag:$0x2] =	stream.linear.gather [hbm4b:s0+s3], $0x800, $0x38;
	[tilespmem:$0x18800] =	vst v63  }
0xc5: {  	_ =	swait.ge [sflag:s11], $0x800  }
0xc6: {  	[sflag:s11] =	ssyncset.done $0x0  }
0xc7: {  	[sflag:s11] =	ssyncadd.s32 $0xFFFFF800  }
0xc8: {  	[spmem:s2] =	stream.indirect.scatter.add.f32 [tilespmem:s12], [sflag:$0x1], $0x80, s3, s13, $0xb8;
	[tilespmem:$0x18800] =	vst v63  }
0xc9: {  	_ = 	snop  }
0xca: {  	[spmem:s2] =	stream.indirect.scatter.add.f32 [tilespmem:s12], [sflag:$0x1], $0x80, s13, s13, $0xb8;
	[tilespmem:$0x18800] =	vst v63  }
0xcb: {  	_ = 	snop  }
0xcc: {  	[spmem:s2] =	stream.indirect.scatter.add.f32 [tilespmem:s12], [sflag:$0x1], $0x80, s14, s13, $0xb8;
	[tilespmem:$0x18800] =	vst v63  }
0xcd: {  	_ = 	snop  }
0xce: {  	[spmem:s2] =	stream.indirect.scatter.add.f32 [tilespmem:s12], [sflag:$0x1], $0x80, s15, s13, $0xb8;
	[tilespmem:$0x18800] =	vst v63  }
0xcf: {  	_ = 	snop  }
0xd0: {  	[spmem:s2] =	stream.indirect.scatter.add.f32 [tilespmem:s12], [sflag:$0x1], $0x80, s16, s13, $0xb8;
	[tilespmem:$0x18800] =	vst v63  }
0xd1: {  	_ = 	snop  }
0xd2: {  	[spmem:s2] =	stream.indirect.scatter.add.f32 [tilespmem:s12], [sflag:$0x1], $0x80, s17, s13, $0xb8;
	[tilespmem:$0x18800] =	vst v63  }
0xd3: {  	_ = 	snop  }
0xd4: {  	[spmem:s2] =	stream.indirect.scatter.add.f32 [tilespmem:s12], [sflag:$0x1], $0x80, s18, s13, $0xb8;
	[tilespmem:$0x18800] =	vst v63  }
0xd5: {  	_ = 	snop  }
0xd6: {  	[spmem:s2] =	stream.indirect.scatter.add.f32 [tilespmem:s12], [sflag:$0x1], $0x80, s19, s13, $0xb8;
	[tilespmem:$0x18800] =	vst v63  }
0xd7: {  	_ = 	snop  }
0xd8: {  	[spmem:s2] =	stream.indirect.scatter.add.f32 [tilespmem:s12], [sflag:$0x1], $0x80, s20, s13, $0xb8;
	[tilespmem:$0x18800] =	vst v63  }
0xd9: {  	_ = 	snop  }
0xda: {  	[spmem:s2] =	stream.indirect.scatter.add.f32 [tilespmem:s12], [sflag:$0x1], $0x80, s21, s13, $0xb8;
	[tilespmem:$0x18800] =	vst v63  }
0xdb: {  	_ = 	snop  }
0xdc: {  	[spmem:s2] =	stream.indirect.scatter.add.f32 [tilespmem:s12], [sflag:$0x1], $0x80, s22, s13, $0xb8;
	[tilespmem:$0x18800] =	vst v63  }
0xdd: {  	_ = 	snop  }
0xde: {  	[spmem:s2] =	stream.indirect.scatter.add.f32 [tilespmem:s12], [sflag:$0x1], $0x80, s23, s13, $0xb8;
	[tilespmem:$0x18800] =	vst v63  }
0xdf: {  	_ = 	snop  }
0xe0: {  	[spmem:s2] =	stream.indirect.scatter.add.f32 [tilespmem:s12], [sflag:$0x1], $0x80, s24, s13, $0xb8;
	[tilespmem:$0x18800] =	vst v63  }
0xe1: {  	_ = 	snop  }
0xe2: {  	[spmem:s2] =	stream.indirect.scatter.add.f32 [tilespmem:s12], [sflag:$0x1], $0x80, s25, s13, $0xb8;
	[tilespmem:$0x18800] =	vst v63  }
0xe3: {  	_ = 	snop  }
0xe4: {  	[spmem:s2] =	stream.indirect.scatter.add.f32 [tilespmem:s12], [sflag:$0x1], $0x80, s26, s13, $0xb8;
	[tilespmem:$0x18800] =	vst v63  }
0xe5: {  	_ = 	snop  }
0xe6: {  	[spmem:s2] =	stream.indirect.scatter.add.f32 [tilespmem:s12], [sflag:$0x1], $0x80, s28, s13, $0xb8;
	[tilespmem:$0x18800] =	vst v63  }
0xe7: {  	_ =	swait.ge [sflag:s29], $0x4000  }
0xe8: {  	[sflag:s29] =	ssyncset.done $0x0  }
0xe9: {  	[sflag:s29] =	ssyncadd.s32 $0xFFFFC000  }
0xea: {  	_ =	swait.ge [sflag:s29], $0x4000  }
0xeb: {  	[sflag:s29] =	ssyncset.done $0x0  }
0xec: {  	[sflag:s29] =	ssyncadd.s32 $0xFFFFC000  }
0xed: {  	_ =	swait.ge [sflag:s29], $0x4000  }
0xee: {  	[sflag:s29] =	ssyncset.done $0x0  }
0xef: {  	[sflag:s29] =	ssyncadd.s32 $0xFFFFC000  }
0xf0: {  	_ =	swait.ge [sflag:s29], $0x4000  }
0xf1: {  	[sflag:s29] =	ssyncset.done $0x0  }
0xf2: {  	[sflag:s29] =	ssyncadd.s32 $0xFFFFC000  }
0xf3: {  	_ =	swait.ge [sflag:s29], $0x4000  }
0xf4: {  	[sflag:s29] =	ssyncset.done $0x0  }
0xf5: {  	[sflag:s29] =	ssyncadd.s32 $0xFFFFC000  }
0xf6: {  	_ =	swait.ge [sflag:s29], $0x4000  }
0xf7: {  	[sflag:s29] =	ssyncset.done $0x0  }
0xf8: {  	[sflag:s29] =	ssyncadd.s32 $0xFFFFC000  }
0xf9: {  	_ =	swait.ge [sflag:s29], $0x4000  }
0xfa: {  	[sflag:s29] =	ssyncset.done $0x0  }
0xfb: {  	[sflag:s29] =	ssyncadd.s32 $0xFFFFC000  }
0xfc: {  	_ =	swait.ge [sflag:s29], $0x4000  }
0xfd: {  	[sflag:s29] =	ssyncset.done $0x0  }
0xfe: {  	[sflag:s29] =	ssyncadd.s32 $0xFFFFC000  }
0xff: {  	_ =	swait.ge [sflag:s29], $0x4000  }
0x100: {  	[sflag:s29] =	ssyncset.done $0x0  }
0x101: {  	[sflag:s29] =	ssyncadd.s32 $0xFFFFC000  }
0x102: {  	_ =	swait.ge [sflag:s29], $0x4000  }
0x103: {  	[sflag:s29] =	ssyncset.done $0x0  }
0x104: {  	[sflag:s29] =	ssyncadd.s32 $0xFFFFC000  }
0x105: {  	_ =	swait.ge [sflag:s29], $0x4000  }
0x106: {  	[sflag:s29] =	ssyncset.done $0x0  }
0x107: {  	[sflag:s29] =	ssyncadd.s32 $0xFFFFC000  }
0x108: {  	_ =	swait.ge [sflag:s29], $0x4000  }
0x109: {  	[sflag:s29] =	ssyncset.done $0x0  }
0x10a: {  	[sflag:s29] =	ssyncadd.s32 $0xFFFFC000  }
0x10b: {  	_ =	swait.ge [sflag:s29], $0x4000  }
0x10c: {  	[sflag:s29] =	ssyncset.done $0x0  }
0x10d: {  	[sflag:s29] =	ssyncadd.s32 $0xFFFFC000  }
0x10e: {  	_ =	swait.ge [sflag:s29], $0x4000  }
0x10f: {  	[sflag:s29] =	ssyncset.done $0x0  }
0x110: {  	[sflag:s29] =	ssyncadd.s32 $0xFFFFC000  }
0x111: {  	_ =	swait.ge [sflag:s29], $0x4000  }
0x112: {  	[sflag:s29] =	ssyncset.done $0x0  }
0x113: {  	[sflag:s29] =	ssyncadd.s32 $0xFFFFC000  }
0x114: {  	_ =	swait.ge [sflag:s29], $0x4000  }
0x115: {  	s30 =	sadd.s32 $0x1, s30;
	[sflag:s29] =	ssyncset.done $0x0  }
0x116: {  	p0 =	sne.s32 s30, s8;
	[sflag:s29] =	ssyncadd.s32 $0xFFFFC000  }
.Ltmp1:
0x117: {  	[bflag:$0x0] =	sbarrier.arrive $0xFFFF;
	(pc) =	sbr.rel @p0 .LBB2_1-.Ltmp1, $4  }
0x118: {  	[hbm:s7], [sflag:s6] =	dma.local [spmem:s10], $0x2800  }
0x119: {  	_ =	swait.ge [sflag:s11], $0x2800  }
0x11a: {  	[sflag:s11] =	ssyncset.done $0x0  }
0x11b: {  	[sflag:s11] =	ssyncadd.s32 $0xFFFFD800  }
0x11c: {  	_ =	sfence.sel $0x180000  }
0x11d: {  	[bflag:$0x0] =	sbarrier.arrive $0xFFFF  }
0x11e: {  	_ =	strace $0x90000047  }
0x11f: {  	s0 =	stileid.u32;
	[bflag:$0x2] =	sbarrier.arrive $0xFFFF  }
0x120: {  	p0 =	sne.s32 s0, $0x0;
	s0 =	rddreg [dreg:$0x2]  }
0x121: {  	s0 =	sadd.s32 @!p0 $0x100000, s0  }
0x122: {  	[sflag:s0] =	ssyncadd.tile.s32 @!p0 $0x1;
	_ =	shalt  }
.Lfunc_end2:
_tile_overlayer_lowered:
.L_overlay_start_2:
0x123: {  	(tag) =	ssettag $0x2  }
0x124: {  	s0 =	rddreg [dreg:$0x0];
	s2 =	stileid.u32  }
0x125: {  	s1 =	rddreg [dreg:$0x1];
	p0 =	sne.s32 s2, $0x0  }
0x126: {  	s3 =	rddreg [dreg:$0x2];
	[bflag:$0x3] =	sbarrier.arrive $0xFFFF;
	s2 =	simm.s32 @!p0 $0x1C02  }
0x127: {  	[timem:s3], [sflag:s2] =	dma.local @!p0 [hbm:s0], s1  }
0x128: {  	s0 =	simm.s32 @!p0 $0x2  }
0x129: {  	_ =	swait.ge @!p0 [sflag:s0], s1  }
0x12a: {  	s1 =	ssub.s32 @!p0 $0x0, s1;
	[sflag:s0] =	ssyncset.done @!p0 $0x0  }
0x12b: {  	[sflag:s0] =	ssyncadd.s32 @!p0 s1  }
0x12c: {  	[bflag:$0x3] =	sbarrier.arrive $0xFFFF  }
0x12d: {  	_ =	shalt  }

</sc_bundles>
